<compile_context>
chip_gen: v7x
topology: tpu7x:2x2x1
jax: 0.10.2.dev20260603
libtpu: 0.0.44.dev20260713+nightly
codegen_flags: <defaults>
</compile_context>

<pallas_src>
import functools

import jax
import jax.numpy as jnp
from jax import lax
from jax.experimental import pallas as pl
from jax.experimental.pallas import tpu as pltpu
from jax.experimental.pallas import tpu_sc as plsc

NREAL = 10000
PAD = 10240
D = 128
B = 512
SENT = 1 << 20

_f32 = jnp.float32
_HI = jax.lax.Precision.HIGHEST



def _mm_stats_body(x_ref, w_ref, y_ref, st_ref):
    j = pl.program_id(0)
    i = pl.program_id(1)
    del j
    y = jnp.dot(x_ref[...].astype(jnp.bfloat16), w_ref[...].astype(jnp.bfloat16),
                preferred_element_type=_f32)
    y_ref[...] = y

    @pl.when(i == 0)
    def _():
        st_ref[...] = jnp.zeros_like(st_ref)

    st_ref[0:1, :] = st_ref[0:1, :] + jnp.sum(y, axis=0)[None, :]
    st_ref[1:2, :] = st_ref[1:2, :] + jnp.sum(y * y, axis=0)[None, :]


def _mm_stats(x, w, bm, bn):
    m, k = x.shape
    n = w.shape[1]
    grid = (n // bn, m // bm)
    return pl.pallas_call(
        _mm_stats_body,
        grid=grid,
        in_specs=[
            pl.BlockSpec((bm, k), lambda j, i: (i, 0)),
            pl.BlockSpec((k, bn), lambda j, i: (0, j)),
        ],
        out_specs=[
            pl.BlockSpec((bm, bn), lambda j, i: (i, j)),
            pl.BlockSpec((8, bn), lambda j, i: (0, j)),
        ],
        out_shape=[
            jax.ShapeDtypeStruct((m, n), _f32),
            jax.ShapeDtypeStruct((8, n), _f32),
        ],
    )(x, w)


def _mm_body(x_ref, w_ref, y_ref):
    y_ref[...] = jnp.dot(x_ref[...].astype(jnp.bfloat16),
                         w_ref[...].astype(jnp.bfloat16),
                         preferred_element_type=_f32)


def _mm(x, w, bm, bn):
    m, k = x.shape
    n = w.shape[1]
    return pl.pallas_call(
        _mm_body,
        grid=(n // bn, m // bm),
        in_specs=[
            pl.BlockSpec((bm, k), lambda j, i: (i, 0)),
            pl.BlockSpec((k, bn), lambda j, i: (0, j)),
        ],
        out_specs=pl.BlockSpec((bm, bn), lambda j, i: (i, j)),
        out_shape=jax.ShapeDtypeStruct((m, n), _f32),
    )(x, w)


def _gram_body(x_ref, g_ref):
    i = pl.program_id(0)

    @pl.when(i == 0)
    def _():
        g_ref[...] = jnp.zeros_like(g_ref)

    x = x_ref[...]
    g_ref[...] = g_ref[...] + jax.lax.dot_general(
        x, x, (((0,), (0,)), ((), ())), preferred_element_type=_f32, precision=_HI)


def _gram(x, bk):
    m, k = x.shape
    return pl.pallas_call(
        _gram_body,
        grid=(m // bk,),
        in_specs=[pl.BlockSpec((bk, k), lambda i: (i, 0))],
        out_specs=pl.BlockSpec((k, k), lambda i: (0, 0)),
        out_shape=jax.ShapeDtypeStruct((k, k), _f32),
    )(x)



def _gather_body(idx_ref, x_ref, o_ref, *, bm, bk):
    k = pl.program_id(1)
    idx = idx_ref[0, 0, :]
    iota = jax.lax.broadcasted_iota(jnp.int32, (bm, bk), 1) + k * bk
    oh = idx[:, None] == iota

    @pl.when(k == 0)
    def _():
        o_ref[...] = jnp.zeros_like(o_ref)

    bf = jnp.bfloat16
    x = x_ref[...]
    xh = x.astype(bf)
    xl = (x - xh.astype(_f32)).astype(bf)
    ohb = oh.astype(bf)
    o_ref[...] = (o_ref[...]
                  + jnp.dot(ohb, xh, preferred_element_type=_f32)
                  + jnp.dot(ohb, xl, preferred_element_type=_f32))


def _gather(x, idx2d, m, bm, bk):
    s, d = x.shape
    idx3 = idx2d.reshape(m // bm, 1, bm)
    return pl.pallas_call(
        functools.partial(_gather_body, bm=bm, bk=bk),
        grid=(m // bm, s // bk),
        in_specs=[
            pl.BlockSpec((1, 1, bm), lambda i, k: (i, 0, 0)),
            pl.BlockSpec((bk, d), lambda i, k: (k, 0)),
        ],
        out_specs=pl.BlockSpec((bm, d), lambda i, k: (i, 0)),
        out_shape=jax.ShapeDtypeStruct((m, d), _f32),
    )(idx3, x)


def _scatter_body(idx_ref, v_ref, o_ref, *, bn, bk):
    j = pl.program_id(0)
    k = pl.program_id(1)
    idx = idx_ref[0, 0, :]
    iota = jax.lax.broadcasted_iota(jnp.int32, (bn, bk), 0) + j * bn
    oh = iota == idx[None, :]

    @pl.when(k == 0)
    def _():
        o_ref[...] = jnp.zeros_like(o_ref)

    bf = jnp.bfloat16
    v = v_ref[...]
    vh = v.astype(bf)
    vl = (v - vh.astype(_f32)).astype(bf)
    ohb = oh.astype(bf)
    o_ref[...] = (o_ref[...]
                  + jnp.dot(ohb, vh, preferred_element_type=_f32)
                  + jnp.dot(ohb, vl, preferred_element_type=_f32))


def _scatter_add(v, idx2d, n, bn, bk):
    e, d = v.shape
    idx3 = idx2d.reshape(e // bk, 1, bk)
    return pl.pallas_call(
        functools.partial(_scatter_body, bn=bn, bk=bk),
        grid=(n // bn, e // bk),
        in_specs=[
            pl.BlockSpec((1, 1, bk), lambda j, k: (k, 0, 0)),
            pl.BlockSpec((bk, d), lambda j, k: (k, 0)),
        ],
        out_specs=pl.BlockSpec((bn, d), lambda j, k: (j, 0)),
        out_shape=jax.ShapeDtypeStruct((n, d), _f32),
    )(idx3, v)


def _sc_gather(table, idx):
    info = plsc.get_sparse_core_info()
    nw = info.num_cores * info.num_subcores
    bpw = PAD // nw
    mesh = plsc.VectorSubcoreMesh(core_axis_name="c", subcore_axis_name="s")

    @functools.partial(
        pl.kernel, mesh=mesh,
        out_type=jax.ShapeDtypeStruct((PAD, D), _f32),
        scratch_types=[
            pltpu.VMEM((bpw,), jnp.int32),
            pltpu.VMEM((bpw, D), _f32),
            pltpu.SemaphoreType.DMA,
        ],
    )
    def k(table_hbm, idx_hbm, out_hbm, idx_v, rows_v, sem):
        wid = lax.axis_index("s") * info.num_cores + lax.axis_index("c")
        base = wid * bpw
        pltpu.sync_copy(idx_hbm.at[pl.ds(base, bpw)], idx_v)
        pltpu.async_copy(table_hbm.at[idx_v], rows_v, sem).wait()
        pltpu.sync_copy(rows_v, out_hbm.at[pl.ds(base, bpw)])

    return k(table, idx)



def _ystats_body(x_ref, w_ref, st_ref):
    i = pl.program_id(1)
    bf = jnp.bfloat16
    xb = x_ref[...].astype(bf)

    @pl.when(i == 0)
    def _():
        st_ref[...] = jnp.zeros_like(st_ref)

    for t in range(8):
        y = jnp.dot(xb, w_ref[:, t * D:(t + 1) * D].astype(bf),
                    preferred_element_type=_f32)
        sl = slice(t * D, (t + 1) * D)
        st_ref[0:1, sl] = st_ref[0:1, sl] + jnp.sum(y, axis=0)[None, :]
        st_ref[1:2, sl] = st_ref[1:2, sl] + jnp.sum(y * y, axis=0)[None, :]


def _ystats(x, w, bm, bn):
    m, k = x.shape
    n = w.shape[1]
    return pl.pallas_call(
        _ystats_body,
        grid=(n // bn, m // bm),
        in_specs=[
            pl.BlockSpec((bm, k), lambda j, i: (i, 0)),
            pl.BlockSpec((k, bn), lambda j, i: (0, j)),
        ],
        out_specs=pl.BlockSpec((8, bn), lambda j, i: (0, j)),
        out_shape=jax.ShapeDtypeStruct((8, n), _f32),
    )(x, w)


def _wemat_body(x_ref, w_ref, mu_ref, sq_ref, g_ref, b_ref, o_ref):
    bf = jnp.bfloat16
    xb = x_ref[...].astype(bf)
    for t in range(8):
        sl = slice(t * D, (t + 1) * D)
        y = jnp.dot(xb, w_ref[:, sl].astype(bf), preferred_element_type=_f32)
        we = (y - mu_ref[0:1, sl]) / sq_ref[0:1, sl] * g_ref[0:1, sl] + b_ref[0:1, sl]
        o_ref[:, t, :] = we.astype(bf)


def _wemat(x, w, mu, sq, g, b, bm, bn):
    m, k = x.shape
    n = w.shape[1]
    return pl.pallas_call(
        _wemat_body,
        grid=(n // bn, m // bm),
        in_specs=[
            pl.BlockSpec((bm, k), lambda j, i: (i, 0)),
            pl.BlockSpec((k, bn), lambda j, i: (0, j)),
            pl.BlockSpec((1, bn), lambda j, i: (0, j)),
            pl.BlockSpec((1, bn), lambda j, i: (0, j)),
            pl.BlockSpec((1, bn), lambda j, i: (0, j)),
            pl.BlockSpec((1, bn), lambda j, i: (0, j)),
        ],
        out_specs=pl.BlockSpec((bm, 8, D), lambda j, i: (i, j, 0)),
        out_shape=jax.ShapeDtypeStruct((m, n // D, D), jnp.bfloat16),
    )(x, w, mu, sq, g, b)


def _msg2_body(xj_ref, we_ref, o_ref):
    xjb = xj_ref[...].astype(jnp.bfloat16).astype(_f32)
    accs = [xjb[:, t:t + 1] * we_ref[:, t, :].astype(_f32) for t in range(8)]
    for i in range(8, D):
        t = i % 8
        accs[t] = accs[t] + xjb[:, i:i + 1] * we_ref[:, i, :].astype(_f32)
    acc = accs[0]
    for t in range(1, 8):
        acc = acc + accs[t]
    o_ref[...] = acc


def _msg2(xj, we3, bm):
    e = xj.shape[0]
    return pl.pallas_call(
        _msg2_body,
        grid=(e // bm,),
        in_specs=[
            pl.BlockSpec((bm, D), lambda i: (i, 0)),
            pl.BlockSpec((bm, D, D), lambda i: (i, 0, 0)),
        ],
        out_specs=pl.BlockSpec((bm, D), lambda i: (i, 0)),
        out_shape=jax.ShapeDtypeStruct((e, D), _f32),
    )(xj, we3)



def _gru_body(agg_ref, cnt_ref, h_ref, wih_ref, whh_ref, bih_ref, bhh_ref,
              cb_ref, o_ref):
    m = jax.nn.relu(agg_ref[...] / cnt_ref[...] + cb_ref[0:1, :])
    h = h_ref[...]
    bf = jnp.bfloat16
    gi = jnp.dot(m.astype(bf), wih_ref[...].astype(bf),
                 preferred_element_type=_f32) + bih_ref[0:1, :]
    gh = jnp.dot(h.astype(bf), whh_ref[...].astype(bf),
                 preferred_element_type=_f32) + bhh_ref[0:1, :]
    r = jax.nn.sigmoid(gi[:, 0:D] + gh[:, 0:D])
    z = jax.nn.sigmoid(gi[:, D:2 * D] + gh[:, D:2 * D])
    n = jnp.tanh(gi[:, 2 * D:3 * D] + r * gh[:, 2 * D:3 * D])
    o_ref[...] = (1.0 - z) * n + z * h


def _gru(agg, cnt, h, wih_t, whh_t, bih, bhh, cb, bm):
    m = agg.shape[0]
    return pl.pallas_call(
        _gru_body,
        grid=(m // bm,),
        in_specs=[
            pl.BlockSpec((bm, D), lambda i: (i, 0)),
            pl.BlockSpec((bm, D), lambda i: (i, 0)),
            pl.BlockSpec((bm, D), lambda i: (i, 0)),
            pl.BlockSpec((D, 3 * D), lambda i: (0, 0)),
            pl.BlockSpec((D, 3 * D), lambda i: (0, 0)),
            pl.BlockSpec((1, 3 * D), lambda i: (0, 0)),
            pl.BlockSpec((1, 3 * D), lambda i: (0, 0)),
            pl.BlockSpec((1, D), lambda i: (0, 0)),
        ],
        out_specs=pl.BlockSpec((bm, D), lambda i: (i, 0)),
        out_shape=jax.ShapeDtypeStruct((m, D), _f32),
    )(agg, cnt, h, wih_t, whh_t, bih, bhh, cb)



def _lstm_body(qs_ref, hc_ref, cc_ref, wih_ref, whh_ref, bi_ref, bh_ref,
               hco_ref, cco_ref):
    bf = jnp.bfloat16
    g = (jnp.dot(qs_ref[...].astype(bf), wih_ref[...].astype(bf),
                 preferred_element_type=_f32)
         + jnp.dot(hc_ref[...].astype(bf), whh_ref[...].astype(bf),
                   preferred_element_type=_f32)
         + bi_ref[0:1, :] + bh_ref[0:1, :])
    gi = g[:, 0:D]
    gf = g[:, D:2 * D]
    gg = g[:, 2 * D:3 * D]
    go = g[:, 3 * D:4 * D]
    cc = jax.nn.sigmoid(gf) * cc_ref[...] + jax.nn.sigmoid(gi) * jnp.tanh(gg)
    hco_ref[...] = jax.nn.sigmoid(go) * jnp.tanh(cc)
    cco_ref[...] = cc


def _lstm(qs, hc, cc, wih_t, whh_t, bih, bhh):
    return pl.pallas_call(
        _lstm_body,
        grid=(1,),
        in_specs=[
            pl.BlockSpec((B, 2 * D), lambda i: (0, 0)),
            pl.BlockSpec((B, D), lambda i: (0, 0)),
            pl.BlockSpec((B, D), lambda i: (0, 0)),
            pl.BlockSpec((2 * D, 4 * D), lambda i: (0, 0)),
            pl.BlockSpec((D, 4 * D), lambda i: (0, 0)),
            pl.BlockSpec((1, 4 * D), lambda i: (0, 0)),
            pl.BlockSpec((1, 4 * D), lambda i: (0, 0)),
        ],
        out_specs=[
            pl.BlockSpec((B, D), lambda i: (0, 0)),
            pl.BlockSpec((B, D), lambda i: (0, 0)),
        ],
        out_shape=[
            jax.ShapeDtypeStruct((B, D), _f32),
            jax.ShapeDtypeStruct((B, D), _f32),
        ],
    )(qs, hc, cc, wih_t, whh_t, bih, bhh)


def _attmax_body(bi_ref, out_ref, q_ref, emax_ref, *, bm):
    i = pl.program_id(0)
    s = jax.lax.dot_general(out_ref[...], q_ref[...], (((1,), (1,)), ((), ())),
                            preferred_element_type=_f32, precision=_HI)
    bi = bi_ref[0, 0, :]
    iota = jax.lax.broadcasted_iota(jnp.int32, (bm, B), 1)
    sm = jnp.where(iota == bi[:, None], s, -jnp.inf)

    @pl.when(i == 0)
    def _():
        emax_ref[...] = jnp.full_like(emax_ref, -jnp.inf)

    emax_ref[0:1, :] = jnp.maximum(emax_ref[0:1, :], jnp.max(sm, axis=0)[None, :])


def _attmax(bi2d, out, q, bm):
    m = out.shape[0]
    bi3 = bi2d.reshape(m // bm, 1, bm)
    return pl.pallas_call(
        functools.partial(_attmax_body, bm=bm),
        grid=(m // bm,),
        in_specs=[
            pl.BlockSpec((1, 1, bm), lambda i: (i, 0, 0)),
            pl.BlockSpec((bm, D), lambda i: (i, 0)),
            pl.BlockSpec((B, D), lambda i: (0, 0)),
        ],
        out_specs=pl.BlockSpec((1, B), lambda i: (0, 0)),
        out_shape=jax.ShapeDtypeStruct((1, B), _f32),
    )(bi3, out, q)


def _attsum_body(bi_ref, out_ref, q_ref, emax_ref, den_ref, r_ref, *, bm):
    i = pl.program_id(0)
    out = out_ref[...]
    s = jax.lax.dot_general(out, q_ref[...], (((1,), (1,)), ((), ())),
                            preferred_element_type=_f32, precision=_HI)
    bi = bi_ref[0, 0, :]
    iota = jax.lax.broadcasted_iota(jnp.int32, (bm, B), 1)
    a = jnp.where(iota == bi[:, None], jnp.exp(s - emax_ref[0:1, :]), 0.0)

    @pl.when(i == 0)
    def _():
        den_ref[...] = jnp.zeros_like(den_ref)
        r_ref[...] = jnp.zeros_like(r_ref)

    den_ref[0:1, :] = den_ref[0:1, :] + jnp.sum(a, axis=0)[None, :]
    r_ref[...] = r_ref[...] + jax.lax.dot_general(
        a, out, (((0,), (0,)), ((), ())), preferred_element_type=_f32, precision=_HI)


def _attsum(bi2d, out, q, emax, bm):
    m = out.shape[0]
    bi3 = bi2d.reshape(m // bm, 1, bm)
    return pl.pallas_call(
        functools.partial(_attsum_body, bm=bm),
        grid=(m // bm,),
        in_specs=[
            pl.BlockSpec((1, 1, bm), lambda i: (i, 0, 0)),
            pl.BlockSpec((bm, D), lambda i: (i, 0)),
            pl.BlockSpec((B, D), lambda i: (0, 0)),
            pl.BlockSpec((1, B), lambda i: (0, 0)),
        ],
        out_specs=[
            pl.BlockSpec((1, B), lambda i: (0, 0)),
            pl.BlockSpec((B, D), lambda i: (0, 0)),
        ],
        out_shape=[
            jax.ShapeDtypeStruct((1, B), _f32),
            jax.ShapeDtypeStruct((B, D), _f32),
        ],
    )(bi3, out, q, emax)



def _final_body(tc_ref, x_ref, w_ref, b_ref, o_ref, *, bm):
    i = pl.program_id(0)
    pr = jnp.dot(x_ref[...].astype(jnp.bfloat16), w_ref[...].astype(jnp.bfloat16),
                 preferred_element_type=_f32) + b_ref[0:1, :]
    tc = tc_ref[0, 0, :]
    iota = jax.lax.broadcasted_iota(jnp.int32, (bm, D), 1)
    val = jnp.sum(jnp.where(iota == tc[:, None], pr, 0.0), axis=1)
    o_ref[...] = jnp.broadcast_to(val[:, None], o_ref.shape)


def _final(tc2d, x, w3_t, b3, bm):
    m, k = x.shape
    tc3 = tc2d.reshape(m // bm, 1, bm)
    return pl.pallas_call(
        functools.partial(_final_body, bm=bm),
        grid=(m // bm,),
        in_specs=[
            pl.BlockSpec((1, 1, bm), lambda i: (i, 0, 0)),
            pl.BlockSpec((bm, k), lambda i: (i, 0)),
            pl.BlockSpec((k, D), lambda i: (0, 0)),
            pl.BlockSpec((1, D), lambda i: (0, 0)),
        ],
        out_specs=pl.BlockSpec((bm, D), lambda i: (i, 0)),
        out_shape=jax.ShapeDtypeStruct((m, D), _f32),
    )(tc3, x, w3_t, b3)



def _bn_apply(y, st, g, b, act, mask):
    mu = st[0] / NREAL
    var = st[1] / NREAL - mu * mu
    y = (y - mu[None, :]) / jnp.sqrt(var + 1e-5)[None, :] * g[None, :] + b[None, :]
    if act:
        y = jax.nn.relu(y)
    return y * mask


def _linear_bn_pal(x, w, g, b, act, mask, bm, bn):
    y, st = _mm_stats(x, w.T, bm, bn)
    return _bn_apply(y, st, g, b, act, mask), st


def _pad_rows(x, rows):
    return jnp.pad(x, ((0, rows - x.shape[0]), (0, 0)))


def _pad_idx(idx, rows):
    return jnp.pad(idx, (0, rows - idx.shape[0]), constant_values=SENT)[None, :]


def kernel(x, edge_index, edge_attr, target_index, batch_idx, target_class,
           params):
    p = params
    mask_n = (jnp.arange(PAD) < NREAL).astype(_f32)[:, None]

    src2d = _pad_idx(edge_index[0], PAD)
    src_sc = jnp.pad(edge_index[0], (0, PAD - NREAL))
    t0_sc = jnp.pad(target_index[0], (0, PAD - NREAL))
    t1_sc = jnp.pad(target_index[1], (0, PAD - NREAL))
    dst2d = _pad_idx(edge_index[1], PAD)
    bi2d = _pad_idx(batch_idx, PAD)
    t0_2d = _pad_idx(target_index[0], PAD)
    t1_2d = _pad_idx(target_index[1], PAD)
    tc2d = _pad_idx(target_class, PAD)

    xp = _pad_rows(x, PAD)
    out, _ = _linear_bn_pal(xp, p['pre_W1'], p['pre_g1'], p['pre_b1'], True,
                            mask_n, 512, 128)
    out, _ = _linear_bn_pal(out, p['pre_W2'], p['pre_g2'], p['pre_b2'], True,
                            mask_n, 512, 128)
    h = out

    ea = jnp.pad(_pad_rows(edge_attr, PAD), ((0, 0), (0, 124)))
    w1 = jnp.pad(p['enc_W1'].T, ((0, 124), (0, 0)))
    e1, _ = _linear_bn_pal(ea, w1.T, p['enc_g1'], p['enc_b1'], True,
                           mask_n, 512, 256)
    e2, _ = _linear_bn_pal(e1, p['enc_W2'], p['enc_g2'], p['enc_b2'], True,
                           mask_n, 512, 256)
    e3, st3 = _linear_bn_pal(e2, p['enc_W3'], p['enc_g3'], p['enc_b3'], True,
                             mask_n, 512, 128)

    w4t = p['enc_W4'].T
    st4 = _ystats(e3, w4t, 512, 1024)
    mu4 = st4[0] / NREAL
    var4 = st4[1] / NREAL - mu4 * mu4
    sq4 = jnp.sqrt(var4 + 1e-5)
    we3 = _wemat(e3, w4t, mu4[None, :], sq4[None, :],
                 p['enc_g4'][None, :], p['enc_b4'][None, :], 512, 1024)

    ones_e = jnp.ones((PAD, D), _f32)
    cnt = jnp.clip(_scatter_add(ones_e, dst2d, PAD, 512, 2048), 1.0, None)

    wih_t = p['gru_Wih'].T
    whh_t = p['gru_Whh'].T
    bih = p['gru_bih'][None, :]
    bhh = p['gru_bhh'][None, :]
    cb = p['conv_bias'][None, :]
    for _ in range(3):
        xj = _sc_gather(out, src_sc)
        msg = _msg2(xj, we3, 256)
        agg = _scatter_add(msg, dst2d, PAD, 512, 2048)
        h = _gru(agg, cnt, h, wih_t, whh_t, bih, bhh, cb, 1024)
        out = h

    lw_ih = p['lstm_Wih'].T
    lw_hh = p['lstm_Whh'].T
    lb_ih = p['lstm_bih'][None, :]
    lb_hh = p['lstm_bhh'][None, :]
    q_star = jnp.zeros((B, 2 * D), _f32)
    hc = jnp.zeros((B, D), _f32)
    cc = jnp.zeros((B, D), _f32)
    for _ in range(3):
        hc, cc = _lstm(q_star, hc, cc, lw_ih, lw_hh, lb_ih, lb_hh)
        emax = _attmax(bi2d, out, hc, 1024)
        emax = jnp.where(jnp.isfinite(emax), emax, 0.0)
        den, r = _attsum(bi2d, out, hc, emax, 1024)
        rdt = r / (den[0][:, None] + 1e-16)
        q_star = jnp.concatenate([hc, rdt], axis=-1)

    s2s = _gather(q_star, bi2d, PAD, 512, 512)
    node0 = _sc_gather(out, t0_sc)
    node1 = _sc_gather(out, t1_sc)
    feat = jnp.concatenate([node0, node1, s2s], axis=-1) * mask_n
    pr, _ = _linear_bn_pal(feat, p['prd_W1'], p['prd_g1'], p['prd_b1'], True,
                           mask_n, 512, 512)
    pr, _ = _linear_bn_pal(pr, p['prd_W2'], p['prd_g2'], p['prd_b2'], True,
                           mask_n, 512, 512)
    w3_t = jnp.pad(p['prd_W3'].T, ((0, 0), (0, D - 8)))
    b3 = jnp.pad(p['prd_b3'], (0, D - 8))[None, :]
    res = _final(tc2d, pr, w3_t, b3, 512)
    return res[:NREAL, 0]

# --- scband reference (transcript-rebuilt; emitter-appended) ---
"""Pipeline reference for scband-net-4733053960821 (READ-ONLY COPY).

The authoritative reference and input builder live on the scoring server;
editing this copy changes nothing except your own understanding.
"""

import jax, jax.numpy as jnp
import numpy as np

N = 10000
E = 10000
F = 128
D = 128
B = 512


def _linear_bn(x, W, g, b, act):
    y = x @ W.T
    mu = jnp.mean(y, axis=0)
    var = jnp.var(y, axis=0)
    y = (y - mu) / jnp.sqrt(var + 1e-05) * g + b
    return jax.nn.relu(y) if act else y


def _forward(x, edge_attr, params, edge_index, target_index, batch_idx, target_class):
    p = params
    out = _linear_bn(x, p['pre_W1'], p['pre_g1'], p['pre_b1'], True)
    out = _linear_bn(out, p['pre_W2'], p['pre_g2'], p['pre_b2'], True)
    h = out
    src = edge_index[0]
    dst = edge_index[1]
    e1 = _linear_bn(edge_attr, p['enc_W1'], p['enc_g1'], p['enc_b1'], True)
    e2 = _linear_bn(e1, p['enc_W2'], p['enc_g2'], p['enc_b2'], True)
    e3 = _linear_bn(e2, p['enc_W3'], p['enc_g3'], p['enc_b3'], True)
    We = _linear_bn(e3, p['enc_W4'], p['enc_g4'], p['enc_b4'], False).reshape(-1, D, D)
    ones = jnp.ones((dst.shape[0],), jnp.float32)
    cnt = jnp.clip(jax.ops.segment_sum(ones, dst, num_segments=N), 1.0, None)
    for _ in range(3):
        xj = out[src]
        msg = jnp.einsum('ei,eio->eo', xj, We)
        agg = jax.ops.segment_sum(msg, dst, num_segments=N) / cnt[:, None]
        m = jax.nn.relu(agg + p['conv_bias'])
        gi = m @ p['gru_Wih'].T + p['gru_bih']
        gh = h @ p['gru_Whh'].T + p['gru_bhh']
        ir, iz, inn = jnp.split(gi, 3, axis=1)
        hr, hz, hn = jnp.split(gh, 3, axis=1)
        r = jax.nn.sigmoid(ir + hr)
        z = jax.nn.sigmoid(iz + hz)
        n = jnp.tanh(inn + r * hn)
        h = (1.0 - z) * n + z * h
        out = h
    q_star = jnp.zeros((B, 2 * D), jnp.float32)
    hc = jnp.zeros((B, D), jnp.float32)
    cc = jnp.zeros((B, D), jnp.float32)
    for _ in range(3):
        g = q_star @ p['lstm_Wih'].T + p['lstm_bih'] + hc @ p['lstm_Whh'].T + p['lstm_bhh']
        gi_, gf_, gg_, go_ = jnp.split(g, 4, axis=1)
        cc = jax.nn.sigmoid(gf_) * cc + jax.nn.sigmoid(gi_) * jnp.tanh(gg_)
        hc = jax.nn.sigmoid(go_) * jnp.tanh(cc)
        q = hc
        e = jnp.sum(out * q[batch_idx], axis=-1)
        emax = jax.ops.segment_max(e, batch_idx, num_segments=B)
        emax = jnp.where(jnp.isfinite(emax), emax, 0.0)
        a = jnp.exp(e - emax[batch_idx])
        denom = jax.ops.segment_sum(a, batch_idx, num_segments=B)
        a = a / (denom[batch_idx] + 1e-16)
        rdt = jax.ops.segment_sum(a[:, None] * out, batch_idx, num_segments=B)
        q_star = jnp.concatenate([q, rdt], axis=-1)
    s2s = q_star[batch_idx]
    node0 = out[target_index[0]]
    node1 = out[target_index[1]]
    feat = jnp.concatenate([node0, node1, s2s], axis=-1)
    pr = _linear_bn(feat, p['prd_W1'], p['prd_g1'], p['prd_b1'], True)
    pr = _linear_bn(pr, p['prd_W2'], p['prd_g2'], p['prd_b2'], True)
    pr = pr @ p['prd_W3'].T + p['prd_b3']
    return jnp.take_along_axis(pr, target_class[:, None], axis=1)[:, 0]


def setup_inputs(seed: int = 0):
    key = jax.random.key(seed)
    ks = jax.random.split(key, 24)

    def lin(k, o, i):
        return (jax.random.normal(k, (o, i), jnp.float32) / np.sqrt(i)).astype(jnp.float32)

    x = jax.random.normal(ks[0], (N, F), jnp.float32)
    edge_index = jax.random.randint(ks[1], (2, E), 0, N, jnp.int32)
    edge_attr = jax.random.uniform(ks[2], (E, 4), jnp.float32)
    target_index = jax.random.randint(ks[3], (2, N), 0, N, jnp.int32)
    batch_idx = jnp.sort(jax.random.randint(ks[4], (N,), 0, B, jnp.int32))
    target_class = jax.random.randint(ks[5], (N,), 0, 8, jnp.int32)
    params = {
        'pre_W1': lin(ks[6], 128, F), 'pre_g1': jnp.ones(128), 'pre_b1': jnp.zeros(128),
        'pre_W2': lin(ks[7], 128, 128), 'pre_g2': jnp.ones(128), 'pre_b2': jnp.zeros(128),
        'enc_W1': lin(ks[8], 256, 4), 'enc_g1': jnp.ones(256), 'enc_b1': jnp.zeros(256),
        'enc_W2': lin(ks[9], 256, 256), 'enc_g2': jnp.ones(256), 'enc_b2': jnp.zeros(256),
        'enc_W3': lin(ks[10], 128, 256), 'enc_g3': jnp.ones(128), 'enc_b3': jnp.zeros(128),
        'enc_W4': lin(ks[11], D * D, 128), 'enc_g4': jnp.ones(D * D), 'enc_b4': jnp.zeros(D * D),
        'conv_bias': jnp.zeros(D),
        'gru_Wih': lin(ks[12], 3 * D, D), 'gru_Whh': lin(ks[13], 3 * D, D),
        'gru_bih': jnp.zeros(3 * D), 'gru_bhh': jnp.zeros(3 * D),
        'lstm_Wih': lin(ks[14], 4 * D, 2 * D), 'lstm_Whh': lin(ks[15], 4 * D, D),
        'lstm_bih': jnp.zeros(4 * D), 'lstm_bhh': jnp.zeros(4 * D),
        'prd_W1': lin(ks[16], 1024, 512), 'prd_g1': jnp.ones(1024), 'prd_b1': jnp.zeros(1024),
        'prd_W2': lin(ks[17], 512, 1024), 'prd_g2': jnp.ones(512), 'prd_b2': jnp.zeros(512),
        'prd_W3': lin(ks[18], 8, 512), 'prd_b3': jnp.zeros(8),
    }
    return {'x': x, 'edge_index': edge_index, 'edge_attr': edge_attr,
            'target_index': target_index, 'batch_idx': batch_idx,
            'target_class': target_class, 'params': params}


def reference(x, edge_index, edge_attr, target_index, batch_idx, target_class, params):
    return _forward(x, edge_attr, params, edge_index, target_index, batch_idx, target_class)

if __name__ == "__main__":
    import jax
    _d = setup_inputs()
    print(jax.jit(kernel)(*tuple(_d.values())))

</pallas_src>

<mosaic_0001>
#map = affine_map<(d0, d1) -> (0, 0)>
#map1 = affine_map<(d0, d1) -> (0)>
module attributes {stable_mosaic.version = 14 : i64} {
  func.func @k(%arg0: i32, %arg1: i32, %arg2: memref<10240x128xf32, #tpu.memory_space<hbm>>, %arg3: memref<10240xi32, #tpu.memory_space<hbm>>, %arg4: memref<10240x128xf32, #tpu.memory_space<hbm>>, %arg5: memref<320xi32, #tpu.memory_space<vmem>>, %arg6: memref<320x128xf32, #tpu.memory_space<vmem>>, %arg7: memref<!tpu.dma_semaphore, #tpu.memory_space<semaphore_mem>>) attributes {dimension_semantics = [#tpu.dimension_semantics<core_parallel>, #tpu.dimension_semantics<subcore_parallel>], iteration_bounds = array<i64: 2, 16>, scalar_prefetch = 0 : i64, scratch_operands = 3 : i64, tpu.core_type = #tpu.core_type<sc_vector_subcore>, window_params = [{transform_indices = #map}, {transform_indices = #map1}, {transform_indices = #map}]} {
    %mul3A = arith.constant 2 : i32
    %mul3A_0 = arith.muli %arg1, %mul3A : i32
    %add3A = arith.addi %mul3A_0, %arg0 : i32
    %mul3A_1 = arith.constant 320 : i32
    %mul3A_2 = arith.muli %add3A, %mul3A_1 : i32
    "tpu.region"() ({
      %run_scoped3A = tpu.sem_alloc : memref<!tpu.dma_semaphore, #tpu.memory_space<semaphore_mem>>
      %dma_start3A_7 = tpu.memref_slice %arg3[%mul3A_2] : memref<10240xi32, #tpu.memory_space<hbm>> -> memref<320xi32, #tpu.memory_space<hbm>>
      %dma_start3A_8 = tpu.memref_slice %arg3[%mul3A_2] : memref<10240xi32, #tpu.memory_space<hbm>> -> memref<320xi32, #tpu.memory_space<hbm>>
      tpu.enqueue_dma source(%dma_start3A_8 : memref<320xi32, #tpu.memory_space<hbm>>) target(%arg5 : memref<320xi32, #tpu.memory_space<vmem>>) target_semaphore(%run_scoped3A : memref<!tpu.dma_semaphore, #tpu.memory_space<semaphore_mem>>)
      %dma_wait3A_9 = tpu.memref_slice %arg3[%mul3A_2] : memref<10240xi32, #tpu.memory_space<hbm>> -> memref<320xi32, #tpu.memory_space<hbm>>
      %dma_wait3A_10 = tpu.memref_slice %arg3[%mul3A_2] : memref<10240xi32, #tpu.memory_space<hbm>> -> memref<320xi32, #tpu.memory_space<hbm>>
      tpu.wait_dma2 semaphore(%run_scoped3A : memref<!tpu.dma_semaphore, #tpu.memory_space<semaphore_mem>>) src(%dma_wait3A_10 : memref<320xi32, #tpu.memory_space<hbm>>) dst(%arg5 : memref<320xi32, #tpu.memory_space<vmem>>)
      tpu.yield
    }) : () -> ()
    %dma_start3A = arith.constant 0 : i32
    %dma_start3A_3 = arith.constant 0 : i32
    %dma_start3A_4 = tpu.memref_slice %arg2[%dma_start3A, %dma_start3A_3] : memref<10240x128xf32, #tpu.memory_space<hbm>> -> memref<10240x128xf32, #tpu.memory_space<hbm>>
    tpu.enqueue_indirect_dma source(%dma_start3A_4 : memref<10240x128xf32, #tpu.memory_space<hbm>>) target(%arg6 : memref<320x128xf32, #tpu.memory_space<vmem>>) offsets(%arg5 : memref<320xi32, #tpu.memory_space<vmem>>) semaphore(%arg7 : memref<!tpu.dma_semaphore, #tpu.memory_space<semaphore_mem>>)
    %dma_wait3A = arith.constant 0 : i32
    %dma_wait3A_5 = arith.constant 0 : i32
    %dma_wait3A_6 = tpu.memref_slice %arg2[%dma_wait3A, %dma_wait3A_5] : memref<10240x128xf32, #tpu.memory_space<hbm>> -> memref<10240x128xf32, #tpu.memory_space<hbm>>
    tpu.wait_indirect_dma semaphore(%arg7 : memref<!tpu.dma_semaphore, #tpu.memory_space<semaphore_mem>>) src(%dma_wait3A_6 : memref<10240x128xf32, #tpu.memory_space<hbm>>) dst(%arg6 : memref<320x128xf32, #tpu.memory_space<vmem>>)
    "tpu.region"() ({
      %run_scoped3A = tpu.sem_alloc : memref<!tpu.dma_semaphore, #tpu.memory_space<semaphore_mem>>
      %dma_start3A_7 = arith.constant 0 : i32
      %dma_start3A_8 = tpu.memref_slice %arg4[%mul3A_2, %dma_start3A_7] : memref<10240x128xf32, #tpu.memory_space<hbm>> -> memref<320x128xf32, #tpu.memory_space<hbm>>
      %dma_start3A_9 = arith.constant 0 : i32
      %dma_start3A_10 = tpu.memref_slice %arg4[%mul3A_2, %dma_start3A_9] : memref<10240x128xf32, #tpu.memory_space<hbm>> -> memref<320x128xf32, #tpu.memory_space<hbm>>
      tpu.enqueue_dma source(%arg6 : memref<320x128xf32, #tpu.memory_space<vmem>>) target(%dma_start3A_10 : memref<320x128xf32, #tpu.memory_space<hbm>>) target_semaphore(%run_scoped3A : memref<!tpu.dma_semaphore, #tpu.memory_space<semaphore_mem>>)
      %dma_wait3A_11 = arith.constant 0 : i32
      %dma_wait3A_12 = tpu.memref_slice %arg4[%mul3A_2, %dma_wait3A_11] : memref<10240x128xf32, #tpu.memory_space<hbm>> -> memref<320x128xf32, #tpu.memory_space<hbm>>
      %dma_wait3A_13 = arith.constant 0 : i32
      %dma_wait3A_14 = tpu.memref_slice %arg4[%mul3A_2, %dma_wait3A_13] : memref<10240x128xf32, #tpu.memory_space<hbm>> -> memref<320x128xf32, #tpu.memory_space<hbm>>
      tpu.wait_dma2 semaphore(%run_scoped3A : memref<!tpu.dma_semaphore, #tpu.memory_space<semaphore_mem>>) src(%arg6 : memref<320x128xf32, #tpu.memory_space<vmem>>) dst(%dma_wait3A_14 : memref<320x128xf32, #tpu.memory_space<hbm>>)
      tpu.yield
    }) : () -> ()
    return
  }
}

#map = affine_map<(d0, d1) -> (0, 0)>
#map1 = affine_map<(d0, d1) -> (0)>
module attributes {stable_mosaic.version = 14 : i64} {
  func.func @k(%arg0: i32, %arg1: i32, %arg2: memref<10240x128xf32, #tpu.memory_space<hbm>>, %arg3: memref<10240xi32, #tpu.memory_space<hbm>>, %arg4: memref<10240x128xf32, #tpu.memory_space<hbm>>, %arg5: memref<320xi32, #tpu.memory_space<vmem>>, %arg6: memref<320x128xf32, #tpu.memory_space<vmem>>, %arg7: memref<!tpu.dma_semaphore, #tpu.memory_space<semaphore_mem>>) attributes {dimension_semantics = [#tpu.dimension_semantics<core_parallel>, #tpu.dimension_semantics<subcore_parallel>], iteration_bounds = array<i64: 2, 16>, scalar_prefetch = 0 : i64, scratch_operands = 3 : i64, tpu.core_type = #tpu.core_type<sc_vector_subcore>, window_params = [{transform_indices = #map}, {transform_indices = #map1}, {transform_indices = #map}]} {
    %mul3A = arith.constant 2 : i32
    %mul3A_0 = arith.muli %arg1, %mul3A : i32
    %add3A = arith.addi %mul3A_0, %arg0 : i32
    %mul3A_1 = arith.constant 320 : i32
    %mul3A_2 = arith.muli %add3A, %mul3A_1 : i32
    "tpu.region"() ({
      %run_scoped3A = tpu.sem_alloc : memref<!tpu.dma_semaphore, #tpu.memory_space<semaphore_mem>>
      %dma_start3A_7 = tpu.memref_slice %arg3[%mul3A_2] : memref<10240xi32, #tpu.memory_space<hbm>> -> memref<320xi32, #tpu.memory_space<hbm>>
      %dma_start3A_8 = tpu.memref_slice %arg3[%mul3A_2] : memref<10240xi32, #tpu.memory_space<hbm>> -> memref<320xi32, #tpu.memory_space<hbm>>
      tpu.enqueue_dma source(%dma_start3A_8 : memref<320xi32, #tpu.memory_space<hbm>>) target(%arg5 : memref<320xi32, #tpu.memory_space<vmem>>) target_semaphore(%run_scoped3A : memref<!tpu.dma_semaphore, #tpu.memory_space<semaphore_mem>>)
      %dma_wait3A_9 = tpu.memref_slice %arg3[%mul3A_2] : memref<10240xi32, #tpu.memory_space<hbm>> -> memref<320xi32, #tpu.memory_space<hbm>>
      %dma_wait3A_10 = tpu.memref_slice %arg3[%mul3A_2] : memref<10240xi32, #tpu.memory_space<hbm>> -> memref<320xi32, #tpu.memory_space<hbm>>
      tpu.wait_dma2 semaphore(%run_scoped3A : memref<!tpu.dma_semaphore, #tpu.memory_space<semaphore_mem>>) src(%dma_wait3A_10 : memref<320xi32, #tpu.memory_space<hbm>>) dst(%arg5 : memref<320xi32, #tpu.memory_space<vmem>>)
      tpu.yield
    }) : () -> ()
    %dma_start3A = arith.constant 0 : i32
    %dma_start3A_3 = arith.constant 0 : i32
    %dma_start3A_4 = tpu.memref_slice %arg2[%dma_start3A, %dma_start3A_3] : memref<10240x128xf32, #tpu.memory_space<hbm>> -> memref<10240x128xf32, #tpu.memory_space<hbm>>
    tpu.enqueue_indirect_dma source(%dma_start3A_4 : memref<10240x128xf32, #tpu.memory_space<hbm>>) target(%arg6 : memref<320x128xf32, #tpu.memory_space<vmem>>) offsets(%arg5 : memref<320xi32, #tpu.memory_space<vmem>>) semaphore(%arg7 : memref<!tpu.dma_semaphore, #tpu.memory_space<semaphore_mem>>)
    %dma_wait3A = arith.constant 0 : i32
    %dma_wait3A_5 = arith.constant 0 : i32
    %dma_wait3A_6 = tpu.memref_slice %arg2[%dma_wait3A, %dma_wait3A_5] : memref<10240x128xf32, #tpu.memory_space<hbm>> -> memref<10240x128xf32, #tpu.memory_space<hbm>>
    tpu.wait_indirect_dma semaphore(%arg7 : memref<!tpu.dma_semaphore, #tpu.memory_space<semaphore_mem>>) src(%dma_wait3A_6 : memref<10240x128xf32, #tpu.memory_space<hbm>>) dst(%arg6 : memref<320x128xf32, #tpu.memory_space<vmem>>)
    "tpu.region"() ({
      %run_scoped3A = tpu.sem_alloc : memref<!tpu.dma_semaphore, #tpu.memory_space<semaphore_mem>>
      %dma_start3A_7 = arith.constant 0 : i32
      %dma_start3A_8 = tpu.memref_slice %arg4[%mul3A_2, %dma_start3A_7] : memref<10240x128xf32, #tpu.memory_space<hbm>> -> memref<320x128xf32, #tpu.memory_space<hbm>>
      %dma_start3A_9 = arith.constant 0 : i32
      %dma_start3A_10 = tpu.memref_slice %arg4[%mul3A_2, %dma_start3A_9] : memref<10240x128xf32, #tpu.memory_space<hbm>> -> memref<320x128xf32, #tpu.memory_space<hbm>>
      tpu.enqueue_dma source(%arg6 : memref<320x128xf32, #tpu.memory_space<vmem>>) target(%dma_start3A_10 : memref<320x128xf32, #tpu.memory_space<hbm>>) target_semaphore(%run_scoped3A : memref<!tpu.dma_semaphore, #tpu.memory_space<semaphore_mem>>)
      %dma_wait3A_11 = arith.constant 0 : i32
      %dma_wait3A_12 = tpu.memref_slice %arg4[%mul3A_2, %dma_wait3A_11] : memref<10240x128xf32, #tpu.memory_space<hbm>> -> memref<320x128xf32, #tpu.memory_space<hbm>>
      %dma_wait3A_13 = arith.constant 0 : i32
      %dma_wait3A_14 = tpu.memref_slice %arg4[%mul3A_2, %dma_wait3A_13] : memref<10240x128xf32, #tpu.memory_space<hbm>> -> memref<320x128xf32, #tpu.memory_space<hbm>>
      tpu.wait_dma2 semaphore(%run_scoped3A : memref<!tpu.dma_semaphore, #tpu.memory_space<semaphore_mem>>) src(%arg6 : memref<320x128xf32, #tpu.memory_space<vmem>>) dst(%dma_wait3A_14 : memref<320x128xf32, #tpu.memory_space<hbm>>)
      tpu.yield
    }) : () -> ()
    return
  }
}

#map = affine_map<(d0, d1) -> (0, 0)>
#map1 = affine_map<(d0, d1) -> (0)>
module attributes {stable_mosaic.version = 14 : i64} {
  func.func @k(%arg0: i32, %arg1: i32, %arg2: memref<10240x128xf32, #tpu.memory_space<hbm>>, %arg3: memref<10240xi32, #tpu.memory_space<hbm>>, %arg4: memref<10240x128xf32, #tpu.memory_space<hbm>>, %arg5: memref<320xi32, #tpu.memory_space<vmem>>, %arg6: memref<320x128xf32, #tpu.memory_space<vmem>>, %arg7: memref<!tpu.dma_semaphore, #tpu.memory_space<semaphore_mem>>) attributes {dimension_semantics = [#tpu.dimension_semantics<core_parallel>, #tpu.dimension_semantics<subcore_parallel>], iteration_bounds = array<i64: 2, 16>, scalar_prefetch = 0 : i64, scratch_operands = 3 : i64, tpu.core_type = #tpu.core_type<sc_vector_subcore>, window_params = [{transform_indices = #map}, {transform_indices = #map1}, {transform_indices = #map}]} {
    %mul3A = arith.constant 2 : i32
    %mul3A_0 = arith.muli %arg1, %mul3A : i32
    %add3A = arith.addi %mul3A_0, %arg0 : i32
    %mul3A_1 = arith.constant 320 : i32
    %mul3A_2 = arith.muli %add3A, %mul3A_1 : i32
    "tpu.region"() ({
      %run_scoped3A = tpu.sem_alloc : memref<!tpu.dma_semaphore, #tpu.memory_space<semaphore_mem>>
      %dma_start3A_7 = tpu.memref_slice %arg3[%mul3A_2] : memref<10240xi32, #tpu.memory_space<hbm>> -> memref<320xi32, #tpu.memory_space<hbm>>
      %dma_start3A_8 = tpu.memref_slice %arg3[%mul3A_2] : memref<10240xi32, #tpu.memory_space<hbm>> -> memref<320xi32, #tpu.memory_space<hbm>>
      tpu.enqueue_dma source(%dma_start3A_8 : memref<320xi32, #tpu.memory_space<hbm>>) target(%arg5 : memref<320xi32, #tpu.memory_space<vmem>>) target_semaphore(%run_scoped3A : memref<!tpu.dma_semaphore, #tpu.memory_space<semaphore_mem>>)
      %dma_wait3A_9 = tpu.memref_slice %arg3[%mul3A_2] : memref<10240xi32, #tpu.memory_space<hbm>> -> memref<320xi32, #tpu.memory_space<hbm>>
      %dma_wait3A_10 = tpu.memref_slice %arg3[%mul3A_2] : memref<10240xi32, #tpu.memory_space<hbm>> -> memref<320xi32, #tpu.memory_space<hbm>>
      tpu.wait_dma2 semaphore(%run_scoped3A : memref<!tpu.dma_semaphore, #tpu.memory_space<semaphore_mem>>) src(%dma_wait3A_10 : memref<320xi32, #tpu.memory_space<hbm>>) dst(%arg5 : memref<320xi32, #tpu.memory_space<vmem>>)
      tpu.yield
    }) : () -> ()
    %dma_start3A = arith.constant 0 : i32
    %dma_start3A_3 = arith.constant 0 : i32
    %dma_start3A_4 = tpu.memref_slice %arg2[%dma_start3A, %dma_start3A_3] : memref<10240x128xf32, #tpu.memory_space<hbm>> -> memref<10240x128xf32, #tpu.memory_space<hbm>>
    tpu.enqueue_indirect_dma source(%dma_start3A_4 : memref<10240x128xf32, #tpu.memory_space<hbm>>) target(%arg6 : memref<320x128xf32, #tpu.memory_space<vmem>>) offsets(%arg5 : memref<320xi32, #tpu.memory_space<vmem>>) semaphore(%arg7 : memref<!tpu.dma_semaphore, #tpu.memory_space<semaphore_mem>>)
    %dma_wait3A = arith.constant 0 : i32
    %dma_wait3A_5 = arith.constant 0 : i32
    %dma_wait3A_6 = tpu.memref_slice %arg2[%dma_wait3A, %dma_wait3A_5] : memref<10240x128xf32, #tpu.memory_space<hbm>> -> memref<10240x128xf32, #tpu.memory_space<hbm>>
    tpu.wait_indirect_dma semaphore(%arg7 : memref<!tpu.dma_semaphore, #tpu.memory_space<semaphore_mem>>) src(%dma_wait3A_6 : memref<10240x128xf32, #tpu.memory_space<hbm>>) dst(%arg6 : memref<320x128xf32, #tpu.memory_space<vmem>>)
    "tpu.region"() ({
      %run_scoped3A = tpu.sem_alloc : memref<!tpu.dma_semaphore, #tpu.memory_space<semaphore_mem>>
      %dma_start3A_7 = arith.constant 0 : i32
      %dma_start3A_8 = tpu.memref_slice %arg4[%mul3A_2, %dma_start3A_7] : memref<10240x128xf32, #tpu.memory_space<hbm>> -> memref<320x128xf32, #tpu.memory_space<hbm>>
      %dma_start3A_9 = arith.constant 0 : i32
      %dma_start3A_10 = tpu.memref_slice %arg4[%mul3A_2, %dma_start3A_9] : memref<10240x128xf32, #tpu.memory_space<hbm>> -> memref<320x128xf32, #tpu.memory_space<hbm>>
      tpu.enqueue_dma source(%arg6 : memref<320x128xf32, #tpu.memory_space<vmem>>) target(%dma_start3A_10 : memref<320x128xf32, #tpu.memory_space<hbm>>) target_semaphore(%run_scoped3A : memref<!tpu.dma_semaphore, #tpu.memory_space<semaphore_mem>>)
      %dma_wait3A_11 = arith.constant 0 : i32
      %dma_wait3A_12 = tpu.memref_slice %arg4[%mul3A_2, %dma_wait3A_11] : memref<10240x128xf32, #tpu.memory_space<hbm>> -> memref<320x128xf32, #tpu.memory_space<hbm>>
      %dma_wait3A_13 = arith.constant 0 : i32
      %dma_wait3A_14 = tpu.memref_slice %arg4[%mul3A_2, %dma_wait3A_13] : memref<10240x128xf32, #tpu.memory_space<hbm>> -> memref<320x128xf32, #tpu.memory_space<hbm>>
      tpu.wait_dma2 semaphore(%run_scoped3A : memref<!tpu.dma_semaphore, #tpu.memory_space<semaphore_mem>>) src(%arg6 : memref<320x128xf32, #tpu.memory_space<vmem>>) dst(%dma_wait3A_14 : memref<320x128xf32, #tpu.memory_space<hbm>>)
      tpu.yield
    }) : () -> ()
    return
  }
}

#map = affine_map<(d0, d1) -> (0, 0)>
#map1 = affine_map<(d0, d1) -> (0)>
module attributes {stable_mosaic.version = 14 : i64} {
  func.func @k(%arg0: i32, %arg1: i32, %arg2: memref<10240x128xf32, #tpu.memory_space<hbm>>, %arg3: memref<10240xi32, #tpu.memory_space<hbm>>, %arg4: memref<10240x128xf32, #tpu.memory_space<hbm>>, %arg5: memref<320xi32, #tpu.memory_space<vmem>>, %arg6: memref<320x128xf32, #tpu.memory_space<vmem>>, %arg7: memref<!tpu.dma_semaphore, #tpu.memory_space<semaphore_mem>>) attributes {dimension_semantics = [#tpu.dimension_semantics<core_parallel>, #tpu.dimension_semantics<subcore_parallel>], iteration_bounds = array<i64: 2, 16>, scalar_prefetch = 0 : i64, scratch_operands = 3 : i64, tpu.core_type = #tpu.core_type<sc_vector_subcore>, window_params = [{transform_indices = #map}, {transform_indices = #map1}, {transform_indices = #map}]} {
    %mul3A = arith.constant 2 : i32
    %mul3A_0 = arith.muli %arg1, %mul3A : i32
    %add3A = arith.addi %mul3A_0, %arg0 : i32
    %mul3A_1 = arith.constant 320 : i32
    %mul3A_2 = arith.muli %add3A, %mul3A_1 : i32
    "tpu.region"() ({
      %run_scoped3A = tpu.sem_alloc : memref<!tpu.dma_semaphore, #tpu.memory_space<semaphore_mem>>
      %dma_start3A_7 = tpu.memref_slice %arg3[%mul3A_2] : memref<10240xi32, #tpu.memory_space<hbm>> -> memref<320xi32, #tpu.memory_space<hbm>>
      %dma_start3A_8 = tpu.memref_slice %arg3[%mul3A_2] : memref<10240xi32, #tpu.memory_space<hbm>> -> memref<320xi32, #tpu.memory_space<hbm>>
      tpu.enqueue_dma source(%dma_start3A_8 : memref<320xi32, #tpu.memory_space<hbm>>) target(%arg5 : memref<320xi32, #tpu.memory_space<vmem>>) target_semaphore(%run_scoped3A : memref<!tpu.dma_semaphore, #tpu.memory_space<semaphore_mem>>)
      %dma_wait3A_9 = tpu.memref_slice %arg3[%mul3A_2] : memref<10240xi32, #tpu.memory_space<hbm>> -> memref<320xi32, #tpu.memory_space<hbm>>
      %dma_wait3A_10 = tpu.memref_slice %arg3[%mul3A_2] : memref<10240xi32, #tpu.memory_space<hbm>> -> memref<320xi32, #tpu.memory_space<hbm>>
      tpu.wait_dma2 semaphore(%run_scoped3A : memref<!tpu.dma_semaphore, #tpu.memory_space<semaphore_mem>>) src(%dma_wait3A_10 : memref<320xi32, #tpu.memory_space<hbm>>) dst(%arg5 : memref<320xi32, #tpu.memory_space<vmem>>)
      tpu.yield
    }) : () -> ()
    %dma_start3A = arith.constant 0 : i32
    %dma_start3A_3 = arith.constant 0 : i32
    %dma_start3A_4 = tpu.memref_slice %arg2[%dma_start3A, %dma_start3A_3] : memref<10240x128xf32, #tpu.memory_space<hbm>> -> memref<10240x128xf32, #tpu.memory_space<hbm>>
    tpu.enqueue_indirect_dma source(%dma_start3A_4 : memref<10240x128xf32, #tpu.memory_space<hbm>>) target(%arg6 : memref<320x128xf32, #tpu.memory_space<vmem>>) offsets(%arg5 : memref<320xi32, #tpu.memory_space<vmem>>) semaphore(%arg7 : memref<!tpu.dma_semaphore, #tpu.memory_space<semaphore_mem>>)
    %dma_wait3A = arith.constant 0 : i32
    %dma_wait3A_5 = arith.constant 0 : i32
    %dma_wait3A_6 = tpu.memref_slice %arg2[%dma_wait3A, %dma_wait3A_5] : memref<10240x128xf32, #tpu.memory_space<hbm>> -> memref<10240x128xf32, #tpu.memory_space<hbm>>
    tpu.wait_indirect_dma semaphore(%arg7 : memref<!tpu.dma_semaphore, #tpu.memory_space<semaphore_mem>>) src(%dma_wait3A_6 : memref<10240x128xf32, #tpu.memory_space<hbm>>) dst(%arg6 : memref<320x128xf32, #tpu.memory_space<vmem>>)
    "tpu.region"() ({
      %run_scoped3A = tpu.sem_alloc : memref<!tpu.dma_semaphore, #tpu.memory_space<semaphore_mem>>
      %dma_start3A_7 = arith.constant 0 : i32
      %dma_start3A_8 = tpu.memref_slice %arg4[%mul3A_2, %dma_start3A_7] : memref<10240x128xf32, #tpu.memory_space<hbm>> -> memref<320x128xf32, #tpu.memory_space<hbm>>
      %dma_start3A_9 = arith.constant 0 : i32
      %dma_start3A_10 = tpu.memref_slice %arg4[%mul3A_2, %dma_start3A_9] : memref<10240x128xf32, #tpu.memory_space<hbm>> -> memref<320x128xf32, #tpu.memory_space<hbm>>
      tpu.enqueue_dma source(%arg6 : memref<320x128xf32, #tpu.memory_space<vmem>>) target(%dma_start3A_10 : memref<320x128xf32, #tpu.memory_space<hbm>>) target_semaphore(%run_scoped3A : memref<!tpu.dma_semaphore, #tpu.memory_space<semaphore_mem>>)
      %dma_wait3A_11 = arith.constant 0 : i32
      %dma_wait3A_12 = tpu.memref_slice %arg4[%mul3A_2, %dma_wait3A_11] : memref<10240x128xf32, #tpu.memory_space<hbm>> -> memref<320x128xf32, #tpu.memory_space<hbm>>
      %dma_wait3A_13 = arith.constant 0 : i32
      %dma_wait3A_14 = tpu.memref_slice %arg4[%mul3A_2, %dma_wait3A_13] : memref<10240x128xf32, #tpu.memory_space<hbm>> -> memref<320x128xf32, #tpu.memory_space<hbm>>
      tpu.wait_dma2 semaphore(%run_scoped3A : memref<!tpu.dma_semaphore, #tpu.memory_space<semaphore_mem>>) src(%arg6 : memref<320x128xf32, #tpu.memory_space<vmem>>) dst(%dma_wait3A_14 : memref<320x128xf32, #tpu.memory_space<hbm>>)
      tpu.yield
    }) : () -> ()
    return
  }
}

#map = affine_map<(d0, d1) -> (0, 0)>
#map1 = affine_map<(d0, d1) -> (0)>
module attributes {stable_mosaic.version = 14 : i64} {
  func.func @k(%arg0: i32, %arg1: i32, %arg2: memref<10240x128xf32, #tpu.memory_space<hbm>>, %arg3: memref<10240xi32, #tpu.memory_space<hbm>>, %arg4: memref<10240x128xf32, #tpu.memory_space<hbm>>, %arg5: memref<320xi32, #tpu.memory_space<vmem>>, %arg6: memref<320x128xf32, #tpu.memory_space<vmem>>, %arg7: memref<!tpu.dma_semaphore, #tpu.memory_space<semaphore_mem>>) attributes {dimension_semantics = [#tpu.dimension_semantics<core_parallel>, #tpu.dimension_semantics<subcore_parallel>], iteration_bounds = array<i64: 2, 16>, scalar_prefetch = 0 : i64, scratch_operands = 3 : i64, tpu.core_type = #tpu.core_type<sc_vector_subcore>, window_params = [{transform_indices = #map}, {transform_indices = #map1}, {transform_indices = #map}]} {
    %mul3A = arith.constant 2 : i32
    %mul3A_0 = arith.muli %arg1, %mul3A : i32
    %add3A = arith.addi %mul3A_0, %arg0 : i32
    %mul3A_1 = arith.constant 320 : i32
    %mul3A_2 = arith.muli %add3A, %mul3A_1 : i32
    "tpu.region"() ({
      %run_scoped3A = tpu.sem_alloc : memref<!tpu.dma_semaphore, #tpu.memory_space<semaphore_mem>>
      %dma_start3A_7 = tpu.memref_slice %arg3[%mul3A_2] : memref<10240xi32, #tpu.memory_space<hbm>> -> memref<320xi32, #tpu.memory_space<hbm>>
      %dma_start3A_8 = tpu.memref_slice %arg3[%mul3A_2] : memref<10240xi32, #tpu.memory_space<hbm>> -> memref<320xi32, #tpu.memory_space<hbm>>
      tpu.enqueue_dma source(%dma_start3A_8 : memref<320xi32, #tpu.memory_space<hbm>>) target(%arg5 : memref<320xi32, #tpu.memory_space<vmem>>) target_semaphore(%run_scoped3A : memref<!tpu.dma_semaphore, #tpu.memory_space<semaphore_mem>>)
      %dma_wait3A_9 = tpu.memref_slice %arg3[%mul3A_2] : memref<10240xi32, #tpu.memory_space<hbm>> -> memref<320xi32, #tpu.memory_space<hbm>>
      %dma_wait3A_10 = tpu.memref_slice %arg3[%mul3A_2] : memref<10240xi32, #tpu.memory_space<hbm>> -> memref<320xi32, #tpu.memory_space<hbm>>
      tpu.wait_dma2 semaphore(%run_scoped3A : memref<!tpu.dma_semaphore, #tpu.memory_space<semaphore_mem>>) src(%dma_wait3A_10 : memref<320xi32, #tpu.memory_space<hbm>>) dst(%arg5 : memref<320xi32, #tpu.memory_space<vmem>>)
      tpu.yield
    }) : () -> ()
    %dma_start3A = arith.constant 0 : i32
    %dma_start3A_3 = arith.constant 0 : i32
    %dma_start3A_4 = tpu.memref_slice %arg2[%dma_start3A, %dma_start3A_3] : memref<10240x128xf32, #tpu.memory_space<hbm>> -> memref<10240x128xf32, #tpu.memory_space<hbm>>
    tpu.enqueue_indirect_dma source(%dma_start3A_4 : memref<10240x128xf32, #tpu.memory_space<hbm>>) target(%arg6 : memref<320x128xf32, #tpu.memory_space<vmem>>) offsets(%arg5 : memref<320xi32, #tpu.memory_space<vmem>>) semaphore(%arg7 : memref<!tpu.dma_semaphore, #tpu.memory_space<semaphore_mem>>)
    %dma_wait3A = arith.constant 0 : i32
    %dma_wait3A_5 = arith.constant 0 : i32
    %dma_wait3A_6 = tpu.memref_slice %arg2[%dma_wait3A, %dma_wait3A_5] : memref<10240x128xf32, #tpu.memory_space<hbm>> -> memref<10240x128xf32, #tpu.memory_space<hbm>>
    tpu.wait_indirect_dma semaphore(%arg7 : memref<!tpu.dma_semaphore, #tpu.memory_space<semaphore_mem>>) src(%dma_wait3A_6 : memref<10240x128xf32, #tpu.memory_space<hbm>>) dst(%arg6 : memref<320x128xf32, #tpu.memory_space<vmem>>)
    "tpu.region"() ({
      %run_scoped3A = tpu.sem_alloc : memref<!tpu.dma_semaphore, #tpu.memory_space<semaphore_mem>>
      %dma_start3A_7 = arith.constant 0 : i32
      %dma_start3A_8 = tpu.memref_slice %arg4[%mul3A_2, %dma_start3A_7] : memref<10240x128xf32, #tpu.memory_space<hbm>> -> memref<320x128xf32, #tpu.memory_space<hbm>>
      %dma_start3A_9 = arith.constant 0 : i32
      %dma_start3A_10 = tpu.memref_slice %arg4[%mul3A_2, %dma_start3A_9] : memref<10240x128xf32, #tpu.memory_space<hbm>> -> memref<320x128xf32, #tpu.memory_space<hbm>>
      tpu.enqueue_dma source(%arg6 : memref<320x128xf32, #tpu.memory_space<vmem>>) target(%dma_start3A_10 : memref<320x128xf32, #tpu.memory_space<hbm>>) target_semaphore(%run_scoped3A : memref<!tpu.dma_semaphore, #tpu.memory_space<semaphore_mem>>)
      %dma_wait3A_11 = arith.constant 0 : i32
      %dma_wait3A_12 = tpu.memref_slice %arg4[%mul3A_2, %dma_wait3A_11] : memref<10240x128xf32, #tpu.memory_space<hbm>> -> memref<320x128xf32, #tpu.memory_space<hbm>>
      %dma_wait3A_13 = arith.constant 0 : i32
      %dma_wait3A_14 = tpu.memref_slice %arg4[%mul3A_2, %dma_wait3A_13] : memref<10240x128xf32, #tpu.memory_space<hbm>> -> memref<320x128xf32, #tpu.memory_space<hbm>>
      tpu.wait_dma2 semaphore(%run_scoped3A : memref<!tpu.dma_semaphore, #tpu.memory_space<semaphore_mem>>) src(%arg6 : memref<320x128xf32, #tpu.memory_space<vmem>>) dst(%dma_wait3A_14 : memref<320x128xf32, #tpu.memory_space<hbm>>)
      tpu.yield
    }) : () -> ()
    return
  }
}

module attributes {stable_mosaic.version = 14 : i64} {
  func.func @_mm_stats_body(%arg0: i32, %arg1: i32, %arg2: memref<512x128xf32, #tpu.memory_space<vmem>>, %arg3: memref<128x256xf32, #tpu.memory_space<vmem>>, %arg4: memref<512x256xf32, #tpu.memory_space<vmem>>, %arg5: memref<8x256xf32, #tpu.memory_space<vmem>>) attributes {dimension_semantics = [#tpu.dimension_semantics<arbitrary>, #tpu.dimension_semantics<arbitrary>], iteration_bounds = array<i64: 1, 20>, scalar_prefetch = 0 : i64, scratch_operands = 0 : i64, tpu.core_type = #tpu.core_type<tc>, window_params = [{transform_indices = @transform_0, window_bounds = array<i64: 512, 128>}, {transform_indices = @transform_1, window_bounds = array<i64: 128, 256>}, {transform_indices = @transform_2, window_bounds = array<i64: 512, 256>}, {transform_indices = @transform_3, window_bounds = array<i64: 8, 256>}]} {
    %get3A = arith.constant 0 : index
    %get3A_0 = arith.constant 0 : index
    %get3A_1 = vector.load %arg2[%get3A, %get3A_0] : memref<512x128xf32, #tpu.memory_space<vmem>>, vector<512x128xf32>
    %convert_element_type3A = arith.truncf %get3A_1 : vector<512x128xf32> to vector<512x128xbf16>
    %get3A_2 = arith.constant 0 : index
    %get3A_3 = arith.constant 0 : index
    %get3A_4 = vector.load %arg3[%get3A_2, %get3A_3] : memref<128x256xf32, #tpu.memory_space<vmem>>, vector<128x256xf32>
    %convert_element_type3A_5 = arith.truncf %get3A_4 : vector<128x256xf32> to vector<128x256xbf16>
    %dot_general3A = arith.constant dense<0.000000e+00> : vector<512x256xf32>
    %dot_general3A_6 = tpu.matmul %convert_element_type3A, %convert_element_type3A_5, %dot_general3A {dimension_numbers = #tpu.dot_dimension_numbers<[1], [0], [0], [1], [0, 0, 1, 1], [], []>, transpose_lhs_hint = false} : vector<512x128xbf16>, vector<128x256xbf16>, vector<512x256xf32> -> vector<512x256xf32>
    %swap3A = arith.constant 0 : index
    %swap3A_7 = arith.constant 0 : index
    %swap3A_8 = vector.load %arg4[%swap3A, %swap3A_7] : memref<512x256xf32, #tpu.memory_space<vmem>>, vector<512x256xf32>
    tpu.vector_store %arg4[%swap3A, %swap3A_7], %dot_general3A_6 {strides = array<i32>} : memref<512x256xf32, #tpu.memory_space<vmem>>, vector<512x256xf32>,
    %eq3A = arith.constant 0 : i32
    %eq3A_9 = arith.cmpi eq, %arg1, %eq3A : i32
    %convert_element_type3A_10 = arith.extui %eq3A_9 : i1 to i32
    %cond3A = arith.constant 0 : i32
    %cond3A_11 = arith.cmpi ne, %convert_element_type3A_10, %cond3A : i32
    scf.if %cond3A_11 {
      %broadcast_in_dim3A_29 = arith.constant 0.000000e+00 : f32
      %broadcast_in_dim3A_30 = vector.broadcast %broadcast_in_dim3A_29 : f32 to vector<8x256xf32>
      %swap3A_31 = arith.constant 0 : index
      %swap3A_32 = arith.constant 0 : index
      %swap3A_33 = vector.load %arg5[%swap3A_31, %swap3A_32] : memref<8x256xf32, #tpu.memory_space<vmem>>, vector<8x256xf32>
      tpu.vector_store %arg5[%swap3A_31, %swap3A_32], %broadcast_in_dim3A_30 {strides = array<i32>} : memref<8x256xf32, #tpu.memory_space<vmem>>, vector<8x256xf32>,
    } else {
    }
    %get3A_12 = arith.constant 0 : index
    %get3A_13 = arith.constant 0 : index
    %get3A_14 = vector.load %arg5[%get3A_12, %get3A_13] : memref<8x256xf32, #tpu.memory_space<vmem>>, vector<1x256xf32>
    %reduce_sum3A = arith.constant dense<0.000000e+00> : vector<256xf32>
    %reduce_sum3A_15 = vector.multi_reduction <add>, %dot_general3A_6, %reduce_sum3A [0] : vector<512x256xf32> to vector<256xf32>
    %broadcast_in_dim3A = vector.shape_cast %reduce_sum3A_15 : vector<256xf32> to vector<1x256xf32>
    %add3A = arith.addf %get3A_14, %broadcast_in_dim3A : vector<1x256xf32>
    %swap3A_16 = arith.constant 0 : index
    %swap3A_17 = arith.constant 0 : index
    %swap3A_18 = vector.load %arg5[%swap3A_16, %swap3A_17] : memref<8x256xf32, #tpu.memory_space<vmem>>, vector<1x256xf32>
    tpu.vector_store %arg5[%swap3A_16, %swap3A_17], %add3A {strides = array<i32>} : memref<8x256xf32, #tpu.memory_space<vmem>>, vector<1x256xf32>,
    %get3A_19 = arith.constant 1 : index
    %get3A_20 = arith.constant 0 : index
    %get3A_21 = vector.load %arg5[%get3A_19, %get3A_20] : memref<8x256xf32, #tpu.memory_space<vmem>>, vector<1x256xf32>
    %mul3A = arith.mulf %dot_general3A_6, %dot_general3A_6 : vector<512x256xf32>
    %reduce_sum3A_22 = arith.constant dense<0.000000e+00> : vector<256xf32>
    %reduce_sum3A_23 = vector.multi_reduction <add>, %mul3A, %reduce_sum3A_22 [0] : vector<512x256xf32> to vector<256xf32>
    %broadcast_in_dim3A_24 = vector.shape_cast %reduce_sum3A_23 : vector<256xf32> to vector<1x256xf32>
    %add3A_25 = arith.addf %get3A_21, %broadcast_in_dim3A_24 : vector<1x256xf32>
    %swap3A_26 = arith.constant 1 : index
    %swap3A_27 = arith.constant 0 : index
    %swap3A_28 = vector.load %arg5[%swap3A_26, %swap3A_27] : memref<8x256xf32, #tpu.memory_space<vmem>>, vector<1x256xf32>
    tpu.vector_store %arg5[%swap3A_26, %swap3A_27], %add3A_25 {strides = array<i32>} : memref<8x256xf32, #tpu.memory_space<vmem>>, vector<1x256xf32>,
    return
  }
  func.func @transform_0(%arg0: i32, %arg1: i32) -> (i32, i32) {
    %c0_i32 = arith.constant 0 : i32
    %c0_i32_0 = arith.constant 0 : i32
    return %arg1, %c0_i32 : i32, i32
  }
  func.func @transform_1(%arg0: i32, %arg1: i32) -> (i32, i32) {
    %c0_i32 = arith.constant 0 : i32
    %c0_i32_0 = arith.constant 0 : i32
    return %c0_i32, %arg0 : i32, i32
  }
  func.func @transform_2(%arg0: i32, %arg1: i32) -> (i32, i32) {
    %c0_i32 = arith.constant 0 : i32
    return %arg1, %arg0 : i32, i32
  }
  func.func @transform_3(%arg0: i32, %arg1: i32) -> (i32, i32) {
    %c0_i32 = arith.constant 0 : i32
    %c0_i32_0 = arith.constant 0 : i32
    return %c0_i32, %arg0 : i32, i32
  }
}

module attributes {stable_mosaic.version = 14 : i64} {
  func.func @_mm_stats_body(%arg0: i32, %arg1: i32, %arg2: memref<512x256xf32, #tpu.memory_space<vmem>>, %arg3: memref<256x256xf32, #tpu.memory_space<vmem>>, %arg4: memref<512x256xf32, #tpu.memory_space<vmem>>, %arg5: memref<8x256xf32, #tpu.memory_space<vmem>>) attributes {dimension_semantics = [#tpu.dimension_semantics<arbitrary>, #tpu.dimension_semantics<arbitrary>], iteration_bounds = array<i64: 1, 20>, scalar_prefetch = 0 : i64, scratch_operands = 0 : i64, tpu.core_type = #tpu.core_type<tc>, window_params = [{transform_indices = @transform_0, window_bounds = array<i64: 512, 256>}, {transform_indices = @transform_1, window_bounds = array<i64: 256, 256>}, {transform_indices = @transform_2, window_bounds = array<i64: 512, 256>}, {transform_indices = @transform_3, window_bounds = array<i64: 8, 256>}]} {
    %get3A = arith.constant 0 : index
    %get3A_0 = arith.constant 0 : index
    %get3A_1 = vector.load %arg2[%get3A, %get3A_0] : memref<512x256xf32, #tpu.memory_space<vmem>>, vector<512x256xf32>
    %convert_element_type3A = arith.truncf %get3A_1 : vector<512x256xf32> to vector<512x256xbf16>
    %get3A_2 = arith.constant 0 : index
    %get3A_3 = arith.constant 0 : index
    %get3A_4 = vector.load %arg3[%get3A_2, %get3A_3] : memref<256x256xf32, #tpu.memory_space<vmem>>, vector<256x256xf32>
    %convert_element_type3A_5 = arith.truncf %get3A_4 : vector<256x256xf32> to vector<256x256xbf16>
    %dot_general3A = arith.constant dense<0.000000e+00> : vector<512x256xf32>
    %dot_general3A_6 = tpu.matmul %convert_element_type3A, %convert_element_type3A_5, %dot_general3A {dimension_numbers = #tpu.dot_dimension_numbers<[1], [0], [0], [1], [0, 0, 1, 1], [], []>, transpose_lhs_hint = false} : vector<512x256xbf16>, vector<256x256xbf16>, vector<512x256xf32> -> vector<512x256xf32>
    %swap3A = arith.constant 0 : index
    %swap3A_7 = arith.constant 0 : index
    %swap3A_8 = vector.load %arg4[%swap3A, %swap3A_7] : memref<512x256xf32, #tpu.memory_space<vmem>>, vector<512x256xf32>
    tpu.vector_store %arg4[%swap3A, %swap3A_7], %dot_general3A_6 {strides = array<i32>} : memref<512x256xf32, #tpu.memory_space<vmem>>, vector<512x256xf32>,
    %eq3A = arith.constant 0 : i32
    %eq3A_9 = arith.cmpi eq, %arg1, %eq3A : i32
    %convert_element_type3A_10 = arith.extui %eq3A_9 : i1 to i32
    %cond3A = arith.constant 0 : i32
    %cond3A_11 = arith.cmpi ne, %convert_element_type3A_10, %cond3A : i32
    scf.if %cond3A_11 {
      %broadcast_in_dim3A_29 = arith.constant 0.000000e+00 : f32
      %broadcast_in_dim3A_30 = vector.broadcast %broadcast_in_dim3A_29 : f32 to vector<8x256xf32>
      %swap3A_31 = arith.constant 0 : index
      %swap3A_32 = arith.constant 0 : index
      %swap3A_33 = vector.load %arg5[%swap3A_31, %swap3A_32] : memref<8x256xf32, #tpu.memory_space<vmem>>, vector<8x256xf32>
      tpu.vector_store %arg5[%swap3A_31, %swap3A_32], %broadcast_in_dim3A_30 {strides = array<i32>} : memref<8x256xf32, #tpu.memory_space<vmem>>, vector<8x256xf32>,
    } else {
    }
    %get3A_12 = arith.constant 0 : index
    %get3A_13 = arith.constant 0 : index
    %get3A_14 = vector.load %arg5[%get3A_12, %get3A_13] : memref<8x256xf32, #tpu.memory_space<vmem>>, vector<1x256xf32>
    %reduce_sum3A = arith.constant dense<0.000000e+00> : vector<256xf32>
    %reduce_sum3A_15 = vector.multi_reduction <add>, %dot_general3A_6, %reduce_sum3A [0] : vector<512x256xf32> to vector<256xf32>
    %broadcast_in_dim3A = vector.shape_cast %reduce_sum3A_15 : vector<256xf32> to vector<1x256xf32>
    %add3A = arith.addf %get3A_14, %broadcast_in_dim3A : vector<1x256xf32>
    %swap3A_16 = arith.constant 0 : index
    %swap3A_17 = arith.constant 0 : index
    %swap3A_18 = vector.load %arg5[%swap3A_16, %swap3A_17] : memref<8x256xf32, #tpu.memory_space<vmem>>, vector<1x256xf32>
    tpu.vector_store %arg5[%swap3A_16, %swap3A_17], %add3A {strides = array<i32>} : memref<8x256xf32, #tpu.memory_space<vmem>>, vector<1x256xf32>,
    %get3A_19 = arith.constant 1 : index
    %get3A_20 = arith.constant 0 : index
    %get3A_21 = vector.load %arg5[%get3A_19, %get3A_20] : memref<8x256xf32, #tpu.memory_space<vmem>>, vector<1x256xf32>
    %mul3A = arith.mulf %dot_general3A_6, %dot_general3A_6 : vector<512x256xf32>
    %reduce_sum3A_22 = arith.constant dense<0.000000e+00> : vector<256xf32>
    %reduce_sum3A_23 = vector.multi_reduction <add>, %mul3A, %reduce_sum3A_22 [0] : vector<512x256xf32> to vector<256xf32>
    %broadcast_in_dim3A_24 = vector.shape_cast %reduce_sum3A_23 : vector<256xf32> to vector<1x256xf32>
    %add3A_25 = arith.addf %get3A_21, %broadcast_in_dim3A_24 : vector<1x256xf32>
    %swap3A_26 = arith.constant 1 : index
    %swap3A_27 = arith.constant 0 : index
    %swap3A_28 = vector.load %arg5[%swap3A_26, %swap3A_27] : memref<8x256xf32, #tpu.memory_space<vmem>>, vector<1x256xf32>
    tpu.vector_store %arg5[%swap3A_26, %swap3A_27], %add3A_25 {strides = array<i32>} : memref<8x256xf32, #tpu.memory_space<vmem>>, vector<1x256xf32>,
    return
  }
  func.func @transform_0(%arg0: i32, %arg1: i32) -> (i32, i32) {
    %c0_i32 = arith.constant 0 : i32
    %c0_i32_0 = arith.constant 0 : i32
    return %arg1, %c0_i32 : i32, i32
  }
  func.func @transform_1(%arg0: i32, %arg1: i32) -> (i32, i32) {
    %c0_i32 = arith.constant 0 : i32
    %c0_i32_0 = arith.constant 0 : i32
    return %c0_i32, %arg0 : i32, i32
  }
  func.func @transform_2(%arg0: i32, %arg1: i32) -> (i32, i32) {
    %c0_i32 = arith.constant 0 : i32
    return %arg1, %arg0 : i32, i32
  }
  func.func @transform_3(%arg0: i32, %arg1: i32) -> (i32, i32) {
    %c0_i32 = arith.constant 0 : i32
    %c0_i32_0 = arith.constant 0 : i32
    return %c0_i32, %arg0 : i32, i32
  }
}

module attributes {stable_mosaic.version = 14 : i64} {
  func.func @_mm_stats_body(%arg0: i32, %arg1: i32, %arg2: memref<512x128xf32, #tpu.memory_space<vmem>>, %arg3: memref<128x128xf32, #tpu.memory_space<vmem>>, %arg4: memref<512x128xf32, #tpu.memory_space<vmem>>, %arg5: memref<8x128xf32, #tpu.memory_space<vmem>>) attributes {dimension_semantics = [#tpu.dimension_semantics<arbitrary>, #tpu.dimension_semantics<arbitrary>], iteration_bounds = array<i64: 1, 20>, scalar_prefetch = 0 : i64, scratch_operands = 0 : i64, tpu.core_type = #tpu.core_type<tc>, window_params = [{transform_indices = @transform_0, window_bounds = array<i64: 512, 128>}, {transform_indices = @transform_1, window_bounds = array<i64: 128, 128>}, {transform_indices = @transform_2, window_bounds = array<i64: 512, 128>}, {transform_indices = @transform_3, window_bounds = array<i64: 8, 128>}]} {
    %get3A = arith.constant 0 : index
    %get3A_0 = arith.constant 0 : index
    %get3A_1 = vector.load %arg2[%get3A, %get3A_0] : memref<512x128xf32, #tpu.memory_space<vmem>>, vector<512x128xf32>
    %convert_element_type3A = arith.truncf %get3A_1 : vector<512x128xf32> to vector<512x128xbf16>
    %get3A_2 = arith.constant 0 : index
    %get3A_3 = arith.constant 0 : index
    %get3A_4 = vector.load %arg3[%get3A_2, %get3A_3] : memref<128x128xf32, #tpu.memory_space<vmem>>, vector<128x128xf32>
    %convert_element_type3A_5 = arith.truncf %get3A_4 : vector<128x128xf32> to vector<128x128xbf16>
    %dot_general3A = arith.constant dense<0.000000e+00> : vector<512x128xf32>
    %dot_general3A_6 = tpu.matmul %convert_element_type3A, %convert_element_type3A_5, %dot_general3A {dimension_numbers = #tpu.dot_dimension_numbers<[1], [0], [0], [1], [0, 0, 1, 1], [], []>, transpose_lhs_hint = false} : vector<512x128xbf16>, vector<128x128xbf16>, vector<512x128xf32> -> vector<512x128xf32>
    %swap3A = arith.constant 0 : index
    %swap3A_7 = arith.constant 0 : index
    %swap3A_8 = vector.load %arg4[%swap3A, %swap3A_7] : memref<512x128xf32, #tpu.memory_space<vmem>>, vector<512x128xf32>
    tpu.vector_store %arg4[%swap3A, %swap3A_7], %dot_general3A_6 {strides = array<i32>} : memref<512x128xf32, #tpu.memory_space<vmem>>, vector<512x128xf32>,
    %eq3A = arith.constant 0 : i32
    %eq3A_9 = arith.cmpi eq, %arg1, %eq3A : i32
    %convert_element_type3A_10 = arith.extui %eq3A_9 : i1 to i32
    %cond3A = arith.constant 0 : i32
    %cond3A_11 = arith.cmpi ne, %convert_element_type3A_10, %cond3A : i32
    scf.if %cond3A_11 {
      %broadcast_in_dim3A_29 = arith.constant 0.000000e+00 : f32
      %broadcast_in_dim3A_30 = vector.broadcast %broadcast_in_dim3A_29 : f32 to vector<8x128xf32>
      %swap3A_31 = arith.constant 0 : index
      %swap3A_32 = arith.constant 0 : index
      %swap3A_33 = vector.load %arg5[%swap3A_31, %swap3A_32] : memref<8x128xf32, #tpu.memory_space<vmem>>, vector<8x128xf32>
      tpu.vector_store %arg5[%swap3A_31, %swap3A_32], %broadcast_in_dim3A_30 {strides = array<i32>} : memref<8x128xf32, #tpu.memory_space<vmem>>, vector<8x128xf32>,
    } else {
    }
    %get3A_12 = arith.constant 0 : index
    %get3A_13 = arith.constant 0 : index
    %get3A_14 = vector.load %arg5[%get3A_12, %get3A_13] : memref<8x128xf32, #tpu.memory_space<vmem>>, vector<1x128xf32>
    %reduce_sum3A = arith.constant dense<0.000000e+00> : vector<128xf32>
    %reduce_sum3A_15 = vector.multi_reduction <add>, %dot_general3A_6, %reduce_sum3A [0] : vector<512x128xf32> to vector<128xf32>
    %broadcast_in_dim3A = vector.shape_cast %reduce_sum3A_15 : vector<128xf32> to vector<1x128xf32>
    %add3A = arith.addf %get3A_14, %broadcast_in_dim3A : vector<1x128xf32>
    %swap3A_16 = arith.constant 0 : index
    %swap3A_17 = arith.constant 0 : index
    %swap3A_18 = vector.load %arg5[%swap3A_16, %swap3A_17] : memref<8x128xf32, #tpu.memory_space<vmem>>, vector<1x128xf32>
    tpu.vector_store %arg5[%swap3A_16, %swap3A_17], %add3A {strides = array<i32>} : memref<8x128xf32, #tpu.memory_space<vmem>>, vector<1x128xf32>,
    %get3A_19 = arith.constant 1 : index
    %get3A_20 = arith.constant 0 : index
    %get3A_21 = vector.load %arg5[%get3A_19, %get3A_20] : memref<8x128xf32, #tpu.memory_space<vmem>>, vector<1x128xf32>
    %mul3A = arith.mulf %dot_general3A_6, %dot_general3A_6 : vector<512x128xf32>
    %reduce_sum3A_22 = arith.constant dense<0.000000e+00> : vector<128xf32>
    %reduce_sum3A_23 = vector.multi_reduction <add>, %mul3A, %reduce_sum3A_22 [0] : vector<512x128xf32> to vector<128xf32>
    %broadcast_in_dim3A_24 = vector.shape_cast %reduce_sum3A_23 : vector<128xf32> to vector<1x128xf32>
    %add3A_25 = arith.addf %get3A_21, %broadcast_in_dim3A_24 : vector<1x128xf32>
    %swap3A_26 = arith.constant 1 : index
    %swap3A_27 = arith.constant 0 : index
    %swap3A_28 = vector.load %arg5[%swap3A_26, %swap3A_27] : memref<8x128xf32, #tpu.memory_space<vmem>>, vector<1x128xf32>
    tpu.vector_store %arg5[%swap3A_26, %swap3A_27], %add3A_25 {strides = array<i32>} : memref<8x128xf32, #tpu.memory_space<vmem>>, vector<1x128xf32>,
    return
  }
  func.func @transform_0(%arg0: i32, %arg1: i32) -> (i32, i32) {
    %c0_i32 = arith.constant 0 : i32
    %c0_i32_0 = arith.constant 0 : i32
    return %arg1, %c0_i32 : i32, i32
  }
  func.func @transform_1(%arg0: i32, %arg1: i32) -> (i32, i32) {
    %c0_i32 = arith.constant 0 : i32
    %c0_i32_0 = arith.constant 0 : i32
    return %c0_i32, %arg0 : i32, i32
  }
  func.func @transform_2(%arg0: i32, %arg1: i32) -> (i32, i32) {
    %c0_i32 = arith.constant 0 : i32
    return %arg1, %arg0 : i32, i32
  }
  func.func @transform_3(%arg0: i32, %arg1: i32) -> (i32, i32) {
    %c0_i32 = arith.constant 0 : i32
    %c0_i32_0 = arith.constant 0 : i32
    return %c0_i32, %arg0 : i32, i32
  }
}

module attributes {stable_mosaic.version = 14 : i64} {
  func.func @_mm_stats_body(%arg0: i32, %arg1: i32, %arg2: memref<512x256xf32, #tpu.memory_space<vmem>>, %arg3: memref<256x128xf32, #tpu.memory_space<vmem>>, %arg4: memref<512x128xf32, #tpu.memory_space<vmem>>, %arg5: memref<8x128xf32, #tpu.memory_space<vmem>>) attributes {dimension_semantics = [#tpu.dimension_semantics<arbitrary>, #tpu.dimension_semantics<arbitrary>], iteration_bounds = array<i64: 1, 20>, scalar_prefetch = 0 : i64, scratch_operands = 0 : i64, tpu.core_type = #tpu.core_type<tc>, window_params = [{transform_indices = @transform_0, window_bounds = array<i64: 512, 256>}, {transform_indices = @transform_1, window_bounds = array<i64: 256, 128>}, {transform_indices = @transform_2, window_bounds = array<i64: 512, 128>}, {transform_indices = @transform_3, window_bounds = array<i64: 8, 128>}]} {
    %get3A = arith.constant 0 : index
    %get3A_0 = arith.constant 0 : index
    %get3A_1 = vector.load %arg2[%get3A, %get3A_0] : memref<512x256xf32, #tpu.memory_space<vmem>>, vector<512x256xf32>
    %convert_element_type3A = arith.truncf %get3A_1 : vector<512x256xf32> to vector<512x256xbf16>
    %get3A_2 = arith.constant 0 : index
    %get3A_3 = arith.constant 0 : index
    %get3A_4 = vector.load %arg3[%get3A_2, %get3A_3] : memref<256x128xf32, #tpu.memory_space<vmem>>, vector<256x128xf32>
    %convert_element_type3A_5 = arith.truncf %get3A_4 : vector<256x128xf32> to vector<256x128xbf16>
    %dot_general3A = arith.constant dense<0.000000e+00> : vector<512x128xf32>
    %dot_general3A_6 = tpu.matmul %convert_element_type3A, %convert_element_type3A_5, %dot_general3A {dimension_numbers = #tpu.dot_dimension_numbers<[1], [0], [0], [1], [0, 0, 1, 1], [], []>, transpose_lhs_hint = false} : vector<512x256xbf16>, vector<256x128xbf16>, vector<512x128xf32> -> vector<512x128xf32>
    %swap3A = arith.constant 0 : index
    %swap3A_7 = arith.constant 0 : index
    %swap3A_8 = vector.load %arg4[%swap3A, %swap3A_7] : memref<512x128xf32, #tpu.memory_space<vmem>>, vector<512x128xf32>
    tpu.vector_store %arg4[%swap3A, %swap3A_7], %dot_general3A_6 {strides = array<i32>} : memref<512x128xf32, #tpu.memory_space<vmem>>, vector<512x128xf32>,
    %eq3A = arith.constant 0 : i32
    %eq3A_9 = arith.cmpi eq, %arg1, %eq3A : i32
    %convert_element_type3A_10 = arith.extui %eq3A_9 : i1 to i32
    %cond3A = arith.constant 0 : i32
    %cond3A_11 = arith.cmpi ne, %convert_element_type3A_10, %cond3A : i32
    scf.if %cond3A_11 {
      %broadcast_in_dim3A_29 = arith.constant 0.000000e+00 : f32
      %broadcast_in_dim3A_30 = vector.broadcast %broadcast_in_dim3A_29 : f32 to vector<8x128xf32>
      %swap3A_31 = arith.constant 0 : index
      %swap3A_32 = arith.constant 0 : index
      %swap3A_33 = vector.load %arg5[%swap3A_31, %swap3A_32] : memref<8x128xf32, #tpu.memory_space<vmem>>, vector<8x128xf32>
      tpu.vector_store %arg5[%swap3A_31, %swap3A_32], %broadcast_in_dim3A_30 {strides = array<i32>} : memref<8x128xf32, #tpu.memory_space<vmem>>, vector<8x128xf32>,
    } else {
    }
    %get3A_12 = arith.constant 0 : index
    %get3A_13 = arith.constant 0 : index
    %get3A_14 = vector.load %arg5[%get3A_12, %get3A_13] : memref<8x128xf32, #tpu.memory_space<vmem>>, vector<1x128xf32>
    %reduce_sum3A = arith.constant dense<0.000000e+00> : vector<128xf32>
    %reduce_sum3A_15 = vector.multi_reduction <add>, %dot_general3A_6, %reduce_sum3A [0] : vector<512x128xf32> to vector<128xf32>
    %broadcast_in_dim3A = vector.shape_cast %reduce_sum3A_15 : vector<128xf32> to vector<1x128xf32>
    %add3A = arith.addf %get3A_14, %broadcast_in_dim3A : vector<1x128xf32>
    %swap3A_16 = arith.constant 0 : index
    %swap3A_17 = arith.constant 0 : index
    %swap3A_18 = vector.load %arg5[%swap3A_16, %swap3A_17] : memref<8x128xf32, #tpu.memory_space<vmem>>, vector<1x128xf32>
    tpu.vector_store %arg5[%swap3A_16, %swap3A_17], %add3A {strides = array<i32>} : memref<8x128xf32, #tpu.memory_space<vmem>>, vector<1x128xf32>,
    %get3A_19 = arith.constant 1 : index
    %get3A_20 = arith.constant 0 : index
    %get3A_21 = vector.load %arg5[%get3A_19, %get3A_20] : memref<8x128xf32, #tpu.memory_space<vmem>>, vector<1x128xf32>
    %mul3A = arith.mulf %dot_general3A_6, %dot_general3A_6 : vector<512x128xf32>
    %reduce_sum3A_22 = arith.constant dense<0.000000e+00> : vector<128xf32>
    %reduce_sum3A_23 = vector.multi_reduction <add>, %mul3A, %reduce_sum3A_22 [0] : vector<512x128xf32> to vector<128xf32>
    %broadcast_in_dim3A_24 = vector.shape_cast %reduce_sum3A_23 : vector<128xf32> to vector<1x128xf32>
    %add3A_25 = arith.addf %get3A_21, %broadcast_in_dim3A_24 : vector<1x128xf32>
    %swap3A_26 = arith.constant 1 : index
    %swap3A_27 = arith.constant 0 : index
    %swap3A_28 = vector.load %arg5[%swap3A_26, %swap3A_27] : memref<8x128xf32, #tpu.memory_space<vmem>>, vector<1x128xf32>
    tpu.vector_store %arg5[%swap3A_26, %swap3A_27], %add3A_25 {strides = array<i32>} : memref<8x128xf32, #tpu.memory_space<vmem>>, vector<1x128xf32>,
    return
  }
  func.func @transform_0(%arg0: i32, %arg1: i32) -> (i32, i32) {
    %c0_i32 = arith.constant 0 : i32
    %c0_i32_0 = arith.constant 0 : i32
    return %arg1, %c0_i32 : i32, i32
  }
  func.func @transform_1(%arg0: i32, %arg1: i32) -> (i32, i32) {
    %c0_i32 = arith.constant 0 : i32
    %c0_i32_0 = arith.constant 0 : i32
    return %c0_i32, %arg0 : i32, i32
  }
  func.func @transform_2(%arg0: i32, %arg1: i32) -> (i32, i32) {
    %c0_i32 = arith.constant 0 : i32
    return %arg1, %arg0 : i32, i32
  }
  func.func @transform_3(%arg0: i32, %arg1: i32) -> (i32, i32) {
    %c0_i32 = arith.constant 0 : i32
    %c0_i32_0 = arith.constant 0 : i32
    return %c0_i32, %arg0 : i32, i32
  }
}

module attributes {stable_mosaic.version = 14 : i64} {
  func.func @_ystats_body(%arg0: i32, %arg1: i32, %arg2: memref<512x128xf32, #tpu.memory_space<vmem>>, %arg3: memref<128x1024xf32, #tpu.memory_space<vmem>>, %arg4: memref<8x1024xf32, #tpu.memory_space<vmem>>) attributes {dimension_semantics = [#tpu.dimension_semantics<arbitrary>, #tpu.dimension_semantics<arbitrary>], iteration_bounds = array<i64: 16, 20>, scalar_prefetch = 0 : i64, scratch_operands = 0 : i64, tpu.core_type = #tpu.core_type<tc>, window_params = [{transform_indices = @transform_0, window_bounds = array<i64: 512, 128>}, {transform_indices = @transform_1, window_bounds = array<i64: 128, 1024>}, {transform_indices = @transform_2, window_bounds = array<i64: 8, 1024>}]} {
    %get3A = arith.constant 0 : index
    %get3A_0 = arith.constant 0 : index
    %get3A_1 = vector.load %arg2[%get3A, %get3A_0] : memref<512x128xf32, #tpu.memory_space<vmem>>, vector<512x128xf32>
    %convert_element_type3A = arith.truncf %get3A_1 : vector<512x128xf32> to vector<512x128xbf16>
    %eq3A = arith.constant 0 : i32
    %eq3A_2 = arith.cmpi eq, %arg1, %eq3A : i32
    %convert_element_type3A_3 = arith.extui %eq3A_2 : i1 to i32
    %cond3A = arith.constant 0 : i32
    %cond3A_4 = arith.cmpi ne, %convert_element_type3A_3, %cond3A : i32
    scf.if %cond3A_4 {
      %broadcast_in_dim3A_215 = arith.constant 0.000000e+00 : f32
      %broadcast_in_dim3A_216 = vector.broadcast %broadcast_in_dim3A_215 : f32 to vector<8x1024xf32>
      %swap3A_217 = arith.constant 0 : index
      %swap3A_218 = arith.constant 0 : index
      %swap3A_219 = vector.load %arg4[%swap3A_217, %swap3A_218] : memref<8x1024xf32, #tpu.memory_space<vmem>>, vector<8x1024xf32>
      tpu.vector_store %arg4[%swap3A_217, %swap3A_218], %broadcast_in_dim3A_216 {strides = array<i32>} : memref<8x1024xf32, #tpu.memory_space<vmem>>, vector<8x1024xf32>,
    } else {
    }
    %get3A_5 = arith.constant 0 : index
    %get3A_6 = arith.constant 0 : index
    %get3A_7 = vector.load %arg3[%get3A_5, %get3A_6] : memref<128x1024xf32, #tpu.memory_space<vmem>>, vector<128x128xf32>
    %convert_element_type3A_8 = arith.truncf %get3A_7 : vector<128x128xf32> to vector<128x128xbf16>
    %dot_general3A = arith.constant dense<0.000000e+00> : vector<512x128xf32>
    %dot_general3A_9 = tpu.matmul %convert_element_type3A, %convert_element_type3A_8, %dot_general3A {dimension_numbers = #tpu.dot_dimension_numbers<[1], [0], [0], [1], [0, 0, 1, 1], [], []>, transpose_lhs_hint = false} : vector<512x128xbf16>, vector<128x128xbf16>, vector<512x128xf32> -> vector<512x128xf32>
    %get3A_10 = arith.constant 0 : index
    %get3A_11 = arith.constant 0 : index
    %get3A_12 = vector.load %arg4[%get3A_10, %get3A_11] : memref<8x1024xf32, #tpu.memory_space<vmem>>, vector<1x128xf32>
    %reduce_sum3A = arith.constant dense<0.000000e+00> : vector<128xf32>
    %reduce_sum3A_13 = vector.multi_reduction <add>, %dot_general3A_9, %reduce_sum3A [0] : vector<512x128xf32> to vector<128xf32>
    %broadcast_in_dim3A = vector.shape_cast %reduce_sum3A_13 : vector<128xf32> to vector<1x128xf32>
    %add3A = arith.addf %get3A_12, %broadcast_in_dim3A : vector<1x128xf32>
    %swap3A = arith.constant 0 : index
    %swap3A_14 = arith.constant 0 : index
    %swap3A_15 = vector.load %arg4[%swap3A, %swap3A_14] : memref<8x1024xf32, #tpu.memory_space<vmem>>, vector<1x128xf32>
    tpu.vector_store %arg4[%swap3A, %swap3A_14], %add3A {strides = array<i32>} : memref<8x1024xf32, #tpu.memory_space<vmem>>, vector<1x128xf32>,
    %get3A_16 = arith.constant 1 : index
    %get3A_17 = arith.constant 0 : index
    %get3A_18 = vector.load %arg4[%get3A_16, %get3A_17] : memref<8x1024xf32, #tpu.memory_space<vmem>>, vector<1x128xf32>
    %mul3A = arith.mulf %dot_general3A_9, %dot_general3A_9 : vector<512x128xf32>
    %reduce_sum3A_19 = arith.constant dense<0.000000e+00> : vector<128xf32>
    %reduce_sum3A_20 = vector.multi_reduction <add>, %mul3A, %reduce_sum3A_19 [0] : vector<512x128xf32> to vector<128xf32>
    %broadcast_in_dim3A_21 = vector.shape_cast %reduce_sum3A_20 : vector<128xf32> to vector<1x128xf32>
    %add3A_22 = arith.addf %get3A_18, %broadcast_in_dim3A_21 : vector<1x128xf32>
    %swap3A_23 = arith.constant 1 : index
    %swap3A_24 = arith.constant 0 : index
    %swap3A_25 = vector.load %arg4[%swap3A_23, %swap3A_24] : memref<8x1024xf32, #tpu.memory_space<vmem>>, vector<1x128xf32>
    tpu.vector_store %arg4[%swap3A_23, %swap3A_24], %add3A_22 {strides = array<i32>} : memref<8x1024xf32, #tpu.memory_space<vmem>>, vector<1x128xf32>,
    %get3A_26 = arith.constant 0 : index
    %get3A_27 = arith.constant 128 : index
    %get3A_28 = vector.load %arg3[%get3A_26, %get3A_27] : memref<128x1024xf32, #tpu.memory_space<vmem>>, vector<128x128xf32>
    %convert_element_type3A_29 = arith.truncf %get3A_28 : vector<128x128xf32> to vector<128x128xbf16>
    %dot_general3A_30 = arith.constant dense<0.000000e+00> : vector<512x128xf32>
    %dot_general3A_31 = tpu.matmul %convert_element_type3A, %convert_element_type3A_29, %dot_general3A_30 {dimension_numbers = #tpu.dot_dimension_numbers<[1], [0], [0], [1], [0, 0, 1, 1], [], []>, transpose_lhs_hint = false} : vector<512x128xbf16>, vector<128x128xbf16>, vector<512x128xf32> -> vector<512x128xf32>
    %get3A_32 = arith.constant 0 : index
    %get3A_33 = arith.constant 128 : index
    %get3A_34 = vector.load %arg4[%get3A_32, %get3A_33] : memref<8x1024xf32, #tpu.memory_space<vmem>>, vector<1x128xf32>
    %reduce_sum3A_35 = arith.constant dense<0.000000e+00> : vector<128xf32>
    %reduce_sum3A_36 = vector.multi_reduction <add>, %dot_general3A_31, %reduce_sum3A_35 [0] : vector<512x128xf32> to vector<128xf32>
    %broadcast_in_dim3A_37 = vector.shape_cast %reduce_sum3A_36 : vector<128xf32> to vector<1x128xf32>
    %add3A_38 = arith.addf %get3A_34, %broadcast_in_dim3A_37 : vector<1x128xf32>
    %swap3A_39 = arith.constant 0 : index
    %swap3A_40 = arith.constant 128 : index
    %swap3A_41 = vector.load %arg4[%swap3A_39, %swap3A_40] : memref<8x1024xf32, #tpu.memory_space<vmem>>, vector<1x128xf32>
    tpu.vector_store %arg4[%swap3A_39, %swap3A_40], %add3A_38 {strides = array<i32>} : memref<8x1024xf32, #tpu.memory_space<vmem>>, vector<1x128xf32>,
    %get3A_42 = arith.constant 1 : index
    %get3A_43 = arith.constant 128 : index
    %get3A_44 = vector.load %arg4[%get3A_42, %get3A_43] : memref<8x1024xf32, #tpu.memory_space<vmem>>, vector<1x128xf32>
    %mul3A_45 = arith.mulf %dot_general3A_31, %dot_general3A_31 : vector<512x128xf32>
    %reduce_sum3A_46 = arith.constant dense<0.000000e+00> : vector<128xf32>
    %reduce_sum3A_47 = vector.multi_reduction <add>, %mul3A_45, %reduce_sum3A_46 [0] : vector<512x128xf32> to vector<128xf32>
    %broadcast_in_dim3A_48 = vector.shape_cast %reduce_sum3A_47 : vector<128xf32> to vector<1x128xf32>
    %add3A_49 = arith.addf %get3A_44, %broadcast_in_dim3A_48 : vector<1x128xf32>
    %swap3A_50 = arith.constant 1 : index
    %swap3A_51 = arith.constant 128 : index
    %swap3A_52 = vector.load %arg4[%swap3A_50, %swap3A_51] : memref<8x1024xf32, #tpu.memory_space<vmem>>, vector<1x128xf32>
    tpu.vector_store %arg4[%swap3A_50, %swap3A_51], %add3A_49 {strides = array<i32>} : memref<8x1024xf32, #tpu.memory_space<vmem>>, vector<1x128xf32>,
    %get3A_53 = arith.constant 0 : index
    %get3A_54 = arith.constant 256 : index
    %get3A_55 = vector.load %arg3[%get3A_53, %get3A_54] : memref<128x1024xf32, #tpu.memory_space<vmem>>, vector<128x128xf32>
    %convert_element_type3A_56 = arith.truncf %get3A_55 : vector<128x128xf32> to vector<128x128xbf16>
    %dot_general3A_57 = arith.constant dense<0.000000e+00> : vector<512x128xf32>
    %dot_general3A_58 = tpu.matmul %convert_element_type3A, %convert_element_type3A_56, %dot_general3A_57 {dimension_numbers = #tpu.dot_dimension_numbers<[1], [0], [0], [1], [0, 0, 1, 1], [], []>, transpose_lhs_hint = false} : vector<512x128xbf16>, vector<128x128xbf16>, vector<512x128xf32> -> vector<512x128xf32>
    %get3A_59 = arith.constant 0 : index
    %get3A_60 = arith.constant 256 : index
    %get3A_61 = vector.load %arg4[%get3A_59, %get3A_60] : memref<8x1024xf32, #tpu.memory_space<vmem>>, vector<1x128xf32>
    %reduce_sum3A_62 = arith.constant dense<0.000000e+00> : vector<128xf32>
    %reduce_sum3A_63 = vector.multi_reduction <add>, %dot_general3A_58, %reduce_sum3A_62 [0] : vector<512x128xf32> to vector<128xf32>
    %broadcast_in_dim3A_64 = vector.shape_cast %reduce_sum3A_63 : vector<128xf32> to vector<1x128xf32>
    %add3A_65 = arith.addf %get3A_61, %broadcast_in_dim3A_64 : vector<1x128xf32>
    %swap3A_66 = arith.constant 0 : index
    %swap3A_67 = arith.constant 256 : index
    %swap3A_68 = vector.load %arg4[%swap3A_66, %swap3A_67] : memref<8x1024xf32, #tpu.memory_space<vmem>>, vector<1x128xf32>
    tpu.vector_store %arg4[%swap3A_66, %swap3A_67], %add3A_65 {strides = array<i32>} : memref<8x1024xf32, #tpu.memory_space<vmem>>, vector<1x128xf32>,
    %get3A_69 = arith.constant 1 : index
    %get3A_70 = arith.constant 256 : index
    %get3A_71 = vector.load %arg4[%get3A_69, %get3A_70] : memref<8x1024xf32, #tpu.memory_space<vmem>>, vector<1x128xf32>
    %mul3A_72 = arith.mulf %dot_general3A_58, %dot_general3A_58 : vector<512x128xf32>
    %reduce_sum3A_73 = arith.constant dense<0.000000e+00> : vector<128xf32>
    %reduce_sum3A_74 = vector.multi_reduction <add>, %mul3A_72, %reduce_sum3A_73 [0] : vector<512x128xf32> to vector<128xf32>
    %broadcast_in_dim3A_75 = vector.shape_cast %reduce_sum3A_74 : vector<128xf32> to vector<1x128xf32>
    %add3A_76 = arith.addf %get3A_71, %broadcast_in_dim3A_75 : vector<1x128xf32>
    %swap3A_77 = arith.constant 1 : index
    %swap3A_78 = arith.constant 256 : index
    %swap3A_79 = vector.load %arg4[%swap3A_77, %swap3A_78] : memref<8x1024xf32, #tpu.memory_space<vmem>>, vector<1x128xf32>
    tpu.vector_store %arg4[%swap3A_77, %swap3A_78], %add3A_76 {strides = array<i32>} : memref<8x1024xf32, #tpu.memory_space<vmem>>, vector<1x128xf32>,
    %get3A_80 = arith.constant 0 : index
    %get3A_81 = arith.constant 384 : index
    %get3A_82 = vector.load %arg3[%get3A_80, %get3A_81] : memref<128x1024xf32, #tpu.memory_space<vmem>>, vector<128x128xf32>
    %convert_element_type3A_83 = arith.truncf %get3A_82 : vector<128x128xf32> to vector<128x128xbf16>
    %dot_general3A_84 = arith.constant dense<0.000000e+00> : vector<512x128xf32>
    %dot_general3A_85 = tpu.matmul %convert_element_type3A, %convert_element_type3A_83, %dot_general3A_84 {dimension_numbers = #tpu.dot_dimension_numbers<[1], [0], [0], [1], [0, 0, 1, 1], [], []>, transpose_lhs_hint = false} : vector<512x128xbf16>, vector<128x128xbf16>, vector<512x128xf32> -> vector<512x128xf32>
    %get3A_86 = arith.constant 0 : index
    %get3A_87 = arith.constant 384 : index
    %get3A_88 = vector.load %arg4[%get3A_86, %get3A_87] : memref<8x1024xf32, #tpu.memory_space<vmem>>, vector<1x128xf32>
    %reduce_sum3A_89 = arith.constant dense<0.000000e+00> : vector<128xf32>
    %reduce_sum3A_90 = vector.multi_reduction <add>, %dot_general3A_85, %reduce_sum3A_89 [0] : vector<512x128xf32> to vector<128xf32>
    %broadcast_in_dim3A_91 = vector.shape_cast %reduce_sum3A_90 : vector<128xf32> to vector<1x128xf32>
    %add3A_92 = arith.addf %get3A_88, %broadcast_in_dim3A_91 : vector<1x128xf32>
    %swap3A_93 = arith.constant 0 : index
    %swap3A_94 = arith.constant 384 : index
    %swap3A_95 = vector.load %arg4[%swap3A_93, %swap3A_94] : memref<8x1024xf32, #tpu.memory_space<vmem>>, vector<1x128xf32>
    tpu.vector_store %arg4[%swap3A_93, %swap3A_94], %add3A_92 {strides = array<i32>} : memref<8x1024xf32, #tpu.memory_space<vmem>>, vector<1x128xf32>,
    %get3A_96 = arith.constant 1 : index
    %get3A_97 = arith.constant 384 : index
    %get3A_98 = vector.load %arg4[%get3A_96, %get3A_97] : memref<8x1024xf32, #tpu.memory_space<vmem>>, vector<1x128xf32>
    %mul3A_99 = arith.mulf %dot_general3A_85, %dot_general3A_85 : vector<512x128xf32>
    %reduce_sum3A_100 = arith.constant dense<0.000000e+00> : vector<128xf32>
    %reduce_sum3A_101 = vector.multi_reduction <add>, %mul3A_99, %reduce_sum3A_100 [0] : vector<512x128xf32> to vector<128xf32>
    %broadcast_in_dim3A_102 = vector.shape_cast %reduce_sum3A_101 : vector<128xf32> to vector<1x128xf32>
    %add3A_103 = arith.addf %get3A_98, %broadcast_in_dim3A_102 : vector<1x128xf32>
    %swap3A_104 = arith.constant 1 : index
    %swap3A_105 = arith.constant 384 : index
    %swap3A_106 = vector.load %arg4[%swap3A_104, %swap3A_105] : memref<8x1024xf32, #tpu.memory_space<vmem>>, vector<1x128xf32>
    tpu.vector_store %arg4[%swap3A_104, %swap3A_105], %add3A_103 {strides = array<i32>} : memref<8x1024xf32, #tpu.memory_space<vmem>>, vector<1x128xf32>,
    %get3A_107 = arith.constant 0 : index
    %get3A_108 = arith.constant 512 : index
    %get3A_109 = vector.load %arg3[%get3A_107, %get3A_108] : memref<128x1024xf32, #tpu.memory_space<vmem>>, vector<128x128xf32>
    %convert_element_type3A_110 = arith.truncf %get3A_109 : vector<128x128xf32> to vector<128x128xbf16>
    %dot_general3A_111 = arith.constant dense<0.000000e+00> : vector<512x128xf32>
    %dot_general3A_112 = tpu.matmul %convert_element_type3A, %convert_element_type3A_110, %dot_general3A_111 {dimension_numbers = #tpu.dot_dimension_numbers<[1], [0], [0], [1], [0, 0, 1, 1], [], []>, transpose_lhs_hint = false} : vector<512x128xbf16>, vector<128x128xbf16>, vector<512x128xf32> -> vector<512x128xf32>
    %get3A_113 = arith.constant 0 : index
    %get3A_114 = arith.constant 512 : index
    %get3A_115 = vector.load %arg4[%get3A_113, %get3A_114] : memref<8x1024xf32, #tpu.memory_space<vmem>>, vector<1x128xf32>
    %reduce_sum3A_116 = arith.constant dense<0.000000e+00> : vector<128xf32>
    %reduce_sum3A_117 = vector.multi_reduction <add>, %dot_general3A_112, %reduce_sum3A_116 [0] : vector<512x128xf32> to vector<128xf32>
    %broadcast_in_dim3A_118 = vector.shape_cast %reduce_sum3A_117 : vector<128xf32> to vector<1x128xf32>
    %add3A_119 = arith.addf %get3A_115, %broadcast_in_dim3A_118 : vector<1x128xf32>
    %swap3A_120 = arith.constant 0 : index
    %swap3A_121 = arith.constant 512 : index
    %swap3A_122 = vector.load %arg4[%swap3A_120, %swap3A_121] : memref<8x1024xf32, #tpu.memory_space<vmem>>, vector<1x128xf32>
    tpu.vector_store %arg4[%swap3A_120, %swap3A_121], %add3A_119 {strides = array<i32>} : memref<8x1024xf32, #tpu.memory_space<vmem>>, vector<1x128xf32>,
    %get3A_123 = arith.constant 1 : index
    %get3A_124 = arith.constant 512 : index
    %get3A_125 = vector.load %arg4[%get3A_123, %get3A_124] : memref<8x1024xf32, #tpu.memory_space<vmem>>, vector<1x128xf32>
    %mul3A_126 = arith.mulf %dot_general3A_112, %dot_general3A_112 : vector<512x128xf32>
    %reduce_sum3A_127 = arith.constant dense<0.000000e+00> : vector<128xf32>
    %reduce_sum3A_128 = vector.multi_reduction <add>, %mul3A_126, %reduce_sum3A_127 [0] : vector<512x128xf32> to vector<128xf32>
    %broadcast_in_dim3A_129 = vector.shape_cast %reduce_sum3A_128 : vector<128xf32> to vector<1x128xf32>
    %add3A_130 = arith.addf %get3A_125, %broadcast_in_dim3A_129 : vector<1x128xf32>
    %swap3A_131 = arith.constant 1 : index
    %swap3A_132 = arith.constant 512 : index
    %swap3A_133 = vector.load %arg4[%swap3A_131, %swap3A_132] : memref<8x1024xf32, #tpu.memory_space<vmem>>, vector<1x128xf32>
    tpu.vector_store %arg4[%swap3A_131, %swap3A_132], %add3A_130 {strides = array<i32>} : memref<8x1024xf32, #tpu.memory_space<vmem>>, vector<1x128xf32>,
    %get3A_134 = arith.constant 0 : index
    %get3A_135 = arith.constant 640 : index
    %get3A_136 = vector.load %arg3[%get3A_134, %get3A_135] : memref<128x1024xf32, #tpu.memory_space<vmem>>, vector<128x128xf32>
    %convert_element_type3A_137 = arith.truncf %get3A_136 : vector<128x128xf32> to vector<128x128xbf16>
    %dot_general3A_138 = arith.constant dense<0.000000e+00> : vector<512x128xf32>
    %dot_general3A_139 = tpu.matmul %convert_element_type3A, %convert_element_type3A_137, %dot_general3A_138 {dimension_numbers = #tpu.dot_dimension_numbers<[1], [0], [0], [1], [0, 0, 1, 1], [], []>, transpose_lhs_hint = false} : vector<512x128xbf16>, vector<128x128xbf16>, vector<512x128xf32> -> vector<512x128xf32>
    %get3A_140 = arith.constant 0 : index
    %get3A_141 = arith.constant 640 : index
    %get3A_142 = vector.load %arg4[%get3A_140, %get3A_141] : memref<8x1024xf32, #tpu.memory_space<vmem>>, vector<1x128xf32>
    %reduce_sum3A_143 = arith.constant dense<0.000000e+00> : vector<128xf32>
    %reduce_sum3A_144 = vector.multi_reduction <add>, %dot_general3A_139, %reduce_sum3A_143 [0] : vector<512x128xf32> to vector<128xf32>
    %broadcast_in_dim3A_145 = vector.shape_cast %reduce_sum3A_144 : vector<128xf32> to vector<1x128xf32>
    %add3A_146 = arith.addf %get3A_142, %broadcast_in_dim3A_145 : vector<1x128xf32>
    %swap3A_147 = arith.constant 0 : index
    %swap3A_148 = arith.constant 640 : index
    %swap3A_149 = vector.load %arg4[%swap3A_147, %swap3A_148] : memref<8x1024xf32, #tpu.memory_space<vmem>>, vector<1x128xf32>
    tpu.vector_store %arg4[%swap3A_147, %swap3A_148], %add3A_146 {strides = array<i32>} : memref<8x1024xf32, #tpu.memory_space<vmem>>, vector<1x128xf32>,
    %get3A_150 = arith.constant 1 : index
    %get3A_151 = arith.constant 640 : index
    %get3A_152 = vector.load %arg4[%get3A_150, %get3A_151] : memref<8x1024xf32, #tpu.memory_space<vmem>>, vector<1x128xf32>
    %mul3A_153 = arith.mulf %dot_general3A_139, %dot_general3A_139 : vector<512x128xf32>
    %reduce_sum3A_154 = arith.constant dense<0.000000e+00> : vector<128xf32>
    %reduce_sum3A_155 = vector.multi_reduction <add>, %mul3A_153, %reduce_sum3A_154 [0] : vector<512x128xf32> to vector<128xf32>
    %broadcast_in_dim3A_156 = vector.shape_cast %reduce_sum3A_155 : vector<128xf32> to vector<1x128xf32>
    %add3A_157 = arith.addf %get3A_152, %broadcast_in_dim3A_156 : vector<1x128xf32>
    %swap3A_158 = arith.constant 1 : index
    %swap3A_159 = arith.constant 640 : index
    %swap3A_160 = vector.load %arg4[%swap3A_158, %swap3A_159] : memref<8x1024xf32, #tpu.memory_space<vmem>>, vector<1x128xf32>
    tpu.vector_store %arg4[%swap3A_158, %swap3A_159], %add3A_157 {strides = array<i32>} : memref<8x1024xf32, #tpu.memory_space<vmem>>, vector<1x128xf32>,
    %get3A_161 = arith.constant 0 : index
    %get3A_162 = arith.constant 768 : index
    %get3A_163 = vector.load %arg3[%get3A_161, %get3A_162] : memref<128x1024xf32, #tpu.memory_space<vmem>>, vector<128x128xf32>
    %convert_element_type3A_164 = arith.truncf %get3A_163 : vector<128x128xf32> to vector<128x128xbf16>
    %dot_general3A_165 = arith.constant dense<0.000000e+00> : vector<512x128xf32>
    %dot_general3A_166 = tpu.matmul %convert_element_type3A, %convert_element_type3A_164, %dot_general3A_165 {dimension_numbers = #tpu.dot_dimension_numbers<[1], [0], [0], [1], [0, 0, 1, 1], [], []>, transpose_lhs_hint = false} : vector<512x128xbf16>, vector<128x128xbf16>, vector<512x128xf32> -> vector<512x128xf32>
    %get3A_167 = arith.constant 0 : index
    %get3A_168 = arith.constant 768 : index
    %get3A_169 = vector.load %arg4[%get3A_167, %get3A_168] : memref<8x1024xf32, #tpu.memory_space<vmem>>, vector<1x128xf32>
    %reduce_sum3A_170 = arith.constant dense<0.000000e+00> : vector<128xf32>
    %reduce_sum3A_171 = vector.multi_reduction <add>, %dot_general3A_166, %reduce_sum3A_170 [0] : vector<512x128xf32> to vector<128xf32>
    %broadcast_in_dim3A_172 = vector.shape_cast %reduce_sum3A_171 : vector<128xf32> to vector<1x128xf32>
    %add3A_173 = arith.addf %get3A_169, %broadcast_in_dim3A_172 : vector<1x128xf32>
    %swap3A_174 = arith.constant 0 : index
    %swap3A_175 = arith.constant 768 : index
    %swap3A_176 = vector.load %arg4[%swap3A_174, %swap3A_175] : memref<8x1024xf32, #tpu.memory_space<vmem>>, vector<1x128xf32>
    tpu.vector_store %arg4[%swap3A_174, %swap3A_175], %add3A_173 {strides = array<i32>} : memref<8x1024xf32, #tpu.memory_space<vmem>>, vector<1x128xf32>,
    %get3A_177 = arith.constant 1 : index
    %get3A_178 = arith.constant 768 : index
    %get3A_179 = vector.load %arg4[%get3A_177, %get3A_178] : memref<8x1024xf32, #tpu.memory_space<vmem>>, vector<1x128xf32>
    %mul3A_180 = arith.mulf %dot_general3A_166, %dot_general3A_166 : vector<512x128xf32>
    %reduce_sum3A_181 = arith.constant dense<0.000000e+00> : vector<128xf32>
    %reduce_sum3A_182 = vector.multi_reduction <add>, %mul3A_180, %reduce_sum3A_181 [0] : vector<512x128xf32> to vector<128xf32>
    %broadcast_in_dim3A_183 = vector.shape_cast %reduce_sum3A_182 : vector<128xf32> to vector<1x128xf32>
    %add3A_184 = arith.addf %get3A_179, %broadcast_in_dim3A_183 : vector<1x128xf32>
    %swap3A_185 = arith.constant 1 : index
    %swap3A_186 = arith.constant 768 : index
    %swap3A_187 = vector.load %arg4[%swap3A_185, %swap3A_186] : memref<8x1024xf32, #tpu.memory_space<vmem>>, vector<1x128xf32>
    tpu.vector_store %arg4[%swap3A_185, %swap3A_186], %add3A_184 {strides = array<i32>} : memref<8x1024xf32, #tpu.memory_space<vmem>>, vector<1x128xf32>,
    %get3A_188 = arith.constant 0 : index
    %get3A_189 = arith.constant 896 : index
    %get3A_190 = vector.load %arg3[%get3A_188, %get3A_189] : memref<128x1024xf32, #tpu.memory_space<vmem>>, vector<128x128xf32>
    %convert_element_type3A_191 = arith.truncf %get3A_190 : vector<128x128xf32> to vector<128x128xbf16>
    %dot_general3A_192 = arith.constant dense<0.000000e+00> : vector<512x128xf32>
    %dot_general3A_193 = tpu.matmul %convert_element_type3A, %convert_element_type3A_191, %dot_general3A_192 {dimension_numbers = #tpu.dot_dimension_numbers<[1], [0], [0], [1], [0, 0, 1, 1], [], []>, transpose_lhs_hint = false} : vector<512x128xbf16>, vector<128x128xbf16>, vector<512x128xf32> -> vector<512x128xf32>
    %get3A_194 = arith.constant 0 : index
    %get3A_195 = arith.constant 896 : index
    %get3A_196 = vector.load %arg4[%get3A_194, %get3A_195] : memref<8x1024xf32, #tpu.memory_space<vmem>>, vector<1x128xf32>
    %reduce_sum3A_197 = arith.constant dense<0.000000e+00> : vector<128xf32>
    %reduce_sum3A_198 = vector.multi_reduction <add>, %dot_general3A_193, %reduce_sum3A_197 [0] : vector<512x128xf32> to vector<128xf32>
    %broadcast_in_dim3A_199 = vector.shape_cast %reduce_sum3A_198 : vector<128xf32> to vector<1x128xf32>
    %add3A_200 = arith.addf %get3A_196, %broadcast_in_dim3A_199 : vector<1x128xf32>
    %swap3A_201 = arith.constant 0 : index
    %swap3A_202 = arith.constant 896 : index
    %swap3A_203 = vector.load %arg4[%swap3A_201, %swap3A_202] : memref<8x1024xf32, #tpu.memory_space<vmem>>, vector<1x128xf32>
    tpu.vector_store %arg4[%swap3A_201, %swap3A_202], %add3A_200 {strides = array<i32>} : memref<8x1024xf32, #tpu.memory_space<vmem>>, vector<1x128xf32>,
    %get3A_204 = arith.constant 1 : index
    %get3A_205 = arith.constant 896 : index
    %get3A_206 = vector.load %arg4[%get3A_204, %get3A_205] : memref<8x1024xf32, #tpu.memory_space<vmem>>, vector<1x128xf32>
    %mul3A_207 = arith.mulf %dot_general3A_193, %dot_general3A_193 : vector<512x128xf32>
    %reduce_sum3A_208 = arith.constant dense<0.000000e+00> : vector<128xf32>
    %reduce_sum3A_209 = vector.multi_reduction <add>, %mul3A_207, %reduce_sum3A_208 [0] : vector<512x128xf32> to vector<128xf32>
    %broadcast_in_dim3A_210 = vector.shape_cast %reduce_sum3A_209 : vector<128xf32> to vector<1x128xf32>
    %add3A_211 = arith.addf %get3A_206, %broadcast_in_dim3A_210 : vector<1x128xf32>
    %swap3A_212 = arith.constant 1 : index
    %swap3A_213 = arith.constant 896 : index
    %swap3A_214 = vector.load %arg4[%swap3A_212, %swap3A_213] : memref<8x1024xf32, #tpu.memory_space<vmem>>, vector<1x128xf32>
    tpu.vector_store %arg4[%swap3A_212, %swap3A_213], %add3A_211 {strides = array<i32>} : memref<8x1024xf32, #tpu.memory_space<vmem>>, vector<1x128xf32>,
    return
  }
  func.func @transform_0(%arg0: i32, %arg1: i32) -> (i32, i32) {
    %c0_i32 = arith.constant 0 : i32
    %c0_i32_0 = arith.constant 0 : i32
    return %arg1, %c0_i32 : i32, i32
  }
  func.func @transform_1(%arg0: i32, %arg1: i32) -> (i32, i32) {
    %c0_i32 = arith.constant 0 : i32
    %c0_i32_0 = arith.constant 0 : i32
    return %c0_i32, %arg0 : i32, i32
  }
  func.func @transform_2(%arg0: i32, %arg1: i32) -> (i32, i32) {
    %c0_i32 = arith.constant 0 : i32
    %c0_i32_0 = arith.constant 0 : i32
    return %c0_i32, %arg0 : i32, i32
  }
}

module attributes {stable_mosaic.version = 14 : i64} {
  func.func @_scatter_body(%arg0: i32, %arg1: i32, %arg2: memref<1x1x2048xi32, #tpu.memory_space<vmem>>, %arg3: memref<2048x128xf32, #tpu.memory_space<vmem>>, %arg4: memref<512x128xf32, #tpu.memory_space<vmem>>) attributes {dimension_semantics = [#tpu.dimension_semantics<arbitrary>, #tpu.dimension_semantics<arbitrary>], iteration_bounds = array<i64: 20, 5>, scalar_prefetch = 0 : i64, scratch_operands = 0 : i64, tpu.core_type = #tpu.core_type<tc>, window_params = [{transform_indices = @transform_0, window_bounds = array<i64: 1, 1, 2048>}, {transform_indices = @transform_1, window_bounds = array<i64: 2048, 128>}, {transform_indices = @transform_2, window_bounds = array<i64: 512, 128>}]} {
    %get3A = arith.constant 0 : index
    %get3A_0 = arith.constant 0 : index
    %get3A_1 = arith.constant 0 : index
    %get3A_2 = vector.load %arg2[%get3A, %get3A_0, %get3A_1] : memref<1x1x2048xi32, #tpu.memory_space<vmem>>, vector<1x1x2048xi32>
    %get3A_3 = vector.shape_cast %get3A_2 : vector<1x1x2048xi32> to vector<2048xi32>
    %iota3A = tpu.iota {dimensions = array<i32: 0>} : vector<512x2048xi32>
    %mul3A = arith.constant 512 : i32
    %mul3A_4 = arith.muli %arg0, %mul3A : i32
    %add3A = vector.broadcast %mul3A_4 : i32 to vector<512x2048xi32>
    %add3A_5 = arith.addi %iota3A, %add3A : vector<512x2048xi32>
    %broadcast_in_dim3A = vector.shape_cast %get3A_3 : vector<2048xi32> to vector<1x2048xi32>
    %eq3A = vector.broadcast %broadcast_in_dim3A : vector<1x2048xi32> to vector<512x2048xi32>
    %eq3A_6 = arith.cmpi eq, %add3A_5, %eq3A : vector<512x2048xi32>
    %eq3A_7 = arith.constant 0 : i32
    %eq3A_8 = arith.cmpi eq, %arg1, %eq3A_7 : i32
    %convert_element_type3A = arith.extui %eq3A_8 : i1 to i32
    %cond3A = arith.constant 0 : i32
    %cond3A_9 = arith.cmpi ne, %convert_element_type3A, %cond3A : i32
    scf.if %cond3A_9 {
      %broadcast_in_dim3A_29 = arith.constant 0.000000e+00 : f32
      %broadcast_in_dim3A_30 = vector.broadcast %broadcast_in_dim3A_29 : f32 to vector<512x128xf32>
      %swap3A_31 = arith.constant 0 : index
      %swap3A_32 = arith.constant 0 : index
      %swap3A_33 = vector.load %arg4[%swap3A_31, %swap3A_32] : memref<512x128xf32, #tpu.memory_space<vmem>>, vector<512x128xf32>
      tpu.vector_store %arg4[%swap3A_31, %swap3A_32], %broadcast_in_dim3A_30 {strides = array<i32>} : memref<512x128xf32, #tpu.memory_space<vmem>>, vector<512x128xf32>,
    } else {
    }
    %get3A_10 = arith.constant 0 : index
    %get3A_11 = arith.constant 0 : index
    %get3A_12 = vector.load %arg3[%get3A_10, %get3A_11] : memref<2048x128xf32, #tpu.memory_space<vmem>>, vector<2048x128xf32>
    %convert_element_type3A_13 = arith.truncf %get3A_12 : vector<2048x128xf32> to vector<2048x128xbf16>
    %convert_element_type3A_14 = arith.extf %convert_element_type3A_13 : vector<2048x128xbf16> to vector<2048x128xf32>
    %sub3A = arith.subf %get3A_12, %convert_element_type3A_14 : vector<2048x128xf32>
    %convert_element_type3A_15 = arith.truncf %sub3A : vector<2048x128xf32> to vector<2048x128xbf16>
    %convert_element_type3A_16 = arith.extui %eq3A_6 : vector<512x2048xi1> to vector<512x2048xi32>
    %convert_element_type3A_17 = arith.sitofp %convert_element_type3A_16 : vector<512x2048xi32> to vector<512x2048xf32>
    %convert_element_type3A_18 = arith.truncf %convert_element_type3A_17 : vector<512x2048xf32> to vector<512x2048xbf16>
    %get3A_19 = arith.constant 0 : index
    %get3A_20 = arith.constant 0 : index
    %get3A_21 = vector.load %arg4[%get3A_19, %get3A_20] : memref<512x128xf32, #tpu.memory_space<vmem>>, vector<512x128xf32>
    %dot_general3A = arith.constant dense<0.000000e+00> : vector<512x128xf32>
    %dot_general3A_22 = tpu.matmul %convert_element_type3A_18, %convert_element_type3A_13, %dot_general3A {dimension_numbers = #tpu.dot_dimension_numbers<[1], [0], [0], [1], [0, 0, 1, 1], [], []>, transpose_lhs_hint = false} : vector<512x2048xbf16>, vector<2048x128xbf16>, vector<512x128xf32> -> vector<512x128xf32>
    %add3A_23 = arith.addf %get3A_21, %dot_general3A_22 : vector<512x128xf32>
    %dot_general3A_24 = arith.constant dense<0.000000e+00> : vector<512x128xf32>
    %dot_general3A_25 = tpu.matmul %convert_element_type3A_18, %convert_element_type3A_15, %dot_general3A_24 {dimension_numbers = #tpu.dot_dimension_numbers<[1], [0], [0], [1], [0, 0, 1, 1], [], []>, transpose_lhs_hint = false} : vector<512x2048xbf16>, vector<2048x128xbf16>, vector<512x128xf32> -> vector<512x128xf32>
    %add3A_26 = arith.addf %add3A_23, %dot_general3A_25 : vector<512x128xf32>
    %swap3A = arith.constant 0 : index
    %swap3A_27 = arith.constant 0 : index
    %swap3A_28 = vector.load %arg4[%swap3A, %swap3A_27] : memref<512x128xf32, #tpu.memory_space<vmem>>, vector<512x128xf32>
    tpu.vector_store %arg4[%swap3A, %swap3A_27], %add3A_26 {strides = array<i32>} : memref<512x128xf32, #tpu.memory_space<vmem>>, vector<512x128xf32>,
    return
  }
  func.func @transform_0(%arg0: i32, %arg1: i32) -> (i32, i32, i32) {
    %c0_i32 = arith.constant 0 : i32
    %c0_i32_0 = arith.constant 0 : i32
    %c0_i32_1 = arith.constant 0 : i32
    return %arg1, %c0_i32, %c0_i32_0 : i32, i32, i32
  }
  func.func @transform_1(%arg0: i32, %arg1: i32) -> (i32, i32) {
    %c0_i32 = arith.constant 0 : i32
    %c0_i32_0 = arith.constant 0 : i32
    return %arg1, %c0_i32 : i32, i32
  }
  func.func @transform_2(%arg0: i32, %arg1: i32) -> (i32, i32) {
    %c0_i32 = arith.constant 0 : i32
    %c0_i32_0 = arith.constant 0 : i32
    return %arg0, %c0_i32 : i32, i32
  }
}

module attributes {stable_mosaic.version = 14 : i64} {
  func.func @_wemat_body(%arg0: i32, %arg1: i32, %arg2: memref<512x128xf32, #tpu.memory_space<vmem>>, %arg3: memref<128x1024xf32, #tpu.memory_space<vmem>>, %arg4: memref<1x1024xf32, #tpu.memory_space<vmem>>, %arg5: memref<1x1024xf32, #tpu.memory_space<vmem>>, %arg6: memref<1x1024xf32, #tpu.memory_space<vmem>>, %arg7: memref<1x1024xf32, #tpu.memory_space<vmem>>, %arg8: memref<512x8x128xbf16, #tpu.memory_space<vmem>>) attributes {dimension_semantics = [#tpu.dimension_semantics<arbitrary>, #tpu.dimension_semantics<arbitrary>], iteration_bounds = array<i64: 16, 20>, scalar_prefetch = 0 : i64, scratch_operands = 0 : i64, tpu.core_type = #tpu.core_type<tc>, window_params = [{transform_indices = @transform_0, window_bounds = array<i64: 512, 128>}, {transform_indices = @transform_1, window_bounds = array<i64: 128, 1024>}, {transform_indices = @transform_2, window_bounds = array<i64: 1, 1024>}, {transform_indices = @transform_3, window_bounds = array<i64: 1, 1024>}, {transform_indices = @transform_4, window_bounds = array<i64: 1, 1024>}, {transform_indices = @transform_5, window_bounds = array<i64: 1, 1024>}, {transform_indices = @transform_6, window_bounds = array<i64: 512, 8, 128>}]} {
    %get3A = arith.constant 0 : index
    %get3A_0 = arith.constant 0 : index
    %get3A_1 = vector.load %arg2[%get3A, %get3A_0] : memref<512x128xf32, #tpu.memory_space<vmem>>, vector<512x128xf32>
    %convert_element_type3A = arith.truncf %get3A_1 : vector<512x128xf32> to vector<512x128xbf16>
    %get3A_2 = arith.constant 0 : index
    %get3A_3 = arith.constant 0 : index
    %get3A_4 = vector.load %arg3[%get3A_2, %get3A_3] : memref<128x1024xf32, #tpu.memory_space<vmem>>, vector<128x128xf32>
    %convert_element_type3A_5 = arith.truncf %get3A_4 : vector<128x128xf32> to vector<128x128xbf16>
    %dot_general3A = arith.constant dense<0.000000e+00> : vector<512x128xf32>
    %dot_general3A_6 = tpu.matmul %convert_element_type3A, %convert_element_type3A_5, %dot_general3A {dimension_numbers = #tpu.dot_dimension_numbers<[1], [0], [0], [1], [0, 0, 1, 1], [], []>, transpose_lhs_hint = false} : vector<512x128xbf16>, vector<128x128xbf16>, vector<512x128xf32> -> vector<512x128xf32>
    %get3A_7 = arith.constant 0 : index
    %get3A_8 = arith.constant 0 : index
    %get3A_9 = vector.load %arg4[%get3A_7, %get3A_8] : memref<1x1024xf32, #tpu.memory_space<vmem>>, vector<1x128xf32>
    %sub3A = vector.broadcast %get3A_9 : vector<1x128xf32> to vector<512x128xf32>
    %sub3A_10 = arith.subf %dot_general3A_6, %sub3A : vector<512x128xf32>
    %get3A_11 = arith.constant 0 : index
    %get3A_12 = arith.constant 0 : index
    %get3A_13 = vector.load %arg5[%get3A_11, %get3A_12] : memref<1x1024xf32, #tpu.memory_space<vmem>>, vector<1x128xf32>
    %div3A = vector.broadcast %get3A_13 : vector<1x128xf32> to vector<512x128xf32>
    %div3A_14 = arith.divf %sub3A_10, %div3A : vector<512x128xf32>
    %get3A_15 = arith.constant 0 : index
    %get3A_16 = arith.constant 0 : index
    %get3A_17 = vector.load %arg6[%get3A_15, %get3A_16] : memref<1x1024xf32, #tpu.memory_space<vmem>>, vector<1x128xf32>
    %mul3A = vector.broadcast %get3A_17 : vector<1x128xf32> to vector<512x128xf32>
    %mul3A_18 = arith.mulf %div3A_14, %mul3A : vector<512x128xf32>
    %get3A_19 = arith.constant 0 : index
    %get3A_20 = arith.constant 0 : index
    %get3A_21 = vector.load %arg7[%get3A_19, %get3A_20] : memref<1x1024xf32, #tpu.memory_space<vmem>>, vector<1x128xf32>
    %add3A = vector.broadcast %get3A_21 : vector<1x128xf32> to vector<512x128xf32>
    %add3A_22 = arith.addf %mul3A_18, %add3A : vector<512x128xf32>
    %convert_element_type3A_23 = arith.truncf %add3A_22 : vector<512x128xf32> to vector<512x128xbf16>
    %swap3A = arith.constant 0 : index
    %swap3A_24 = arith.constant 0 : index
    %swap3A_25 = arith.constant 0 : index
    %swap3A_26 = vector.load %arg8[%swap3A, %swap3A_24, %swap3A_25] : memref<512x8x128xbf16, #tpu.memory_space<vmem>>, vector<512x1x128xbf16>
    %swap3A_27 = vector.shape_cast %swap3A_26 : vector<512x1x128xbf16> to vector<512x128xbf16>
    %swap3A_28 = vector.shape_cast %convert_element_type3A_23 : vector<512x128xbf16> to vector<512x1x128xbf16>
    tpu.vector_store %arg8[%swap3A, %swap3A_24, %swap3A_25], %swap3A_28 {strides = array<i32>} : memref<512x8x128xbf16, #tpu.memory_space<vmem>>, vector<512x1x128xbf16>,
    %get3A_29 = arith.constant 0 : index
    %get3A_30 = arith.constant 128 : index
    %get3A_31 = vector.load %arg3[%get3A_29, %get3A_30] : memref<128x1024xf32, #tpu.memory_space<vmem>>, vector<128x128xf32>
    %convert_element_type3A_32 = arith.truncf %get3A_31 : vector<128x128xf32> to vector<128x128xbf16>
    %dot_general3A_33 = arith.constant dense<0.000000e+00> : vector<512x128xf32>
    %dot_general3A_34 = tpu.matmul %convert_element_type3A, %convert_element_type3A_32, %dot_general3A_33 {dimension_numbers = #tpu.dot_dimension_numbers<[1], [0], [0], [1], [0, 0, 1, 1], [], []>, transpose_lhs_hint = false} : vector<512x128xbf16>, vector<128x128xbf16>, vector<512x128xf32> -> vector<512x128xf32>
    %get3A_35 = arith.constant 0 : index
    %get3A_36 = arith.constant 128 : index
    %get3A_37 = vector.load %arg4[%get3A_35, %get3A_36] : memref<1x1024xf32, #tpu.memory_space<vmem>>, vector<1x128xf32>
    %sub3A_38 = vector.broadcast %get3A_37 : vector<1x128xf32> to vector<512x128xf32>
    %sub3A_39 = arith.subf %dot_general3A_34, %sub3A_38 : vector<512x128xf32>
    %get3A_40 = arith.constant 0 : index
    %get3A_41 = arith.constant 128 : index
    %get3A_42 = vector.load %arg5[%get3A_40, %get3A_41] : memref<1x1024xf32, #tpu.memory_space<vmem>>, vector<1x128xf32>
    %div3A_43 = vector.broadcast %get3A_42 : vector<1x128xf32> to vector<512x128xf32>
    %div3A_44 = arith.divf %sub3A_39, %div3A_43 : vector<512x128xf32>
    %get3A_45 = arith.constant 0 : index
    %get3A_46 = arith.constant 128 : index
    %get3A_47 = vector.load %arg6[%get3A_45, %get3A_46] : memref<1x1024xf32, #tpu.memory_space<vmem>>, vector<1x128xf32>
    %mul3A_48 = vector.broadcast %get3A_47 : vector<1x128xf32> to vector<512x128xf32>
    %mul3A_49 = arith.mulf %div3A_44, %mul3A_48 : vector<512x128xf32>
    %get3A_50 = arith.constant 0 : index
    %get3A_51 = arith.constant 128 : index
    %get3A_52 = vector.load %arg7[%get3A_50, %get3A_51] : memref<1x1024xf32, #tpu.memory_space<vmem>>, vector<1x128xf32>
    %add3A_53 = vector.broadcast %get3A_52 : vector<1x128xf32> to vector<512x128xf32>
    %add3A_54 = arith.addf %mul3A_49, %add3A_53 : vector<512x128xf32>
    %convert_element_type3A_55 = arith.truncf %add3A_54 : vector<512x128xf32> to vector<512x128xbf16>
    %swap3A_56 = arith.constant 0 : index
    %swap3A_57 = arith.constant 1 : index
    %swap3A_58 = arith.constant 0 : index
    %swap3A_59 = vector.load %arg8[%swap3A_56, %swap3A_57, %swap3A_58] : memref<512x8x128xbf16, #tpu.memory_space<vmem>>, vector<512x1x128xbf16>
    %swap3A_60 = vector.shape_cast %swap3A_59 : vector<512x1x128xbf16> to vector<512x128xbf16>
    %swap3A_61 = vector.shape_cast %convert_element_type3A_55 : vector<512x128xbf16> to vector<512x1x128xbf16>
    tpu.vector_store %arg8[%swap3A_56, %swap3A_57, %swap3A_58], %swap3A_61 {strides = array<i32>} : memref<512x8x128xbf16, #tpu.memory_space<vmem>>, vector<512x1x128xbf16>,
    %get3A_62 = arith.constant 0 : index
    %get3A_63 = arith.constant 256 : index
    %get3A_64 = vector.load %arg3[%get3A_62, %get3A_63] : memref<128x1024xf32, #tpu.memory_space<vmem>>, vector<128x128xf32>
    %convert_element_type3A_65 = arith.truncf %get3A_64 : vector<128x128xf32> to vector<128x128xbf16>
    %dot_general3A_66 = arith.constant dense<0.000000e+00> : vector<512x128xf32>
    %dot_general3A_67 = tpu.matmul %convert_element_type3A, %convert_element_type3A_65, %dot_general3A_66 {dimension_numbers = #tpu.dot_dimension_numbers<[1], [0], [0], [1], [0, 0, 1, 1], [], []>, transpose_lhs_hint = false} : vector<512x128xbf16>, vector<128x128xbf16>, vector<512x128xf32> -> vector<512x128xf32>
    %get3A_68 = arith.constant 0 : index
    %get3A_69 = arith.constant 256 : index
    %get3A_70 = vector.load %arg4[%get3A_68, %get3A_69] : memref<1x1024xf32, #tpu.memory_space<vmem>>, vector<1x128xf32>
    %sub3A_71 = vector.broadcast %get3A_70 : vector<1x128xf32> to vector<512x128xf32>
    %sub3A_72 = arith.subf %dot_general3A_67, %sub3A_71 : vector<512x128xf32>
    %get3A_73 = arith.constant 0 : index
    %get3A_74 = arith.constant 256 : index
    %get3A_75 = vector.load %arg5[%get3A_73, %get3A_74] : memref<1x1024xf32, #tpu.memory_space<vmem>>, vector<1x128xf32>
    %div3A_76 = vector.broadcast %get3A_75 : vector<1x128xf32> to vector<512x128xf32>
    %div3A_77 = arith.divf %sub3A_72, %div3A_76 : vector<512x128xf32>
    %get3A_78 = arith.constant 0 : index
    %get3A_79 = arith.constant 256 : index
    %get3A_80 = vector.load %arg6[%get3A_78, %get3A_79] : memref<1x1024xf32, #tpu.memory_space<vmem>>, vector<1x128xf32>
    %mul3A_81 = vector.broadcast %get3A_80 : vector<1x128xf32> to vector<512x128xf32>
    %mul3A_82 = arith.mulf %div3A_77, %mul3A_81 : vector<512x128xf32>
    %get3A_83 = arith.constant 0 : index
    %get3A_84 = arith.constant 256 : index
    %get3A_85 = vector.load %arg7[%get3A_83, %get3A_84] : memref<1x1024xf32, #tpu.memory_space<vmem>>, vector<1x128xf32>
    %add3A_86 = vector.broadcast %get3A_85 : vector<1x128xf32> to vector<512x128xf32>
    %add3A_87 = arith.addf %mul3A_82, %add3A_86 : vector<512x128xf32>
    %convert_element_type3A_88 = arith.truncf %add3A_87 : vector<512x128xf32> to vector<512x128xbf16>
    %swap3A_89 = arith.constant 0 : index
    %swap3A_90 = arith.constant 2 : index
    %swap3A_91 = arith.constant 0 : index
    %swap3A_92 = vector.load %arg8[%swap3A_89, %swap3A_90, %swap3A_91] : memref<512x8x128xbf16, #tpu.memory_space<vmem>>, vector<512x1x128xbf16>
    %swap3A_93 = vector.shape_cast %swap3A_92 : vector<512x1x128xbf16> to vector<512x128xbf16>
    %swap3A_94 = vector.shape_cast %convert_element_type3A_88 : vector<512x128xbf16> to vector<512x1x128xbf16>
    tpu.vector_store %arg8[%swap3A_89, %swap3A_90, %swap3A_91], %swap3A_94 {strides = array<i32>} : memref<512x8x128xbf16, #tpu.memory_space<vmem>>, vector<512x1x128xbf16>,
    %get3A_95 = arith.constant 0 : index
    %get3A_96 = arith.constant 384 : index
    %get3A_97 = vector.load %arg3[%get3A_95, %get3A_96] : memref<128x1024xf32, #tpu.memory_space<vmem>>, vector<128x128xf32>
    %convert_element_type3A_98 = arith.truncf %get3A_97 : vector<128x128xf32> to vector<128x128xbf16>
    %dot_general3A_99 = arith.constant dense<0.000000e+00> : vector<512x128xf32>
    %dot_general3A_100 = tpu.matmul %convert_element_type3A, %convert_element_type3A_98, %dot_general3A_99 {dimension_numbers = #tpu.dot_dimension_numbers<[1], [0], [0], [1], [0, 0, 1, 1], [], []>, transpose_lhs_hint = false} : vector<512x128xbf16>, vector<128x128xbf16>, vector<512x128xf32> -> vector<512x128xf32>
    %get3A_101 = arith.constant 0 : index
    %get3A_102 = arith.constant 384 : index
    %get3A_103 = vector.load %arg4[%get3A_101, %get3A_102] : memref<1x1024xf32, #tpu.memory_space<vmem>>, vector<1x128xf32>
    %sub3A_104 = vector.broadcast %get3A_103 : vector<1x128xf32> to vector<512x128xf32>
    %sub3A_105 = arith.subf %dot_general3A_100, %sub3A_104 : vector<512x128xf32>
    %get3A_106 = arith.constant 0 : index
    %get3A_107 = arith.constant 384 : index
    %get3A_108 = vector.load %arg5[%get3A_106, %get3A_107] : memref<1x1024xf32, #tpu.memory_space<vmem>>, vector<1x128xf32>
    %div3A_109 = vector.broadcast %get3A_108 : vector<1x128xf32> to vector<512x128xf32>
    %div3A_110 = arith.divf %sub3A_105, %div3A_109 : vector<512x128xf32>
    %get3A_111 = arith.constant 0 : index
    %get3A_112 = arith.constant 384 : index
    %get3A_113 = vector.load %arg6[%get3A_111, %get3A_112] : memref<1x1024xf32, #tpu.memory_space<vmem>>, vector<1x128xf32>
    %mul3A_114 = vector.broadcast %get3A_113 : vector<1x128xf32> to vector<512x128xf32>
    %mul3A_115 = arith.mulf %div3A_110, %mul3A_114 : vector<512x128xf32>
    %get3A_116 = arith.constant 0 : index
    %get3A_117 = arith.constant 384 : index
    %get3A_118 = vector.load %arg7[%get3A_116, %get3A_117] : memref<1x1024xf32, #tpu.memory_space<vmem>>, vector<1x128xf32>
    %add3A_119 = vector.broadcast %get3A_118 : vector<1x128xf32> to vector<512x128xf32>
    %add3A_120 = arith.addf %mul3A_115, %add3A_119 : vector<512x128xf32>
    %convert_element_type3A_121 = arith.truncf %add3A_120 : vector<512x128xf32> to vector<512x128xbf16>
    %swap3A_122 = arith.constant 0 : index
    %swap3A_123 = arith.constant 3 : index
    %swap3A_124 = arith.constant 0 : index
    %swap3A_125 = vector.load %arg8[%swap3A_122, %swap3A_123, %swap3A_124] : memref<512x8x128xbf16, #tpu.memory_space<vmem>>, vector<512x1x128xbf16>
    %swap3A_126 = vector.shape_cast %swap3A_125 : vector<512x1x128xbf16> to vector<512x128xbf16>
    %swap3A_127 = vector.shape_cast %convert_element_type3A_121 : vector<512x128xbf16> to vector<512x1x128xbf16>
    tpu.vector_store %arg8[%swap3A_122, %swap3A_123, %swap3A_124], %swap3A_127 {strides = array<i32>} : memref<512x8x128xbf16, #tpu.memory_space<vmem>>, vector<512x1x128xbf16>,
    %get3A_128 = arith.constant 0 : index
    %get3A_129 = arith.constant 512 : index
    %get3A_130 = vector.load %arg3[%get3A_128, %get3A_129] : memref<128x1024xf32, #tpu.memory_space<vmem>>, vector<128x128xf32>
    %convert_element_type3A_131 = arith.truncf %get3A_130 : vector<128x128xf32> to vector<128x128xbf16>
    %dot_general3A_132 = arith.constant dense<0.000000e+00> : vector<512x128xf32>
    %dot_general3A_133 = tpu.matmul %convert_element_type3A, %convert_element_type3A_131, %dot_general3A_132 {dimension_numbers = #tpu.dot_dimension_numbers<[1], [0], [0], [1], [0, 0, 1, 1], [], []>, transpose_lhs_hint = false} : vector<512x128xbf16>, vector<128x128xbf16>, vector<512x128xf32> -> vector<512x128xf32>
    %get3A_134 = arith.constant 0 : index
    %get3A_135 = arith.constant 512 : index
    %get3A_136 = vector.load %arg4[%get3A_134, %get3A_135] : memref<1x1024xf32, #tpu.memory_space<vmem>>, vector<1x128xf32>
    %sub3A_137 = vector.broadcast %get3A_136 : vector<1x128xf32> to vector<512x128xf32>
    %sub3A_138 = arith.subf %dot_general3A_133, %sub3A_137 : vector<512x128xf32>
    %get3A_139 = arith.constant 0 : index
    %get3A_140 = arith.constant 512 : index
    %get3A_141 = vector.load %arg5[%get3A_139, %get3A_140] : memref<1x1024xf32, #tpu.memory_space<vmem>>, vector<1x128xf32>
    %div3A_142 = vector.broadcast %get3A_141 : vector<1x128xf32> to vector<512x128xf32>
    %div3A_143 = arith.divf %sub3A_138, %div3A_142 : vector<512x128xf32>
    %get3A_144 = arith.constant 0 : index
    %get3A_145 = arith.constant 512 : index
    %get3A_146 = vector.load %arg6[%get3A_144, %get3A_145] : memref<1x1024xf32, #tpu.memory_space<vmem>>, vector<1x128xf32>
    %mul3A_147 = vector.broadcast %get3A_146 : vector<1x128xf32> to vector<512x128xf32>
    %mul3A_148 = arith.mulf %div3A_143, %mul3A_147 : vector<512x128xf32>
    %get3A_149 = arith.constant 0 : index
    %get3A_150 = arith.constant 512 : index
    %get3A_151 = vector.load %arg7[%get3A_149, %get3A_150] : memref<1x1024xf32, #tpu.memory_space<vmem>>, vector<1x128xf32>
    %add3A_152 = vector.broadcast %get3A_151 : vector<1x128xf32> to vector<512x128xf32>
    %add3A_153 = arith.addf %mul3A_148, %add3A_152 : vector<512x128xf32>
    %convert_element_type3A_154 = arith.truncf %add3A_153 : vector<512x128xf32> to vector<512x128xbf16>
    %swap3A_155 = arith.constant 0 : index
    %swap3A_156 = arith.constant 4 : index
    %swap3A_157 = arith.constant 0 : index
    %swap3A_158 = vector.load %arg8[%swap3A_155, %swap3A_156, %swap3A_157] : memref<512x8x128xbf16, #tpu.memory_space<vmem>>, vector<512x1x128xbf16>
    %swap3A_159 = vector.shape_cast %swap3A_158 : vector<512x1x128xbf16> to vector<512x128xbf16>
    %swap3A_160 = vector.shape_cast %convert_element_type3A_154 : vector<512x128xbf16> to vector<512x1x128xbf16>
    tpu.vector_store %arg8[%swap3A_155, %swap3A_156, %swap3A_157], %swap3A_160 {strides = array<i32>} : memref<512x8x128xbf16, #tpu.memory_space<vmem>>, vector<512x1x128xbf16>,
    %get3A_161 = arith.constant 0 : index
    %get3A_162 = arith.constant 640 : index
    %get3A_163 = vector.load %arg3[%get3A_161, %get3A_162] : memref<128x1024xf32, #tpu.memory_space<vmem>>, vector<128x128xf32>
    %convert_element_type3A_164 = arith.truncf %get3A_163 : vector<128x128xf32> to vector<128x128xbf16>
    %dot_general3A_165 = arith.constant dense<0.000000e+00> : vector<512x128xf32>
    %dot_general3A_166 = tpu.matmul %convert_element_type3A, %convert_element_type3A_164, %dot_general3A_165 {dimension_numbers = #tpu.dot_dimension_numbers<[1], [0], [0], [1], [0, 0, 1, 1], [], []>, transpose_lhs_hint = false} : vector<512x128xbf16>, vector<128x128xbf16>, vector<512x128xf32> -> vector<512x128xf32>
    %get3A_167 = arith.constant 0 : index
    %get3A_168 = arith.constant 640 : index
    %get3A_169 = vector.load %arg4[%get3A_167, %get3A_168] : memref<1x1024xf32, #tpu.memory_space<vmem>>, vector<1x128xf32>
    %sub3A_170 = vector.broadcast %get3A_169 : vector<1x128xf32> to vector<512x128xf32>
    %sub3A_171 = arith.subf %dot_general3A_166, %sub3A_170 : vector<512x128xf32>
    %get3A_172 = arith.constant 0 : index
    %get3A_173 = arith.constant 640 : index
    %get3A_174 = vector.load %arg5[%get3A_172, %get3A_173] : memref<1x1024xf32, #tpu.memory_space<vmem>>, vector<1x128xf32>
    %div3A_175 = vector.broadcast %get3A_174 : vector<1x128xf32> to vector<512x128xf32>
    %div3A_176 = arith.divf %sub3A_171, %div3A_175 : vector<512x128xf32>
    %get3A_177 = arith.constant 0 : index
    %get3A_178 = arith.constant 640 : index
    %get3A_179 = vector.load %arg6[%get3A_177, %get3A_178] : memref<1x1024xf32, #tpu.memory_space<vmem>>, vector<1x128xf32>
    %mul3A_180 = vector.broadcast %get3A_179 : vector<1x128xf32> to vector<512x128xf32>
    %mul3A_181 = arith.mulf %div3A_176, %mul3A_180 : vector<512x128xf32>
    %get3A_182 = arith.constant 0 : index
    %get3A_183 = arith.constant 640 : index
    %get3A_184 = vector.load %arg7[%get3A_182, %get3A_183] : memref<1x1024xf32, #tpu.memory_space<vmem>>, vector<1x128xf32>
    %add3A_185 = vector.broadcast %get3A_184 : vector<1x128xf32> to vector<512x128xf32>
    %add3A_186 = arith.addf %mul3A_181, %add3A_185 : vector<512x128xf32>
    %convert_element_type3A_187 = arith.truncf %add3A_186 : vector<512x128xf32> to vector<512x128xbf16>
    %swap3A_188 = arith.constant 0 : index
    %swap3A_189 = arith.constant 5 : index
    %swap3A_190 = arith.constant 0 : index
    %swap3A_191 = vector.load %arg8[%swap3A_188, %swap3A_189, %swap3A_190] : memref<512x8x128xbf16, #tpu.memory_space<vmem>>, vector<512x1x128xbf16>
    %swap3A_192 = vector.shape_cast %swap3A_191 : vector<512x1x128xbf16> to vector<512x128xbf16>
    %swap3A_193 = vector.shape_cast %convert_element_type3A_187 : vector<512x128xbf16> to vector<512x1x128xbf16>
    tpu.vector_store %arg8[%swap3A_188, %swap3A_189, %swap3A_190], %swap3A_193 {strides = array<i32>} : memref<512x8x128xbf16, #tpu.memory_space<vmem>>, vector<512x1x128xbf16>,
    %get3A_194 = arith.constant 0 : index
    %get3A_195 = arith.constant 768 : index
    %get3A_196 = vector.load %arg3[%get3A_194, %get3A_195] : memref<128x1024xf32, #tpu.memory_space<vmem>>, vector<128x128xf32>
    %convert_element_type3A_197 = arith.truncf %get3A_196 : vector<128x128xf32> to vector<128x128xbf16>
    %dot_general3A_198 = arith.constant dense<0.000000e+00> : vector<512x128xf32>
    %dot_general3A_199 = tpu.matmul %convert_element_type3A, %convert_element_type3A_197, %dot_general3A_198 {dimension_numbers = #tpu.dot_dimension_numbers<[1], [0], [0], [1], [0, 0, 1, 1], [], []>, transpose_lhs_hint = false} : vector<512x128xbf16>, vector<128x128xbf16>, vector<512x128xf32> -> vector<512x128xf32>
    %get3A_200 = arith.constant 0 : index
    %get3A_201 = arith.constant 768 : index
    %get3A_202 = vector.load %arg4[%get3A_200, %get3A_201] : memref<1x1024xf32, #tpu.memory_space<vmem>>, vector<1x128xf32>
    %sub3A_203 = vector.broadcast %get3A_202 : vector<1x128xf32> to vector<512x128xf32>
    %sub3A_204 = arith.subf %dot_general3A_199, %sub3A_203 : vector<512x128xf32>
    %get3A_205 = arith.constant 0 : index
    %get3A_206 = arith.constant 768 : index
    %get3A_207 = vector.load %arg5[%get3A_205, %get3A_206] : memref<1x1024xf32, #tpu.memory_space<vmem>>, vector<1x128xf32>
    %div3A_208 = vector.broadcast %get3A_207 : vector<1x128xf32> to vector<512x128xf32>
    %div3A_209 = arith.divf %sub3A_204, %div3A_208 : vector<512x128xf32>
    %get3A_210 = arith.constant 0 : index
    %get3A_211 = arith.constant 768 : index
    %get3A_212 = vector.load %arg6[%get3A_210, %get3A_211] : memref<1x1024xf32, #tpu.memory_space<vmem>>, vector<1x128xf32>
    %mul3A_213 = vector.broadcast %get3A_212 : vector<1x128xf32> to vector<512x128xf32>
    %mul3A_214 = arith.mulf %div3A_209, %mul3A_213 : vector<512x128xf32>
    %get3A_215 = arith.constant 0 : index
    %get3A_216 = arith.constant 768 : index
    %get3A_217 = vector.load %arg7[%get3A_215, %get3A_216] : memref<1x1024xf32, #tpu.memory_space<vmem>>, vector<1x128xf32>
    %add3A_218 = vector.broadcast %get3A_217 : vector<1x128xf32> to vector<512x128xf32>
    %add3A_219 = arith.addf %mul3A_214, %add3A_218 : vector<512x128xf32>
    %convert_element_type3A_220 = arith.truncf %add3A_219 : vector<512x128xf32> to vector<512x128xbf16>
    %swap3A_221 = arith.constant 0 : index
    %swap3A_222 = arith.constant 6 : index
    %swap3A_223 = arith.constant 0 : index
    %swap3A_224 = vector.load %arg8[%swap3A_221, %swap3A_222, %swap3A_223] : memref<512x8x128xbf16, #tpu.memory_space<vmem>>, vector<512x1x128xbf16>
    %swap3A_225 = vector.shape_cast %swap3A_224 : vector<512x1x128xbf16> to vector<512x128xbf16>
    %swap3A_226 = vector.shape_cast %convert_element_type3A_220 : vector<512x128xbf16> to vector<512x1x128xbf16>
    tpu.vector_store %arg8[%swap3A_221, %swap3A_222, %swap3A_223], %swap3A_226 {strides = array<i32>} : memref<512x8x128xbf16, #tpu.memory_space<vmem>>, vector<512x1x128xbf16>,
    %get3A_227 = arith.constant 0 : index
    %get3A_228 = arith.constant 896 : index
    %get3A_229 = vector.load %arg3[%get3A_227, %get3A_228] : memref<128x1024xf32, #tpu.memory_space<vmem>>, vector<128x128xf32>
    %convert_element_type3A_230 = arith.truncf %get3A_229 : vector<128x128xf32> to vector<128x128xbf16>
    %dot_general3A_231 = arith.constant dense<0.000000e+00> : vector<512x128xf32>
    %dot_general3A_232 = tpu.matmul %convert_element_type3A, %convert_element_type3A_230, %dot_general3A_231 {dimension_numbers = #tpu.dot_dimension_numbers<[1], [0], [0], [1], [0, 0, 1, 1], [], []>, transpose_lhs_hint = false} : vector<512x128xbf16>, vector<128x128xbf16>, vector<512x128xf32> -> vector<512x128xf32>
    %get3A_233 = arith.constant 0 : index
    %get3A_234 = arith.constant 896 : index
    %get3A_235 = vector.load %arg4[%get3A_233, %get3A_234] : memref<1x1024xf32, #tpu.memory_space<vmem>>, vector<1x128xf32>
    %sub3A_236 = vector.broadcast %get3A_235 : vector<1x128xf32> to vector<512x128xf32>
    %sub3A_237 = arith.subf %dot_general3A_232, %sub3A_236 : vector<512x128xf32>
    %get3A_238 = arith.constant 0 : index
    %get3A_239 = arith.constant 896 : index
    %get3A_240 = vector.load %arg5[%get3A_238, %get3A_239] : memref<1x1024xf32, #tpu.memory_space<vmem>>, vector<1x128xf32>
    %div3A_241 = vector.broadcast %get3A_240 : vector<1x128xf32> to vector<512x128xf32>
    %div3A_242 = arith.divf %sub3A_237, %div3A_241 : vector<512x128xf32>
    %get3A_243 = arith.constant 0 : index
    %get3A_244 = arith.constant 896 : index
    %get3A_245 = vector.load %arg6[%get3A_243, %get3A_244] : memref<1x1024xf32, #tpu.memory_space<vmem>>, vector<1x128xf32>
    %mul3A_246 = vector.broadcast %get3A_245 : vector<1x128xf32> to vector<512x128xf32>
    %mul3A_247 = arith.mulf %div3A_242, %mul3A_246 : vector<512x128xf32>
    %get3A_248 = arith.constant 0 : index
    %get3A_249 = arith.constant 896 : index
    %get3A_250 = vector.load %arg7[%get3A_248, %get3A_249] : memref<1x1024xf32, #tpu.memory_space<vmem>>, vector<1x128xf32>
    %add3A_251 = vector.broadcast %get3A_250 : vector<1x128xf32> to vector<512x128xf32>
    %add3A_252 = arith.addf %mul3A_247, %add3A_251 : vector<512x128xf32>
    %convert_element_type3A_253 = arith.truncf %add3A_252 : vector<512x128xf32> to vector<512x128xbf16>
    %swap3A_254 = arith.constant 0 : index
    %swap3A_255 = arith.constant 7 : index
    %swap3A_256 = arith.constant 0 : index
    %swap3A_257 = vector.load %arg8[%swap3A_254, %swap3A_255, %swap3A_256] : memref<512x8x128xbf16, #tpu.memory_space<vmem>>, vector<512x1x128xbf16>
    %swap3A_258 = vector.shape_cast %swap3A_257 : vector<512x1x128xbf16> to vector<512x128xbf16>
    %swap3A_259 = vector.shape_cast %convert_element_type3A_253 : vector<512x128xbf16> to vector<512x1x128xbf16>
    tpu.vector_store %arg8[%swap3A_254, %swap3A_255, %swap3A_256], %swap3A_259 {strides = array<i32>} : memref<512x8x128xbf16, #tpu.memory_space<vmem>>, vector<512x1x128xbf16>,
    return
  }
  func.func @transform_0(%arg0: i32, %arg1: i32) -> (i32, i32) {
    %c0_i32 = arith.constant 0 : i32
    %c0_i32_0 = arith.constant 0 : i32
    return %arg1, %c0_i32 : i32, i32
  }
  func.func @transform_1(%arg0: i32, %arg1: i32) -> (i32, i32) {
    %c0_i32 = arith.constant 0 : i32
    %c0_i32_0 = arith.constant 0 : i32
    return %c0_i32, %arg0 : i32, i32
  }
  func.func @transform_2(%arg0: i32, %arg1: i32) -> (i32, i32) {
    %c0_i32 = arith.constant 0 : i32
    %c0_i32_0 = arith.constant 0 : i32
    return %c0_i32, %arg0 : i32, i32
  }
  func.func @transform_3(%arg0: i32, %arg1: i32) -> (i32, i32) {
    %c0_i32 = arith.constant 0 : i32
    %c0_i32_0 = arith.constant 0 : i32
    return %c0_i32, %arg0 : i32, i32
  }
  func.func @transform_4(%arg0: i32, %arg1: i32) -> (i32, i32) {
    %c0_i32 = arith.constant 0 : i32
    %c0_i32_0 = arith.constant 0 : i32
    return %c0_i32, %arg0 : i32, i32
  }
  func.func @transform_5(%arg0: i32, %arg1: i32) -> (i32, i32) {
    %c0_i32 = arith.constant 0 : i32
    %c0_i32_0 = arith.constant 0 : i32
    return %c0_i32, %arg0 : i32, i32
  }
  func.func @transform_6(%arg0: i32, %arg1: i32) -> (i32, i32, i32) {
    %c0_i32 = arith.constant 0 : i32
    %c0_i32_0 = arith.constant 0 : i32
    return %arg1, %arg0, %c0_i32 : i32, i32, i32
  }
}

module attributes {stable_mosaic.version = 14 : i64} {
  func.func @_msg2_body(%arg0: i32, %arg1: memref<256x128xf32, #tpu.memory_space<vmem>>, %arg2: memref<256x128x128xbf16, #tpu.memory_space<vmem>>, %arg3: memref<256x128xf32, #tpu.memory_space<vmem>>) attributes {dimension_semantics = [#tpu.dimension_semantics<arbitrary>], iteration_bounds = array<i64: 40>, scalar_prefetch = 0 : i64, scratch_operands = 0 : i64, tpu.core_type = #tpu.core_type<tc>, window_params = [{transform_indices = @transform_0, window_bounds = array<i64: 256, 128>}, {transform_indices = @transform_1, window_bounds = array<i64: 256, 128, 128>}, {transform_indices = @transform_2, window_bounds = array<i64: 256, 128>}]} {
    %get3A = arith.constant 0 : index
    %get3A_0 = arith.constant 0 : index
    %get3A_1 = vector.load %arg1[%get3A, %get3A_0] : memref<256x128xf32, #tpu.memory_space<vmem>>, vector<256x128xf32>
    %convert_element_type3A = arith.truncf %get3A_1 : vector<256x128xf32> to vector<256x128xbf16>
    %convert_element_type3A_2 = arith.extf %convert_element_type3A : vector<256x128xbf16> to vector<256x128xf32>
    %slice3A = vector.extract_strided_slice %convert_element_type3A_2 {offsets = [0, 0], sizes = [256, 1], strides = [1, 1]} : vector<256x128xf32> to vector<256x1xf32>
    %get3A_3 = arith.constant 0 : index
    %get3A_4 = arith.constant 0 : index
    %get3A_5 = arith.constant 0 : index
    %get3A_6 = vector.load %arg2[%get3A_3, %get3A_4, %get3A_5] : memref<256x128x128xbf16, #tpu.memory_space<vmem>>, vector<256x1x128xbf16>
    %get3A_7 = vector.shape_cast %get3A_6 : vector<256x1x128xbf16> to vector<256x128xbf16>
    %convert_element_type3A_8 = arith.extf %get3A_7 : vector<256x128xbf16> to vector<256x128xf32>
    %mul3A = vector.broadcast %slice3A : vector<256x1xf32> to vector<256x128xf32>
    %mul3A_9 = arith.mulf %mul3A, %convert_element_type3A_8 : vector<256x128xf32>
    %slice3A_10 = vector.extract_strided_slice %convert_element_type3A_2 {offsets = [0, 1], sizes = [256, 1], strides = [1, 1]} : vector<256x128xf32> to vector<256x1xf32>
    %get3A_11 = arith.constant 0 : index
    %get3A_12 = arith.constant 1 : index
    %get3A_13 = arith.constant 0 : index
    %get3A_14 = vector.load %arg2[%get3A_11, %get3A_12, %get3A_13] : memref<256x128x128xbf16, #tpu.memory_space<vmem>>, vector<256x1x128xbf16>
    %get3A_15 = vector.shape_cast %get3A_14 : vector<256x1x128xbf16> to vector<256x128xbf16>
    %convert_element_type3A_16 = arith.extf %get3A_15 : vector<256x128xbf16> to vector<256x128xf32>
    %mul3A_17 = vector.broadcast %slice3A_10 : vector<256x1xf32> to vector<256x128xf32>
    %mul3A_18 = arith.mulf %mul3A_17, %convert_element_type3A_16 : vector<256x128xf32>
    %slice3A_19 = vector.extract_strided_slice %convert_element_type3A_2 {offsets = [0, 2], sizes = [256, 1], strides = [1, 1]} : vector<256x128xf32> to vector<256x1xf32>
    %get3A_20 = arith.constant 0 : index
    %get3A_21 = arith.constant 2 : index
    %get3A_22 = arith.constant 0 : index
    %get3A_23 = vector.load %arg2[%get3A_20, %get3A_21, %get3A_22] : memref<256x128x128xbf16, #tpu.memory_space<vmem>>, vector<256x1x128xbf16>
    %get3A_24 = vector.shape_cast %get3A_23 : vector<256x1x128xbf16> to vector<256x128xbf16>
    %convert_element_type3A_25 = arith.extf %get3A_24 : vector<256x128xbf16> to vector<256x128xf32>
    %mul3A_26 = vector.broadcast %slice3A_19 : vector<256x1xf32> to vector<256x128xf32>
    %mul3A_27 = arith.mulf %mul3A_26, %convert_element_type3A_25 : vector<256x128xf32>
    %slice3A_28 = vector.extract_strided_slice %convert_element_type3A_2 {offsets = [0, 3], sizes = [256, 1], strides = [1, 1]} : vector<256x128xf32> to vector<256x1xf32>
    %get3A_29 = arith.constant 0 : index
    %get3A_30 = arith.constant 3 : index
    %get3A_31 = arith.constant 0 : index
    %get3A_32 = vector.load %arg2[%get3A_29, %get3A_30, %get3A_31] : memref<256x128x128xbf16, #tpu.memory_space<vmem>>, vector<256x1x128xbf16>
    %get3A_33 = vector.shape_cast %get3A_32 : vector<256x1x128xbf16> to vector<256x128xbf16>
    %convert_element_type3A_34 = arith.extf %get3A_33 : vector<256x128xbf16> to vector<256x128xf32>
    %mul3A_35 = vector.broadcast %slice3A_28 : vector<256x1xf32> to vector<256x128xf32>
    %mul3A_36 = arith.mulf %mul3A_35, %convert_element_type3A_34 : vector<256x128xf32>
    %slice3A_37 = vector.extract_strided_slice %convert_element_type3A_2 {offsets = [0, 4], sizes = [256, 1], strides = [1, 1]} : vector<256x128xf32> to vector<256x1xf32>
    %get3A_38 = arith.constant 0 : index
    %get3A_39 = arith.constant 4 : index
    %get3A_40 = arith.constant 0 : index
    %get3A_41 = vector.load %arg2[%get3A_38, %get3A_39, %get3A_40] : memref<256x128x128xbf16, #tpu.memory_space<vmem>>, vector<256x1x128xbf16>
    %get3A_42 = vector.shape_cast %get3A_41 : vector<256x1x128xbf16> to vector<256x128xbf16>
    %convert_element_type3A_43 = arith.extf %get3A_42 : vector<256x128xbf16> to vector<256x128xf32>
    %mul3A_44 = vector.broadcast %slice3A_37 : vector<256x1xf32> to vector<256x128xf32>
    %mul3A_45 = arith.mulf %mul3A_44, %convert_element_type3A_43 : vector<256x128xf32>
    %slice3A_46 = vector.extract_strided_slice %convert_element_type3A_2 {offsets = [0, 5], sizes = [256, 1], strides = [1, 1]} : vector<256x128xf32> to vector<256x1xf32>
    %get3A_47 = arith.constant 0 : index
    %get3A_48 = arith.constant 5 : index
    %get3A_49 = arith.constant 0 : index
    %get3A_50 = vector.load %arg2[%get3A_47, %get3A_48, %get3A_49] : memref<256x128x128xbf16, #tpu.memory_space<vmem>>, vector<256x1x128xbf16>
    %get3A_51 = vector.shape_cast %get3A_50 : vector<256x1x128xbf16> to vector<256x128xbf16>
    %convert_element_type3A_52 = arith.extf %get3A_51 : vector<256x128xbf16> to vector<256x128xf32>
    %mul3A_53 = vector.broadcast %slice3A_46 : vector<256x1xf32> to vector<256x128xf32>
    %mul3A_54 = arith.mulf %mul3A_53, %convert_element_type3A_52 : vector<256x128xf32>
    %slice3A_55 = vector.extract_strided_slice %convert_element_type3A_2 {offsets = [0, 6], sizes = [256, 1], strides = [1, 1]} : vector<256x128xf32> to vector<256x1xf32>
    %get3A_56 = arith.constant 0 : index
    %get3A_57 = arith.constant 6 : index
    %get3A_58 = arith.constant 0 : index
    %get3A_59 = vector.load %arg2[%get3A_56, %get3A_57, %get3A_58] : memref<256x128x128xbf16, #tpu.memory_space<vmem>>, vector<256x1x128xbf16>
    %get3A_60 = vector.shape_cast %get3A_59 : vector<256x1x128xbf16> to vector<256x128xbf16>
    %convert_element_type3A_61 = arith.extf %get3A_60 : vector<256x128xbf16> to vector<256x128xf32>
    %mul3A_62 = vector.broadcast %slice3A_55 : vector<256x1xf32> to vector<256x128xf32>
    %mul3A_63 = arith.mulf %mul3A_62, %convert_element_type3A_61 : vector<256x128xf32>
    %slice3A_64 = vector.extract_strided_slice %convert_element_type3A_2 {offsets = [0, 7], sizes = [256, 1], strides = [1, 1]} : vector<256x128xf32> to vector<256x1xf32>
    %get3A_65 = arith.constant 0 : index
    %get3A_66 = arith.constant 7 : index
    %get3A_67 = arith.constant 0 : index
    %get3A_68 = vector.load %arg2[%get3A_65, %get3A_66, %get3A_67] : memref<256x128x128xbf16, #tpu.memory_space<vmem>>, vector<256x1x128xbf16>
    %get3A_69 = vector.shape_cast %get3A_68 : vector<256x1x128xbf16> to vector<256x128xbf16>
    %convert_element_type3A_70 = arith.extf %get3A_69 : vector<256x128xbf16> to vector<256x128xf32>
    %mul3A_71 = vector.broadcast %slice3A_64 : vector<256x1xf32> to vector<256x128xf32>
    %mul3A_72 = arith.mulf %mul3A_71, %convert_element_type3A_70 : vector<256x128xf32>
    %slice3A_73 = vector.extract_strided_slice %convert_element_type3A_2 {offsets = [0, 8], sizes = [256, 1], strides = [1, 1]} : vector<256x128xf32> to vector<256x1xf32>
    %get3A_74 = arith.constant 0 : index
    %get3A_75 = arith.constant 8 : index
    %get3A_76 = arith.constant 0 : index
    %get3A_77 = vector.load %arg2[%get3A_74, %get3A_75, %get3A_76] : memref<256x128x128xbf16, #tpu.memory_space<vmem>>, vector<256x1x128xbf16>
    %get3A_78 = vector.shape_cast %get3A_77 : vector<256x1x128xbf16> to vector<256x128xbf16>
    %convert_element_type3A_79 = arith.extf %get3A_78 : vector<256x128xbf16> to vector<256x128xf32>
    %mul3A_80 = vector.broadcast %slice3A_73 : vector<256x1xf32> to vector<256x128xf32>
    %mul3A_81 = arith.mulf %mul3A_80, %convert_element_type3A_79 : vector<256x128xf32>
    %add3A = arith.addf %mul3A_9, %mul3A_81 : vector<256x128xf32>
    %slice3A_82 = vector.extract_strided_slice %convert_element_type3A_2 {offsets = [0, 9], sizes = [256, 1], strides = [1, 1]} : vector<256x128xf32> to vector<256x1xf32>
    %get3A_83 = arith.constant 0 : index
    %get3A_84 = arith.constant 9 : index
    %get3A_85 = arith.constant 0 : index
    %get3A_86 = vector.load %arg2[%get3A_83, %get3A_84, %get3A_85] : memref<256x128x128xbf16, #tpu.memory_space<vmem>>, vector<256x1x128xbf16>
    %get3A_87 = vector.shape_cast %get3A_86 : vector<256x1x128xbf16> to vector<256x128xbf16>
    %convert_element_type3A_88 = arith.extf %get3A_87 : vector<256x128xbf16> to vector<256x128xf32>
    %mul3A_89 = vector.broadcast %slice3A_82 : vector<256x1xf32> to vector<256x128xf32>
    %mul3A_90 = arith.mulf %mul3A_89, %convert_element_type3A_88 : vector<256x128xf32>
    %add3A_91 = arith.addf %mul3A_18, %mul3A_90 : vector<256x128xf32>
    %slice3A_92 = vector.extract_strided_slice %convert_element_type3A_2 {offsets = [0, 10], sizes = [256, 1], strides = [1, 1]} : vector<256x128xf32> to vector<256x1xf32>
    %get3A_93 = arith.constant 0 : index
    %get3A_94 = arith.constant 10 : index
    %get3A_95 = arith.constant 0 : index
    %get3A_96 = vector.load %arg2[%get3A_93, %get3A_94, %get3A_95] : memref<256x128x128xbf16, #tpu.memory_space<vmem>>, vector<256x1x128xbf16>
    %get3A_97 = vector.shape_cast %get3A_96 : vector<256x1x128xbf16> to vector<256x128xbf16>
    %convert_element_type3A_98 = arith.extf %get3A_97 : vector<256x128xbf16> to vector<256x128xf32>
    %mul3A_99 = vector.broadcast %slice3A_92 : vector<256x1xf32> to vector<256x128xf32>
    %mul3A_100 = arith.mulf %mul3A_99, %convert_element_type3A_98 : vector<256x128xf32>
    %add3A_101 = arith.addf %mul3A_27, %mul3A_100 : vector<256x128xf32>
    %slice3A_102 = vector.extract_strided_slice %convert_element_type3A_2 {offsets = [0, 11], sizes = [256, 1], strides = [1, 1]} : vector<256x128xf32> to vector<256x1xf32>
    %get3A_103 = arith.constant 0 : index
    %get3A_104 = arith.constant 11 : index
    %get3A_105 = arith.constant 0 : index
    %get3A_106 = vector.load %arg2[%get3A_103, %get3A_104, %get3A_105] : memref<256x128x128xbf16, #tpu.memory_space<vmem>>, vector<256x1x128xbf16>
    %get3A_107 = vector.shape_cast %get3A_106 : vector<256x1x128xbf16> to vector<256x128xbf16>
    %convert_element_type3A_108 = arith.extf %get3A_107 : vector<256x128xbf16> to vector<256x128xf32>
    %mul3A_109 = vector.broadcast %slice3A_102 : vector<256x1xf32> to vector<256x128xf32>
    %mul3A_110 = arith.mulf %mul3A_109, %convert_element_type3A_108 : vector<256x128xf32>
    %add3A_111 = arith.addf %mul3A_36, %mul3A_110 : vector<256x128xf32>
    %slice3A_112 = vector.extract_strided_slice %convert_element_type3A_2 {offsets = [0, 12], sizes = [256, 1], strides = [1, 1]} : vector<256x128xf32> to vector<256x1xf32>
    %get3A_113 = arith.constant 0 : index
    %get3A_114 = arith.constant 12 : index
    %get3A_115 = arith.constant 0 : index
    %get3A_116 = vector.load %arg2[%get3A_113, %get3A_114, %get3A_115] : memref<256x128x128xbf16, #tpu.memory_space<vmem>>, vector<256x1x128xbf16>
    %get3A_117 = vector.shape_cast %get3A_116 : vector<256x1x128xbf16> to vector<256x128xbf16>
    %convert_element_type3A_118 = arith.extf %get3A_117 : vector<256x128xbf16> to vector<256x128xf32>
    %mul3A_119 = vector.broadcast %slice3A_112 : vector<256x1xf32> to vector<256x128xf32>
    %mul3A_120 = arith.mulf %mul3A_119, %convert_element_type3A_118 : vector<256x128xf32>
    %add3A_121 = arith.addf %mul3A_45, %mul3A_120 : vector<256x128xf32>
    %slice3A_122 = vector.extract_strided_slice %convert_element_type3A_2 {offsets = [0, 13], sizes = [256, 1], strides = [1, 1]} : vector<256x128xf32> to vector<256x1xf32>
    %get3A_123 = arith.constant 0 : index
    %get3A_124 = arith.constant 13 : index
    %get3A_125 = arith.constant 0 : index
    %get3A_126 = vector.load %arg2[%get3A_123, %get3A_124, %get3A_125] : memref<256x128x128xbf16, #tpu.memory_space<vmem>>, vector<256x1x128xbf16>
    %get3A_127 = vector.shape_cast %get3A_126 : vector<256x1x128xbf16> to vector<256x128xbf16>
    %convert_element_type3A_128 = arith.extf %get3A_127 : vector<256x128xbf16> to vector<256x128xf32>
    %mul3A_129 = vector.broadcast %slice3A_122 : vector<256x1xf32> to vector<256x128xf32>
    %mul3A_130 = arith.mulf %mul3A_129, %convert_element_type3A_128 : vector<256x128xf32>
    %add3A_131 = arith.addf %mul3A_54, %mul3A_130 : vector<256x128xf32>
    %slice3A_132 = vector.extract_strided_slice %convert_element_type3A_2 {offsets = [0, 14], sizes = [256, 1], strides = [1, 1]} : vector<256x128xf32> to vector<256x1xf32>
    %get3A_133 = arith.constant 0 : index
    %get3A_134 = arith.constant 14 : index
    %get3A_135 = arith.constant 0 : index
    %get3A_136 = vector.load %arg2[%get3A_133, %get3A_134, %get3A_135] : memref<256x128x128xbf16, #tpu.memory_space<vmem>>, vector<256x1x128xbf16>
    %get3A_137 = vector.shape_cast %get3A_136 : vector<256x1x128xbf16> to vector<256x128xbf16>
    %convert_element_type3A_138 = arith.extf %get3A_137 : vector<256x128xbf16> to vector<256x128xf32>
    %mul3A_139 = vector.broadcast %slice3A_132 : vector<256x1xf32> to vector<256x128xf32>
    %mul3A_140 = arith.mulf %mul3A_139, %convert_element_type3A_138 : vector<256x128xf32>
    %add3A_141 = arith.addf %mul3A_63, %mul3A_140 : vector<256x128xf32>
    %slice3A_142 = vector.extract_strided_slice %convert_element_type3A_2 {offsets = [0, 15], sizes = [256, 1], strides = [1, 1]} : vector<256x128xf32> to vector<256x1xf32>
    %get3A_143 = arith.constant 0 : index
    %get3A_144 = arith.constant 15 : index
    %get3A_145 = arith.constant 0 : index
    %get3A_146 = vector.load %arg2[%get3A_143, %get3A_144, %get3A_145] : memref<256x128x128xbf16, #tpu.memory_space<vmem>>, vector<256x1x128xbf16>
    %get3A_147 = vector.shape_cast %get3A_146 : vector<256x1x128xbf16> to vector<256x128xbf16>
    %convert_element_type3A_148 = arith.extf %get3A_147 : vector<256x128xbf16> to vector<256x128xf32>
    %mul3A_149 = vector.broadcast %slice3A_142 : vector<256x1xf32> to vector<256x128xf32>
    %mul3A_150 = arith.mulf %mul3A_149, %convert_element_type3A_148 : vector<256x128xf32>
    %add3A_151 = arith.addf %mul3A_72, %mul3A_150 : vector<256x128xf32>
    %slice3A_152 = vector.extract_strided_slice %convert_element_type3A_2 {offsets = [0, 16], sizes = [256, 1], strides = [1, 1]} : vector<256x128xf32> to vector<256x1xf32>
    %get3A_153 = arith.constant 0 : index
    %get3A_154 = arith.constant 16 : index
    %get3A_155 = arith.constant 0 : index
    %get3A_156 = vector.load %arg2[%get3A_153, %get3A_154, %get3A_155] : memref<256x128x128xbf16, #tpu.memory_space<vmem>>, vector<256x1x128xbf16>
    %get3A_157 = vector.shape_cast %get3A_156 : vector<256x1x128xbf16> to vector<256x128xbf16>
    %convert_element_type3A_158 = arith.extf %get3A_157 : vector<256x128xbf16> to vector<256x128xf32>
    %mul3A_159 = vector.broadcast %slice3A_152 : vector<256x1xf32> to vector<256x128xf32>
    %mul3A_160 = arith.mulf %mul3A_159, %convert_element_type3A_158 : vector<256x128xf32>
    %add3A_161 = arith.addf %add3A, %mul3A_160 : vector<256x128xf32>
    %slice3A_162 = vector.extract_strided_slice %convert_element_type3A_2 {offsets = [0, 17], sizes = [256, 1], strides = [1, 1]} : vector<256x128xf32> to vector<256x1xf32>
    %get3A_163 = arith.constant 0 : index
    %get3A_164 = arith.constant 17 : index
    %get3A_165 = arith.constant 0 : index
    %get3A_166 = vector.load %arg2[%get3A_163, %get3A_164, %get3A_165] : memref<256x128x128xbf16, #tpu.memory_space<vmem>>, vector<256x1x128xbf16>
    %get3A_167 = vector.shape_cast %get3A_166 : vector<256x1x128xbf16> to vector<256x128xbf16>
    %convert_element_type3A_168 = arith.extf %get3A_167 : vector<256x128xbf16> to vector<256x128xf32>
    %mul3A_169 = vector.broadcast %slice3A_162 : vector<256x1xf32> to vector<256x128xf32>
    %mul3A_170 = arith.mulf %mul3A_169, %convert_element_type3A_168 : vector<256x128xf32>
    %add3A_171 = arith.addf %add3A_91, %mul3A_170 : vector<256x128xf32>
    %slice3A_172 = vector.extract_strided_slice %convert_element_type3A_2 {offsets = [0, 18], sizes = [256, 1], strides = [1, 1]} : vector<256x128xf32> to vector<256x1xf32>
    %get3A_173 = arith.constant 0 : index
    %get3A_174 = arith.constant 18 : index
    %get3A_175 = arith.constant 0 : index
    %get3A_176 = vector.load %arg2[%get3A_173, %get3A_174, %get3A_175] : memref<256x128x128xbf16, #tpu.memory_space<vmem>>, vector<256x1x128xbf16>
    %get3A_177 = vector.shape_cast %get3A_176 : vector<256x1x128xbf16> to vector<256x128xbf16>
    %convert_element_type3A_178 = arith.extf %get3A_177 : vector<256x128xbf16> to vector<256x128xf32>
    %mul3A_179 = vector.broadcast %slice3A_172 : vector<256x1xf32> to vector<256x128xf32>
    %mul3A_180 = arith.mulf %mul3A_179, %convert_element_type3A_178 : vector<256x128xf32>
    %add3A_181 = arith.addf %add3A_101, %mul3A_180 : vector<256x128xf32>
    %slice3A_182 = vector.extract_strided_slice %convert_element_type3A_2 {offsets = [0, 19], sizes = [256, 1], strides = [1, 1]} : vector<256x128xf32> to vector<256x1xf32>
    %get3A_183 = arith.constant 0 : index
    %get3A_184 = arith.constant 19 : index
    %get3A_185 = arith.constant 0 : index
    %get3A_186 = vector.load %arg2[%get3A_183, %get3A_184, %get3A_185] : memref<256x128x128xbf16, #tpu.memory_space<vmem>>, vector<256x1x128xbf16>
    %get3A_187 = vector.shape_cast %get3A_186 : vector<256x1x128xbf16> to vector<256x128xbf16>
    %convert_element_type3A_188 = arith.extf %get3A_187 : vector<256x128xbf16> to vector<256x128xf32>
    %mul3A_189 = vector.broadcast %slice3A_182 : vector<256x1xf32> to vector<256x128xf32>
    %mul3A_190 = arith.mulf %mul3A_189, %convert_element_type3A_188 : vector<256x128xf32>
    %add3A_191 = arith.addf %add3A_111, %mul3A_190 : vector<256x128xf32>
    %slice3A_192 = vector.extract_strided_slice %convert_element_type3A_2 {offsets = [0, 20], sizes = [256, 1], strides = [1, 1]} : vector<256x128xf32> to vector<256x1xf32>
    %get3A_193 = arith.constant 0 : index
    %get3A_194 = arith.constant 20 : index
    %get3A_195 = arith.constant 0 : index
    %get3A_196 = vector.load %arg2[%get3A_193, %get3A_194, %get3A_195] : memref<256x128x128xbf16, #tpu.memory_space<vmem>>, vector<256x1x128xbf16>
    %get3A_197 = vector.shape_cast %get3A_196 : vector<256x1x128xbf16> to vector<256x128xbf16>
    %convert_element_type3A_198 = arith.extf %get3A_197 : vector<256x128xbf16> to vector<256x128xf32>
    %mul3A_199 = vector.broadcast %slice3A_192 : vector<256x1xf32> to vector<256x128xf32>
    %mul3A_200 = arith.mulf %mul3A_199, %convert_element_type3A_198 : vector<256x128xf32>
    %add3A_201 = arith.addf %add3A_121, %mul3A_200 : vector<256x128xf32>
    %slice3A_202 = vector.extract_strided_slice %convert_element_type3A_2 {offsets = [0, 21], sizes = [256, 1], strides = [1, 1]} : vector<256x128xf32> to vector<256x1xf32>
    %get3A_203 = arith.constant 0 : index
    %get3A_204 = arith.constant 21 : index
    %get3A_205 = arith.constant 0 : index
    %get3A_206 = vector.load %arg2[%get3A_203, %get3A_204, %get3A_205] : memref<256x128x128xbf16, #tpu.memory_space<vmem>>, vector<256x1x128xbf16>
    %get3A_207 = vector.shape_cast %get3A_206 : vector<256x1x128xbf16> to vector<256x128xbf16>
    %convert_element_type3A_208 = arith.extf %get3A_207 : vector<256x128xbf16> to vector<256x128xf32>
    %mul3A_209 = vector.broadcast %slice3A_202 : vector<256x1xf32> to vector<256x128xf32>
    %mul3A_210 = arith.mulf %mul3A_209, %convert_element_type3A_208 : vector<256x128xf32>
    %add3A_211 = arith.addf %add3A_131, %mul3A_210 : vector<256x128xf32>
    %slice3A_212 = vector.extract_strided_slice %convert_element_type3A_2 {offsets = [0, 22], sizes = [256, 1], strides = [1, 1]} : vector<256x128xf32> to vector<256x1xf32>
    %get3A_213 = arith.constant 0 : index
    %get3A_214 = arith.constant 22 : index
    %get3A_215 = arith.constant 0 : index
    %get3A_216 = vector.load %arg2[%get3A_213, %get3A_214, %get3A_215] : memref<256x128x128xbf16, #tpu.memory_space<vmem>>, vector<256x1x128xbf16>
    %get3A_217 = vector.shape_cast %get3A_216 : vector<256x1x128xbf16> to vector<256x128xbf16>
    %convert_element_type3A_218 = arith.extf %get3A_217 : vector<256x128xbf16> to vector<256x128xf32>
    %mul3A_219 = vector.broadcast %slice3A_212 : vector<256x1xf32> to vector<256x128xf32>
    %mul3A_220 = arith.mulf %mul3A_219, %convert_element_type3A_218 : vector<256x128xf32>
    %add3A_221 = arith.addf %add3A_141, %mul3A_220 : vector<256x128xf32>
    %slice3A_222 = vector.extract_strided_slice %convert_element_type3A_2 {offsets = [0, 23], sizes = [256, 1], strides = [1, 1]} : vector<256x128xf32> to vector<256x1xf32>
    %get3A_223 = arith.constant 0 : index
    %get3A_224 = arith.constant 23 : index
    %get3A_225 = arith.constant 0 : index
    %get3A_226 = vector.load %arg2[%get3A_223, %get3A_224, %get3A_225] : memref<256x128x128xbf16, #tpu.memory_space<vmem>>, vector<256x1x128xbf16>
    %get3A_227 = vector.shape_cast %get3A_226 : vector<256x1x128xbf16> to vector<256x128xbf16>
    %convert_element_type3A_228 = arith.extf %get3A_227 : vector<256x128xbf16> to vector<256x128xf32>
    %mul3A_229 = vector.broadcast %slice3A_222 : vector<256x1xf32> to vector<256x128xf32>
    %mul3A_230 = arith.mulf %mul3A_229, %convert_element_type3A_228 : vector<256x128xf32>
    %add3A_231 = arith.addf %add3A_151, %mul3A_230 : vector<256x128xf32>
    %slice3A_232 = vector.extract_strided_slice %convert_element_type3A_2 {offsets = [0, 24], sizes = [256, 1], strides = [1, 1]} : vector<256x128xf32> to vector<256x1xf32>
    %get3A_233 = arith.constant 0 : index
    %get3A_234 = arith.constant 24 : index
    %get3A_235 = arith.constant 0 : index
    %get3A_236 = vector.load %arg2[%get3A_233, %get3A_234, %get3A_235] : memref<256x128x128xbf16, #tpu.memory_space<vmem>>, vector<256x1x128xbf16>
    %get3A_237 = vector.shape_cast %get3A_236 : vector<256x1x128xbf16> to vector<256x128xbf16>
    %convert_element_type3A_238 = arith.extf %get3A_237 : vector<256x128xbf16> to vector<256x128xf32>
    %mul3A_239 = vector.broadcast %slice3A_232 : vector<256x1xf32> to vector<256x128xf32>
    %mul3A_240 = arith.mulf %mul3A_239, %convert_element_type3A_238 : vector<256x128xf32>
    %add3A_241 = arith.addf %add3A_161, %mul3A_240 : vector<256x128xf32>
    %slice3A_242 = vector.extract_strided_slice %convert_element_type3A_2 {offsets = [0, 25], sizes = [256, 1], strides = [1, 1]} : vector<256x128xf32> to vector<256x1xf32>
    %get3A_243 = arith.constant 0 : index
    %get3A_244 = arith.constant 25 : index
    %get3A_245 = arith.constant 0 : index
    %get3A_246 = vector.load %arg2[%get3A_243, %get3A_244, %get3A_245] : memref<256x128x128xbf16, #tpu.memory_space<vmem>>, vector<256x1x128xbf16>
    %get3A_247 = vector.shape_cast %get3A_246 : vector<256x1x128xbf16> to vector<256x128xbf16>
    %convert_element_type3A_248 = arith.extf %get3A_247 : vector<256x128xbf16> to vector<256x128xf32>
    %mul3A_249 = vector.broadcast %slice3A_242 : vector<256x1xf32> to vector<256x128xf32>
    %mul3A_250 = arith.mulf %mul3A_249, %convert_element_type3A_248 : vector<256x128xf32>
    %add3A_251 = arith.addf %add3A_171, %mul3A_250 : vector<256x128xf32>
    %slice3A_252 = vector.extract_strided_slice %convert_element_type3A_2 {offsets = [0, 26], sizes = [256, 1], strides = [1, 1]} : vector<256x128xf32> to vector<256x1xf32>
    %get3A_253 = arith.constant 0 : index
    %get3A_254 = arith.constant 26 : index
    %get3A_255 = arith.constant 0 : index
    %get3A_256 = vector.load %arg2[%get3A_253, %get3A_254, %get3A_255] : memref<256x128x128xbf16, #tpu.memory_space<vmem>>, vector<256x1x128xbf16>
    %get3A_257 = vector.shape_cast %get3A_256 : vector<256x1x128xbf16> to vector<256x128xbf16>
    %convert_element_type3A_258 = arith.extf %get3A_257 : vector<256x128xbf16> to vector<256x128xf32>
    %mul3A_259 = vector.broadcast %slice3A_252 : vector<256x1xf32> to vector<256x128xf32>
    %mul3A_260 = arith.mulf %mul3A_259, %convert_element_type3A_258 : vector<256x128xf32>
    %add3A_261 = arith.addf %add3A_181, %mul3A_260 : vector<256x128xf32>
    %slice3A_262 = vector.extract_strided_slice %convert_element_type3A_2 {offsets = [0, 27], sizes = [256, 1], strides = [1, 1]} : vector<256x128xf32> to vector<256x1xf32>
    %get3A_263 = arith.constant 0 : index
    %get3A_264 = arith.constant 27 : index
    %get3A_265 = arith.constant 0 : index
    %get3A_266 = vector.load %arg2[%get3A_263, %get3A_264, %get3A_265] : memref<256x128x128xbf16, #tpu.memory_space<vmem>>, vector<256x1x128xbf16>
    %get3A_267 = vector.shape_cast %get3A_266 : vector<256x1x128xbf16> to vector<256x128xbf16>
    %convert_element_type3A_268 = arith.extf %get3A_267 : vector<256x128xbf16> to vector<256x128xf32>
    %mul3A_269 = vector.broadcast %slice3A_262 : vector<256x1xf32> to vector<256x128xf32>
    %mul3A_270 = arith.mulf %mul3A_269, %convert_element_type3A_268 : vector<256x128xf32>
    %add3A_271 = arith.addf %add3A_191, %mul3A_270 : vector<256x128xf32>
    %slice3A_272 = vector.extract_strided_slice %convert_element_type3A_2 {offsets = [0, 28], sizes = [256, 1], strides = [1, 1]} : vector<256x128xf32> to vector<256x1xf32>
    %get3A_273 = arith.constant 0 : index
    %get3A_274 = arith.constant 28 : index
    %get3A_275 = arith.constant 0 : index
    %get3A_276 = vector.load %arg2[%get3A_273, %get3A_274, %get3A_275] : memref<256x128x128xbf16, #tpu.memory_space<vmem>>, vector<256x1x128xbf16>
    %get3A_277 = vector.shape_cast %get3A_276 : vector<256x1x128xbf16> to vector<256x128xbf16>
    %convert_element_type3A_278 = arith.extf %get3A_277 : vector<256x128xbf16> to vector<256x128xf32>
    %mul3A_279 = vector.broadcast %slice3A_272 : vector<256x1xf32> to vector<256x128xf32>
    %mul3A_280 = arith.mulf %mul3A_279, %convert_element_type3A_278 : vector<256x128xf32>
    %add3A_281 = arith.addf %add3A_201, %mul3A_280 : vector<256x128xf32>
    %slice3A_282 = vector.extract_strided_slice %convert_element_type3A_2 {offsets = [0, 29], sizes = [256, 1], strides = [1, 1]} : vector<256x128xf32> to vector<256x1xf32>
    %get3A_283 = arith.constant 0 : index
    %get3A_284 = arith.constant 29 : index
    %get3A_285 = arith.constant 0 : index
    %get3A_286 = vector.load %arg2[%get3A_283, %get3A_284, %get3A_285] : memref<256x128x128xbf16, #tpu.memory_space<vmem>>, vector<256x1x128xbf16>
    %get3A_287 = vector.shape_cast %get3A_286 : vector<256x1x128xbf16> to vector<256x128xbf16>
    %convert_element_type3A_288 = arith.extf %get3A_287 : vector<256x128xbf16> to vector<256x128xf32>
    %mul3A_289 = vector.broadcast %slice3A_282 : vector<256x1xf32> to vector<256x128xf32>
    %mul3A_290 = arith.mulf %mul3A_289, %convert_element_type3A_288 : vector<256x128xf32>
    %add3A_291 = arith.addf %add3A_211, %mul3A_290 : vector<256x128xf32>
    %slice3A_292 = vector.extract_strided_slice %convert_element_type3A_2 {offsets = [0, 30], sizes = [256, 1], strides = [1, 1]} : vector<256x128xf32> to vector<256x1xf32>
    %get3A_293 = arith.constant 0 : index
    %get3A_294 = arith.constant 30 : index
    %get3A_295 = arith.constant 0 : index
    %get3A_296 = vector.load %arg2[%get3A_293, %get3A_294, %get3A_295] : memref<256x128x128xbf16, #tpu.memory_space<vmem>>, vector<256x1x128xbf16>
    %get3A_297 = vector.shape_cast %get3A_296 : vector<256x1x128xbf16> to vector<256x128xbf16>
    %convert_element_type3A_298 = arith.extf %get3A_297 : vector<256x128xbf16> to vector<256x128xf32>
    %mul3A_299 = vector.broadcast %slice3A_292 : vector<256x1xf32> to vector<256x128xf32>
    %mul3A_300 = arith.mulf %mul3A_299, %convert_element_type3A_298 : vector<256x128xf32>
    %add3A_301 = arith.addf %add3A_221, %mul3A_300 : vector<256x128xf32>
    %slice3A_302 = vector.extract_strided_slice %convert_element_type3A_2 {offsets = [0, 31], sizes = [256, 1], strides = [1, 1]} : vector<256x128xf32> to vector<256x1xf32>
    %get3A_303 = arith.constant 0 : index
    %get3A_304 = arith.constant 31 : index
    %get3A_305 = arith.constant 0 : index
    %get3A_306 = vector.load %arg2[%get3A_303, %get3A_304, %get3A_305] : memref<256x128x128xbf16, #tpu.memory_space<vmem>>, vector<256x1x128xbf16>
    %get3A_307 = vector.shape_cast %get3A_306 : vector<256x1x128xbf16> to vector<256x128xbf16>
    %convert_element_type3A_308 = arith.extf %get3A_307 : vector<256x128xbf16> to vector<256x128xf32>
    %mul3A_309 = vector.broadcast %slice3A_302 : vector<256x1xf32> to vector<256x128xf32>
    %mul3A_310 = arith.mulf %mul3A_309, %convert_element_type3A_308 : vector<256x128xf32>
    %add3A_311 = arith.addf %add3A_231, %mul3A_310 : vector<256x128xf32>
    %slice3A_312 = vector.extract_strided_slice %convert_element_type3A_2 {offsets = [0, 32], sizes = [256, 1], strides = [1, 1]} : vector<256x128xf32> to vector<256x1xf32>
    %get3A_313 = arith.constant 0 : index
    %get3A_314 = arith.constant 32 : index
    %get3A_315 = arith.constant 0 : index
    %get3A_316 = vector.load %arg2[%get3A_313, %get3A_314, %get3A_315] : memref<256x128x128xbf16, #tpu.memory_space<vmem>>, vector<256x1x128xbf16>
    %get3A_317 = vector.shape_cast %get3A_316 : vector<256x1x128xbf16> to vector<256x128xbf16>
    %convert_element_type3A_318 = arith.extf %get3A_317 : vector<256x128xbf16> to vector<256x128xf32>
    %mul3A_319 = vector.broadcast %slice3A_312 : vector<256x1xf32> to vector<256x128xf32>
    %mul3A_320 = arith.mulf %mul3A_319, %convert_element_type3A_318 : vector<256x128xf32>
    %add3A_321 = arith.addf %add3A_241, %mul3A_320 : vector<256x128xf32>
    %slice3A_322 = vector.extract_strided_slice %convert_element_type3A_2 {offsets = [0, 33], sizes = [256, 1], strides = [1, 1]} : vector<256x128xf32> to vector<256x1xf32>
    %get3A_323 = arith.constant 0 : index
    %get3A_324 = arith.constant 33 : index
    %get3A_325 = arith.constant 0 : index
    %get3A_326 = vector.load %arg2[%get3A_323, %get3A_324, %get3A_325] : memref<256x128x128xbf16, #tpu.memory_space<vmem>>, vector<256x1x128xbf16>
    %get3A_327 = vector.shape_cast %get3A_326 : vector<256x1x128xbf16> to vector<256x128xbf16>
    %convert_element_type3A_328 = arith.extf %get3A_327 : vector<256x128xbf16> to vector<256x128xf32>
    %mul3A_329 = vector.broadcast %slice3A_322 : vector<256x1xf32> to vector<256x128xf32>
    %mul3A_330 = arith.mulf %mul3A_329, %convert_element_type3A_328 : vector<256x128xf32>
    %add3A_331 = arith.addf %add3A_251, %mul3A_330 : vector<256x128xf32>
    %slice3A_332 = vector.extract_strided_slice %convert_element_type3A_2 {offsets = [0, 34], sizes = [256, 1], strides = [1, 1]} : vector<256x128xf32> to vector<256x1xf32>
    %get3A_333 = arith.constant 0 : index
    %get3A_334 = arith.constant 34 : index
    %get3A_335 = arith.constant 0 : index
    %get3A_336 = vector.load %arg2[%get3A_333, %get3A_334, %get3A_335] : memref<256x128x128xbf16, #tpu.memory_space<vmem>>, vector<256x1x128xbf16>
    %get3A_337 = vector.shape_cast %get3A_336 : vector<256x1x128xbf16> to vector<256x128xbf16>
    %convert_element_type3A_338 = arith.extf %get3A_337 : vector<256x128xbf16> to vector<256x128xf32>
    %mul3A_339 = vector.broadcast %slice3A_332 : vector<256x1xf32> to vector<256x128xf32>
    %mul3A_340 = arith.mulf %mul3A_339, %convert_element_type3A_338 : vector<256x128xf32>
    %add3A_341 = arith.addf %add3A_261, %mul3A_340 : vector<256x128xf32>
    %slice3A_342 = vector.extract_strided_slice %convert_element_type3A_2 {offsets = [0, 35], sizes = [256, 1], strides = [1, 1]} : vector<256x128xf32> to vector<256x1xf32>
    %get3A_343 = arith.constant 0 : index
    %get3A_344 = arith.constant 35 : index
    %get3A_345 = arith.constant 0 : index
    %get3A_346 = vector.load %arg2[%get3A_343, %get3A_344, %get3A_345] : memref<256x128x128xbf16, #tpu.memory_space<vmem>>, vector<256x1x128xbf16>
    %get3A_347 = vector.shape_cast %get3A_346 : vector<256x1x128xbf16> to vector<256x128xbf16>
    %convert_element_type3A_348 = arith.extf %get3A_347 : vector<256x128xbf16> to vector<256x128xf32>
    %mul3A_349 = vector.broadcast %slice3A_342 : vector<256x1xf32> to vector<256x128xf32>
    %mul3A_350 = arith.mulf %mul3A_349, %convert_element_type3A_348 : vector<256x128xf32>
    %add3A_351 = arith.addf %add3A_271, %mul3A_350 : vector<256x128xf32>
    %slice3A_352 = vector.extract_strided_slice %convert_element_type3A_2 {offsets = [0, 36], sizes = [256, 1], strides = [1, 1]} : vector<256x128xf32> to vector<256x1xf32>
    %get3A_353 = arith.constant 0 : index
    %get3A_354 = arith.constant 36 : index
    %get3A_355 = arith.constant 0 : index
    %get3A_356 = vector.load %arg2[%get3A_353, %get3A_354, %get3A_355] : memref<256x128x128xbf16, #tpu.memory_space<vmem>>, vector<256x1x128xbf16>
    %get3A_357 = vector.shape_cast %get3A_356 : vector<256x1x128xbf16> to vector<256x128xbf16>
    %convert_element_type3A_358 = arith.extf %get3A_357 : vector<256x128xbf16> to vector<256x128xf32>
    %mul3A_359 = vector.broadcast %slice3A_352 : vector<256x1xf32> to vector<256x128xf32>
    %mul3A_360 = arith.mulf %mul3A_359, %convert_element_type3A_358 : vector<256x128xf32>
    %add3A_361 = arith.addf %add3A_281, %mul3A_360 : vector<256x128xf32>
    %slice3A_362 = vector.extract_strided_slice %convert_element_type3A_2 {offsets = [0, 37], sizes = [256, 1], strides = [1, 1]} : vector<256x128xf32> to vector<256x1xf32>
    %get3A_363 = arith.constant 0 : index
    %get3A_364 = arith.constant 37 : index
    %get3A_365 = arith.constant 0 : index
    %get3A_366 = vector.load %arg2[%get3A_363, %get3A_364, %get3A_365] : memref<256x128x128xbf16, #tpu.memory_space<vmem>>, vector<256x1x128xbf16>
    %get3A_367 = vector.shape_cast %get3A_366 : vector<256x1x128xbf16> to vector<256x128xbf16>
    %convert_element_type3A_368 = arith.extf %get3A_367 : vector<256x128xbf16> to vector<256x128xf32>
    %mul3A_369 = vector.broadcast %slice3A_362 : vector<256x1xf32> to vector<256x128xf32>
    %mul3A_370 = arith.mulf %mul3A_369, %convert_element_type3A_368 : vector<256x128xf32>
    %add3A_371 = arith.addf %add3A_291, %mul3A_370 : vector<256x128xf32>
    %slice3A_372 = vector.extract_strided_slice %convert_element_type3A_2 {offsets = [0, 38], sizes = [256, 1], strides = [1, 1]} : vector<256x128xf32> to vector<256x1xf32>
    %get3A_373 = arith.constant 0 : index
    %get3A_374 = arith.constant 38 : index
    %get3A_375 = arith.constant 0 : index
    %get3A_376 = vector.load %arg2[%get3A_373, %get3A_374, %get3A_375] : memref<256x128x128xbf16, #tpu.memory_space<vmem>>, vector<256x1x128xbf16>
    %get3A_377 = vector.shape_cast %get3A_376 : vector<256x1x128xbf16> to vector<256x128xbf16>
    %convert_element_type3A_378 = arith.extf %get3A_377 : vector<256x128xbf16> to vector<256x128xf32>
    %mul3A_379 = vector.broadcast %slice3A_372 : vector<256x1xf32> to vector<256x128xf32>
    %mul3A_380 = arith.mulf %mul3A_379, %convert_element_type3A_378 : vector<256x128xf32>
    %add3A_381 = arith.addf %add3A_301, %mul3A_380 : vector<256x128xf32>
    %slice3A_382 = vector.extract_strided_slice %convert_element_type3A_2 {offsets = [0, 39], sizes = [256, 1], strides = [1, 1]} : vector<256x128xf32> to vector<256x1xf32>
    %get3A_383 = arith.constant 0 : index
    %get3A_384 = arith.constant 39 : index
    %get3A_385 = arith.constant 0 : index
    %get3A_386 = vector.load %arg2[%get3A_383, %get3A_384, %get3A_385] : memref<256x128x128xbf16, #tpu.memory_space<vmem>>, vector<256x1x128xbf16>
    %get3A_387 = vector.shape_cast %get3A_386 : vector<256x1x128xbf16> to vector<256x128xbf16>
    %convert_element_type3A_388 = arith.extf %get3A_387 : vector<256x128xbf16> to vector<256x128xf32>
    %mul3A_389 = vector.broadcast %slice3A_382 : vector<256x1xf32> to vector<256x128xf32>
    %mul3A_390 = arith.mulf %mul3A_389, %convert_element_type3A_388 : vector<256x128xf32>
    %add3A_391 = arith.addf %add3A_311, %mul3A_390 : vector<256x128xf32>
    %slice3A_392 = vector.extract_strided_slice %convert_element_type3A_2 {offsets = [0, 40], sizes = [256, 1], strides = [1, 1]} : vector<256x128xf32> to vector<256x1xf32>
    %get3A_393 = arith.constant 0 : index
    %get3A_394 = arith.constant 40 : index
    %get3A_395 = arith.constant 0 : index
    %get3A_396 = vector.load %arg2[%get3A_393, %get3A_394, %get3A_395] : memref<256x128x128xbf16, #tpu.memory_space<vmem>>, vector<256x1x128xbf16>
    %get3A_397 = vector.shape_cast %get3A_396 : vector<256x1x128xbf16> to vector<256x128xbf16>
    %convert_element_type3A_398 = arith.extf %get3A_397 : vector<256x128xbf16> to vector<256x128xf32>
    %mul3A_399 = vector.broadcast %slice3A_392 : vector<256x1xf32> to vector<256x128xf32>
    %mul3A_400 = arith.mulf %mul3A_399, %convert_element_type3A_398 : vector<256x128xf32>
    %add3A_401 = arith.addf %add3A_321, %mul3A_400 : vector<256x128xf32>
    %slice3A_402 = vector.extract_strided_slice %convert_element_type3A_2 {offsets = [0, 41], sizes = [256, 1], strides = [1, 1]} : vector<256x128xf32> to vector<256x1xf32>
    %get3A_403 = arith.constant 0 : index
    %get3A_404 = arith.constant 41 : index
    %get3A_405 = arith.constant 0 : index
    %get3A_406 = vector.load %arg2[%get3A_403, %get3A_404, %get3A_405] : memref<256x128x128xbf16, #tpu.memory_space<vmem>>, vector<256x1x128xbf16>
    %get3A_407 = vector.shape_cast %get3A_406 : vector<256x1x128xbf16> to vector<256x128xbf16>
    %convert_element_type3A_408 = arith.extf %get3A_407 : vector<256x128xbf16> to vector<256x128xf32>
    %mul3A_409 = vector.broadcast %slice3A_402 : vector<256x1xf32> to vector<256x128xf32>
    %mul3A_410 = arith.mulf %mul3A_409, %convert_element_type3A_408 : vector<256x128xf32>
    %add3A_411 = arith.addf %add3A_331, %mul3A_410 : vector<256x128xf32>
    %slice3A_412 = vector.extract_strided_slice %convert_element_type3A_2 {offsets = [0, 42], sizes = [256, 1], strides = [1, 1]} : vector<256x128xf32> to vector<256x1xf32>
    %get3A_413 = arith.constant 0 : index
    %get3A_414 = arith.constant 42 : index
    %get3A_415 = arith.constant 0 : index
    %get3A_416 = vector.load %arg2[%get3A_413, %get3A_414, %get3A_415] : memref<256x128x128xbf16, #tpu.memory_space<vmem>>, vector<256x1x128xbf16>
    %get3A_417 = vector.shape_cast %get3A_416 : vector<256x1x128xbf16> to vector<256x128xbf16>
    %convert_element_type3A_418 = arith.extf %get3A_417 : vector<256x128xbf16> to vector<256x128xf32>
    %mul3A_419 = vector.broadcast %slice3A_412 : vector<256x1xf32> to vector<256x128xf32>
    %mul3A_420 = arith.mulf %mul3A_419, %convert_element_type3A_418 : vector<256x128xf32>
    %add3A_421 = arith.addf %add3A_341, %mul3A_420 : vector<256x128xf32>
    %slice3A_422 = vector.extract_strided_slice %convert_element_type3A_2 {offsets = [0, 43], sizes = [256, 1], strides = [1, 1]} : vector<256x128xf32> to vector<256x1xf32>
    %get3A_423 = arith.constant 0 : index
    %get3A_424 = arith.constant 43 : index
    %get3A_425 = arith.constant 0 : index
    %get3A_426 = vector.load %arg2[%get3A_423, %get3A_424, %get3A_425] : memref<256x128x128xbf16, #tpu.memory_space<vmem>>, vector<256x1x128xbf16>
    %get3A_427 = vector.shape_cast %get3A_426 : vector<256x1x128xbf16> to vector<256x128xbf16>
    %convert_element_type3A_428 = arith.extf %get3A_427 : vector<256x128xbf16> to vector<256x128xf32>
    %mul3A_429 = vector.broadcast %slice3A_422 : vector<256x1xf32> to vector<256x128xf32>
    %mul3A_430 = arith.mulf %mul3A_429, %convert_element_type3A_428 : vector<256x128xf32>
    %add3A_431 = arith.addf %add3A_351, %mul3A_430 : vector<256x128xf32>
    %slice3A_432 = vector.extract_strided_slice %convert_element_type3A_2 {offsets = [0, 44], sizes = [256, 1], strides = [1, 1]} : vector<256x128xf32> to vector<256x1xf32>
    %get3A_433 = arith.constant 0 : index
    %get3A_434 = arith.constant 44 : index
    %get3A_435 = arith.constant 0 : index
    %get3A_436 = vector.load %arg2[%get3A_433, %get3A_434, %get3A_435] : memref<256x128x128xbf16, #tpu.memory_space<vmem>>, vector<256x1x128xbf16>
    %get3A_437 = vector.shape_cast %get3A_436 : vector<256x1x128xbf16> to vector<256x128xbf16>
    %convert_element_type3A_438 = arith.extf %get3A_437 : vector<256x128xbf16> to vector<256x128xf32>
    %mul3A_439 = vector.broadcast %slice3A_432 : vector<256x1xf32> to vector<256x128xf32>
    %mul3A_440 = arith.mulf %mul3A_439, %convert_element_type3A_438 : vector<256x128xf32>
    %add3A_441 = arith.addf %add3A_361, %mul3A_440 : vector<256x128xf32>
    %slice3A_442 = vector.extract_strided_slice %convert_element_type3A_2 {offsets = [0, 45], sizes = [256, 1], strides = [1, 1]} : vector<256x128xf32> to vector<256x1xf32>
    %get3A_443 = arith.constant 0 : index
    %get3A_444 = arith.constant 45 : index
    %get3A_445 = arith.constant 0 : index
    %get3A_446 = vector.load %arg2[%get3A_443, %get3A_444, %get3A_445] : memref<256x128x128xbf16, #tpu.memory_space<vmem>>, vector<256x1x128xbf16>
    %get3A_447 = vector.shape_cast %get3A_446 : vector<256x1x128xbf16> to vector<256x128xbf16>
    %convert_element_type3A_448 = arith.extf %get3A_447 : vector<256x128xbf16> to vector<256x128xf32>
    %mul3A_449 = vector.broadcast %slice3A_442 : vector<256x1xf32> to vector<256x128xf32>
    %mul3A_450 = arith.mulf %mul3A_449, %convert_element_type3A_448 : vector<256x128xf32>
    %add3A_451 = arith.addf %add3A_371, %mul3A_450 : vector<256x128xf32>
    %slice3A_452 = vector.extract_strided_slice %convert_element_type3A_2 {offsets = [0, 46], sizes = [256, 1], strides = [1, 1]} : vector<256x128xf32> to vector<256x1xf32>
    %get3A_453 = arith.constant 0 : index
    %get3A_454 = arith.constant 46 : index
    %get3A_455 = arith.constant 0 : index
    %get3A_456 = vector.load %arg2[%get3A_453, %get3A_454, %get3A_455] : memref<256x128x128xbf16, #tpu.memory_space<vmem>>, vector<256x1x128xbf16>
    %get3A_457 = vector.shape_cast %get3A_456 : vector<256x1x128xbf16> to vector<256x128xbf16>
    %convert_element_type3A_458 = arith.extf %get3A_457 : vector<256x128xbf16> to vector<256x128xf32>
    %mul3A_459 = vector.broadcast %slice3A_452 : vector<256x1xf32> to vector<256x128xf32>
    %mul3A_460 = arith.mulf %mul3A_459, %convert_element_type3A_458 : vector<256x128xf32>
    %add3A_461 = arith.addf %add3A_381, %mul3A_460 : vector<256x128xf32>
    %slice3A_462 = vector.extract_strided_slice %convert_element_type3A_2 {offsets = [0, 47], sizes = [256, 1], strides = [1, 1]} : vector<256x128xf32> to vector<256x1xf32>
    %get3A_463 = arith.constant 0 : index
    %get3A_464 = arith.constant 47 : index
    %get3A_465 = arith.constant 0 : index
    %get3A_466 = vector.load %arg2[%get3A_463, %get3A_464, %get3A_465] : memref<256x128x128xbf16, #tpu.memory_space<vmem>>, vector<256x1x128xbf16>
    %get3A_467 = vector.shape_cast %get3A_466 : vector<256x1x128xbf16> to vector<256x128xbf16>
    %convert_element_type3A_468 = arith.extf %get3A_467 : vector<256x128xbf16> to vector<256x128xf32>
    %mul3A_469 = vector.broadcast %slice3A_462 : vector<256x1xf32> to vector<256x128xf32>
    %mul3A_470 = arith.mulf %mul3A_469, %convert_element_type3A_468 : vector<256x128xf32>
    %add3A_471 = arith.addf %add3A_391, %mul3A_470 : vector<256x128xf32>
    %slice3A_472 = vector.extract_strided_slice %convert_element_type3A_2 {offsets = [0, 48], sizes = [256, 1], strides = [1, 1]} : vector<256x128xf32> to vector<256x1xf32>
    %get3A_473 = arith.constant 0 : index
    %get3A_474 = arith.constant 48 : index
    %get3A_475 = arith.constant 0 : index
    %get3A_476 = vector.load %arg2[%get3A_473, %get3A_474, %get3A_475] : memref<256x128x128xbf16, #tpu.memory_space<vmem>>, vector<256x1x128xbf16>
    %get3A_477 = vector.shape_cast %get3A_476 : vector<256x1x128xbf16> to vector<256x128xbf16>
    %convert_element_type3A_478 = arith.extf %get3A_477 : vector<256x128xbf16> to vector<256x128xf32>
    %mul3A_479 = vector.broadcast %slice3A_472 : vector<256x1xf32> to vector<256x128xf32>
    %mul3A_480 = arith.mulf %mul3A_479, %convert_element_type3A_478 : vector<256x128xf32>
    %add3A_481 = arith.addf %add3A_401, %mul3A_480 : vector<256x128xf32>
    %slice3A_482 = vector.extract_strided_slice %convert_element_type3A_2 {offsets = [0, 49], sizes = [256, 1], strides = [1, 1]} : vector<256x128xf32> to vector<256x1xf32>
    %get3A_483 = arith.constant 0 : index
    %get3A_484 = arith.constant 49 : index
    %get3A_485 = arith.constant 0 : index
    %get3A_486 = vector.load %arg2[%get3A_483, %get3A_484, %get3A_485] : memref<256x128x128xbf16, #tpu.memory_space<vmem>>, vector<256x1x128xbf16>
    %get3A_487 = vector.shape_cast %get3A_486 : vector<256x1x128xbf16> to vector<256x128xbf16>
    %convert_element_type3A_488 = arith.extf %get3A_487 : vector<256x128xbf16> to vector<256x128xf32>
    %mul3A_489 = vector.broadcast %slice3A_482 : vector<256x1xf32> to vector<256x128xf32>
    %mul3A_490 = arith.mulf %mul3A_489, %convert_element_type3A_488 : vector<256x128xf32>
    %add3A_491 = arith.addf %add3A_411, %mul3A_490 : vector<256x128xf32>
    %slice3A_492 = vector.extract_strided_slice %convert_element_type3A_2 {offsets = [0, 50], sizes = [256, 1], strides = [1, 1]} : vector<256x128xf32> to vector<256x1xf32>
    %get3A_493 = arith.constant 0 : index
    %get3A_494 = arith.constant 50 : index
    %get3A_495 = arith.constant 0 : index
    %get3A_496 = vector.load %arg2[%get3A_493, %get3A_494, %get3A_495] : memref<256x128x128xbf16, #tpu.memory_space<vmem>>, vector<256x1x128xbf16>
    %get3A_497 = vector.shape_cast %get3A_496 : vector<256x1x128xbf16> to vector<256x128xbf16>
    %convert_element_type3A_498 = arith.extf %get3A_497 : vector<256x128xbf16> to vector<256x128xf32>
    %mul3A_499 = vector.broadcast %slice3A_492 : vector<256x1xf32> to vector<256x128xf32>
    %mul3A_500 = arith.mulf %mul3A_499, %convert_element_type3A_498 : vector<256x128xf32>
    %add3A_501 = arith.addf %add3A_421, %mul3A_500 : vector<256x128xf32>
    %slice3A_502 = vector.extract_strided_slice %convert_element_type3A_2 {offsets = [0, 51], sizes = [256, 1], strides = [1, 1]} : vector<256x128xf32> to vector<256x1xf32>
    %get3A_503 = arith.constant 0 : index
    %get3A_504 = arith.constant 51 : index
    %get3A_505 = arith.constant 0 : index
    %get3A_506 = vector.load %arg2[%get3A_503, %get3A_504, %get3A_505] : memref<256x128x128xbf16, #tpu.memory_space<vmem>>, vector<256x1x128xbf16>
    %get3A_507 = vector.shape_cast %get3A_506 : vector<256x1x128xbf16> to vector<256x128xbf16>
    %convert_element_type3A_508 = arith.extf %get3A_507 : vector<256x128xbf16> to vector<256x128xf32>
    %mul3A_509 = vector.broadcast %slice3A_502 : vector<256x1xf32> to vector<256x128xf32>
    %mul3A_510 = arith.mulf %mul3A_509, %convert_element_type3A_508 : vector<256x128xf32>
    %add3A_511 = arith.addf %add3A_431, %mul3A_510 : vector<256x128xf32>
    %slice3A_512 = vector.extract_strided_slice %convert_element_type3A_2 {offsets = [0, 52], sizes = [256, 1], strides = [1, 1]} : vector<256x128xf32> to vector<256x1xf32>
    %get3A_513 = arith.constant 0 : index
    %get3A_514 = arith.constant 52 : index
    %get3A_515 = arith.constant 0 : index
    %get3A_516 = vector.load %arg2[%get3A_513, %get3A_514, %get3A_515] : memref<256x128x128xbf16, #tpu.memory_space<vmem>>, vector<256x1x128xbf16>
    %get3A_517 = vector.shape_cast %get3A_516 : vector<256x1x128xbf16> to vector<256x128xbf16>
    %convert_element_type3A_518 = arith.extf %get3A_517 : vector<256x128xbf16> to vector<256x128xf32>
    %mul3A_519 = vector.broadcast %slice3A_512 : vector<256x1xf32> to vector<256x128xf32>
    %mul3A_520 = arith.mulf %mul3A_519, %convert_element_type3A_518 : vector<256x128xf32>
    %add3A_521 = arith.addf %add3A_441, %mul3A_520 : vector<256x128xf32>
    %slice3A_522 = vector.extract_strided_slice %convert_element_type3A_2 {offsets = [0, 53], sizes = [256, 1], strides = [1, 1]} : vector<256x128xf32> to vector<256x1xf32>
    %get3A_523 = arith.constant 0 : index
    %get3A_524 = arith.constant 53 : index
    %get3A_525 = arith.constant 0 : index
    %get3A_526 = vector.load %arg2[%get3A_523, %get3A_524, %get3A_525] : memref<256x128x128xbf16, #tpu.memory_space<vmem>>, vector<256x1x128xbf16>
    %get3A_527 = vector.shape_cast %get3A_526 : vector<256x1x128xbf16> to vector<256x128xbf16>
    %convert_element_type3A_528 = arith.extf %get3A_527 : vector<256x128xbf16> to vector<256x128xf32>
    %mul3A_529 = vector.broadcast %slice3A_522 : vector<256x1xf32> to vector<256x128xf32>
    %mul3A_530 = arith.mulf %mul3A_529, %convert_element_type3A_528 : vector<256x128xf32>
    %add3A_531 = arith.addf %add3A_451, %mul3A_530 : vector<256x128xf32>
    %slice3A_532 = vector.extract_strided_slice %convert_element_type3A_2 {offsets = [0, 54], sizes = [256, 1], strides = [1, 1]} : vector<256x128xf32> to vector<256x1xf32>
    %get3A_533 = arith.constant 0 : index
    %get3A_534 = arith.constant 54 : index
    %get3A_535 = arith.constant 0 : index
    %get3A_536 = vector.load %arg2[%get3A_533, %get3A_534, %get3A_535] : memref<256x128x128xbf16, #tpu.memory_space<vmem>>, vector<256x1x128xbf16>
    %get3A_537 = vector.shape_cast %get3A_536 : vector<256x1x128xbf16> to vector<256x128xbf16>
    %convert_element_type3A_538 = arith.extf %get3A_537 : vector<256x128xbf16> to vector<256x128xf32>
    %mul3A_539 = vector.broadcast %slice3A_532 : vector<256x1xf32> to vector<256x128xf32>
    %mul3A_540 = arith.mulf %mul3A_539, %convert_element_type3A_538 : vector<256x128xf32>
    %add3A_541 = arith.addf %add3A_461, %mul3A_540 : vector<256x128xf32>
    %slice3A_542 = vector.extract_strided_slice %convert_element_type3A_2 {offsets = [0, 55], sizes = [256, 1], strides = [1, 1]} : vector<256x128xf32> to vector<256x1xf32>
    %get3A_543 = arith.constant 0 : index
    %get3A_544 = arith.constant 55 : index
    %get3A_545 = arith.constant 0 : index
    %get3A_546 = vector.load %arg2[%get3A_543, %get3A_544, %get3A_545] : memref<256x128x128xbf16, #tpu.memory_space<vmem>>, vector<256x1x128xbf16>
    %get3A_547 = vector.shape_cast %get3A_546 : vector<256x1x128xbf16> to vector<256x128xbf16>
    %convert_element_type3A_548 = arith.extf %get3A_547 : vector<256x128xbf16> to vector<256x128xf32>
    %mul3A_549 = vector.broadcast %slice3A_542 : vector<256x1xf32> to vector<256x128xf32>
    %mul3A_550 = arith.mulf %mul3A_549, %convert_element_type3A_548 : vector<256x128xf32>
    %add3A_551 = arith.addf %add3A_471, %mul3A_550 : vector<256x128xf32>
    %slice3A_552 = vector.extract_strided_slice %convert_element_type3A_2 {offsets = [0, 56], sizes = [256, 1], strides = [1, 1]} : vector<256x128xf32> to vector<256x1xf32>
    %get3A_553 = arith.constant 0 : index
    %get3A_554 = arith.constant 56 : index
    %get3A_555 = arith.constant 0 : index
    %get3A_556 = vector.load %arg2[%get3A_553, %get3A_554, %get3A_555] : memref<256x128x128xbf16, #tpu.memory_space<vmem>>, vector<256x1x128xbf16>
    %get3A_557 = vector.shape_cast %get3A_556 : vector<256x1x128xbf16> to vector<256x128xbf16>
    %convert_element_type3A_558 = arith.extf %get3A_557 : vector<256x128xbf16> to vector<256x128xf32>
    %mul3A_559 = vector.broadcast %slice3A_552 : vector<256x1xf32> to vector<256x128xf32>
    %mul3A_560 = arith.mulf %mul3A_559, %convert_element_type3A_558 : vector<256x128xf32>
    %add3A_561 = arith.addf %add3A_481, %mul3A_560 : vector<256x128xf32>
    %slice3A_562 = vector.extract_strided_slice %convert_element_type3A_2 {offsets = [0, 57], sizes = [256, 1], strides = [1, 1]} : vector<256x128xf32> to vector<256x1xf32>
    %get3A_563 = arith.constant 0 : index
    %get3A_564 = arith.constant 57 : index
    %get3A_565 = arith.constant 0 : index
    %get3A_566 = vector.load %arg2[%get3A_563, %get3A_564, %get3A_565] : memref<256x128x128xbf16, #tpu.memory_space<vmem>>, vector<256x1x128xbf16>
    %get3A_567 = vector.shape_cast %get3A_566 : vector<256x1x128xbf16> to vector<256x128xbf16>
    %convert_element_type3A_568 = arith.extf %get3A_567 : vector<256x128xbf16> to vector<256x128xf32>
    %mul3A_569 = vector.broadcast %slice3A_562 : vector<256x1xf32> to vector<256x128xf32>
    %mul3A_570 = arith.mulf %mul3A_569, %convert_element_type3A_568 : vector<256x128xf32>
    %add3A_571 = arith.addf %add3A_491, %mul3A_570 : vector<256x128xf32>
    %slice3A_572 = vector.extract_strided_slice %convert_element_type3A_2 {offsets = [0, 58], sizes = [256, 1], strides = [1, 1]} : vector<256x128xf32> to vector<256x1xf32>
    %get3A_573 = arith.constant 0 : index
    %get3A_574 = arith.constant 58 : index
    %get3A_575 = arith.constant 0 : index
    %get3A_576 = vector.load %arg2[%get3A_573, %get3A_574, %get3A_575] : memref<256x128x128xbf16, #tpu.memory_space<vmem>>, vector<256x1x128xbf16>
    %get3A_577 = vector.shape_cast %get3A_576 : vector<256x1x128xbf16> to vector<256x128xbf16>
    %convert_element_type3A_578 = arith.extf %get3A_577 : vector<256x128xbf16> to vector<256x128xf32>
    %mul3A_579 = vector.broadcast %slice3A_572 : vector<256x1xf32> to vector<256x128xf32>
    %mul3A_580 = arith.mulf %mul3A_579, %convert_element_type3A_578 : vector<256x128xf32>
    %add3A_581 = arith.addf %add3A_501, %mul3A_580 : vector<256x128xf32>
    %slice3A_582 = vector.extract_strided_slice %convert_element_type3A_2 {offsets = [0, 59], sizes = [256, 1], strides = [1, 1]} : vector<256x128xf32> to vector<256x1xf32>
    %get3A_583 = arith.constant 0 : index
    %get3A_584 = arith.constant 59 : index
    %get3A_585 = arith.constant 0 : index
    %get3A_586 = vector.load %arg2[%get3A_583, %get3A_584, %get3A_585] : memref<256x128x128xbf16, #tpu.memory_space<vmem>>, vector<256x1x128xbf16>
    %get3A_587 = vector.shape_cast %get3A_586 : vector<256x1x128xbf16> to vector<256x128xbf16>
    %convert_element_type3A_588 = arith.extf %get3A_587 : vector<256x128xbf16> to vector<256x128xf32>
    %mul3A_589 = vector.broadcast %slice3A_582 : vector<256x1xf32> to vector<256x128xf32>
    %mul3A_590 = arith.mulf %mul3A_589, %convert_element_type3A_588 : vector<256x128xf32>
    %add3A_591 = arith.addf %add3A_511, %mul3A_590 : vector<256x128xf32>
    %slice3A_592 = vector.extract_strided_slice %convert_element_type3A_2 {offsets = [0, 60], sizes = [256, 1], strides = [1, 1]} : vector<256x128xf32> to vector<256x1xf32>
    %get3A_593 = arith.constant 0 : index
    %get3A_594 = arith.constant 60 : index
    %get3A_595 = arith.constant 0 : index
    %get3A_596 = vector.load %arg2[%get3A_593, %get3A_594, %get3A_595] : memref<256x128x128xbf16, #tpu.memory_space<vmem>>, vector<256x1x128xbf16>
    %get3A_597 = vector.shape_cast %get3A_596 : vector<256x1x128xbf16> to vector<256x128xbf16>
    %convert_element_type3A_598 = arith.extf %get3A_597 : vector<256x128xbf16> to vector<256x128xf32>
    %mul3A_599 = vector.broadcast %slice3A_592 : vector<256x1xf32> to vector<256x128xf32>
    %mul3A_600 = arith.mulf %mul3A_599, %convert_element_type3A_598 : vector<256x128xf32>
    %add3A_601 = arith.addf %add3A_521, %mul3A_600 : vector<256x128xf32>
    %slice3A_602 = vector.extract_strided_slice %convert_element_type3A_2 {offsets = [0, 61], sizes = [256, 1], strides = [1, 1]} : vector<256x128xf32> to vector<256x1xf32>
    %get3A_603 = arith.constant 0 : index
    %get3A_604 = arith.constant 61 : index
    %get3A_605 = arith.constant 0 : index
    %get3A_606 = vector.load %arg2[%get3A_603, %get3A_604, %get3A_605] : memref<256x128x128xbf16, #tpu.memory_space<vmem>>, vector<256x1x128xbf16>
    %get3A_607 = vector.shape_cast %get3A_606 : vector<256x1x128xbf16> to vector<256x128xbf16>
    %convert_element_type3A_608 = arith.extf %get3A_607 : vector<256x128xbf16> to vector<256x128xf32>
    %mul3A_609 = vector.broadcast %slice3A_602 : vector<256x1xf32> to vector<256x128xf32>
    %mul3A_610 = arith.mulf %mul3A_609, %convert_element_type3A_608 : vector<256x128xf32>
    %add3A_611 = arith.addf %add3A_531, %mul3A_610 : vector<256x128xf32>
    %slice3A_612 = vector.extract_strided_slice %convert_element_type3A_2 {offsets = [0, 62], sizes = [256, 1], strides = [1, 1]} : vector<256x128xf32> to vector<256x1xf32>
    %get3A_613 = arith.constant 0 : index
    %get3A_614 = arith.constant 62 : index
    %get3A_615 = arith.constant 0 : index
    %get3A_616 = vector.load %arg2[%get3A_613, %get3A_614, %get3A_615] : memref<256x128x128xbf16, #tpu.memory_space<vmem>>, vector<256x1x128xbf16>
    %get3A_617 = vector.shape_cast %get3A_616 : vector<256x1x128xbf16> to vector<256x128xbf16>
    %convert_element_type3A_618 = arith.extf %get3A_617 : vector<256x128xbf16> to vector<256x128xf32>
    %mul3A_619 = vector.broadcast %slice3A_612 : vector<256x1xf32> to vector<256x128xf32>
    %mul3A_620 = arith.mulf %mul3A_619, %convert_element_type3A_618 : vector<256x128xf32>
    %add3A_621 = arith.addf %add3A_541, %mul3A_620 : vector<256x128xf32>
    %slice3A_622 = vector.extract_strided_slice %convert_element_type3A_2 {offsets = [0, 63], sizes = [256, 1], strides = [1, 1]} : vector<256x128xf32> to vector<256x1xf32>
    %get3A_623 = arith.constant 0 : index
    %get3A_624 = arith.constant 63 : index
    %get3A_625 = arith.constant 0 : index
    %get3A_626 = vector.load %arg2[%get3A_623, %get3A_624, %get3A_625] : memref<256x128x128xbf16, #tpu.memory_space<vmem>>, vector<256x1x128xbf16>
    %get3A_627 = vector.shape_cast %get3A_626 : vector<256x1x128xbf16> to vector<256x128xbf16>
    %convert_element_type3A_628 = arith.extf %get3A_627 : vector<256x128xbf16> to vector<256x128xf32>
    %mul3A_629 = vector.broadcast %slice3A_622 : vector<256x1xf32> to vector<256x128xf32>
    %mul3A_630 = arith.mulf %mul3A_629, %convert_element_type3A_628 : vector<256x128xf32>
    %add3A_631 = arith.addf %add3A_551, %mul3A_630 : vector<256x128xf32>
    %slice3A_632 = vector.extract_strided_slice %convert_element_type3A_2 {offsets = [0, 64], sizes = [256, 1], strides = [1, 1]} : vector<256x128xf32> to vector<256x1xf32>
    %get3A_633 = arith.constant 0 : index
    %get3A_634 = arith.constant 64 : index
    %get3A_635 = arith.constant 0 : index
    %get3A_636 = vector.load %arg2[%get3A_633, %get3A_634, %get3A_635] : memref<256x128x128xbf16, #tpu.memory_space<vmem>>, vector<256x1x128xbf16>
    %get3A_637 = vector.shape_cast %get3A_636 : vector<256x1x128xbf16> to vector<256x128xbf16>
    %convert_element_type3A_638 = arith.extf %get3A_637 : vector<256x128xbf16> to vector<256x128xf32>
    %mul3A_639 = vector.broadcast %slice3A_632 : vector<256x1xf32> to vector<256x128xf32>
    %mul3A_640 = arith.mulf %mul3A_639, %convert_element_type3A_638 : vector<256x128xf32>
    %add3A_641 = arith.addf %add3A_561, %mul3A_640 : vector<256x128xf32>
    %slice3A_642 = vector.extract_strided_slice %convert_element_type3A_2 {offsets = [0, 65], sizes = [256, 1], strides = [1, 1]} : vector<256x128xf32> to vector<256x1xf32>
    %get3A_643 = arith.constant 0 : index
    %get3A_644 = arith.constant 65 : index
    %get3A_645 = arith.constant 0 : index
    %get3A_646 = vector.load %arg2[%get3A_643, %get3A_644, %get3A_645] : memref<256x128x128xbf16, #tpu.memory_space<vmem>>, vector<256x1x128xbf16>
    %get3A_647 = vector.shape_cast %get3A_646 : vector<256x1x128xbf16> to vector<256x128xbf16>
    %convert_element_type3A_648 = arith.extf %get3A_647 : vector<256x128xbf16> to vector<256x128xf32>
    %mul3A_649 = vector.broadcast %slice3A_642 : vector<256x1xf32> to vector<256x128xf32>
    %mul3A_650 = arith.mulf %mul3A_649, %convert_element_type3A_648 : vector<256x128xf32>
    %add3A_651 = arith.addf %add3A_571, %mul3A_650 : vector<256x128xf32>
    %slice3A_652 = vector.extract_strided_slice %convert_element_type3A_2 {offsets = [0, 66], sizes = [256, 1], strides = [1, 1]} : vector<256x128xf32> to vector<256x1xf32>
    %get3A_653 = arith.constant 0 : index
    %get3A_654 = arith.constant 66 : index
    %get3A_655 = arith.constant 0 : index
    %get3A_656 = vector.load %arg2[%get3A_653, %get3A_654, %get3A_655] : memref<256x128x128xbf16, #tpu.memory_space<vmem>>, vector<256x1x128xbf16>
    %get3A_657 = vector.shape_cast %get3A_656 : vector<256x1x128xbf16> to vector<256x128xbf16>
    %convert_element_type3A_658 = arith.extf %get3A_657 : vector<256x128xbf16> to vector<256x128xf32>
    %mul3A_659 = vector.broadcast %slice3A_652 : vector<256x1xf32> to vector<256x128xf32>
    %mul3A_660 = arith.mulf %mul3A_659, %convert_element_type3A_658 : vector<256x128xf32>
    %add3A_661 = arith.addf %add3A_581, %mul3A_660 : vector<256x128xf32>
    %slice3A_662 = vector.extract_strided_slice %convert_element_type3A_2 {offsets = [0, 67], sizes = [256, 1], strides = [1, 1]} : vector<256x128xf32> to vector<256x1xf32>
    %get3A_663 = arith.constant 0 : index
    %get3A_664 = arith.constant 67 : index
    %get3A_665 = arith.constant 0 : index
    %get3A_666 = vector.load %arg2[%get3A_663, %get3A_664, %get3A_665] : memref<256x128x128xbf16, #tpu.memory_space<vmem>>, vector<256x1x128xbf16>
    %get3A_667 = vector.shape_cast %get3A_666 : vector<256x1x128xbf16> to vector<256x128xbf16>
    %convert_element_type3A_668 = arith.extf %get3A_667 : vector<256x128xbf16> to vector<256x128xf32>
    %mul3A_669 = vector.broadcast %slice3A_662 : vector<256x1xf32> to vector<256x128xf32>
    %mul3A_670 = arith.mulf %mul3A_669, %convert_element_type3A_668 : vector<256x128xf32>
    %add3A_671 = arith.addf %add3A_591, %mul3A_670 : vector<256x128xf32>
    %slice3A_672 = vector.extract_strided_slice %convert_element_type3A_2 {offsets = [0, 68], sizes = [256, 1], strides = [1, 1]} : vector<256x128xf32> to vector<256x1xf32>
    %get3A_673 = arith.constant 0 : index
    %get3A_674 = arith.constant 68 : index
    %get3A_675 = arith.constant 0 : index
    %get3A_676 = vector.load %arg2[%get3A_673, %get3A_674, %get3A_675] : memref<256x128x128xbf16, #tpu.memory_space<vmem>>, vector<256x1x128xbf16>
    %get3A_677 = vector.shape_cast %get3A_676 : vector<256x1x128xbf16> to vector<256x128xbf16>
    %convert_element_type3A_678 = arith.extf %get3A_677 : vector<256x128xbf16> to vector<256x128xf32>
    %mul3A_679 = vector.broadcast %slice3A_672 : vector<256x1xf32> to vector<256x128xf32>
    %mul3A_680 = arith.mulf %mul3A_679, %convert_element_type3A_678 : vector<256x128xf32>
    %add3A_681 = arith.addf %add3A_601, %mul3A_680 : vector<256x128xf32>
    %slice3A_682 = vector.extract_strided_slice %convert_element_type3A_2 {offsets = [0, 69], sizes = [256, 1], strides = [1, 1]} : vector<256x128xf32> to vector<256x1xf32>
    %get3A_683 = arith.constant 0 : index
    %get3A_684 = arith.constant 69 : index
    %get3A_685 = arith.constant 0 : index
    %get3A_686 = vector.load %arg2[%get3A_683, %get3A_684, %get3A_685] : memref<256x128x128xbf16, #tpu.memory_space<vmem>>, vector<256x1x128xbf16>
    %get3A_687 = vector.shape_cast %get3A_686 : vector<256x1x128xbf16> to vector<256x128xbf16>
    %convert_element_type3A_688 = arith.extf %get3A_687 : vector<256x128xbf16> to vector<256x128xf32>
    %mul3A_689 = vector.broadcast %slice3A_682 : vector<256x1xf32> to vector<256x128xf32>
    %mul3A_690 = arith.mulf %mul3A_689, %convert_element_type3A_688 : vector<256x128xf32>
    %add3A_691 = arith.addf %add3A_611, %mul3A_690 : vector<256x128xf32>
    %slice3A_692 = vector.extract_strided_slice %convert_element_type3A_2 {offsets = [0, 70], sizes = [256, 1], strides = [1, 1]} : vector<256x128xf32> to vector<256x1xf32>
    %get3A_693 = arith.constant 0 : index
    %get3A_694 = arith.constant 70 : index
    %get3A_695 = arith.constant 0 : index
    %get3A_696 = vector.load %arg2[%get3A_693, %get3A_694, %get3A_695] : memref<256x128x128xbf16, #tpu.memory_space<vmem>>, vector<256x1x128xbf16>
    %get3A_697 = vector.shape_cast %get3A_696 : vector<256x1x128xbf16> to vector<256x128xbf16>
    %convert_element_type3A_698 = arith.extf %get3A_697 : vector<256x128xbf16> to vector<256x128xf32>
    %mul3A_699 = vector.broadcast %slice3A_692 : vector<256x1xf32> to vector<256x128xf32>
    %mul3A_700 = arith.mulf %mul3A_699, %convert_element_type3A_698 : vector<256x128xf32>
    %add3A_701 = arith.addf %add3A_621, %mul3A_700 : vector<256x128xf32>
    %slice3A_702 = vector.extract_strided_slice %convert_element_type3A_2 {offsets = [0, 71], sizes = [256, 1], strides = [1, 1]} : vector<256x128xf32> to vector<256x1xf32>
    %get3A_703 = arith.constant 0 : index
    %get3A_704 = arith.constant 71 : index
    %get3A_705 = arith.constant 0 : index
    %get3A_706 = vector.load %arg2[%get3A_703, %get3A_704, %get3A_705] : memref<256x128x128xbf16, #tpu.memory_space<vmem>>, vector<256x1x128xbf16>
    %get3A_707 = vector.shape_cast %get3A_706 : vector<256x1x128xbf16> to vector<256x128xbf16>
    %convert_element_type3A_708 = arith.extf %get3A_707 : vector<256x128xbf16> to vector<256x128xf32>
    %mul3A_709 = vector.broadcast %slice3A_702 : vector<256x1xf32> to vector<256x128xf32>
    %mul3A_710 = arith.mulf %mul3A_709, %convert_element_type3A_708 : vector<256x128xf32>
    %add3A_711 = arith.addf %add3A_631, %mul3A_710 : vector<256x128xf32>
    %slice3A_712 = vector.extract_strided_slice %convert_element_type3A_2 {offsets = [0, 72], sizes = [256, 1], strides = [1, 1]} : vector<256x128xf32> to vector<256x1xf32>
    %get3A_713 = arith.constant 0 : index
    %get3A_714 = arith.constant 72 : index
    %get3A_715 = arith.constant 0 : index
    %get3A_716 = vector.load %arg2[%get3A_713, %get3A_714, %get3A_715] : memref<256x128x128xbf16, #tpu.memory_space<vmem>>, vector<256x1x128xbf16>
    %get3A_717 = vector.shape_cast %get3A_716 : vector<256x1x128xbf16> to vector<256x128xbf16>
    %convert_element_type3A_718 = arith.extf %get3A_717 : vector<256x128xbf16> to vector<256x128xf32>
    %mul3A_719 = vector.broadcast %slice3A_712 : vector<256x1xf32> to vector<256x128xf32>
    %mul3A_720 = arith.mulf %mul3A_719, %convert_element_type3A_718 : vector<256x128xf32>
    %add3A_721 = arith.addf %add3A_641, %mul3A_720 : vector<256x128xf32>
    %slice3A_722 = vector.extract_strided_slice %convert_element_type3A_2 {offsets = [0, 73], sizes = [256, 1], strides = [1, 1]} : vector<256x128xf32> to vector<256x1xf32>
    %get3A_723 = arith.constant 0 : index
    %get3A_724 = arith.constant 73 : index
    %get3A_725 = arith.constant 0 : index
    %get3A_726 = vector.load %arg2[%get3A_723, %get3A_724, %get3A_725] : memref<256x128x128xbf16, #tpu.memory_space<vmem>>, vector<256x1x128xbf16>
    %get3A_727 = vector.shape_cast %get3A_726 : vector<256x1x128xbf16> to vector<256x128xbf16>
    %convert_element_type3A_728 = arith.extf %get3A_727 : vector<256x128xbf16> to vector<256x128xf32>
    %mul3A_729 = vector.broadcast %slice3A_722 : vector<256x1xf32> to vector<256x128xf32>
    %mul3A_730 = arith.mulf %mul3A_729, %convert_element_type3A_728 : vector<256x128xf32>
    %add3A_731 = arith.addf %add3A_651, %mul3A_730 : vector<256x128xf32>
    %slice3A_732 = vector.extract_strided_slice %convert_element_type3A_2 {offsets = [0, 74], sizes = [256, 1], strides = [1, 1]} : vector<256x128xf32> to vector<256x1xf32>
    %get3A_733 = arith.constant 0 : index
    %get3A_734 = arith.constant 74 : index
    %get3A_735 = arith.constant 0 : index
    %get3A_736 = vector.load %arg2[%get3A_733, %get3A_734, %get3A_735] : memref<256x128x128xbf16, #tpu.memory_space<vmem>>, vector<256x1x128xbf16>
    %get3A_737 = vector.shape_cast %get3A_736 : vector<256x1x128xbf16> to vector<256x128xbf16>
    %convert_element_type3A_738 = arith.extf %get3A_737 : vector<256x128xbf16> to vector<256x128xf32>
    %mul3A_739 = vector.broadcast %slice3A_732 : vector<256x1xf32> to vector<256x128xf32>
    %mul3A_740 = arith.mulf %mul3A_739, %convert_element_type3A_738 : vector<256x128xf32>
    %add3A_741 = arith.addf %add3A_661, %mul3A_740 : vector<256x128xf32>
    %slice3A_742 = vector.extract_strided_slice %convert_element_type3A_2 {offsets = [0, 75], sizes = [256, 1], strides = [1, 1]} : vector<256x128xf32> to vector<256x1xf32>
    %get3A_743 = arith.constant 0 : index
    %get3A_744 = arith.constant 75 : index
    %get3A_745 = arith.constant 0 : index
    %get3A_746 = vector.load %arg2[%get3A_743, %get3A_744, %get3A_745] : memref<256x128x128xbf16, #tpu.memory_space<vmem>>, vector<256x1x128xbf16>
    %get3A_747 = vector.shape_cast %get3A_746 : vector<256x1x128xbf16> to vector<256x128xbf16>
    %convert_element_type3A_748 = arith.extf %get3A_747 : vector<256x128xbf16> to vector<256x128xf32>
    %mul3A_749 = vector.broadcast %slice3A_742 : vector<256x1xf32> to vector<256x128xf32>
    %mul3A_750 = arith.mulf %mul3A_749, %convert_element_type3A_748 : vector<256x128xf32>
    %add3A_751 = arith.addf %add3A_671, %mul3A_750 : vector<256x128xf32>
    %slice3A_752 = vector.extract_strided_slice %convert_element_type3A_2 {offsets = [0, 76], sizes = [256, 1], strides = [1, 1]} : vector<256x128xf32> to vector<256x1xf32>
    %get3A_753 = arith.constant 0 : index
    %get3A_754 = arith.constant 76 : index
    %get3A_755 = arith.constant 0 : index
    %get3A_756 = vector.load %arg2[%get3A_753, %get3A_754, %get3A_755] : memref<256x128x128xbf16, #tpu.memory_space<vmem>>, vector<256x1x128xbf16>
    %get3A_757 = vector.shape_cast %get3A_756 : vector<256x1x128xbf16> to vector<256x128xbf16>
    %convert_element_type3A_758 = arith.extf %get3A_757 : vector<256x128xbf16> to vector<256x128xf32>
    %mul3A_759 = vector.broadcast %slice3A_752 : vector<256x1xf32> to vector<256x128xf32>
    %mul3A_760 = arith.mulf %mul3A_759, %convert_element_type3A_758 : vector<256x128xf32>
    %add3A_761 = arith.addf %add3A_681, %mul3A_760 : vector<256x128xf32>
    %slice3A_762 = vector.extract_strided_slice %convert_element_type3A_2 {offsets = [0, 77], sizes = [256, 1], strides = [1, 1]} : vector<256x128xf32> to vector<256x1xf32>
    %get3A_763 = arith.constant 0 : index
    %get3A_764 = arith.constant 77 : index
    %get3A_765 = arith.constant 0 : index
    %get3A_766 = vector.load %arg2[%get3A_763, %get3A_764, %get3A_765] : memref<256x128x128xbf16, #tpu.memory_space<vmem>>, vector<256x1x128xbf16>
    %get3A_767 = vector.shape_cast %get3A_766 : vector<256x1x128xbf16> to vector<256x128xbf16>
    %convert_element_type3A_768 = arith.extf %get3A_767 : vector<256x128xbf16> to vector<256x128xf32>
    %mul3A_769 = vector.broadcast %slice3A_762 : vector<256x1xf32> to vector<256x128xf32>
    %mul3A_770 = arith.mulf %mul3A_769, %convert_element_type3A_768 : vector<256x128xf32>
    %add3A_771 = arith.addf %add3A_691, %mul3A_770 : vector<256x128xf32>
    %slice3A_772 = vector.extract_strided_slice %convert_element_type3A_2 {offsets = [0, 78], sizes = [256, 1], strides = [1, 1]} : vector<256x128xf32> to vector<256x1xf32>
    %get3A_773 = arith.constant 0 : index
    %get3A_774 = arith.constant 78 : index
    %get3A_775 = arith.constant 0 : index
    %get3A_776 = vector.load %arg2[%get3A_773, %get3A_774, %get3A_775] : memref<256x128x128xbf16, #tpu.memory_space<vmem>>, vector<256x1x128xbf16>
    %get3A_777 = vector.shape_cast %get3A_776 : vector<256x1x128xbf16> to vector<256x128xbf16>
    %convert_element_type3A_778 = arith.extf %get3A_777 : vector<256x128xbf16> to vector<256x128xf32>
    %mul3A_779 = vector.broadcast %slice3A_772 : vector<256x1xf32> to vector<256x128xf32>
    %mul3A_780 = arith.mulf %mul3A_779, %convert_element_type3A_778 : vector<256x128xf32>
    %add3A_781 = arith.addf %add3A_701, %mul3A_780 : vector<256x128xf32>
    %slice3A_782 = vector.extract_strided_slice %convert_element_type3A_2 {offsets = [0, 79], sizes = [256, 1], strides = [1, 1]} : vector<256x128xf32> to vector<256x1xf32>
    %get3A_783 = arith.constant 0 : index
    %get3A_784 = arith.constant 79 : index
    %get3A_785 = arith.constant 0 : index
    %get3A_786 = vector.load %arg2[%get3A_783, %get3A_784, %get3A_785] : memref<256x128x128xbf16, #tpu.memory_space<vmem>>, vector<256x1x128xbf16>
    %get3A_787 = vector.shape_cast %get3A_786 : vector<256x1x128xbf16> to vector<256x128xbf16>
    %convert_element_type3A_788 = arith.extf %get3A_787 : vector<256x128xbf16> to vector<256x128xf32>
    %mul3A_789 = vector.broadcast %slice3A_782 : vector<256x1xf32> to vector<256x128xf32>
    %mul3A_790 = arith.mulf %mul3A_789, %convert_element_type3A_788 : vector<256x128xf32>
    %add3A_791 = arith.addf %add3A_711, %mul3A_790 : vector<256x128xf32>
    %slice3A_792 = vector.extract_strided_slice %convert_element_type3A_2 {offsets = [0, 80], sizes = [256, 1], strides = [1, 1]} : vector<256x128xf32> to vector<256x1xf32>
    %get3A_793 = arith.constant 0 : index
    %get3A_794 = arith.constant 80 : index
    %get3A_795 = arith.constant 0 : index
    %get3A_796 = vector.load %arg2[%get3A_793, %get3A_794, %get3A_795] : memref<256x128x128xbf16, #tpu.memory_space<vmem>>, vector<256x1x128xbf16>
    %get3A_797 = vector.shape_cast %get3A_796 : vector<256x1x128xbf16> to vector<256x128xbf16>
    %convert_element_type3A_798 = arith.extf %get3A_797 : vector<256x128xbf16> to vector<256x128xf32>
    %mul3A_799 = vector.broadcast %slice3A_792 : vector<256x1xf32> to vector<256x128xf32>
    %mul3A_800 = arith.mulf %mul3A_799, %convert_element_type3A_798 : vector<256x128xf32>
    %add3A_801 = arith.addf %add3A_721, %mul3A_800 : vector<256x128xf32>
    %slice3A_802 = vector.extract_strided_slice %convert_element_type3A_2 {offsets = [0, 81], sizes = [256, 1], strides = [1, 1]} : vector<256x128xf32> to vector<256x1xf32>
    %get3A_803 = arith.constant 0 : index
    %get3A_804 = arith.constant 81 : index
    %get3A_805 = arith.constant 0 : index
    %get3A_806 = vector.load %arg2[%get3A_803, %get3A_804, %get3A_805] : memref<256x128x128xbf16, #tpu.memory_space<vmem>>, vector<256x1x128xbf16>
    %get3A_807 = vector.shape_cast %get3A_806 : vector<256x1x128xbf16> to vector<256x128xbf16>
    %convert_element_type3A_808 = arith.extf %get3A_807 : vector<256x128xbf16> to vector<256x128xf32>
    %mul3A_809 = vector.broadcast %slice3A_802 : vector<256x1xf32> to vector<256x128xf32>
    %mul3A_810 = arith.mulf %mul3A_809, %convert_element_type3A_808 : vector<256x128xf32>
    %add3A_811 = arith.addf %add3A_731, %mul3A_810 : vector<256x128xf32>
    %slice3A_812 = vector.extract_strided_slice %convert_element_type3A_2 {offsets = [0, 82], sizes = [256, 1], strides = [1, 1]} : vector<256x128xf32> to vector<256x1xf32>
    %get3A_813 = arith.constant 0 : index
    %get3A_814 = arith.constant 82 : index
    %get3A_815 = arith.constant 0 : index
    %get3A_816 = vector.load %arg2[%get3A_813, %get3A_814, %get3A_815] : memref<256x128x128xbf16, #tpu.memory_space<vmem>>, vector<256x1x128xbf16>
    %get3A_817 = vector.shape_cast %get3A_816 : vector<256x1x128xbf16> to vector<256x128xbf16>
    %convert_element_type3A_818 = arith.extf %get3A_817 : vector<256x128xbf16> to vector<256x128xf32>
    %mul3A_819 = vector.broadcast %slice3A_812 : vector<256x1xf32> to vector<256x128xf32>
    %mul3A_820 = arith.mulf %mul3A_819, %convert_element_type3A_818 : vector<256x128xf32>
    %add3A_821 = arith.addf %add3A_741, %mul3A_820 : vector<256x128xf32>
    %slice3A_822 = vector.extract_strided_slice %convert_element_type3A_2 {offsets = [0, 83], sizes = [256, 1], strides = [1, 1]} : vector<256x128xf32> to vector<256x1xf32>
    %get3A_823 = arith.constant 0 : index
    %get3A_824 = arith.constant 83 : index
    %get3A_825 = arith.constant 0 : index
    %get3A_826 = vector.load %arg2[%get3A_823, %get3A_824, %get3A_825] : memref<256x128x128xbf16, #tpu.memory_space<vmem>>, vector<256x1x128xbf16>
    %get3A_827 = vector.shape_cast %get3A_826 : vector<256x1x128xbf16> to vector<256x128xbf16>
    %convert_element_type3A_828 = arith.extf %get3A_827 : vector<256x128xbf16> to vector<256x128xf32>
    %mul3A_829 = vector.broadcast %slice3A_822 : vector<256x1xf32> to vector<256x128xf32>
    %mul3A_830 = arith.mulf %mul3A_829, %convert_element_type3A_828 : vector<256x128xf32>
    %add3A_831 = arith.addf %add3A_751, %mul3A_830 : vector<256x128xf32>
    %slice3A_832 = vector.extract_strided_slice %convert_element_type3A_2 {offsets = [0, 84], sizes = [256, 1], strides = [1, 1]} : vector<256x128xf32> to vector<256x1xf32>
    %get3A_833 = arith.constant 0 : index
    %get3A_834 = arith.constant 84 : index
    %get3A_835 = arith.constant 0 : index
    %get3A_836 = vector.load %arg2[%get3A_833, %get3A_834, %get3A_835] : memref<256x128x128xbf16, #tpu.memory_space<vmem>>, vector<256x1x128xbf16>
    %get3A_837 = vector.shape_cast %get3A_836 : vector<256x1x128xbf16> to vector<256x128xbf16>
    %convert_element_type3A_838 = arith.extf %get3A_837 : vector<256x128xbf16> to vector<256x128xf32>
    %mul3A_839 = vector.broadcast %slice3A_832 : vector<256x1xf32> to vector<256x128xf32>
    %mul3A_840 = arith.mulf %mul3A_839, %convert_element_type3A_838 : vector<256x128xf32>
    %add3A_841 = arith.addf %add3A_761, %mul3A_840 : vector<256x128xf32>
    %slice3A_842 = vector.extract_strided_slice %convert_element_type3A_2 {offsets = [0, 85], sizes = [256, 1], strides = [1, 1]} : vector<256x128xf32> to vector<256x1xf32>
    %get3A_843 = arith.constant 0 : index
    %get3A_844 = arith.constant 85 : index
    %get3A_845 = arith.constant 0 : index
    %get3A_846 = vector.load %arg2[%get3A_843, %get3A_844, %get3A_845] : memref<256x128x128xbf16, #tpu.memory_space<vmem>>, vector<256x1x128xbf16>
    %get3A_847 = vector.shape_cast %get3A_846 : vector<256x1x128xbf16> to vector<256x128xbf16>
    %convert_element_type3A_848 = arith.extf %get3A_847 : vector<256x128xbf16> to vector<256x128xf32>
    %mul3A_849 = vector.broadcast %slice3A_842 : vector<256x1xf32> to vector<256x128xf32>
    %mul3A_850 = arith.mulf %mul3A_849, %convert_element_type3A_848 : vector<256x128xf32>
    %add3A_851 = arith.addf %add3A_771, %mul3A_850 : vector<256x128xf32>
    %slice3A_852 = vector.extract_strided_slice %convert_element_type3A_2 {offsets = [0, 86], sizes = [256, 1], strides = [1, 1]} : vector<256x128xf32> to vector<256x1xf32>
    %get3A_853 = arith.constant 0 : index
    %get3A_854 = arith.constant 86 : index
    %get3A_855 = arith.constant 0 : index
    %get3A_856 = vector.load %arg2[%get3A_853, %get3A_854, %get3A_855] : memref<256x128x128xbf16, #tpu.memory_space<vmem>>, vector<256x1x128xbf16>
    %get3A_857 = vector.shape_cast %get3A_856 : vector<256x1x128xbf16> to vector<256x128xbf16>
    %convert_element_type3A_858 = arith.extf %get3A_857 : vector<256x128xbf16> to vector<256x128xf32>
    %mul3A_859 = vector.broadcast %slice3A_852 : vector<256x1xf32> to vector<256x128xf32>
    %mul3A_860 = arith.mulf %mul3A_859, %convert_element_type3A_858 : vector<256x128xf32>
    %add3A_861 = arith.addf %add3A_781, %mul3A_860 : vector<256x128xf32>
    %slice3A_862 = vector.extract_strided_slice %convert_element_type3A_2 {offsets = [0, 87], sizes = [256, 1], strides = [1, 1]} : vector<256x128xf32> to vector<256x1xf32>
    %get3A_863 = arith.constant 0 : index
    %get3A_864 = arith.constant 87 : index
    %get3A_865 = arith.constant 0 : index
    %get3A_866 = vector.load %arg2[%get3A_863, %get3A_864, %get3A_865] : memref<256x128x128xbf16, #tpu.memory_space<vmem>>, vector<256x1x128xbf16>
    %get3A_867 = vector.shape_cast %get3A_866 : vector<256x1x128xbf16> to vector<256x128xbf16>
    %convert_element_type3A_868 = arith.extf %get3A_867 : vector<256x128xbf16> to vector<256x128xf32>
    %mul3A_869 = vector.broadcast %slice3A_862 : vector<256x1xf32> to vector<256x128xf32>
    %mul3A_870 = arith.mulf %mul3A_869, %convert_element_type3A_868 : vector<256x128xf32>
    %add3A_871 = arith.addf %add3A_791, %mul3A_870 : vector<256x128xf32>
    %slice3A_872 = vector.extract_strided_slice %convert_element_type3A_2 {offsets = [0, 88], sizes = [256, 1], strides = [1, 1]} : vector<256x128xf32> to vector<256x1xf32>
    %get3A_873 = arith.constant 0 : index
    %get3A_874 = arith.constant 88 : index
    %get3A_875 = arith.constant 0 : index
    %get3A_876 = vector.load %arg2[%get3A_873, %get3A_874, %get3A_875] : memref<256x128x128xbf16, #tpu.memory_space<vmem>>, vector<256x1x128xbf16>
    %get3A_877 = vector.shape_cast %get3A_876 : vector<256x1x128xbf16> to vector<256x128xbf16>
    %convert_element_type3A_878 = arith.extf %get3A_877 : vector<256x128xbf16> to vector<256x128xf32>
    %mul3A_879 = vector.broadcast %slice3A_872 : vector<256x1xf32> to vector<256x128xf32>
    %mul3A_880 = arith.mulf %mul3A_879, %convert_element_type3A_878 : vector<256x128xf32>
    %add3A_881 = arith.addf %add3A_801, %mul3A_880 : vector<256x128xf32>
    %slice3A_882 = vector.extract_strided_slice %convert_element_type3A_2 {offsets = [0, 89], sizes = [256, 1], strides = [1, 1]} : vector<256x128xf32> to vector<256x1xf32>
    %get3A_883 = arith.constant 0 : index
    %get3A_884 = arith.constant 89 : index
    %get3A_885 = arith.constant 0 : index
    %get3A_886 = vector.load %arg2[%get3A_883, %get3A_884, %get3A_885] : memref<256x128x128xbf16, #tpu.memory_space<vmem>>, vector<256x1x128xbf16>
    %get3A_887 = vector.shape_cast %get3A_886 : vector<256x1x128xbf16> to vector<256x128xbf16>
    %convert_element_type3A_888 = arith.extf %get3A_887 : vector<256x128xbf16> to vector<256x128xf32>
    %mul3A_889 = vector.broadcast %slice3A_882 : vector<256x1xf32> to vector<256x128xf32>
    %mul3A_890 = arith.mulf %mul3A_889, %convert_element_type3A_888 : vector<256x128xf32>
    %add3A_891 = arith.addf %add3A_811, %mul3A_890 : vector<256x128xf32>
    %slice3A_892 = vector.extract_strided_slice %convert_element_type3A_2 {offsets = [0, 90], sizes = [256, 1], strides = [1, 1]} : vector<256x128xf32> to vector<256x1xf32>
    %get3A_893 = arith.constant 0 : index
    %get3A_894 = arith.constant 90 : index
    %get3A_895 = arith.constant 0 : index
    %get3A_896 = vector.load %arg2[%get3A_893, %get3A_894, %get3A_895] : memref<256x128x128xbf16, #tpu.memory_space<vmem>>, vector<256x1x128xbf16>
    %get3A_897 = vector.shape_cast %get3A_896 : vector<256x1x128xbf16> to vector<256x128xbf16>
    %convert_element_type3A_898 = arith.extf %get3A_897 : vector<256x128xbf16> to vector<256x128xf32>
    %mul3A_899 = vector.broadcast %slice3A_892 : vector<256x1xf32> to vector<256x128xf32>
    %mul3A_900 = arith.mulf %mul3A_899, %convert_element_type3A_898 : vector<256x128xf32>
    %add3A_901 = arith.addf %add3A_821, %mul3A_900 : vector<256x128xf32>
    %slice3A_902 = vector.extract_strided_slice %convert_element_type3A_2 {offsets = [0, 91], sizes = [256, 1], strides = [1, 1]} : vector<256x128xf32> to vector<256x1xf32>
    %get3A_903 = arith.constant 0 : index
    %get3A_904 = arith.constant 91 : index
    %get3A_905 = arith.constant 0 : index
    %get3A_906 = vector.load %arg2[%get3A_903, %get3A_904, %get3A_905] : memref<256x128x128xbf16, #tpu.memory_space<vmem>>, vector<256x1x128xbf16>
    %get3A_907 = vector.shape_cast %get3A_906 : vector<256x1x128xbf16> to vector<256x128xbf16>
    %convert_element_type3A_908 = arith.extf %get3A_907 : vector<256x128xbf16> to vector<256x128xf32>
    %mul3A_909 = vector.broadcast %slice3A_902 : vector<256x1xf32> to vector<256x128xf32>
    %mul3A_910 = arith.mulf %mul3A_909, %convert_element_type3A_908 : vector<256x128xf32>
    %add3A_911 = arith.addf %add3A_831, %mul3A_910 : vector<256x128xf32>
    %slice3A_912 = vector.extract_strided_slice %convert_element_type3A_2 {offsets = [0, 92], sizes = [256, 1], strides = [1, 1]} : vector<256x128xf32> to vector<256x1xf32>
    %get3A_913 = arith.constant 0 : index
    %get3A_914 = arith.constant 92 : index
    %get3A_915 = arith.constant 0 : index
    %get3A_916 = vector.load %arg2[%get3A_913, %get3A_914, %get3A_915] : memref<256x128x128xbf16, #tpu.memory_space<vmem>>, vector<256x1x128xbf16>
    %get3A_917 = vector.shape_cast %get3A_916 : vector<256x1x128xbf16> to vector<256x128xbf16>
    %convert_element_type3A_918 = arith.extf %get3A_917 : vector<256x128xbf16> to vector<256x128xf32>
    %mul3A_919 = vector.broadcast %slice3A_912 : vector<256x1xf32> to vector<256x128xf32>
    %mul3A_920 = arith.mulf %mul3A_919, %convert_element_type3A_918 : vector<256x128xf32>
    %add3A_921 = arith.addf %add3A_841, %mul3A_920 : vector<256x128xf32>
    %slice3A_922 = vector.extract_strided_slice %convert_element_type3A_2 {offsets = [0, 93], sizes = [256, 1], strides = [1, 1]} : vector<256x128xf32> to vector<256x1xf32>
    %get3A_923 = arith.constant 0 : index
    %get3A_924 = arith.constant 93 : index
    %get3A_925 = arith.constant 0 : index
    %get3A_926 = vector.load %arg2[%get3A_923, %get3A_924, %get3A_925] : memref<256x128x128xbf16, #tpu.memory_space<vmem>>, vector<256x1x128xbf16>
    %get3A_927 = vector.shape_cast %get3A_926 : vector<256x1x128xbf16> to vector<256x128xbf16>
    %convert_element_type3A_928 = arith.extf %get3A_927 : vector<256x128xbf16> to vector<256x128xf32>
    %mul3A_929 = vector.broadcast %slice3A_922 : vector<256x1xf32> to vector<256x128xf32>
    %mul3A_930 = arith.mulf %mul3A_929, %convert_element_type3A_928 : vector<256x128xf32>
    %add3A_931 = arith.addf %add3A_851, %mul3A_930 : vector<256x128xf32>
    %slice3A_932 = vector.extract_strided_slice %convert_element_type3A_2 {offsets = [0, 94], sizes = [256, 1], strides = [1, 1]} : vector<256x128xf32> to vector<256x1xf32>
    %get3A_933 = arith.constant 0 : index
    %get3A_934 = arith.constant 94 : index
    %get3A_935 = arith.constant 0 : index
    %get3A_936 = vector.load %arg2[%get3A_933, %get3A_934, %get3A_935] : memref<256x128x128xbf16, #tpu.memory_space<vmem>>, vector<256x1x128xbf16>
    %get3A_937 = vector.shape_cast %get3A_936 : vector<256x1x128xbf16> to vector<256x128xbf16>
    %convert_element_type3A_938 = arith.extf %get3A_937 : vector<256x128xbf16> to vector<256x128xf32>
    %mul3A_939 = vector.broadcast %slice3A_932 : vector<256x1xf32> to vector<256x128xf32>
    %mul3A_940 = arith.mulf %mul3A_939, %convert_element_type3A_938 : vector<256x128xf32>
    %add3A_941 = arith.addf %add3A_861, %mul3A_940 : vector<256x128xf32>
    %slice3A_942 = vector.extract_strided_slice %convert_element_type3A_2 {offsets = [0, 95], sizes = [256, 1], strides = [1, 1]} : vector<256x128xf32> to vector<256x1xf32>
    %get3A_943 = arith.constant 0 : index
    %get3A_944 = arith.constant 95 : index
    %get3A_945 = arith.constant 0 : index
    %get3A_946 = vector.load %arg2[%get3A_943, %get3A_944, %get3A_945] : memref<256x128x128xbf16, #tpu.memory_space<vmem>>, vector<256x1x128xbf16>
    %get3A_947 = vector.shape_cast %get3A_946 : vector<256x1x128xbf16> to vector<256x128xbf16>
    %convert_element_type3A_948 = arith.extf %get3A_947 : vector<256x128xbf16> to vector<256x128xf32>
    %mul3A_949 = vector.broadcast %slice3A_942 : vector<256x1xf32> to vector<256x128xf32>
    %mul3A_950 = arith.mulf %mul3A_949, %convert_element_type3A_948 : vector<256x128xf32>
    %add3A_951 = arith.addf %add3A_871, %mul3A_950 : vector<256x128xf32>
    %slice3A_952 = vector.extract_strided_slice %convert_element_type3A_2 {offsets = [0, 96], sizes = [256, 1], strides = [1, 1]} : vector<256x128xf32> to vector<256x1xf32>
    %get3A_953 = arith.constant 0 : index
    %get3A_954 = arith.constant 96 : index
    %get3A_955 = arith.constant 0 : index
    %get3A_956 = vector.load %arg2[%get3A_953, %get3A_954, %get3A_955] : memref<256x128x128xbf16, #tpu.memory_space<vmem>>, vector<256x1x128xbf16>
    %get3A_957 = vector.shape_cast %get3A_956 : vector<256x1x128xbf16> to vector<256x128xbf16>
    %convert_element_type3A_958 = arith.extf %get3A_957 : vector<256x128xbf16> to vector<256x128xf32>
    %mul3A_959 = vector.broadcast %slice3A_952 : vector<256x1xf32> to vector<256x128xf32>
    %mul3A_960 = arith.mulf %mul3A_959, %convert_element_type3A_958 : vector<256x128xf32>
    %add3A_961 = arith.addf %add3A_881, %mul3A_960 : vector<256x128xf32>
    %slice3A_962 = vector.extract_strided_slice %convert_element_type3A_2 {offsets = [0, 97], sizes = [256, 1], strides = [1, 1]} : vector<256x128xf32> to vector<256x1xf32>
    %get3A_963 = arith.constant 0 : index
    %get3A_964 = arith.constant 97 : index
    %get3A_965 = arith.constant 0 : index
    %get3A_966 = vector.load %arg2[%get3A_963, %get3A_964, %get3A_965] : memref<256x128x128xbf16, #tpu.memory_space<vmem>>, vector<256x1x128xbf16>
    %get3A_967 = vector.shape_cast %get3A_966 : vector<256x1x128xbf16> to vector<256x128xbf16>
    %convert_element_type3A_968 = arith.extf %get3A_967 : vector<256x128xbf16> to vector<256x128xf32>
    %mul3A_969 = vector.broadcast %slice3A_962 : vector<256x1xf32> to vector<256x128xf32>
    %mul3A_970 = arith.mulf %mul3A_969, %convert_element_type3A_968 : vector<256x128xf32>
    %add3A_971 = arith.addf %add3A_891, %mul3A_970 : vector<256x128xf32>
    %slice3A_972 = vector.extract_strided_slice %convert_element_type3A_2 {offsets = [0, 98], sizes = [256, 1], strides = [1, 1]} : vector<256x128xf32> to vector<256x1xf32>
    %get3A_973 = arith.constant 0 : index
    %get3A_974 = arith.constant 98 : index
    %get3A_975 = arith.constant 0 : index
    %get3A_976 = vector.load %arg2[%get3A_973, %get3A_974, %get3A_975] : memref<256x128x128xbf16, #tpu.memory_space<vmem>>, vector<256x1x128xbf16>
    %get3A_977 = vector.shape_cast %get3A_976 : vector<256x1x128xbf16> to vector<256x128xbf16>
    %convert_element_type3A_978 = arith.extf %get3A_977 : vector<256x128xbf16> to vector<256x128xf32>
    %mul3A_979 = vector.broadcast %slice3A_972 : vector<256x1xf32> to vector<256x128xf32>
    %mul3A_980 = arith.mulf %mul3A_979, %convert_element_type3A_978 : vector<256x128xf32>
    %add3A_981 = arith.addf %add3A_901, %mul3A_980 : vector<256x128xf32>
    %slice3A_982 = vector.extract_strided_slice %convert_element_type3A_2 {offsets = [0, 99], sizes = [256, 1], strides = [1, 1]} : vector<256x128xf32> to vector<256x1xf32>
    %get3A_983 = arith.constant 0 : index
    %get3A_984 = arith.constant 99 : index
    %get3A_985 = arith.constant 0 : index
    %get3A_986 = vector.load %arg2[%get3A_983, %get3A_984, %get3A_985] : memref<256x128x128xbf16, #tpu.memory_space<vmem>>, vector<256x1x128xbf16>
    %get3A_987 = vector.shape_cast %get3A_986 : vector<256x1x128xbf16> to vector<256x128xbf16>
    %convert_element_type3A_988 = arith.extf %get3A_987 : vector<256x128xbf16> to vector<256x128xf32>
    %mul3A_989 = vector.broadcast %slice3A_982 : vector<256x1xf32> to vector<256x128xf32>
    %mul3A_990 = arith.mulf %mul3A_989, %convert_element_type3A_988 : vector<256x128xf32>
    %add3A_991 = arith.addf %add3A_911, %mul3A_990 : vector<256x128xf32>
    %slice3A_992 = vector.extract_strided_slice %convert_element_type3A_2 {offsets = [0, 100], sizes = [256, 1], strides = [1, 1]} : vector<256x128xf32> to vector<256x1xf32>
    %get3A_993 = arith.constant 0 : index
    %get3A_994 = arith.constant 100 : index
    %get3A_995 = arith.constant 0 : index
    %get3A_996 = vector.load %arg2[%get3A_993, %get3A_994, %get3A_995] : memref<256x128x128xbf16, #tpu.memory_space<vmem>>, vector<256x1x128xbf16>
    %get3A_997 = vector.shape_cast %get3A_996 : vector<256x1x128xbf16> to vector<256x128xbf16>
    %convert_element_type3A_998 = arith.extf %get3A_997 : vector<256x128xbf16> to vector<256x128xf32>
    %mul3A_999 = vector.broadcast %slice3A_992 : vector<256x1xf32> to vector<256x128xf32>
    %mul3A_1000 = arith.mulf %mul3A_999, %convert_element_type3A_998 : vector<256x128xf32>
    %add3A_1001 = arith.addf %add3A_921, %mul3A_1000 : vector<256x128xf32>
    %slice3A_1002 = vector.extract_strided_slice %convert_element_type3A_2 {offsets = [0, 101], sizes = [256, 1], strides = [1, 1]} : vector<256x128xf32> to vector<256x1xf32>
    %get3A_1003 = arith.constant 0 : index
    %get3A_1004 = arith.constant 101 : index
    %get3A_1005 = arith.constant 0 : index
    %get3A_1006 = vector.load %arg2[%get3A_1003, %get3A_1004, %get3A_1005] : memref<256x128x128xbf16, #tpu.memory_space<vmem>>, vector<256x1x128xbf16>
    %get3A_1007 = vector.shape_cast %get3A_1006 : vector<256x1x128xbf16> to vector<256x128xbf16>
    %convert_element_type3A_1008 = arith.extf %get3A_1007 : vector<256x128xbf16> to vector<256x128xf32>
    %mul3A_1009 = vector.broadcast %slice3A_1002 : vector<256x1xf32> to vector<256x128xf32>
    %mul3A_1010 = arith.mulf %mul3A_1009, %convert_element_type3A_1008 : vector<256x128xf32>
    %add3A_1011 = arith.addf %add3A_931, %mul3A_1010 : vector<256x128xf32>
    %slice3A_1012 = vector.extract_strided_slice %convert_element_type3A_2 {offsets = [0, 102], sizes = [256, 1], strides = [1, 1]} : vector<256x128xf32> to vector<256x1xf32>
    %get3A_1013 = arith.constant 0 : index
    %get3A_1014 = arith.constant 102 : index
    %get3A_1015 = arith.constant 0 : index
    %get3A_1016 = vector.load %arg2[%get3A_1013, %get3A_1014, %get3A_1015] : memref<256x128x128xbf16, #tpu.memory_space<vmem>>, vector<256x1x128xbf16>
    %get3A_1017 = vector.shape_cast %get3A_1016 : vector<256x1x128xbf16> to vector<256x128xbf16>
    %convert_element_type3A_1018 = arith.extf %get3A_1017 : vector<256x128xbf16> to vector<256x128xf32>
    %mul3A_1019 = vector.broadcast %slice3A_1012 : vector<256x1xf32> to vector<256x128xf32>
    %mul3A_1020 = arith.mulf %mul3A_1019, %convert_element_type3A_1018 : vector<256x128xf32>
    %add3A_1021 = arith.addf %add3A_941, %mul3A_1020 : vector<256x128xf32>
    %slice3A_1022 = vector.extract_strided_slice %convert_element_type3A_2 {offsets = [0, 103], sizes = [256, 1], strides = [1, 1]} : vector<256x128xf32> to vector<256x1xf32>
    %get3A_1023 = arith.constant 0 : index
    %get3A_1024 = arith.constant 103 : index
    %get3A_1025 = arith.constant 0 : index
    %get3A_1026 = vector.load %arg2[%get3A_1023, %get3A_1024, %get3A_1025] : memref<256x128x128xbf16, #tpu.memory_space<vmem>>, vector<256x1x128xbf16>
    %get3A_1027 = vector.shape_cast %get3A_1026 : vector<256x1x128xbf16> to vector<256x128xbf16>
    %convert_element_type3A_1028 = arith.extf %get3A_1027 : vector<256x128xbf16> to vector<256x128xf32>
    %mul3A_1029 = vector.broadcast %slice3A_1022 : vector<256x1xf32> to vector<256x128xf32>
    %mul3A_1030 = arith.mulf %mul3A_1029, %convert_element_type3A_1028 : vector<256x128xf32>
    %add3A_1031 = arith.addf %add3A_951, %mul3A_1030 : vector<256x128xf32>
    %slice3A_1032 = vector.extract_strided_slice %convert_element_type3A_2 {offsets = [0, 104], sizes = [256, 1], strides = [1, 1]} : vector<256x128xf32> to vector<256x1xf32>
    %get3A_1033 = arith.constant 0 : index
    %get3A_1034 = arith.constant 104 : index
    %get3A_1035 = arith.constant 0 : index
    %get3A_1036 = vector.load %arg2[%get3A_1033, %get3A_1034, %get3A_1035] : memref<256x128x128xbf16, #tpu.memory_space<vmem>>, vector<256x1x128xbf16>
    %get3A_1037 = vector.shape_cast %get3A_1036 : vector<256x1x128xbf16> to vector<256x128xbf16>
    %convert_element_type3A_1038 = arith.extf %get3A_1037 : vector<256x128xbf16> to vector<256x128xf32>
    %mul3A_1039 = vector.broadcast %slice3A_1032 : vector<256x1xf32> to vector<256x128xf32>
    %mul3A_1040 = arith.mulf %mul3A_1039, %convert_element_type3A_1038 : vector<256x128xf32>
    %add3A_1041 = arith.addf %add3A_961, %mul3A_1040 : vector<256x128xf32>
    %slice3A_1042 = vector.extract_strided_slice %convert_element_type3A_2 {offsets = [0, 105], sizes = [256, 1], strides = [1, 1]} : vector<256x128xf32> to vector<256x1xf32>
    %get3A_1043 = arith.constant 0 : index
    %get3A_1044 = arith.constant 105 : index
    %get3A_1045 = arith.constant 0 : index
    %get3A_1046 = vector.load %arg2[%get3A_1043, %get3A_1044, %get3A_1045] : memref<256x128x128xbf16, #tpu.memory_space<vmem>>, vector<256x1x128xbf16>
    %get3A_1047 = vector.shape_cast %get3A_1046 : vector<256x1x128xbf16> to vector<256x128xbf16>
    %convert_element_type3A_1048 = arith.extf %get3A_1047 : vector<256x128xbf16> to vector<256x128xf32>
    %mul3A_1049 = vector.broadcast %slice3A_1042 : vector<256x1xf32> to vector<256x128xf32>
    %mul3A_1050 = arith.mulf %mul3A_1049, %convert_element_type3A_1048 : vector<256x128xf32>
    %add3A_1051 = arith.addf %add3A_971, %mul3A_1050 : vector<256x128xf32>
    %slice3A_1052 = vector.extract_strided_slice %convert_element_type3A_2 {offsets = [0, 106], sizes = [256, 1], strides = [1, 1]} : vector<256x128xf32> to vector<256x1xf32>
    %get3A_1053 = arith.constant 0 : index
    %get3A_1054 = arith.constant 106 : index
    %get3A_1055 = arith.constant 0 : index
    %get3A_1056 = vector.load %arg2[%get3A_1053, %get3A_1054, %get3A_1055] : memref<256x128x128xbf16, #tpu.memory_space<vmem>>, vector<256x1x128xbf16>
    %get3A_1057 = vector.shape_cast %get3A_1056 : vector<256x1x128xbf16> to vector<256x128xbf16>
    %convert_element_type3A_1058 = arith.extf %get3A_1057 : vector<256x128xbf16> to vector<256x128xf32>
    %mul3A_1059 = vector.broadcast %slice3A_1052 : vector<256x1xf32> to vector<256x128xf32>
    %mul3A_1060 = arith.mulf %mul3A_1059, %convert_element_type3A_1058 : vector<256x128xf32>
    %add3A_1061 = arith.addf %add3A_981, %mul3A_1060 : vector<256x128xf32>
    %slice3A_1062 = vector.extract_strided_slice %convert_element_type3A_2 {offsets = [0, 107], sizes = [256, 1], strides = [1, 1]} : vector<256x128xf32> to vector<256x1xf32>
    %get3A_1063 = arith.constant 0 : index
    %get3A_1064 = arith.constant 107 : index
    %get3A_1065 = arith.constant 0 : index
    %get3A_1066 = vector.load %arg2[%get3A_1063, %get3A_1064, %get3A_1065] : memref<256x128x128xbf16, #tpu.memory_space<vmem>>, vector<256x1x128xbf16>
    %get3A_1067 = vector.shape_cast %get3A_1066 : vector<256x1x128xbf16> to vector<256x128xbf16>
    %convert_element_type3A_1068 = arith.extf %get3A_1067 : vector<256x128xbf16> to vector<256x128xf32>
    %mul3A_1069 = vector.broadcast %slice3A_1062 : vector<256x1xf32> to vector<256x128xf32>
    %mul3A_1070 = arith.mulf %mul3A_1069, %convert_element_type3A_1068 : vector<256x128xf32>
    %add3A_1071 = arith.addf %add3A_991, %mul3A_1070 : vector<256x128xf32>
    %slice3A_1072 = vector.extract_strided_slice %convert_element_type3A_2 {offsets = [0, 108], sizes = [256, 1], strides = [1, 1]} : vector<256x128xf32> to vector<256x1xf32>
    %get3A_1073 = arith.constant 0 : index
    %get3A_1074 = arith.constant 108 : index
    %get3A_1075 = arith.constant 0 : index
    %get3A_1076 = vector.load %arg2[%get3A_1073, %get3A_1074, %get3A_1075] : memref<256x128x128xbf16, #tpu.memory_space<vmem>>, vector<256x1x128xbf16>
    %get3A_1077 = vector.shape_cast %get3A_1076 : vector<256x1x128xbf16> to vector<256x128xbf16>
    %convert_element_type3A_1078 = arith.extf %get3A_1077 : vector<256x128xbf16> to vector<256x128xf32>
    %mul3A_1079 = vector.broadcast %slice3A_1072 : vector<256x1xf32> to vector<256x128xf32>
    %mul3A_1080 = arith.mulf %mul3A_1079, %convert_element_type3A_1078 : vector<256x128xf32>
    %add3A_1081 = arith.addf %add3A_1001, %mul3A_1080 : vector<256x128xf32>
    %slice3A_1082 = vector.extract_strided_slice %convert_element_type3A_2 {offsets = [0, 109], sizes = [256, 1], strides = [1, 1]} : vector<256x128xf32> to vector<256x1xf32>
    %get3A_1083 = arith.constant 0 : index
    %get3A_1084 = arith.constant 109 : index
    %get3A_1085 = arith.constant 0 : index
    %get3A_1086 = vector.load %arg2[%get3A_1083, %get3A_1084, %get3A_1085] : memref<256x128x128xbf16, #tpu.memory_space<vmem>>, vector<256x1x128xbf16>
    %get3A_1087 = vector.shape_cast %get3A_1086 : vector<256x1x128xbf16> to vector<256x128xbf16>
    %convert_element_type3A_1088 = arith.extf %get3A_1087 : vector<256x128xbf16> to vector<256x128xf32>
    %mul3A_1089 = vector.broadcast %slice3A_1082 : vector<256x1xf32> to vector<256x128xf32>
    %mul3A_1090 = arith.mulf %mul3A_1089, %convert_element_type3A_1088 : vector<256x128xf32>
    %add3A_1091 = arith.addf %add3A_1011, %mul3A_1090 : vector<256x128xf32>
    %slice3A_1092 = vector.extract_strided_slice %convert_element_type3A_2 {offsets = [0, 110], sizes = [256, 1], strides = [1, 1]} : vector<256x128xf32> to vector<256x1xf32>
    %get3A_1093 = arith.constant 0 : index
    %get3A_1094 = arith.constant 110 : index
    %get3A_1095 = arith.constant 0 : index
    %get3A_1096 = vector.load %arg2[%get3A_1093, %get3A_1094, %get3A_1095] : memref<256x128x128xbf16, #tpu.memory_space<vmem>>, vector<256x1x128xbf16>
    %get3A_1097 = vector.shape_cast %get3A_1096 : vector<256x1x128xbf16> to vector<256x128xbf16>
    %convert_element_type3A_1098 = arith.extf %get3A_1097 : vector<256x128xbf16> to vector<256x128xf32>
    %mul3A_1099 = vector.broadcast %slice3A_1092 : vector<256x1xf32> to vector<256x128xf32>
    %mul3A_1100 = arith.mulf %mul3A_1099, %convert_element_type3A_1098 : vector<256x128xf32>
    %add3A_1101 = arith.addf %add3A_1021, %mul3A_1100 : vector<256x128xf32>
    %slice3A_1102 = vector.extract_strided_slice %convert_element_type3A_2 {offsets = [0, 111], sizes = [256, 1], strides = [1, 1]} : vector<256x128xf32> to vector<256x1xf32>
    %get3A_1103 = arith.constant 0 : index
    %get3A_1104 = arith.constant 111 : index
    %get3A_1105 = arith.constant 0 : index
    %get3A_1106 = vector.load %arg2[%get3A_1103, %get3A_1104, %get3A_1105] : memref<256x128x128xbf16, #tpu.memory_space<vmem>>, vector<256x1x128xbf16>
    %get3A_1107 = vector.shape_cast %get3A_1106 : vector<256x1x128xbf16> to vector<256x128xbf16>
    %convert_element_type3A_1108 = arith.extf %get3A_1107 : vector<256x128xbf16> to vector<256x128xf32>
    %mul3A_1109 = vector.broadcast %slice3A_1102 : vector<256x1xf32> to vector<256x128xf32>
    %mul3A_1110 = arith.mulf %mul3A_1109, %convert_element_type3A_1108 : vector<256x128xf32>
    %add3A_1111 = arith.addf %add3A_1031, %mul3A_1110 : vector<256x128xf32>
    %slice3A_1112 = vector.extract_strided_slice %convert_element_type3A_2 {offsets = [0, 112], sizes = [256, 1], strides = [1, 1]} : vector<256x128xf32> to vector<256x1xf32>
    %get3A_1113 = arith.constant 0 : index
    %get3A_1114 = arith.constant 112 : index
    %get3A_1115 = arith.constant 0 : index
    %get3A_1116 = vector.load %arg2[%get3A_1113, %get3A_1114, %get3A_1115] : memref<256x128x128xbf16, #tpu.memory_space<vmem>>, vector<256x1x128xbf16>
    %get3A_1117 = vector.shape_cast %get3A_1116 : vector<256x1x128xbf16> to vector<256x128xbf16>
    %convert_element_type3A_1118 = arith.extf %get3A_1117 : vector<256x128xbf16> to vector<256x128xf32>
    %mul3A_1119 = vector.broadcast %slice3A_1112 : vector<256x1xf32> to vector<256x128xf32>
    %mul3A_1120 = arith.mulf %mul3A_1119, %convert_element_type3A_1118 : vector<256x128xf32>
    %add3A_1121 = arith.addf %add3A_1041, %mul3A_1120 : vector<256x128xf32>
    %slice3A_1122 = vector.extract_strided_slice %convert_element_type3A_2 {offsets = [0, 113], sizes = [256, 1], strides = [1, 1]} : vector<256x128xf32> to vector<256x1xf32>
    %get3A_1123 = arith.constant 0 : index
    %get3A_1124 = arith.constant 113 : index
    %get3A_1125 = arith.constant 0 : index
    %get3A_1126 = vector.load %arg2[%get3A_1123, %get3A_1124, %get3A_1125] : memref<256x128x128xbf16, #tpu.memory_space<vmem>>, vector<256x1x128xbf16>
    %get3A_1127 = vector.shape_cast %get3A_1126 : vector<256x1x128xbf16> to vector<256x128xbf16>
    %convert_element_type3A_1128 = arith.extf %get3A_1127 : vector<256x128xbf16> to vector<256x128xf32>
    %mul3A_1129 = vector.broadcast %slice3A_1122 : vector<256x1xf32> to vector<256x128xf32>
    %mul3A_1130 = arith.mulf %mul3A_1129, %convert_element_type3A_1128 : vector<256x128xf32>
    %add3A_1131 = arith.addf %add3A_1051, %mul3A_1130 : vector<256x128xf32>
    %slice3A_1132 = vector.extract_strided_slice %convert_element_type3A_2 {offsets = [0, 114], sizes = [256, 1], strides = [1, 1]} : vector<256x128xf32> to vector<256x1xf32>
    %get3A_1133 = arith.constant 0 : index
    %get3A_1134 = arith.constant 114 : index
    %get3A_1135 = arith.constant 0 : index
    %get3A_1136 = vector.load %arg2[%get3A_1133, %get3A_1134, %get3A_1135] : memref<256x128x128xbf16, #tpu.memory_space<vmem>>, vector<256x1x128xbf16>
    %get3A_1137 = vector.shape_cast %get3A_1136 : vector<256x1x128xbf16> to vector<256x128xbf16>
    %convert_element_type3A_1138 = arith.extf %get3A_1137 : vector<256x128xbf16> to vector<256x128xf32>
    %mul3A_1139 = vector.broadcast %slice3A_1132 : vector<256x1xf32> to vector<256x128xf32>
    %mul3A_1140 = arith.mulf %mul3A_1139, %convert_element_type3A_1138 : vector<256x128xf32>
    %add3A_1141 = arith.addf %add3A_1061, %mul3A_1140 : vector<256x128xf32>
    %slice3A_1142 = vector.extract_strided_slice %convert_element_type3A_2 {offsets = [0, 115], sizes = [256, 1], strides = [1, 1]} : vector<256x128xf32> to vector<256x1xf32>
    %get3A_1143 = arith.constant 0 : index
    %get3A_1144 = arith.constant 115 : index
    %get3A_1145 = arith.constant 0 : index
    %get3A_1146 = vector.load %arg2[%get3A_1143, %get3A_1144, %get3A_1145] : memref<256x128x128xbf16, #tpu.memory_space<vmem>>, vector<256x1x128xbf16>
    %get3A_1147 = vector.shape_cast %get3A_1146 : vector<256x1x128xbf16> to vector<256x128xbf16>
    %convert_element_type3A_1148 = arith.extf %get3A_1147 : vector<256x128xbf16> to vector<256x128xf32>
    %mul3A_1149 = vector.broadcast %slice3A_1142 : vector<256x1xf32> to vector<256x128xf32>
    %mul3A_1150 = arith.mulf %mul3A_1149, %convert_element_type3A_1148 : vector<256x128xf32>
    %add3A_1151 = arith.addf %add3A_1071, %mul3A_1150 : vector<256x128xf32>
    %slice3A_1152 = vector.extract_strided_slice %convert_element_type3A_2 {offsets = [0, 116], sizes = [256, 1], strides = [1, 1]} : vector<256x128xf32> to vector<256x1xf32>
    %get3A_1153 = arith.constant 0 : index
    %get3A_1154 = arith.constant 116 : index
    %get3A_1155 = arith.constant 0 : index
    %get3A_1156 = vector.load %arg2[%get3A_1153, %get3A_1154, %get3A_1155] : memref<256x128x128xbf16, #tpu.memory_space<vmem>>, vector<256x1x128xbf16>
    %get3A_1157 = vector.shape_cast %get3A_1156 : vector<256x1x128xbf16> to vector<256x128xbf16>
    %convert_element_type3A_1158 = arith.extf %get3A_1157 : vector<256x128xbf16> to vector<256x128xf32>
    %mul3A_1159 = vector.broadcast %slice3A_1152 : vector<256x1xf32> to vector<256x128xf32>
    %mul3A_1160 = arith.mulf %mul3A_1159, %convert_element_type3A_1158 : vector<256x128xf32>
    %add3A_1161 = arith.addf %add3A_1081, %mul3A_1160 : vector<256x128xf32>
    %slice3A_1162 = vector.extract_strided_slice %convert_element_type3A_2 {offsets = [0, 117], sizes = [256, 1], strides = [1, 1]} : vector<256x128xf32> to vector<256x1xf32>
    %get3A_1163 = arith.constant 0 : index
    %get3A_1164 = arith.constant 117 : index
    %get3A_1165 = arith.constant 0 : index
    %get3A_1166 = vector.load %arg2[%get3A_1163, %get3A_1164, %get3A_1165] : memref<256x128x128xbf16, #tpu.memory_space<vmem>>, vector<256x1x128xbf16>
    %get3A_1167 = vector.shape_cast %get3A_1166 : vector<256x1x128xbf16> to vector<256x128xbf16>
    %convert_element_type3A_1168 = arith.extf %get3A_1167 : vector<256x128xbf16> to vector<256x128xf32>
    %mul3A_1169 = vector.broadcast %slice3A_1162 : vector<256x1xf32> to vector<256x128xf32>
    %mul3A_1170 = arith.mulf %mul3A_1169, %convert_element_type3A_1168 : vector<256x128xf32>
    %add3A_1171 = arith.addf %add3A_1091, %mul3A_1170 : vector<256x128xf32>
    %slice3A_1172 = vector.extract_strided_slice %convert_element_type3A_2 {offsets = [0, 118], sizes = [256, 1], strides = [1, 1]} : vector<256x128xf32> to vector<256x1xf32>
    %get3A_1173 = arith.constant 0 : index
    %get3A_1174 = arith.constant 118 : index
    %get3A_1175 = arith.constant 0 : index
    %get3A_1176 = vector.load %arg2[%get3A_1173, %get3A_1174, %get3A_1175] : memref<256x128x128xbf16, #tpu.memory_space<vmem>>, vector<256x1x128xbf16>
    %get3A_1177 = vector.shape_cast %get3A_1176 : vector<256x1x128xbf16> to vector<256x128xbf16>
    %convert_element_type3A_1178 = arith.extf %get3A_1177 : vector<256x128xbf16> to vector<256x128xf32>
    %mul3A_1179 = vector.broadcast %slice3A_1172 : vector<256x1xf32> to vector<256x128xf32>
    %mul3A_1180 = arith.mulf %mul3A_1179, %convert_element_type3A_1178 : vector<256x128xf32>
    %add3A_1181 = arith.addf %add3A_1101, %mul3A_1180 : vector<256x128xf32>
    %slice3A_1182 = vector.extract_strided_slice %convert_element_type3A_2 {offsets = [0, 119], sizes = [256, 1], strides = [1, 1]} : vector<256x128xf32> to vector<256x1xf32>
    %get3A_1183 = arith.constant 0 : index
    %get3A_1184 = arith.constant 119 : index
    %get3A_1185 = arith.constant 0 : index
    %get3A_1186 = vector.load %arg2[%get3A_1183, %get3A_1184, %get3A_1185] : memref<256x128x128xbf16, #tpu.memory_space<vmem>>, vector<256x1x128xbf16>
    %get3A_1187 = vector.shape_cast %get3A_1186 : vector<256x1x128xbf16> to vector<256x128xbf16>
    %convert_element_type3A_1188 = arith.extf %get3A_1187 : vector<256x128xbf16> to vector<256x128xf32>
    %mul3A_1189 = vector.broadcast %slice3A_1182 : vector<256x1xf32> to vector<256x128xf32>
    %mul3A_1190 = arith.mulf %mul3A_1189, %convert_element_type3A_1188 : vector<256x128xf32>
    %add3A_1191 = arith.addf %add3A_1111, %mul3A_1190 : vector<256x128xf32>
    %slice3A_1192 = vector.extract_strided_slice %convert_element_type3A_2 {offsets = [0, 120], sizes = [256, 1], strides = [1, 1]} : vector<256x128xf32> to vector<256x1xf32>
    %get3A_1193 = arith.constant 0 : index
    %get3A_1194 = arith.constant 120 : index
    %get3A_1195 = arith.constant 0 : index
    %get3A_1196 = vector.load %arg2[%get3A_1193, %get3A_1194, %get3A_1195] : memref<256x128x128xbf16, #tpu.memory_space<vmem>>, vector<256x1x128xbf16>
    %get3A_1197 = vector.shape_cast %get3A_1196 : vector<256x1x128xbf16> to vector<256x128xbf16>
    %convert_element_type3A_1198 = arith.extf %get3A_1197 : vector<256x128xbf16> to vector<256x128xf32>
    %mul3A_1199 = vector.broadcast %slice3A_1192 : vector<256x1xf32> to vector<256x128xf32>
    %mul3A_1200 = arith.mulf %mul3A_1199, %convert_element_type3A_1198 : vector<256x128xf32>
    %add3A_1201 = arith.addf %add3A_1121, %mul3A_1200 : vector<256x128xf32>
    %slice3A_1202 = vector.extract_strided_slice %convert_element_type3A_2 {offsets = [0, 121], sizes = [256, 1], strides = [1, 1]} : vector<256x128xf32> to vector<256x1xf32>
    %get3A_1203 = arith.constant 0 : index
    %get3A_1204 = arith.constant 121 : index
    %get3A_1205 = arith.constant 0 : index
    %get3A_1206 = vector.load %arg2[%get3A_1203, %get3A_1204, %get3A_1205] : memref<256x128x128xbf16, #tpu.memory_space<vmem>>, vector<256x1x128xbf16>
    %get3A_1207 = vector.shape_cast %get3A_1206 : vector<256x1x128xbf16> to vector<256x128xbf16>
    %convert_element_type3A_1208 = arith.extf %get3A_1207 : vector<256x128xbf16> to vector<256x128xf32>
    %mul3A_1209 = vector.broadcast %slice3A_1202 : vector<256x1xf32> to vector<256x128xf32>
    %mul3A_1210 = arith.mulf %mul3A_1209, %convert_element_type3A_1208 : vector<256x128xf32>
    %add3A_1211 = arith.addf %add3A_1131, %mul3A_1210 : vector<256x128xf32>
    %slice3A_1212 = vector.extract_strided_slice %convert_element_type3A_2 {offsets = [0, 122], sizes = [256, 1], strides = [1, 1]} : vector<256x128xf32> to vector<256x1xf32>
    %get3A_1213 = arith.constant 0 : index
    %get3A_1214 = arith.constant 122 : index
    %get3A_1215 = arith.constant 0 : index
    %get3A_1216 = vector.load %arg2[%get3A_1213, %get3A_1214, %get3A_1215] : memref<256x128x128xbf16, #tpu.memory_space<vmem>>, vector<256x1x128xbf16>
    %get3A_1217 = vector.shape_cast %get3A_1216 : vector<256x1x128xbf16> to vector<256x128xbf16>
    %convert_element_type3A_1218 = arith.extf %get3A_1217 : vector<256x128xbf16> to vector<256x128xf32>
    %mul3A_1219 = vector.broadcast %slice3A_1212 : vector<256x1xf32> to vector<256x128xf32>
    %mul3A_1220 = arith.mulf %mul3A_1219, %convert_element_type3A_1218 : vector<256x128xf32>
    %add3A_1221 = arith.addf %add3A_1141, %mul3A_1220 : vector<256x128xf32>
    %slice3A_1222 = vector.extract_strided_slice %convert_element_type3A_2 {offsets = [0, 123], sizes = [256, 1], strides = [1, 1]} : vector<256x128xf32> to vector<256x1xf32>
    %get3A_1223 = arith.constant 0 : index
    %get3A_1224 = arith.constant 123 : index
    %get3A_1225 = arith.constant 0 : index
    %get3A_1226 = vector.load %arg2[%get3A_1223, %get3A_1224, %get3A_1225] : memref<256x128x128xbf16, #tpu.memory_space<vmem>>, vector<256x1x128xbf16>
    %get3A_1227 = vector.shape_cast %get3A_1226 : vector<256x1x128xbf16> to vector<256x128xbf16>
    %convert_element_type3A_1228 = arith.extf %get3A_1227 : vector<256x128xbf16> to vector<256x128xf32>
    %mul3A_1229 = vector.broadcast %slice3A_1222 : vector<256x1xf32> to vector<256x128xf32>
    %mul3A_1230 = arith.mulf %mul3A_1229, %convert_element_type3A_1228 : vector<256x128xf32>
    %add3A_1231 = arith.addf %add3A_1151, %mul3A_1230 : vector<256x128xf32>
    %slice3A_1232 = vector.extract_strided_slice %convert_element_type3A_2 {offsets = [0, 124], sizes = [256, 1], strides = [1, 1]} : vector<256x128xf32> to vector<256x1xf32>
    %get3A_1233 = arith.constant 0 : index
    %get3A_1234 = arith.constant 124 : index
    %get3A_1235 = arith.constant 0 : index
    %get3A_1236 = vector.load %arg2[%get3A_1233, %get3A_1234, %get3A_1235] : memref<256x128x128xbf16, #tpu.memory_space<vmem>>, vector<256x1x128xbf16>
    %get3A_1237 = vector.shape_cast %get3A_1236 : vector<256x1x128xbf16> to vector<256x128xbf16>
    %convert_element_type3A_1238 = arith.extf %get3A_1237 : vector<256x128xbf16> to vector<256x128xf32>
    %mul3A_1239 = vector.broadcast %slice3A_1232 : vector<256x1xf32> to vector<256x128xf32>
    %mul3A_1240 = arith.mulf %mul3A_1239, %convert_element_type3A_1238 : vector<256x128xf32>
    %add3A_1241 = arith.addf %add3A_1161, %mul3A_1240 : vector<256x128xf32>
    %slice3A_1242 = vector.extract_strided_slice %convert_element_type3A_2 {offsets = [0, 125], sizes = [256, 1], strides = [1, 1]} : vector<256x128xf32> to vector<256x1xf32>
    %get3A_1243 = arith.constant 0 : index
    %get3A_1244 = arith.constant 125 : index
    %get3A_1245 = arith.constant 0 : index
    %get3A_1246 = vector.load %arg2[%get3A_1243, %get3A_1244, %get3A_1245] : memref<256x128x128xbf16, #tpu.memory_space<vmem>>, vector<256x1x128xbf16>
    %get3A_1247 = vector.shape_cast %get3A_1246 : vector<256x1x128xbf16> to vector<256x128xbf16>
    %convert_element_type3A_1248 = arith.extf %get3A_1247 : vector<256x128xbf16> to vector<256x128xf32>
    %mul3A_1249 = vector.broadcast %slice3A_1242 : vector<256x1xf32> to vector<256x128xf32>
    %mul3A_1250 = arith.mulf %mul3A_1249, %convert_element_type3A_1248 : vector<256x128xf32>
    %add3A_1251 = arith.addf %add3A_1171, %mul3A_1250 : vector<256x128xf32>
    %slice3A_1252 = vector.extract_strided_slice %convert_element_type3A_2 {offsets = [0, 126], sizes = [256, 1], strides = [1, 1]} : vector<256x128xf32> to vector<256x1xf32>
    %get3A_1253 = arith.constant 0 : index
    %get3A_1254 = arith.constant 126 : index
    %get3A_1255 = arith.constant 0 : index
    %get3A_1256 = vector.load %arg2[%get3A_1253, %get3A_1254, %get3A_1255] : memref<256x128x128xbf16, #tpu.memory_space<vmem>>, vector<256x1x128xbf16>
    %get3A_1257 = vector.shape_cast %get3A_1256 : vector<256x1x128xbf16> to vector<256x128xbf16>
    %convert_element_type3A_1258 = arith.extf %get3A_1257 : vector<256x128xbf16> to vector<256x128xf32>
    %mul3A_1259 = vector.broadcast %slice3A_1252 : vector<256x1xf32> to vector<256x128xf32>
    %mul3A_1260 = arith.mulf %mul3A_1259, %convert_element_type3A_1258 : vector<256x128xf32>
    %add3A_1261 = arith.addf %add3A_1181, %mul3A_1260 : vector<256x128xf32>
    %slice3A_1262 = vector.extract_strided_slice %convert_element_type3A_2 {offsets = [0, 127], sizes = [256, 1], strides = [1, 1]} : vector<256x128xf32> to vector<256x1xf32>
    %get3A_1263 = arith.constant 0 : index
    %get3A_1264 = arith.constant 127 : index
    %get3A_1265 = arith.constant 0 : index
    %get3A_1266 = vector.load %arg2[%get3A_1263, %get3A_1264, %get3A_1265] : memref<256x128x128xbf16, #tpu.memory_space<vmem>>, vector<256x1x128xbf16>
    %get3A_1267 = vector.shape_cast %get3A_1266 : vector<256x1x128xbf16> to vector<256x128xbf16>
    %convert_element_type3A_1268 = arith.extf %get3A_1267 : vector<256x128xbf16> to vector<256x128xf32>
    %mul3A_1269 = vector.broadcast %slice3A_1262 : vector<256x1xf32> to vector<256x128xf32>
    %mul3A_1270 = arith.mulf %mul3A_1269, %convert_element_type3A_1268 : vector<256x128xf32>
    %add3A_1271 = arith.addf %add3A_1191, %mul3A_1270 : vector<256x128xf32>
    %add3A_1272 = arith.addf %add3A_1201, %add3A_1211 : vector<256x128xf32>
    %add3A_1273 = arith.addf %add3A_1272, %add3A_1221 : vector<256x128xf32>
    %add3A_1274 = arith.addf %add3A_1273, %add3A_1231 : vector<256x128xf32>
    %add3A_1275 = arith.addf %add3A_1274, %add3A_1241 : vector<256x128xf32>
    %add3A_1276 = arith.addf %add3A_1275, %add3A_1251 : vector<256x128xf32>
    %add3A_1277 = arith.addf %add3A_1276, %add3A_1261 : vector<256x128xf32>
    %add3A_1278 = arith.addf %add3A_1277, %add3A_1271 : vector<256x128xf32>
    %swap3A = arith.constant 0 : index
    %swap3A_1279 = arith.constant 0 : index
    %swap3A_1280 = vector.load %arg3[%swap3A, %swap3A_1279] : memref<256x128xf32, #tpu.memory_space<vmem>>, vector<256x128xf32>
    tpu.vector_store %arg3[%swap3A, %swap3A_1279], %add3A_1278 {strides = array<i32>} : memref<256x128xf32, #tpu.memory_space<vmem>>, vector<256x128xf32>,
    return
  }
  func.func @transform_0(%arg0: i32) -> (i32, i32) {
    %c0_i32 = arith.constant 0 : i32
    %c0_i32_0 = arith.constant 0 : i32
    return %arg0, %c0_i32 : i32, i32
  }
  func.func @transform_1(%arg0: i32) -> (i32, i32, i32) {
    %c0_i32 = arith.constant 0 : i32
    %c0_i32_0 = arith.constant 0 : i32
    %c0_i32_1 = arith.constant 0 : i32
    return %arg0, %c0_i32, %c0_i32_0 : i32, i32, i32
  }
  func.func @transform_2(%arg0: i32) -> (i32, i32) {
    %c0_i32 = arith.constant 0 : i32
    %c0_i32_0 = arith.constant 0 : i32
    return %arg0, %c0_i32 : i32, i32
  }
}

module attributes {stable_mosaic.version = 14 : i64} {
  func.func @_gru_body(%arg0: i32, %arg1: memref<1024x128xf32, #tpu.memory_space<vmem>>, %arg2: memref<1024x128xf32, #tpu.memory_space<vmem>>, %arg3: memref<1024x128xf32, #tpu.memory_space<vmem>>, %arg4: memref<128x384xf32, #tpu.memory_space<vmem>>, %arg5: memref<128x384xf32, #tpu.memory_space<vmem>>, %arg6: memref<1x384xf32, #tpu.memory_space<vmem>>, %arg7: memref<1x384xf32, #tpu.memory_space<vmem>>, %arg8: memref<1x128xf32, #tpu.memory_space<vmem>>, %arg9: memref<1024x128xf32, #tpu.memory_space<vmem>>) attributes {dimension_semantics = [#tpu.dimension_semantics<arbitrary>], iteration_bounds = array<i64: 10>, scalar_prefetch = 0 : i64, scratch_operands = 0 : i64, tpu.core_type = #tpu.core_type<tc>, window_params = [{transform_indices = @transform_0, window_bounds = array<i64: 1024, 128>}, {transform_indices = @transform_1, window_bounds = array<i64: 1024, 128>}, {transform_indices = @transform_2, window_bounds = array<i64: 1024, 128>}, {pipeline_mode = #tpu.pipeline_mode<synchronous>, transform_indices = @transform_3, window_bounds = array<i64: 128, 384>}, {pipeline_mode = #tpu.pipeline_mode<synchronous>, transform_indices = @transform_4, window_bounds = array<i64: 128, 384>}, {pipeline_mode = #tpu.pipeline_mode<synchronous>, transform_indices = @transform_5, window_bounds = array<i64: 1, 384>}, {pipeline_mode = #tpu.pipeline_mode<synchronous>, transform_indices = @transform_6, window_bounds = array<i64: 1, 384>}, {pipeline_mode = #tpu.pipeline_mode<synchronous>, transform_indices = @transform_7, window_bounds = array<i64: 1, 128>}, {transform_indices = @transform_8, window_bounds = array<i64: 1024, 128>}]} {
    %get3A = arith.constant 0 : index
    %get3A_0 = arith.constant 0 : index
    %get3A_1 = vector.load %arg1[%get3A, %get3A_0] : memref<1024x128xf32, #tpu.memory_space<vmem>>, vector<1024x128xf32>
    %get3A_2 = arith.constant 0 : index
    %get3A_3 = arith.constant 0 : index
    %get3A_4 = vector.load %arg2[%get3A_2, %get3A_3] : memref<1024x128xf32, #tpu.memory_space<vmem>>, vector<1024x128xf32>
    %div3A = arith.divf %get3A_1, %get3A_4 : vector<1024x128xf32>
    %get3A_5 = arith.constant 0 : index
    %get3A_6 = arith.constant 0 : index
    %get3A_7 = vector.load %arg8[%get3A_5, %get3A_6] : memref<1x128xf32, #tpu.memory_space<vmem>>, vector<1x128xf32>
    %add3A = vector.broadcast %get3A_7 : vector<1x128xf32> to vector<1024x128xf32>
    %add3A_8 = arith.addf %div3A, %add3A : vector<1024x128xf32>
    %max3A = arith.constant 0.000000e+00 : f32
    %max3A_9 = vector.broadcast %max3A : f32 to vector<1024x128xf32>
    %max3A_10 = arith.maximumf %add3A_8, %max3A_9 : vector<1024x128xf32>
    %get3A_11 = arith.constant 0 : index
    %get3A_12 = arith.constant 0 : index
    %get3A_13 = vector.load %arg3[%get3A_11, %get3A_12] : memref<1024x128xf32, #tpu.memory_space<vmem>>, vector<1024x128xf32>
    %convert_element_type3A = arith.truncf %max3A_10 : vector<1024x128xf32> to vector<1024x128xbf16>
    %get3A_14 = arith.constant 0 : index
    %get3A_15 = arith.constant 0 : index
    %get3A_16 = vector.load %arg4[%get3A_14, %get3A_15] : memref<128x384xf32, #tpu.memory_space<vmem>>, vector<128x384xf32>
    %convert_element_type3A_17 = arith.truncf %get3A_16 : vector<128x384xf32> to vector<128x384xbf16>
    %dot_general3A = arith.constant dense<0.000000e+00> : vector<1024x384xf32>
    %dot_general3A_18 = tpu.matmul %convert_element_type3A, %convert_element_type3A_17, %dot_general3A {dimension_numbers = #tpu.dot_dimension_numbers<[1], [0], [0], [1], [0, 0, 1, 1], [], []>, transpose_lhs_hint = false} : vector<1024x128xbf16>, vector<128x384xbf16>, vector<1024x384xf32> -> vector<1024x384xf32>
    %get3A_19 = arith.constant 0 : index
    %get3A_20 = arith.constant 0 : index
    %get3A_21 = vector.load %arg6[%get3A_19, %get3A_20] : memref<1x384xf32, #tpu.memory_space<vmem>>, vector<1x384xf32>
    %add3A_22 = vector.broadcast %get3A_21 : vector<1x384xf32> to vector<1024x384xf32>
    %add3A_23 = arith.addf %dot_general3A_18, %add3A_22 : vector<1024x384xf32>
    %convert_element_type3A_24 = arith.truncf %get3A_13 : vector<1024x128xf32> to vector<1024x128xbf16>
    %get3A_25 = arith.constant 0 : index
    %get3A_26 = arith.constant 0 : index
    %get3A_27 = vector.load %arg5[%get3A_25, %get3A_26] : memref<128x384xf32, #tpu.memory_space<vmem>>, vector<128x384xf32>
    %convert_element_type3A_28 = arith.truncf %get3A_27 : vector<128x384xf32> to vector<128x384xbf16>
    %dot_general3A_29 = arith.constant dense<0.000000e+00> : vector<1024x384xf32>
    %dot_general3A_30 = tpu.matmul %convert_element_type3A_24, %convert_element_type3A_28, %dot_general3A_29 {dimension_numbers = #tpu.dot_dimension_numbers<[1], [0], [0], [1], [0, 0, 1, 1], [], []>, transpose_lhs_hint = false} : vector<1024x128xbf16>, vector<128x384xbf16>, vector<1024x384xf32> -> vector<1024x384xf32>
    %get3A_31 = arith.constant 0 : index
    %get3A_32 = arith.constant 0 : index
    %get3A_33 = vector.load %arg7[%get3A_31, %get3A_32] : memref<1x384xf32, #tpu.memory_space<vmem>>, vector<1x384xf32>
    %add3A_34 = vector.broadcast %get3A_33 : vector<1x384xf32> to vector<1024x384xf32>
    %add3A_35 = arith.addf %dot_general3A_30, %add3A_34 : vector<1024x384xf32>
    %slice3A = vector.extract_strided_slice %add3A_23 {offsets = [0, 0], sizes = [1024, 128], strides = [1, 1]} : vector<1024x384xf32> to vector<1024x128xf32>
    %slice3A_36 = vector.extract_strided_slice %add3A_35 {offsets = [0, 0], sizes = [1024, 128], strides = [1, 1]} : vector<1024x384xf32> to vector<1024x128xf32>
    %add3A_37 = arith.addf %slice3A, %slice3A_36 : vector<1024x128xf32>
    %logistic3A = arith.negf %add3A_37 : vector<1024x128xf32>
    %logistic3A_38 = math.exp %logistic3A : vector<1024x128xf32>
    %logistic3A_39 = arith.constant 1.000000e+00 : f32
    %logistic3A_40 = vector.broadcast %logistic3A_39 : f32 to vector<1024x128xf32>
    %logistic3A_41 = arith.addf %logistic3A_40, %logistic3A_38 : vector<1024x128xf32>
    %logistic3A_42 = arith.divf %logistic3A_40, %logistic3A_41 : vector<1024x128xf32>
    %slice3A_43 = vector.extract_strided_slice %add3A_23 {offsets = [0, 128], sizes = [1024, 128], strides = [1, 1]} : vector<1024x384xf32> to vector<1024x128xf32>
    %slice3A_44 = vector.extract_strided_slice %add3A_35 {offsets = [0, 128], sizes = [1024, 128], strides = [1, 1]} : vector<1024x384xf32> to vector<1024x128xf32>
    %add3A_45 = arith.addf %slice3A_43, %slice3A_44 : vector<1024x128xf32>
    %logistic3A_46 = arith.negf %add3A_45 : vector<1024x128xf32>
    %logistic3A_47 = math.exp %logistic3A_46 : vector<1024x128xf32>
    %logistic3A_48 = arith.constant 1.000000e+00 : f32
    %logistic3A_49 = vector.broadcast %logistic3A_48 : f32 to vector<1024x128xf32>
    %logistic3A_50 = arith.addf %logistic3A_49, %logistic3A_47 : vector<1024x128xf32>
    %logistic3A_51 = arith.divf %logistic3A_49, %logistic3A_50 : vector<1024x128xf32>
    %slice3A_52 = vector.extract_strided_slice %add3A_23 {offsets = [0, 256], sizes = [1024, 128], strides = [1, 1]} : vector<1024x384xf32> to vector<1024x128xf32>
    %slice3A_53 = vector.extract_strided_slice %add3A_35 {offsets = [0, 256], sizes = [1024, 128], strides = [1, 1]} : vector<1024x384xf32> to vector<1024x128xf32>
    %mul3A = arith.mulf %logistic3A_42, %slice3A_53 : vector<1024x128xf32>
    %add3A_54 = arith.addf %slice3A_52, %mul3A : vector<1024x128xf32>
    %tanh3A = math.tanh %add3A_54 : vector<1024x128xf32>
    %sub3A = arith.constant 1.000000e+00 : f32
    %sub3A_55 = vector.broadcast %sub3A : f32 to vector<1024x128xf32>
    %sub3A_56 = arith.subf %sub3A_55, %logistic3A_51 : vector<1024x128xf32>
    %mul3A_57 = arith.mulf %sub3A_56, %tanh3A : vector<1024x128xf32>
    %mul3A_58 = arith.mulf %logistic3A_51, %get3A_13 : vector<1024x128xf32>
    %add3A_59 = arith.addf %mul3A_57, %mul3A_58 : vector<1024x128xf32>
    %swap3A = arith.constant 0 : index
    %swap3A_60 = arith.constant 0 : index
    %swap3A_61 = vector.load %arg9[%swap3A, %swap3A_60] : memref<1024x128xf32, #tpu.memory_space<vmem>>, vector<1024x128xf32>
    tpu.vector_store %arg9[%swap3A, %swap3A_60], %add3A_59 {strides = array<i32>} : memref<1024x128xf32, #tpu.memory_space<vmem>>, vector<1024x128xf32>,
    return
  }
  func.func @transform_0(%arg0: i32) -> (i32, i32) {
    %c0_i32 = arith.constant 0 : i32
    %c0_i32_0 = arith.constant 0 : i32
    return %arg0, %c0_i32 : i32, i32
  }
  func.func @transform_1(%arg0: i32) -> (i32, i32) {
    %c0_i32 = arith.constant 0 : i32
    %c0_i32_0 = arith.constant 0 : i32
    return %arg0, %c0_i32 : i32, i32
  }
  func.func @transform_2(%arg0: i32) -> (i32, i32) {
    %c0_i32 = arith.constant 0 : i32
    %c0_i32_0 = arith.constant 0 : i32
    return %arg0, %c0_i32 : i32, i32
  }
  func.func @transform_3(%arg0: i32) -> (i32, i32) {
    %c0_i32 = arith.constant 0 : i32
    %c0_i32_0 = arith.constant 0 : i32
    %c0_i32_1 = arith.constant 0 : i32
    return %c0_i32, %c0_i32_0 : i32, i32
  }
  func.func @transform_4(%arg0: i32) -> (i32, i32) {
    %c0_i32 = arith.constant 0 : i32
    %c0_i32_0 = arith.constant 0 : i32
    %c0_i32_1 = arith.constant 0 : i32
    return %c0_i32, %c0_i32_0 : i32, i32
  }
  func.func @transform_5(%arg0: i32) -> (i32, i32) {
    %c0_i32 = arith.constant 0 : i32
    %c0_i32_0 = arith.constant 0 : i32
    %c0_i32_1 = arith.constant 0 : i32
    return %c0_i32, %c0_i32_0 : i32, i32
  }
  func.func @transform_6(%arg0: i32) -> (i32, i32) {
    %c0_i32 = arith.constant 0 : i32
    %c0_i32_0 = arith.constant 0 : i32
    %c0_i32_1 = arith.constant 0 : i32
    return %c0_i32, %c0_i32_0 : i32, i32
  }
  func.func @transform_7(%arg0: i32) -> (i32, i32) {
    %c0_i32 = arith.constant 0 : i32
    %c0_i32_0 = arith.constant 0 : i32
    %c0_i32_1 = arith.constant 0 : i32
    return %c0_i32, %c0_i32_0 : i32, i32
  }
  func.func @transform_8(%arg0: i32) -> (i32, i32) {
    %c0_i32 = arith.constant 0 : i32
    %c0_i32_0 = arith.constant 0 : i32
    return %arg0, %c0_i32 : i32, i32
  }
}

module attributes {stable_mosaic.version = 14 : i64} {
  func.func @_lstm_body(%arg0: i32, %arg1: memref<512x256xf32, #tpu.memory_space<vmem>>, %arg2: memref<512x128xf32, #tpu.memory_space<vmem>>, %arg3: memref<512x128xf32, #tpu.memory_space<vmem>>, %arg4: memref<256x512xf32, #tpu.memory_space<vmem>>, %arg5: memref<128x512xf32, #tpu.memory_space<vmem>>, %arg6: memref<1x512xf32, #tpu.memory_space<vmem>>, %arg7: memref<1x512xf32, #tpu.memory_space<vmem>>, %arg8: memref<512x128xf32, #tpu.memory_space<vmem>>, %arg9: memref<512x128xf32, #tpu.memory_space<vmem>>) attributes {dimension_semantics = [#tpu.dimension_semantics<arbitrary>], iteration_bounds = array<i64: 1>, scalar_prefetch = 0 : i64, scratch_operands = 0 : i64, tpu.core_type = #tpu.core_type<tc>, window_params = [{pipeline_mode = #tpu.pipeline_mode<synchronous>, transform_indices = @transform_0, window_bounds = array<i64: 512, 256>}, {pipeline_mode = #tpu.pipeline_mode<synchronous>, transform_indices = @transform_1, window_bounds = array<i64: 512, 128>}, {pipeline_mode = #tpu.pipeline_mode<synchronous>, transform_indices = @transform_2, window_bounds = array<i64: 512, 128>}, {pipeline_mode = #tpu.pipeline_mode<synchronous>, transform_indices = @transform_3, window_bounds = array<i64: 256, 512>}, {pipeline_mode = #tpu.pipeline_mode<synchronous>, transform_indices = @transform_4, window_bounds = array<i64: 128, 512>}, {pipeline_mode = #tpu.pipeline_mode<synchronous>, transform_indices = @transform_5, window_bounds = array<i64: 1, 512>}, {pipeline_mode = #tpu.pipeline_mode<synchronous>, transform_indices = @transform_6, window_bounds = array<i64: 1, 512>}, {pipeline_mode = #tpu.pipeline_mode<synchronous>, transform_indices = @transform_7, window_bounds = array<i64: 512, 128>}, {pipeline_mode = #tpu.pipeline_mode<synchronous>, transform_indices = @transform_8, window_bounds = array<i64: 512, 128>}]} {
    %get3A = arith.constant 0 : index
    %get3A_0 = arith.constant 0 : index
    %get3A_1 = vector.load %arg1[%get3A, %get3A_0] : memref<512x256xf32, #tpu.memory_space<vmem>>, vector<512x256xf32>
    %convert_element_type3A = arith.truncf %get3A_1 : vector<512x256xf32> to vector<512x256xbf16>
    %get3A_2 = arith.constant 0 : index
    %get3A_3 = arith.constant 0 : index
    %get3A_4 = vector.load %arg4[%get3A_2, %get3A_3] : memref<256x512xf32, #tpu.memory_space<vmem>>, vector<256x512xf32>
    %convert_element_type3A_5 = arith.truncf %get3A_4 : vector<256x512xf32> to vector<256x512xbf16>
    %dot_general3A = arith.constant dense<0.000000e+00> : vector<512x512xf32>
    %dot_general3A_6 = tpu.matmul %convert_element_type3A, %convert_element_type3A_5, %dot_general3A {dimension_numbers = #tpu.dot_dimension_numbers<[1], [0], [0], [1], [0, 0, 1, 1], [], []>, transpose_lhs_hint = false} : vector<512x256xbf16>, vector<256x512xbf16>, vector<512x512xf32> -> vector<512x512xf32>
    %get3A_7 = arith.constant 0 : index
    %get3A_8 = arith.constant 0 : index
    %get3A_9 = vector.load %arg2[%get3A_7, %get3A_8] : memref<512x128xf32, #tpu.memory_space<vmem>>, vector<512x128xf32>
    %convert_element_type3A_10 = arith.truncf %get3A_9 : vector<512x128xf32> to vector<512x128xbf16>
    %get3A_11 = arith.constant 0 : index
    %get3A_12 = arith.constant 0 : index
    %get3A_13 = vector.load %arg5[%get3A_11, %get3A_12] : memref<128x512xf32, #tpu.memory_space<vmem>>, vector<128x512xf32>
    %convert_element_type3A_14 = arith.truncf %get3A_13 : vector<128x512xf32> to vector<128x512xbf16>
    %dot_general3A_15 = arith.constant dense<0.000000e+00> : vector<512x512xf32>
    %dot_general3A_16 = tpu.matmul %convert_element_type3A_10, %convert_element_type3A_14, %dot_general3A_15 {dimension_numbers = #tpu.dot_dimension_numbers<[1], [0], [0], [1], [0, 0, 1, 1], [], []>, transpose_lhs_hint = false} : vector<512x128xbf16>, vector<128x512xbf16>, vector<512x512xf32> -> vector<512x512xf32>
    %add3A = arith.addf %dot_general3A_6, %dot_general3A_16 : vector<512x512xf32>
    %get3A_17 = arith.constant 0 : index
    %get3A_18 = arith.constant 0 : index
    %get3A_19 = vector.load %arg6[%get3A_17, %get3A_18] : memref<1x512xf32, #tpu.memory_space<vmem>>, vector<1x512xf32>
    %add3A_20 = vector.broadcast %get3A_19 : vector<1x512xf32> to vector<512x512xf32>
    %add3A_21 = arith.addf %add3A, %add3A_20 : vector<512x512xf32>
    %get3A_22 = arith.constant 0 : index
    %get3A_23 = arith.constant 0 : index
    %get3A_24 = vector.load %arg7[%get3A_22, %get3A_23] : memref<1x512xf32, #tpu.memory_space<vmem>>, vector<1x512xf32>
    %add3A_25 = vector.broadcast %get3A_24 : vector<1x512xf32> to vector<512x512xf32>
    %add3A_26 = arith.addf %add3A_21, %add3A_25 : vector<512x512xf32>
    %slice3A = vector.extract_strided_slice %add3A_26 {offsets = [0, 0], sizes = [512, 128], strides = [1, 1]} : vector<512x512xf32> to vector<512x128xf32>
    %slice3A_27 = vector.extract_strided_slice %add3A_26 {offsets = [0, 128], sizes = [512, 128], strides = [1, 1]} : vector<512x512xf32> to vector<512x128xf32>
    %slice3A_28 = vector.extract_strided_slice %add3A_26 {offsets = [0, 256], sizes = [512, 128], strides = [1, 1]} : vector<512x512xf32> to vector<512x128xf32>
    %slice3A_29 = vector.extract_strided_slice %add3A_26 {offsets = [0, 384], sizes = [512, 128], strides = [1, 1]} : vector<512x512xf32> to vector<512x128xf32>
    %logistic3A = arith.negf %slice3A_27 : vector<512x128xf32>
    %logistic3A_30 = math.exp %logistic3A : vector<512x128xf32>
    %logistic3A_31 = arith.constant 1.000000e+00 : f32
    %logistic3A_32 = vector.broadcast %logistic3A_31 : f32 to vector<512x128xf32>
    %logistic3A_33 = arith.addf %logistic3A_32, %logistic3A_30 : vector<512x128xf32>
    %logistic3A_34 = arith.divf %logistic3A_32, %logistic3A_33 : vector<512x128xf32>
    %get3A_35 = arith.constant 0 : index
    %get3A_36 = arith.constant 0 : index
    %get3A_37 = vector.load %arg3[%get3A_35, %get3A_36] : memref<512x128xf32, #tpu.memory_space<vmem>>, vector<512x128xf32>
    %mul3A = arith.mulf %logistic3A_34, %get3A_37 : vector<512x128xf32>
    %logistic3A_38 = arith.negf %slice3A : vector<512x128xf32>
    %logistic3A_39 = math.exp %logistic3A_38 : vector<512x128xf32>
    %logistic3A_40 = arith.constant 1.000000e+00 : f32
    %logistic3A_41 = vector.broadcast %logistic3A_40 : f32 to vector<512x128xf32>
    %logistic3A_42 = arith.addf %logistic3A_41, %logistic3A_39 : vector<512x128xf32>
    %logistic3A_43 = arith.divf %logistic3A_41, %logistic3A_42 : vector<512x128xf32>
    %tanh3A = math.tanh %slice3A_28 : vector<512x128xf32>
    %mul3A_44 = arith.mulf %logistic3A_43, %tanh3A : vector<512x128xf32>
    %add3A_45 = arith.addf %mul3A, %mul3A_44 : vector<512x128xf32>
    %logistic3A_46 = arith.negf %slice3A_29 : vector<512x128xf32>
    %logistic3A_47 = math.exp %logistic3A_46 : vector<512x128xf32>
    %logistic3A_48 = arith.constant 1.000000e+00 : f32
    %logistic3A_49 = vector.broadcast %logistic3A_48 : f32 to vector<512x128xf32>
    %logistic3A_50 = arith.addf %logistic3A_49, %logistic3A_47 : vector<512x128xf32>
    %logistic3A_51 = arith.divf %logistic3A_49, %logistic3A_50 : vector<512x128xf32>
    %tanh3A_52 = math.tanh %add3A_45 : vector<512x128xf32>
    %mul3A_53 = arith.mulf %logistic3A_51, %tanh3A_52 : vector<512x128xf32>
    %swap3A = arith.constant 0 : index
    %swap3A_54 = arith.constant 0 : index
    %swap3A_55 = vector.load %arg8[%swap3A, %swap3A_54] : memref<512x128xf32, #tpu.memory_space<vmem>>, vector<512x128xf32>
    tpu.vector_store %arg8[%swap3A, %swap3A_54], %mul3A_53 {strides = array<i32>} : memref<512x128xf32, #tpu.memory_space<vmem>>, vector<512x128xf32>,
    %swap3A_56 = arith.constant 0 : index
    %swap3A_57 = arith.constant 0 : index
    %swap3A_58 = vector.load %arg9[%swap3A_56, %swap3A_57] : memref<512x128xf32, #tpu.memory_space<vmem>>, vector<512x128xf32>
    tpu.vector_store %arg9[%swap3A_56, %swap3A_57], %add3A_45 {strides = array<i32>} : memref<512x128xf32, #tpu.memory_space<vmem>>, vector<512x128xf32>,
    return
  }
  func.func @transform_0(%arg0: i32) -> (i32, i32) {
    %c0_i32 = arith.constant 0 : i32
    %c0_i32_0 = arith.constant 0 : i32
    %c0_i32_1 = arith.constant 0 : i32
    return %c0_i32, %c0_i32_0 : i32, i32
  }
  func.func @transform_1(%arg0: i32) -> (i32, i32) {
    %c0_i32 = arith.constant 0 : i32
    %c0_i32_0 = arith.constant 0 : i32
    %c0_i32_1 = arith.constant 0 : i32
    return %c0_i32, %c0_i32_0 : i32, i32
  }
  func.func @transform_2(%arg0: i32) -> (i32, i32) {
    %c0_i32 = arith.constant 0 : i32
    %c0_i32_0 = arith.constant 0 : i32
    %c0_i32_1 = arith.constant 0 : i32
    return %c0_i32, %c0_i32_0 : i32, i32
  }
  func.func @transform_3(%arg0: i32) -> (i32, i32) {
    %c0_i32 = arith.constant 0 : i32
    %c0_i32_0 = arith.constant 0 : i32
    %c0_i32_1 = arith.constant 0 : i32
    return %c0_i32, %c0_i32_0 : i32, i32
  }
  func.func @transform_4(%arg0: i32) -> (i32, i32) {
    %c0_i32 = arith.constant 0 : i32
    %c0_i32_0 = arith.constant 0 : i32
    %c0_i32_1 = arith.constant 0 : i32
    return %c0_i32, %c0_i32_0 : i32, i32
  }
  func.func @transform_5(%arg0: i32) -> (i32, i32) {
    %c0_i32 = arith.constant 0 : i32
    %c0_i32_0 = arith.constant 0 : i32
    %c0_i32_1 = arith.constant 0 : i32
    return %c0_i32, %c0_i32_0 : i32, i32
  }
  func.func @transform_6(%arg0: i32) -> (i32, i32) {
    %c0_i32 = arith.constant 0 : i32
    %c0_i32_0 = arith.constant 0 : i32
    %c0_i32_1 = arith.constant 0 : i32
    return %c0_i32, %c0_i32_0 : i32, i32
  }
  func.func @transform_7(%arg0: i32) -> (i32, i32) {
    %c0_i32 = arith.constant 0 : i32
    %c0_i32_0 = arith.constant 0 : i32
    %c0_i32_1 = arith.constant 0 : i32
    return %c0_i32, %c0_i32_0 : i32, i32
  }
  func.func @transform_8(%arg0: i32) -> (i32, i32) {
    %c0_i32 = arith.constant 0 : i32
    %c0_i32_0 = arith.constant 0 : i32
    %c0_i32_1 = arith.constant 0 : i32
    return %c0_i32, %c0_i32_0 : i32, i32
  }
}

module attributes {stable_mosaic.version = 14 : i64} {
  func.func @_attmax_body(%arg0: i32, %arg1: memref<1x1x1024xi32, #tpu.memory_space<vmem>>, %arg2: memref<1024x128xf32, #tpu.memory_space<vmem>>, %arg3: memref<512x128xf32, #tpu.memory_space<vmem>>, %arg4: memref<1x512xf32, #tpu.memory_space<vmem>>) attributes {dimension_semantics = [#tpu.dimension_semantics<arbitrary>], iteration_bounds = array<i64: 10>, scalar_prefetch = 0 : i64, scratch_operands = 0 : i64, tpu.core_type = #tpu.core_type<tc>, window_params = [{transform_indices = @transform_0, window_bounds = array<i64: 1, 1, 1024>}, {transform_indices = @transform_1, window_bounds = array<i64: 1024, 128>}, {pipeline_mode = #tpu.pipeline_mode<synchronous>, transform_indices = @transform_2, window_bounds = array<i64: 512, 128>}, {pipeline_mode = #tpu.pipeline_mode<synchronous>, transform_indices = @transform_3, window_bounds = array<i64: 1, 512>}]} {
    %get3A = arith.constant 0 : index
    %get3A_0 = arith.constant 0 : index
    %get3A_1 = vector.load %arg2[%get3A, %get3A_0] : memref<1024x128xf32, #tpu.memory_space<vmem>>, vector<1024x128xf32>
    %get3A_2 = arith.constant 0 : index
    %get3A_3 = arith.constant 0 : index
    %get3A_4 = vector.load %arg3[%get3A_2, %get3A_3] : memref<512x128xf32, #tpu.memory_space<vmem>>, vector<512x128xf32>
    %dot_general3A = arith.constant dense<0.000000e+00> : vector<1024x512xf32>
    %dot_general3A_5 = tpu.matmul %get3A_1, %get3A_4, %dot_general3A {dimension_numbers = #tpu.dot_dimension_numbers<[1], [1], [0], [0], [0, 0, 1, 0], [], []>, precision = #tpu.contract_precision<fp32>, transpose_lhs_hint = false} : vector<1024x128xf32>, vector<512x128xf32>, vector<1024x512xf32> -> vector<1024x512xf32>
    %get3A_6 = arith.constant 0 : index
    %get3A_7 = arith.constant 0 : index
    %get3A_8 = arith.constant 0 : index
    %get3A_9 = vector.load %arg1[%get3A_6, %get3A_7, %get3A_8] : memref<1x1x1024xi32, #tpu.memory_space<vmem>>, vector<1x1x1024xi32>
    %get3A_10 = vector.shape_cast %get3A_9 : vector<1x1x1024xi32> to vector<1024xi32>
    %iota3A = tpu.iota {dimensions = array<i32: 1>} : vector<1024x512xi32>
    %broadcast_in_dim3A = vector.shape_cast %get3A_10 : vector<1024xi32> to vector<1024x1xi32>
    %eq3A = vector.broadcast %broadcast_in_dim3A : vector<1024x1xi32> to vector<1024x512xi32>
    %eq3A_11 = arith.cmpi eq, %iota3A, %eq3A : vector<1024x512xi32>
    %jit3A = arith.constant 0xFF800000 : f32
    %broadcast_in_dim3A_12 = vector.broadcast %jit3A : f32 to vector<1024x512xf32>
    %select_n3A = arith.select %eq3A_11, %dot_general3A_5, %broadcast_in_dim3A_12 : vector<1024x512xi1>, vector<1024x512xf32>
    %eq3A_13 = arith.constant 0 : i32
    %eq3A_14 = arith.cmpi eq, %arg0, %eq3A_13 : i32
    %convert_element_type3A = arith.extui %eq3A_14 : i1 to i32
    %cond3A = arith.constant 0 : i32
    %cond3A_15 = arith.cmpi ne, %convert_element_type3A, %cond3A : i32
    scf.if %cond3A_15 {
      %broadcast_in_dim3A_23 = arith.constant 0xFF800000 : f32
      %broadcast_in_dim3A_24 = vector.broadcast %broadcast_in_dim3A_23 : f32 to vector<1x512xf32>
      %swap3A_25 = arith.constant 0 : index
      %swap3A_26 = arith.constant 0 : index
      %swap3A_27 = vector.load %arg4[%swap3A_25, %swap3A_26] : memref<1x512xf32, #tpu.memory_space<vmem>>, vector<1x512xf32>
      tpu.vector_store %arg4[%swap3A_25, %swap3A_26], %broadcast_in_dim3A_24 {strides = array<i32>} : memref<1x512xf32, #tpu.memory_space<vmem>>, vector<1x512xf32>,
    } else {
    }
    %get3A_16 = arith.constant 0 : index
    %get3A_17 = arith.constant 0 : index
    %get3A_18 = vector.load %arg4[%get3A_16, %get3A_17] : memref<1x512xf32, #tpu.memory_space<vmem>>, vector<1x512xf32>
    %reduce_max3A = arith.constant dense<0xFF800000> : vector<512xf32>
    %reduce_max3A_19 = vector.multi_reduction <maximumf>, %select_n3A, %reduce_max3A [0] : vector<1024x512xf32> to vector<512xf32>
    %broadcast_in_dim3A_20 = vector.shape_cast %reduce_max3A_19 : vector<512xf32> to vector<1x512xf32>
    %max3A = arith.maximumf %get3A_18, %broadcast_in_dim3A_20 : vector<1x512xf32>
    %swap3A = arith.constant 0 : index
    %swap3A_21 = arith.constant 0 : index
    %swap3A_22 = vector.load %arg4[%swap3A, %swap3A_21] : memref<1x512xf32, #tpu.memory_space<vmem>>, vector<1x512xf32>
    tpu.vector_store %arg4[%swap3A, %swap3A_21], %max3A {strides = array<i32>} : memref<1x512xf32, #tpu.memory_space<vmem>>, vector<1x512xf32>,
    return
  }
  func.func @transform_0(%arg0: i32) -> (i32, i32, i32) {
    %c0_i32 = arith.constant 0 : i32
    %c0_i32_0 = arith.constant 0 : i32
    %c0_i32_1 = arith.constant 0 : i32
    return %arg0, %c0_i32, %c0_i32_0 : i32, i32, i32
  }
  func.func @transform_1(%arg0: i32) -> (i32, i32) {
    %c0_i32 = arith.constant 0 : i32
    %c0_i32_0 = arith.constant 0 : i32
    return %arg0, %c0_i32 : i32, i32
  }
  func.func @transform_2(%arg0: i32) -> (i32, i32) {
    %c0_i32 = arith.constant 0 : i32
    %c0_i32_0 = arith.constant 0 : i32
    %c0_i32_1 = arith.constant 0 : i32
    return %c0_i32, %c0_i32_0 : i32, i32
  }
  func.func @transform_3(%arg0: i32) -> (i32, i32) {
    %c0_i32 = arith.constant 0 : i32
    %c0_i32_0 = arith.constant 0 : i32
    %c0_i32_1 = arith.constant 0 : i32
    return %c0_i32, %c0_i32_0 : i32, i32
  }
}

module attributes {stable_mosaic.version = 14 : i64} {
  func.func @_attsum_body(%arg0: i32, %arg1: memref<1x1x1024xi32, #tpu.memory_space<vmem>>, %arg2: memref<1024x128xf32, #tpu.memory_space<vmem>>, %arg3: memref<512x128xf32, #tpu.memory_space<vmem>>, %arg4: memref<1x512xf32, #tpu.memory_space<vmem>>, %arg5: memref<1x512xf32, #tpu.memory_space<vmem>>, %arg6: memref<512x128xf32, #tpu.memory_space<vmem>>) attributes {dimension_semantics = [#tpu.dimension_semantics<arbitrary>], iteration_bounds = array<i64: 10>, scalar_prefetch = 0 : i64, scratch_operands = 0 : i64, tpu.core_type = #tpu.core_type<tc>, window_params = [{transform_indices = @transform_0, window_bounds = array<i64: 1, 1, 1024>}, {transform_indices = @transform_1, window_bounds = array<i64: 1024, 128>}, {pipeline_mode = #tpu.pipeline_mode<synchronous>, transform_indices = @transform_2, window_bounds = array<i64: 512, 128>}, {pipeline_mode = #tpu.pipeline_mode<synchronous>, transform_indices = @transform_3, window_bounds = array<i64: 1, 512>}, {pipeline_mode = #tpu.pipeline_mode<synchronous>, transform_indices = @transform_4, window_bounds = array<i64: 1, 512>}, {pipeline_mode = #tpu.pipeline_mode<synchronous>, transform_indices = @transform_5, window_bounds = array<i64: 512, 128>}]} {
    %get3A = arith.constant 0 : index
    %get3A_0 = arith.constant 0 : index
    %get3A_1 = vector.load %arg2[%get3A, %get3A_0] : memref<1024x128xf32, #tpu.memory_space<vmem>>, vector<1024x128xf32>
    %get3A_2 = arith.constant 0 : index
    %get3A_3 = arith.constant 0 : index
    %get3A_4 = vector.load %arg3[%get3A_2, %get3A_3] : memref<512x128xf32, #tpu.memory_space<vmem>>, vector<512x128xf32>
    %dot_general3A = arith.constant dense<0.000000e+00> : vector<1024x512xf32>
    %dot_general3A_5 = tpu.matmul %get3A_1, %get3A_4, %dot_general3A {dimension_numbers = #tpu.dot_dimension_numbers<[1], [1], [0], [0], [0, 0, 1, 0], [], []>, precision = #tpu.contract_precision<fp32>, transpose_lhs_hint = false} : vector<1024x128xf32>, vector<512x128xf32>, vector<1024x512xf32> -> vector<1024x512xf32>
    %get3A_6 = arith.constant 0 : index
    %get3A_7 = arith.constant 0 : index
    %get3A_8 = arith.constant 0 : index
    %get3A_9 = vector.load %arg1[%get3A_6, %get3A_7, %get3A_8] : memref<1x1x1024xi32, #tpu.memory_space<vmem>>, vector<1x1x1024xi32>
    %get3A_10 = vector.shape_cast %get3A_9 : vector<1x1x1024xi32> to vector<1024xi32>
    %iota3A = tpu.iota {dimensions = array<i32: 1>} : vector<1024x512xi32>
    %broadcast_in_dim3A = vector.shape_cast %get3A_10 : vector<1024xi32> to vector<1024x1xi32>
    %eq3A = vector.broadcast %broadcast_in_dim3A : vector<1024x1xi32> to vector<1024x512xi32>
    %eq3A_11 = arith.cmpi eq, %iota3A, %eq3A : vector<1024x512xi32>
    %get3A_12 = arith.constant 0 : index
    %get3A_13 = arith.constant 0 : index
    %get3A_14 = vector.load %arg4[%get3A_12, %get3A_13] : memref<1x512xf32, #tpu.memory_space<vmem>>, vector<1x512xf32>
    %sub3A = vector.broadcast %get3A_14 : vector<1x512xf32> to vector<1024x512xf32>
    %sub3A_15 = arith.subf %dot_general3A_5, %sub3A : vector<1024x512xf32>
    %exp3A = math.exp %sub3A_15 : vector<1024x512xf32>
    %jit3A = arith.constant 0.000000e+00 : f32
    %broadcast_in_dim3A_16 = vector.broadcast %jit3A : f32 to vector<1024x512xf32>
    %select_n3A = arith.select %eq3A_11, %exp3A, %broadcast_in_dim3A_16 : vector<1024x512xi1>, vector<1024x512xf32>
    %eq3A_17 = arith.constant 0 : i32
    %eq3A_18 = arith.cmpi eq, %arg0, %eq3A_17 : i32
    %convert_element_type3A = arith.extui %eq3A_18 : i1 to i32
    %cond3A = arith.constant 0 : i32
    %cond3A_19 = arith.cmpi ne, %convert_element_type3A, %cond3A : i32
    scf.if %cond3A_19 {
      %broadcast_in_dim3A_36 = arith.constant 0.000000e+00 : f32
      %broadcast_in_dim3A_37 = vector.broadcast %broadcast_in_dim3A_36 : f32 to vector<1x512xf32>
      %swap3A_38 = arith.constant 0 : index
      %swap3A_39 = arith.constant 0 : index
      %swap3A_40 = vector.load %arg5[%swap3A_38, %swap3A_39] : memref<1x512xf32, #tpu.memory_space<vmem>>, vector<1x512xf32>
      tpu.vector_store %arg5[%swap3A_38, %swap3A_39], %broadcast_in_dim3A_37 {strides = array<i32>} : memref<1x512xf32, #tpu.memory_space<vmem>>, vector<1x512xf32>,
      %broadcast_in_dim3A_41 = arith.constant 0.000000e+00 : f32
      %broadcast_in_dim3A_42 = vector.broadcast %broadcast_in_dim3A_41 : f32 to vector<512x128xf32>
      %swap3A_43 = arith.constant 0 : index
      %swap3A_44 = arith.constant 0 : index
      %swap3A_45 = vector.load %arg6[%swap3A_43, %swap3A_44] : memref<512x128xf32, #tpu.memory_space<vmem>>, vector<512x128xf32>
      tpu.vector_store %arg6[%swap3A_43, %swap3A_44], %broadcast_in_dim3A_42 {strides = array<i32>} : memref<512x128xf32, #tpu.memory_space<vmem>>, vector<512x128xf32>,
    } else {
    }
    %get3A_20 = arith.constant 0 : index
    %get3A_21 = arith.constant 0 : index
    %get3A_22 = vector.load %arg5[%get3A_20, %get3A_21] : memref<1x512xf32, #tpu.memory_space<vmem>>, vector<1x512xf32>
    %reduce_sum3A = arith.constant dense<0.000000e+00> : vector<512xf32>
    %reduce_sum3A_23 = vector.multi_reduction <add>, %select_n3A, %reduce_sum3A [0] : vector<1024x512xf32> to vector<512xf32>
    %broadcast_in_dim3A_24 = vector.shape_cast %reduce_sum3A_23 : vector<512xf32> to vector<1x512xf32>
    %add3A = arith.addf %get3A_22, %broadcast_in_dim3A_24 : vector<1x512xf32>
    %swap3A = arith.constant 0 : index
    %swap3A_25 = arith.constant 0 : index
    %swap3A_26 = vector.load %arg5[%swap3A, %swap3A_25] : memref<1x512xf32, #tpu.memory_space<vmem>>, vector<1x512xf32>
    tpu.vector_store %arg5[%swap3A, %swap3A_25], %add3A {strides = array<i32>} : memref<1x512xf32, #tpu.memory_space<vmem>>, vector<1x512xf32>,
    %get3A_27 = arith.constant 0 : index
    %get3A_28 = arith.constant 0 : index
    %get3A_29 = vector.load %arg6[%get3A_27, %get3A_28] : memref<512x128xf32, #tpu.memory_space<vmem>>, vector<512x128xf32>
    %dot_general3A_30 = arith.constant dense<0.000000e+00> : vector<512x128xf32>
    %dot_general3A_31 = tpu.matmul %select_n3A, %get3A_1, %dot_general3A_30 {dimension_numbers = #tpu.dot_dimension_numbers<[0], [0], [1], [1], [0, 1, 1, 1], [], []>, precision = #tpu.contract_precision<fp32>, transpose_lhs_hint = false} : vector<1024x512xf32>, vector<1024x128xf32>, vector<512x128xf32> -> vector<512x128xf32>
    %add3A_32 = arith.addf %get3A_29, %dot_general3A_31 : vector<512x128xf32>
    %swap3A_33 = arith.constant 0 : index
    %swap3A_34 = arith.constant 0 : index
    %swap3A_35 = vector.load %arg6[%swap3A_33, %swap3A_34] : memref<512x128xf32, #tpu.memory_space<vmem>>, vector<512x128xf32>
    tpu.vector_store %arg6[%swap3A_33, %swap3A_34], %add3A_32 {strides = array<i32>} : memref<512x128xf32, #tpu.memory_space<vmem>>, vector<512x128xf32>,
    return
  }
  func.func @transform_0(%arg0: i32) -> (i32, i32, i32) {
    %c0_i32 = arith.constant 0 : i32
    %c0_i32_0 = arith.constant 0 : i32
    %c0_i32_1 = arith.constant 0 : i32
    return %arg0, %c0_i32, %c0_i32_0 : i32, i32, i32
  }
  func.func @transform_1(%arg0: i32) -> (i32, i32) {
    %c0_i32 = arith.constant 0 : i32
    %c0_i32_0 = arith.constant 0 : i32
    return %arg0, %c0_i32 : i32, i32
  }
  func.func @transform_2(%arg0: i32) -> (i32, i32) {
    %c0_i32 = arith.constant 0 : i32
    %c0_i32_0 = arith.constant 0 : i32
    %c0_i32_1 = arith.constant 0 : i32
    return %c0_i32, %c0_i32_0 : i32, i32
  }
  func.func @transform_3(%arg0: i32) -> (i32, i32) {
    %c0_i32 = arith.constant 0 : i32
    %c0_i32_0 = arith.constant 0 : i32
    %c0_i32_1 = arith.constant 0 : i32
    return %c0_i32, %c0_i32_0 : i32, i32
  }
  func.func @transform_4(%arg0: i32) -> (i32, i32) {
    %c0_i32 = arith.constant 0 : i32
    %c0_i32_0 = arith.constant 0 : i32
    %c0_i32_1 = arith.constant 0 : i32
    return %c0_i32, %c0_i32_0 : i32, i32
  }
  func.func @transform_5(%arg0: i32) -> (i32, i32) {
    %c0_i32 = arith.constant 0 : i32
    %c0_i32_0 = arith.constant 0 : i32
    %c0_i32_1 = arith.constant 0 : i32
    return %c0_i32, %c0_i32_0 : i32, i32
  }
}

module attributes {stable_mosaic.version = 14 : i64} {
  func.func @_lstm_body(%arg0: i32, %arg1: memref<512x256xf32, #tpu.memory_space<vmem>>, %arg2: memref<512x128xf32, #tpu.memory_space<vmem>>, %arg3: memref<512x128xf32, #tpu.memory_space<vmem>>, %arg4: memref<256x512xf32, #tpu.memory_space<vmem>>, %arg5: memref<128x512xf32, #tpu.memory_space<vmem>>, %arg6: memref<1x512xf32, #tpu.memory_space<vmem>>, %arg7: memref<1x512xf32, #tpu.memory_space<vmem>>, %arg8: memref<512x128xf32, #tpu.memory_space<vmem>>, %arg9: memref<512x128xf32, #tpu.memory_space<vmem>>) attributes {dimension_semantics = [#tpu.dimension_semantics<arbitrary>], iteration_bounds = array<i64: 1>, scalar_prefetch = 0 : i64, scratch_operands = 0 : i64, tpu.core_type = #tpu.core_type<tc>, window_params = [{pipeline_mode = #tpu.pipeline_mode<synchronous>, transform_indices = @transform_0, window_bounds = array<i64: 512, 256>}, {pipeline_mode = #tpu.pipeline_mode<synchronous>, transform_indices = @transform_1, window_bounds = array<i64: 512, 128>}, {pipeline_mode = #tpu.pipeline_mode<synchronous>, transform_indices = @transform_2, window_bounds = array<i64: 512, 128>}, {pipeline_mode = #tpu.pipeline_mode<synchronous>, transform_indices = @transform_3, window_bounds = array<i64: 256, 512>}, {pipeline_mode = #tpu.pipeline_mode<synchronous>, transform_indices = @transform_4, window_bounds = array<i64: 128, 512>}, {pipeline_mode = #tpu.pipeline_mode<synchronous>, transform_indices = @transform_5, window_bounds = array<i64: 1, 512>}, {pipeline_mode = #tpu.pipeline_mode<synchronous>, transform_indices = @transform_6, window_bounds = array<i64: 1, 512>}, {pipeline_mode = #tpu.pipeline_mode<synchronous>, transform_indices = @transform_7, window_bounds = array<i64: 512, 128>}, {pipeline_mode = #tpu.pipeline_mode<synchronous>, transform_indices = @transform_8, window_bounds = array<i64: 512, 128>}]} {
    %get3A = arith.constant 0 : index
    %get3A_0 = arith.constant 0 : index
    %get3A_1 = vector.load %arg1[%get3A, %get3A_0] : memref<512x256xf32, #tpu.memory_space<vmem>>, vector<512x256xf32>
    %convert_element_type3A = arith.truncf %get3A_1 : vector<512x256xf32> to vector<512x256xbf16>
    %get3A_2 = arith.constant 0 : index
    %get3A_3 = arith.constant 0 : index
    %get3A_4 = vector.load %arg4[%get3A_2, %get3A_3] : memref<256x512xf32, #tpu.memory_space<vmem>>, vector<256x512xf32>
    %convert_element_type3A_5 = arith.truncf %get3A_4 : vector<256x512xf32> to vector<256x512xbf16>
    %dot_general3A = arith.constant dense<0.000000e+00> : vector<512x512xf32>
    %dot_general3A_6 = tpu.matmul %convert_element_type3A, %convert_element_type3A_5, %dot_general3A {dimension_numbers = #tpu.dot_dimension_numbers<[1], [0], [0], [1], [0, 0, 1, 1], [], []>, transpose_lhs_hint = false} : vector<512x256xbf16>, vector<256x512xbf16>, vector<512x512xf32> -> vector<512x512xf32>
    %get3A_7 = arith.constant 0 : index
    %get3A_8 = arith.constant 0 : index
    %get3A_9 = vector.load %arg2[%get3A_7, %get3A_8] : memref<512x128xf32, #tpu.memory_space<vmem>>, vector<512x128xf32>
    %convert_element_type3A_10 = arith.truncf %get3A_9 : vector<512x128xf32> to vector<512x128xbf16>
    %get3A_11 = arith.constant 0 : index
    %get3A_12 = arith.constant 0 : index
    %get3A_13 = vector.load %arg5[%get3A_11, %get3A_12] : memref<128x512xf32, #tpu.memory_space<vmem>>, vector<128x512xf32>
    %convert_element_type3A_14 = arith.truncf %get3A_13 : vector<128x512xf32> to vector<128x512xbf16>
    %dot_general3A_15 = arith.constant dense<0.000000e+00> : vector<512x512xf32>
    %dot_general3A_16 = tpu.matmul %convert_element_type3A_10, %convert_element_type3A_14, %dot_general3A_15 {dimension_numbers = #tpu.dot_dimension_numbers<[1], [0], [0], [1], [0, 0, 1, 1], [], []>, transpose_lhs_hint = false} : vector<512x128xbf16>, vector<128x512xbf16>, vector<512x512xf32> -> vector<512x512xf32>
    %add3A = arith.addf %dot_general3A_6, %dot_general3A_16 : vector<512x512xf32>
    %get3A_17 = arith.constant 0 : index
    %get3A_18 = arith.constant 0 : index
    %get3A_19 = vector.load %arg6[%get3A_17, %get3A_18] : memref<1x512xf32, #tpu.memory_space<vmem>>, vector<1x512xf32>
    %add3A_20 = vector.broadcast %get3A_19 : vector<1x512xf32> to vector<512x512xf32>
    %add3A_21 = arith.addf %add3A, %add3A_20 : vector<512x512xf32>
    %get3A_22 = arith.constant 0 : index
    %get3A_23 = arith.constant 0 : index
    %get3A_24 = vector.load %arg7[%get3A_22, %get3A_23] : memref<1x512xf32, #tpu.memory_space<vmem>>, vector<1x512xf32>
    %add3A_25 = vector.broadcast %get3A_24 : vector<1x512xf32> to vector<512x512xf32>
    %add3A_26 = arith.addf %add3A_21, %add3A_25 : vector<512x512xf32>
    %slice3A = vector.extract_strided_slice %add3A_26 {offsets = [0, 0], sizes = [512, 128], strides = [1, 1]} : vector<512x512xf32> to vector<512x128xf32>
    %slice3A_27 = vector.extract_strided_slice %add3A_26 {offsets = [0, 128], sizes = [512, 128], strides = [1, 1]} : vector<512x512xf32> to vector<512x128xf32>
    %slice3A_28 = vector.extract_strided_slice %add3A_26 {offsets = [0, 256], sizes = [512, 128], strides = [1, 1]} : vector<512x512xf32> to vector<512x128xf32>
    %slice3A_29 = vector.extract_strided_slice %add3A_26 {offsets = [0, 384], sizes = [512, 128], strides = [1, 1]} : vector<512x512xf32> to vector<512x128xf32>
    %logistic3A = arith.negf %slice3A_27 : vector<512x128xf32>
    %logistic3A_30 = math.exp %logistic3A : vector<512x128xf32>
    %logistic3A_31 = arith.constant 1.000000e+00 : f32
    %logistic3A_32 = vector.broadcast %logistic3A_31 : f32 to vector<512x128xf32>
    %logistic3A_33 = arith.addf %logistic3A_32, %logistic3A_30 : vector<512x128xf32>
    %logistic3A_34 = arith.divf %logistic3A_32, %logistic3A_33 : vector<512x128xf32>
    %get3A_35 = arith.constant 0 : index
    %get3A_36 = arith.constant 0 : index
    %get3A_37 = vector.load %arg3[%get3A_35, %get3A_36] : memref<512x128xf32, #tpu.memory_space<vmem>>, vector<512x128xf32>
    %mul3A = arith.mulf %logistic3A_34, %get3A_37 : vector<512x128xf32>
    %logistic3A_38 = arith.negf %slice3A : vector<512x128xf32>
    %logistic3A_39 = math.exp %logistic3A_38 : vector<512x128xf32>
    %logistic3A_40 = arith.constant 1.000000e+00 : f32
    %logistic3A_41 = vector.broadcast %logistic3A_40 : f32 to vector<512x128xf32>
    %logistic3A_42 = arith.addf %logistic3A_41, %logistic3A_39 : vector<512x128xf32>
    %logistic3A_43 = arith.divf %logistic3A_41, %logistic3A_42 : vector<512x128xf32>
    %tanh3A = math.tanh %slice3A_28 : vector<512x128xf32>
    %mul3A_44 = arith.mulf %logistic3A_43, %tanh3A : vector<512x128xf32>
    %add3A_45 = arith.addf %mul3A, %mul3A_44 : vector<512x128xf32>
    %logistic3A_46 = arith.negf %slice3A_29 : vector<512x128xf32>
    %logistic3A_47 = math.exp %logistic3A_46 : vector<512x128xf32>
    %logistic3A_48 = arith.constant 1.000000e+00 : f32
    %logistic3A_49 = vector.broadcast %logistic3A_48 : f32 to vector<512x128xf32>
    %logistic3A_50 = arith.addf %logistic3A_49, %logistic3A_47 : vector<512x128xf32>
    %logistic3A_51 = arith.divf %logistic3A_49, %logistic3A_50 : vector<512x128xf32>
    %tanh3A_52 = math.tanh %add3A_45 : vector<512x128xf32>
    %mul3A_53 = arith.mulf %logistic3A_51, %tanh3A_52 : vector<512x128xf32>
    %swap3A = arith.constant 0 : index
    %swap3A_54 = arith.constant 0 : index
    %swap3A_55 = vector.load %arg8[%swap3A, %swap3A_54] : memref<512x128xf32, #tpu.memory_space<vmem>>, vector<512x128xf32>
    tpu.vector_store %arg8[%swap3A, %swap3A_54], %mul3A_53 {strides = array<i32>} : memref<512x128xf32, #tpu.memory_space<vmem>>, vector<512x128xf32>,
    %swap3A_56 = arith.constant 0 : index
    %swap3A_57 = arith.constant 0 : index
    %swap3A_58 = vector.load %arg9[%swap3A_56, %swap3A_57] : memref<512x128xf32, #tpu.memory_space<vmem>>, vector<512x128xf32>
    tpu.vector_store %arg9[%swap3A_56, %swap3A_57], %add3A_45 {strides = array<i32>} : memref<512x128xf32, #tpu.memory_space<vmem>>, vector<512x128xf32>,
    return
  }
  func.func @transform_0(%arg0: i32) -> (i32, i32) {
    %c0_i32 = arith.constant 0 : i32
    %c0_i32_0 = arith.constant 0 : i32
    %c0_i32_1 = arith.constant 0 : i32
    return %c0_i32, %c0_i32_0 : i32, i32
  }
  func.func @transform_1(%arg0: i32) -> (i32, i32) {
    %c0_i32 = arith.constant 0 : i32
    %c0_i32_0 = arith.constant 0 : i32
    %c0_i32_1 = arith.constant 0 : i32
    return %c0_i32, %c0_i32_0 : i32, i32
  }
  func.func @transform_2(%arg0: i32) -> (i32, i32) {
    %c0_i32 = arith.constant 0 : i32
    %c0_i32_0 = arith.constant 0 : i32
    %c0_i32_1 = arith.constant 0 : i32
    return %c0_i32, %c0_i32_0 : i32, i32
  }
  func.func @transform_3(%arg0: i32) -> (i32, i32) {
    %c0_i32 = arith.constant 0 : i32
    %c0_i32_0 = arith.constant 0 : i32
    %c0_i32_1 = arith.constant 0 : i32
    return %c0_i32, %c0_i32_0 : i32, i32
  }
  func.func @transform_4(%arg0: i32) -> (i32, i32) {
    %c0_i32 = arith.constant 0 : i32
    %c0_i32_0 = arith.constant 0 : i32
    %c0_i32_1 = arith.constant 0 : i32
    return %c0_i32, %c0_i32_0 : i32, i32
  }
  func.func @transform_5(%arg0: i32) -> (i32, i32) {
    %c0_i32 = arith.constant 0 : i32
    %c0_i32_0 = arith.constant 0 : i32
    %c0_i32_1 = arith.constant 0 : i32
    return %c0_i32, %c0_i32_0 : i32, i32
  }
  func.func @transform_6(%arg0: i32) -> (i32, i32) {
    %c0_i32 = arith.constant 0 : i32
    %c0_i32_0 = arith.constant 0 : i32
    %c0_i32_1 = arith.constant 0 : i32
    return %c0_i32, %c0_i32_0 : i32, i32
  }
  func.func @transform_7(%arg0: i32) -> (i32, i32) {
    %c0_i32 = arith.constant 0 : i32
    %c0_i32_0 = arith.constant 0 : i32
    %c0_i32_1 = arith.constant 0 : i32
    return %c0_i32, %c0_i32_0 : i32, i32
  }
  func.func @transform_8(%arg0: i32) -> (i32, i32) {
    %c0_i32 = arith.constant 0 : i32
    %c0_i32_0 = arith.constant 0 : i32
    %c0_i32_1 = arith.constant 0 : i32
    return %c0_i32, %c0_i32_0 : i32, i32
  }
}

module attributes {stable_mosaic.version = 14 : i64} {
  func.func @_gather_body(%arg0: i32, %arg1: i32, %arg2: memref<1x1x512xi32, #tpu.memory_space<vmem>>, %arg3: memref<512x256xf32, #tpu.memory_space<vmem>>, %arg4: memref<512x256xf32, #tpu.memory_space<vmem>>) attributes {dimension_semantics = [#tpu.dimension_semantics<arbitrary>, #tpu.dimension_semantics<arbitrary>], iteration_bounds = array<i64: 20, 1>, scalar_prefetch = 0 : i64, scratch_operands = 0 : i64, tpu.core_type = #tpu.core_type<tc>, window_params = [{transform_indices = @transform_0, window_bounds = array<i64: 1, 1, 512>}, {transform_indices = @transform_1, window_bounds = array<i64: 512, 256>}, {transform_indices = @transform_2, window_bounds = array<i64: 512, 256>}]} {
    %get3A = arith.constant 0 : index
    %get3A_0 = arith.constant 0 : index
    %get3A_1 = arith.constant 0 : index
    %get3A_2 = vector.load %arg2[%get3A, %get3A_0, %get3A_1] : memref<1x1x512xi32, #tpu.memory_space<vmem>>, vector<1x1x512xi32>
    %get3A_3 = vector.shape_cast %get3A_2 : vector<1x1x512xi32> to vector<512xi32>
    %iota3A = tpu.iota {dimensions = array<i32: 1>} : vector<512x512xi32>
    %mul3A = arith.constant 512 : i32
    %mul3A_4 = arith.muli %arg1, %mul3A : i32
    %add3A = vector.broadcast %mul3A_4 : i32 to vector<512x512xi32>
    %add3A_5 = arith.addi %iota3A, %add3A : vector<512x512xi32>
    %broadcast_in_dim3A = vector.shape_cast %get3A_3 : vector<512xi32> to vector<512x1xi32>
    %eq3A = vector.broadcast %broadcast_in_dim3A : vector<512x1xi32> to vector<512x512xi32>
    %eq3A_6 = arith.cmpi eq, %eq3A, %add3A_5 : vector<512x512xi32>
    %eq3A_7 = arith.constant 0 : i32
    %eq3A_8 = arith.cmpi eq, %arg1, %eq3A_7 : i32
    %convert_element_type3A = arith.extui %eq3A_8 : i1 to i32
    %cond3A = arith.constant 0 : i32
    %cond3A_9 = arith.cmpi ne, %convert_element_type3A, %cond3A : i32
    scf.if %cond3A_9 {
      %broadcast_in_dim3A_29 = arith.constant 0.000000e+00 : f32
      %broadcast_in_dim3A_30 = vector.broadcast %broadcast_in_dim3A_29 : f32 to vector<512x256xf32>
      %swap3A_31 = arith.constant 0 : index
      %swap3A_32 = arith.constant 0 : index
      %swap3A_33 = vector.load %arg4[%swap3A_31, %swap3A_32] : memref<512x256xf32, #tpu.memory_space<vmem>>, vector<512x256xf32>
      tpu.vector_store %arg4[%swap3A_31, %swap3A_32], %broadcast_in_dim3A_30 {strides = array<i32>} : memref<512x256xf32, #tpu.memory_space<vmem>>, vector<512x256xf32>,
    } else {
    }
    %get3A_10 = arith.constant 0 : index
    %get3A_11 = arith.constant 0 : index
    %get3A_12 = vector.load %arg3[%get3A_10, %get3A_11] : memref<512x256xf32, #tpu.memory_space<vmem>>, vector<512x256xf32>
    %convert_element_type3A_13 = arith.truncf %get3A_12 : vector<512x256xf32> to vector<512x256xbf16>
    %convert_element_type3A_14 = arith.extf %convert_element_type3A_13 : vector<512x256xbf16> to vector<512x256xf32>
    %sub3A = arith.subf %get3A_12, %convert_element_type3A_14 : vector<512x256xf32>
    %convert_element_type3A_15 = arith.truncf %sub3A : vector<512x256xf32> to vector<512x256xbf16>
    %convert_element_type3A_16 = arith.extui %eq3A_6 : vector<512x512xi1> to vector<512x512xi32>
    %convert_element_type3A_17 = arith.sitofp %convert_element_type3A_16 : vector<512x512xi32> to vector<512x512xf32>
    %convert_element_type3A_18 = arith.truncf %convert_element_type3A_17 : vector<512x512xf32> to vector<512x512xbf16>
    %get3A_19 = arith.constant 0 : index
    %get3A_20 = arith.constant 0 : index
    %get3A_21 = vector.load %arg4[%get3A_19, %get3A_20] : memref<512x256xf32, #tpu.memory_space<vmem>>, vector<512x256xf32>
    %dot_general3A = arith.constant dense<0.000000e+00> : vector<512x256xf32>
    %dot_general3A_22 = tpu.matmul %convert_element_type3A_18, %convert_element_type3A_13, %dot_general3A {dimension_numbers = #tpu.dot_dimension_numbers<[1], [0], [0], [1], [0, 0, 1, 1], [], []>, transpose_lhs_hint = false} : vector<512x512xbf16>, vector<512x256xbf16>, vector<512x256xf32> -> vector<512x256xf32>
    %add3A_23 = arith.addf %get3A_21, %dot_general3A_22 : vector<512x256xf32>
    %dot_general3A_24 = arith.constant dense<0.000000e+00> : vector<512x256xf32>
    %dot_general3A_25 = tpu.matmul %convert_element_type3A_18, %convert_element_type3A_15, %dot_general3A_24 {dimension_numbers = #tpu.dot_dimension_numbers<[1], [0], [0], [1], [0, 0, 1, 1], [], []>, transpose_lhs_hint = false} : vector<512x512xbf16>, vector<512x256xbf16>, vector<512x256xf32> -> vector<512x256xf32>
    %add3A_26 = arith.addf %add3A_23, %dot_general3A_25 : vector<512x256xf32>
    %swap3A = arith.constant 0 : index
    %swap3A_27 = arith.constant 0 : index
    %swap3A_28 = vector.load %arg4[%swap3A, %swap3A_27] : memref<512x256xf32, #tpu.memory_space<vmem>>, vector<512x256xf32>
    tpu.vector_store %arg4[%swap3A, %swap3A_27], %add3A_26 {strides = array<i32>} : memref<512x256xf32, #tpu.memory_space<vmem>>, vector<512x256xf32>,
    return
  }
  func.func @transform_0(%arg0: i32, %arg1: i32) -> (i32, i32, i32) {
    %c0_i32 = arith.constant 0 : i32
    %c0_i32_0 = arith.constant 0 : i32
    %c0_i32_1 = arith.constant 0 : i32
    return %arg0, %c0_i32, %c0_i32_0 : i32, i32, i32
  }
  func.func @transform_1(%arg0: i32, %arg1: i32) -> (i32, i32) {
    %c0_i32 = arith.constant 0 : i32
    %c0_i32_0 = arith.constant 0 : i32
    return %arg1, %c0_i32 : i32, i32
  }
  func.func @transform_2(%arg0: i32, %arg1: i32) -> (i32, i32) {
    %c0_i32 = arith.constant 0 : i32
    %c0_i32_0 = arith.constant 0 : i32
    return %arg0, %c0_i32 : i32, i32
  }
}

module attributes {stable_mosaic.version = 14 : i64} {
  func.func @_mm_stats_body(%arg0: i32, %arg1: i32, %arg2: memref<512x512xf32, #tpu.memory_space<vmem>>, %arg3: memref<512x512xf32, #tpu.memory_space<vmem>>, %arg4: memref<512x512xf32, #tpu.memory_space<vmem>>, %arg5: memref<8x512xf32, #tpu.memory_space<vmem>>) attributes {dimension_semantics = [#tpu.dimension_semantics<arbitrary>, #tpu.dimension_semantics<arbitrary>], iteration_bounds = array<i64: 2, 20>, scalar_prefetch = 0 : i64, scratch_operands = 0 : i64, tpu.core_type = #tpu.core_type<tc>, window_params = [{transform_indices = @transform_0, window_bounds = array<i64: 512, 512>}, {transform_indices = @transform_1, window_bounds = array<i64: 512, 512>}, {transform_indices = @transform_2, window_bounds = array<i64: 512, 512>}, {transform_indices = @transform_3, window_bounds = array<i64: 8, 512>}]} {
    %get3A = arith.constant 0 : index
    %get3A_0 = arith.constant 0 : index
    %get3A_1 = vector.load %arg2[%get3A, %get3A_0] : memref<512x512xf32, #tpu.memory_space<vmem>>, vector<512x512xf32>
    %convert_element_type3A = arith.truncf %get3A_1 : vector<512x512xf32> to vector<512x512xbf16>
    %get3A_2 = arith.constant 0 : index
    %get3A_3 = arith.constant 0 : index
    %get3A_4 = vector.load %arg3[%get3A_2, %get3A_3] : memref<512x512xf32, #tpu.memory_space<vmem>>, vector<512x512xf32>
    %convert_element_type3A_5 = arith.truncf %get3A_4 : vector<512x512xf32> to vector<512x512xbf16>
    %dot_general3A = arith.constant dense<0.000000e+00> : vector<512x512xf32>
    %dot_general3A_6 = tpu.matmul %convert_element_type3A, %convert_element_type3A_5, %dot_general3A {dimension_numbers = #tpu.dot_dimension_numbers<[1], [0], [0], [1], [0, 0, 1, 1], [], []>, transpose_lhs_hint = false} : vector<512x512xbf16>, vector<512x512xbf16>, vector<512x512xf32> -> vector<512x512xf32>
    %swap3A = arith.constant 0 : index
    %swap3A_7 = arith.constant 0 : index
    %swap3A_8 = vector.load %arg4[%swap3A, %swap3A_7] : memref<512x512xf32, #tpu.memory_space<vmem>>, vector<512x512xf32>
    tpu.vector_store %arg4[%swap3A, %swap3A_7], %dot_general3A_6 {strides = array<i32>} : memref<512x512xf32, #tpu.memory_space<vmem>>, vector<512x512xf32>,
    %eq3A = arith.constant 0 : i32
    %eq3A_9 = arith.cmpi eq, %arg1, %eq3A : i32
    %convert_element_type3A_10 = arith.extui %eq3A_9 : i1 to i32
    %cond3A = arith.constant 0 : i32
    %cond3A_11 = arith.cmpi ne, %convert_element_type3A_10, %cond3A : i32
    scf.if %cond3A_11 {
      %broadcast_in_dim3A_29 = arith.constant 0.000000e+00 : f32
      %broadcast_in_dim3A_30 = vector.broadcast %broadcast_in_dim3A_29 : f32 to vector<8x512xf32>
      %swap3A_31 = arith.constant 0 : index
      %swap3A_32 = arith.constant 0 : index
      %swap3A_33 = vector.load %arg5[%swap3A_31, %swap3A_32] : memref<8x512xf32, #tpu.memory_space<vmem>>, vector<8x512xf32>
      tpu.vector_store %arg5[%swap3A_31, %swap3A_32], %broadcast_in_dim3A_30 {strides = array<i32>} : memref<8x512xf32, #tpu.memory_space<vmem>>, vector<8x512xf32>,
    } else {
    }
    %get3A_12 = arith.constant 0 : index
    %get3A_13 = arith.constant 0 : index
    %get3A_14 = vector.load %arg5[%get3A_12, %get3A_13] : memref<8x512xf32, #tpu.memory_space<vmem>>, vector<1x512xf32>
    %reduce_sum3A = arith.constant dense<0.000000e+00> : vector<512xf32>
    %reduce_sum3A_15 = vector.multi_reduction <add>, %dot_general3A_6, %reduce_sum3A [0] : vector<512x512xf32> to vector<512xf32>
    %broadcast_in_dim3A = vector.shape_cast %reduce_sum3A_15 : vector<512xf32> to vector<1x512xf32>
    %add3A = arith.addf %get3A_14, %broadcast_in_dim3A : vector<1x512xf32>
    %swap3A_16 = arith.constant 0 : index
    %swap3A_17 = arith.constant 0 : index
    %swap3A_18 = vector.load %arg5[%swap3A_16, %swap3A_17] : memref<8x512xf32, #tpu.memory_space<vmem>>, vector<1x512xf32>
    tpu.vector_store %arg5[%swap3A_16, %swap3A_17], %add3A {strides = array<i32>} : memref<8x512xf32, #tpu.memory_space<vmem>>, vector<1x512xf32>,
    %get3A_19 = arith.constant 1 : index
    %get3A_20 = arith.constant 0 : index
    %get3A_21 = vector.load %arg5[%get3A_19, %get3A_20] : memref<8x512xf32, #tpu.memory_space<vmem>>, vector<1x512xf32>
    %mul3A = arith.mulf %dot_general3A_6, %dot_general3A_6 : vector<512x512xf32>
    %reduce_sum3A_22 = arith.constant dense<0.000000e+00> : vector<512xf32>
    %reduce_sum3A_23 = vector.multi_reduction <add>, %mul3A, %reduce_sum3A_22 [0] : vector<512x512xf32> to vector<512xf32>
    %broadcast_in_dim3A_24 = vector.shape_cast %reduce_sum3A_23 : vector<512xf32> to vector<1x512xf32>
    %add3A_25 = arith.addf %get3A_21, %broadcast_in_dim3A_24 : vector<1x512xf32>
    %swap3A_26 = arith.constant 1 : index
    %swap3A_27 = arith.constant 0 : index
    %swap3A_28 = vector.load %arg5[%swap3A_26, %swap3A_27] : memref<8x512xf32, #tpu.memory_space<vmem>>, vector<1x512xf32>
    tpu.vector_store %arg5[%swap3A_26, %swap3A_27], %add3A_25 {strides = array<i32>} : memref<8x512xf32, #tpu.memory_space<vmem>>, vector<1x512xf32>,
    return
  }
  func.func @transform_0(%arg0: i32, %arg1: i32) -> (i32, i32) {
    %c0_i32 = arith.constant 0 : i32
    %c0_i32_0 = arith.constant 0 : i32
    return %arg1, %c0_i32 : i32, i32
  }
  func.func @transform_1(%arg0: i32, %arg1: i32) -> (i32, i32) {
    %c0_i32 = arith.constant 0 : i32
    %c0_i32_0 = arith.constant 0 : i32
    return %c0_i32, %arg0 : i32, i32
  }
  func.func @transform_2(%arg0: i32, %arg1: i32) -> (i32, i32) {
    %c0_i32 = arith.constant 0 : i32
    return %arg1, %arg0 : i32, i32
  }
  func.func @transform_3(%arg0: i32, %arg1: i32) -> (i32, i32) {
    %c0_i32 = arith.constant 0 : i32
    %c0_i32_0 = arith.constant 0 : i32
    return %c0_i32, %arg0 : i32, i32
  }
}

module attributes {stable_mosaic.version = 14 : i64} {
  func.func @_mm_stats_body(%arg0: i32, %arg1: i32, %arg2: memref<512x1024xf32, #tpu.memory_space<vmem>>, %arg3: memref<1024x512xf32, #tpu.memory_space<vmem>>, %arg4: memref<512x512xf32, #tpu.memory_space<vmem>>, %arg5: memref<8x512xf32, #tpu.memory_space<vmem>>) attributes {dimension_semantics = [#tpu.dimension_semantics<arbitrary>, #tpu.dimension_semantics<arbitrary>], iteration_bounds = array<i64: 1, 20>, scalar_prefetch = 0 : i64, scratch_operands = 0 : i64, tpu.core_type = #tpu.core_type<tc>, window_params = [{transform_indices = @transform_0, window_bounds = array<i64: 512, 1024>}, {transform_indices = @transform_1, window_bounds = array<i64: 1024, 512>}, {transform_indices = @transform_2, window_bounds = array<i64: 512, 512>}, {transform_indices = @transform_3, window_bounds = array<i64: 8, 512>}]} {
    %get3A = arith.constant 0 : index
    %get3A_0 = arith.constant 0 : index
    %get3A_1 = vector.load %arg2[%get3A, %get3A_0] : memref<512x1024xf32, #tpu.memory_space<vmem>>, vector<512x1024xf32>
    %convert_element_type3A = arith.truncf %get3A_1 : vector<512x1024xf32> to vector<512x1024xbf16>
    %get3A_2 = arith.constant 0 : index
    %get3A_3 = arith.constant 0 : index
    %get3A_4 = vector.load %arg3[%get3A_2, %get3A_3] : memref<1024x512xf32, #tpu.memory_space<vmem>>, vector<1024x512xf32>
    %convert_element_type3A_5 = arith.truncf %get3A_4 : vector<1024x512xf32> to vector<1024x512xbf16>
    %dot_general3A = arith.constant dense<0.000000e+00> : vector<512x512xf32>
    %dot_general3A_6 = tpu.matmul %convert_element_type3A, %convert_element_type3A_5, %dot_general3A {dimension_numbers = #tpu.dot_dimension_numbers<[1], [0], [0], [1], [0, 0, 1, 1], [], []>, transpose_lhs_hint = false} : vector<512x1024xbf16>, vector<1024x512xbf16>, vector<512x512xf32> -> vector<512x512xf32>
    %swap3A = arith.constant 0 : index
    %swap3A_7 = arith.constant 0 : index
    %swap3A_8 = vector.load %arg4[%swap3A, %swap3A_7] : memref<512x512xf32, #tpu.memory_space<vmem>>, vector<512x512xf32>
    tpu.vector_store %arg4[%swap3A, %swap3A_7], %dot_general3A_6 {strides = array<i32>} : memref<512x512xf32, #tpu.memory_space<vmem>>, vector<512x512xf32>,
    %eq3A = arith.constant 0 : i32
    %eq3A_9 = arith.cmpi eq, %arg1, %eq3A : i32
    %convert_element_type3A_10 = arith.extui %eq3A_9 : i1 to i32
    %cond3A = arith.constant 0 : i32
    %cond3A_11 = arith.cmpi ne, %convert_element_type3A_10, %cond3A : i32
    scf.if %cond3A_11 {
      %broadcast_in_dim3A_29 = arith.constant 0.000000e+00 : f32
      %broadcast_in_dim3A_30 = vector.broadcast %broadcast_in_dim3A_29 : f32 to vector<8x512xf32>
      %swap3A_31 = arith.constant 0 : index
      %swap3A_32 = arith.constant 0 : index
      %swap3A_33 = vector.load %arg5[%swap3A_31, %swap3A_32] : memref<8x512xf32, #tpu.memory_space<vmem>>, vector<8x512xf32>
      tpu.vector_store %arg5[%swap3A_31, %swap3A_32], %broadcast_in_dim3A_30 {strides = array<i32>} : memref<8x512xf32, #tpu.memory_space<vmem>>, vector<8x512xf32>,
    } else {
    }
    %get3A_12 = arith.constant 0 : index
    %get3A_13 = arith.constant 0 : index
    %get3A_14 = vector.load %arg5[%get3A_12, %get3A_13] : memref<8x512xf32, #tpu.memory_space<vmem>>, vector<1x512xf32>
    %reduce_sum3A = arith.constant dense<0.000000e+00> : vector<512xf32>
    %reduce_sum3A_15 = vector.multi_reduction <add>, %dot_general3A_6, %reduce_sum3A [0] : vector<512x512xf32> to vector<512xf32>
    %broadcast_in_dim3A = vector.shape_cast %reduce_sum3A_15 : vector<512xf32> to vector<1x512xf32>
    %add3A = arith.addf %get3A_14, %broadcast_in_dim3A : vector<1x512xf32>
    %swap3A_16 = arith.constant 0 : index
    %swap3A_17 = arith.constant 0 : index
    %swap3A_18 = vector.load %arg5[%swap3A_16, %swap3A_17] : memref<8x512xf32, #tpu.memory_space<vmem>>, vector<1x512xf32>
    tpu.vector_store %arg5[%swap3A_16, %swap3A_17], %add3A {strides = array<i32>} : memref<8x512xf32, #tpu.memory_space<vmem>>, vector<1x512xf32>,
    %get3A_19 = arith.constant 1 : index
    %get3A_20 = arith.constant 0 : index
    %get3A_21 = vector.load %arg5[%get3A_19, %get3A_20] : memref<8x512xf32, #tpu.memory_space<vmem>>, vector<1x512xf32>
    %mul3A = arith.mulf %dot_general3A_6, %dot_general3A_6 : vector<512x512xf32>
    %reduce_sum3A_22 = arith.constant dense<0.000000e+00> : vector<512xf32>
    %reduce_sum3A_23 = vector.multi_reduction <add>, %mul3A, %reduce_sum3A_22 [0] : vector<512x512xf32> to vector<512xf32>
    %broadcast_in_dim3A_24 = vector.shape_cast %reduce_sum3A_23 : vector<512xf32> to vector<1x512xf32>
    %add3A_25 = arith.addf %get3A_21, %broadcast_in_dim3A_24 : vector<1x512xf32>
    %swap3A_26 = arith.constant 1 : index
    %swap3A_27 = arith.constant 0 : index
    %swap3A_28 = vector.load %arg5[%swap3A_26, %swap3A_27] : memref<8x512xf32, #tpu.memory_space<vmem>>, vector<1x512xf32>
    tpu.vector_store %arg5[%swap3A_26, %swap3A_27], %add3A_25 {strides = array<i32>} : memref<8x512xf32, #tpu.memory_space<vmem>>, vector<1x512xf32>,
    return
  }
  func.func @transform_0(%arg0: i32, %arg1: i32) -> (i32, i32) {
    %c0_i32 = arith.constant 0 : i32
    %c0_i32_0 = arith.constant 0 : i32
    return %arg1, %c0_i32 : i32, i32
  }
  func.func @transform_1(%arg0: i32, %arg1: i32) -> (i32, i32) {
    %c0_i32 = arith.constant 0 : i32
    %c0_i32_0 = arith.constant 0 : i32
    return %c0_i32, %arg0 : i32, i32
  }
  func.func @transform_2(%arg0: i32, %arg1: i32) -> (i32, i32) {
    %c0_i32 = arith.constant 0 : i32
    return %arg1, %arg0 : i32, i32
  }
  func.func @transform_3(%arg0: i32, %arg1: i32) -> (i32, i32) {
    %c0_i32 = arith.constant 0 : i32
    %c0_i32_0 = arith.constant 0 : i32
    return %c0_i32, %arg0 : i32, i32
  }
}

module attributes {stable_mosaic.version = 14 : i64} {
  func.func @_final_body(%arg0: i32, %arg1: memref<1x1x512xi32, #tpu.memory_space<vmem>>, %arg2: memref<512x512xf32, #tpu.memory_space<vmem>>, %arg3: memref<512x128xf32, #tpu.memory_space<vmem>>, %arg4: memref<1x128xf32, #tpu.memory_space<vmem>>, %arg5: memref<512x128xf32, #tpu.memory_space<vmem>>) attributes {dimension_semantics = [#tpu.dimension_semantics<arbitrary>], iteration_bounds = array<i64: 20>, scalar_prefetch = 0 : i64, scratch_operands = 0 : i64, tpu.core_type = #tpu.core_type<tc>, window_params = [{transform_indices = @transform_0, window_bounds = array<i64: 1, 1, 512>}, {transform_indices = @transform_1, window_bounds = array<i64: 512, 512>}, {pipeline_mode = #tpu.pipeline_mode<synchronous>, transform_indices = @transform_2, window_bounds = array<i64: 512, 128>}, {pipeline_mode = #tpu.pipeline_mode<synchronous>, transform_indices = @transform_3, window_bounds = array<i64: 1, 128>}, {transform_indices = @transform_4, window_bounds = array<i64: 512, 128>}]} {
    %get3A = arith.constant 0 : index
    %get3A_0 = arith.constant 0 : index
    %get3A_1 = vector.load %arg2[%get3A, %get3A_0] : memref<512x512xf32, #tpu.memory_space<vmem>>, vector<512x512xf32>
    %convert_element_type3A = arith.truncf %get3A_1 : vector<512x512xf32> to vector<512x512xbf16>
    %get3A_2 = arith.constant 0 : index
    %get3A_3 = arith.constant 0 : index
    %get3A_4 = vector.load %arg3[%get3A_2, %get3A_3] : memref<512x128xf32, #tpu.memory_space<vmem>>, vector<512x128xf32>
    %convert_element_type3A_5 = arith.truncf %get3A_4 : vector<512x128xf32> to vector<512x128xbf16>
    %dot_general3A = arith.constant dense<0.000000e+00> : vector<512x128xf32>
    %dot_general3A_6 = tpu.matmul %convert_element_type3A, %convert_element_type3A_5, %dot_general3A {dimension_numbers = #tpu.dot_dimension_numbers<[1], [0], [0], [1], [0, 0, 1, 1], [], []>, transpose_lhs_hint = false} : vector<512x512xbf16>, vector<512x128xbf16>, vector<512x128xf32> -> vector<512x128xf32>
    %get3A_7 = arith.constant 0 : index
    %get3A_8 = arith.constant 0 : index
    %get3A_9 = vector.load %arg4[%get3A_7, %get3A_8] : memref<1x128xf32, #tpu.memory_space<vmem>>, vector<1x128xf32>
    %add3A = vector.broadcast %get3A_9 : vector<1x128xf32> to vector<512x128xf32>
    %add3A_10 = arith.addf %dot_general3A_6, %add3A : vector<512x128xf32>
    %get3A_11 = arith.constant 0 : index
    %get3A_12 = arith.constant 0 : index
    %get3A_13 = arith.constant 0 : index
    %get3A_14 = vector.load %arg1[%get3A_11, %get3A_12, %get3A_13] : memref<1x1x512xi32, #tpu.memory_space<vmem>>, vector<1x1x512xi32>
    %get3A_15 = vector.shape_cast %get3A_14 : vector<1x1x512xi32> to vector<512xi32>
    %iota3A = tpu.iota {dimensions = array<i32: 1>} : vector<512x128xi32>
    %broadcast_in_dim3A = vector.shape_cast %get3A_15 : vector<512xi32> to vector<512x1xi32>
    %eq3A = vector.broadcast %broadcast_in_dim3A : vector<512x1xi32> to vector<512x128xi32>
    %eq3A_16 = arith.cmpi eq, %iota3A, %eq3A : vector<512x128xi32>
    %jit3A = arith.constant 0.000000e+00 : f32
    %broadcast_in_dim3A_17 = vector.broadcast %jit3A : f32 to vector<512x128xf32>
    %select_n3A = arith.select %eq3A_16, %add3A_10, %broadcast_in_dim3A_17 : vector<512x128xi1>, vector<512x128xf32>
    %reduce_sum3A = arith.constant dense<0.000000e+00> : vector<512xf32>
    %reduce_sum3A_18 = vector.multi_reduction <add>, %select_n3A, %reduce_sum3A [1] : vector<512x128xf32> to vector<512xf32>
    %broadcast_in_dim3A_19 = vector.shape_cast %reduce_sum3A_18 : vector<512xf32> to vector<512x1xf32>
    %broadcast_in_dim3A_20 = vector.shape_cast %broadcast_in_dim3A_19 : vector<512x1xf32> to vector<512x1xf32>
    %broadcast_in_dim3A_21 = vector.broadcast %broadcast_in_dim3A_20 : vector<512x1xf32> to vector<512x128xf32>
    %swap3A = arith.constant 0 : index
    %swap3A_22 = arith.constant 0 : index
    %swap3A_23 = vector.load %arg5[%swap3A, %swap3A_22] : memref<512x128xf32, #tpu.memory_space<vmem>>, vector<512x128xf32>
    tpu.vector_store %arg5[%swap3A, %swap3A_22], %broadcast_in_dim3A_21 {strides = array<i32>} : memref<512x128xf32, #tpu.memory_space<vmem>>, vector<512x128xf32>,
    return
  }
  func.func @transform_0(%arg0: i32) -> (i32, i32, i32) {
    %c0_i32 = arith.constant 0 : i32
    %c0_i32_0 = arith.constant 0 : i32
    %c0_i32_1 = arith.constant 0 : i32
    return %arg0, %c0_i32, %c0_i32_0 : i32, i32, i32
  }
  func.func @transform_1(%arg0: i32) -> (i32, i32) {
    %c0_i32 = arith.constant 0 : i32
    %c0_i32_0 = arith.constant 0 : i32
    return %arg0, %c0_i32 : i32, i32
  }
  func.func @transform_2(%arg0: i32) -> (i32, i32) {
    %c0_i32 = arith.constant 0 : i32
    %c0_i32_0 = arith.constant 0 : i32
    %c0_i32_1 = arith.constant 0 : i32
    return %c0_i32, %c0_i32_0 : i32, i32
  }
  func.func @transform_3(%arg0: i32) -> (i32, i32) {
    %c0_i32 = arith.constant 0 : i32
    %c0_i32_0 = arith.constant 0 : i32
    %c0_i32_1 = arith.constant 0 : i32
    return %c0_i32, %c0_i32_0 : i32, i32
  }
  func.func @transform_4(%arg0: i32) -> (i32, i32) {
    %c0_i32 = arith.constant 0 : i32
    %c0_i32_0 = arith.constant 0 : i32
    return %arg0, %c0_i32 : i32, i32
  }
}

</mosaic_0001>

<sc_bundles>
// kernel: kernel.37.cloned.1.call-start
scs
__scs_entry_jumppad:
0x0: {  	(pc) =	sbr.rel $0x88, $3  }
0x1: {  	(tag) =	ssettag $0x0;
	lr =	simm.s32 $0x1  }
0x2: {  	[smem:$0x3F78] =	sst lr;
	_ =	strace $0xD0000000  }
0x3: {  	_ = 	snop  }
0x4: {  	_ = 	snop  }
0x5: {  	_ = 	snop  }
0x6: {  	_ = 	snop  }
0x7: {  	_ = 	snop  }
__scs_overlays_trampoline_lowered:
0x8: {  	[smem:$0x3F87] =	sst s0  }
0x9: {  	[smem:$0x3F88] =	sst s1  }
0xa: {  	[smem:$0x3F89] =	sst s2  }
0xb: {  	[smem:$0x3F8A] =	sst s3  }
0xc: {  	[smem:$0x3F8B] =	sst s4  }
0xd: {  	[smem:$0x3F8C] =	sst s5  }
0xe: {  	[smem:$0x3F8D] =	sst s6  }
0xf: {  	[smem:$0x3F8E] =	sst s7  }
0x10: {  	[smem:$0x3F8F] =	sst s8  }
0x11: {  	[smem:$0x3F90] =	sst s9;
	s0 =	simm.s32 @!p0 $0x0  }
0x12: {  	s1 =	sld [smem:$0x3F76];
	s0 =	simm.s32 @p0 $0x1  }
0x13: {  	[smem:$0x3F91] =	sst s0;
	s0 =	simm.s32 @!p1 $0x0  }
0x14: {  	s2 =	sld [smem:$0x3F75];
	s0 =	simm.s32 @p1 $0x1  }
0x15: {  	[smem:$0x3F92] =	sst s0;
	s0 =	simm.s32 @!p2 $0x0  }
0x16: {  	s3 =	sld [smem:$0x3FDB];
	s0 =	simm.s32 @p2 $0x1  }
0x17: {  	s4 =	simm.s32 $0x1BF5;
	[smem:$0x3F94] =	sst s0  }
0x18: {  	s0 =	sld [smem:$0x3F77];
	_ =	swait.ge [sflag:s4], $0x0  }
0x19: {  	s7 =	sld [smem:$0x3F78]  }
0x1a: {  	s8 =	sadd.s32 $0xFFFFE003, lr  }
0x1b: {  	s9 =	sadd.s32 $0xFFFFFEF7, lr;
	s5 =	simm.s32 $0xFFFFFFFF;
	p2 =	slt.u32 s8, $0xFFFFF086  }
0x1c: {  	p1 =	slt.u32 s9, $0xF7A;
	s5 =	simm.s32 @!p2 $0x0  }
0x1d: {  	s5 =	simm.s32 @p1 $0x1;
	p0 =	seq.s32 s7, s2  }
0x1e: {  	s7 =	smul.u32 @!p0 $0xF7A, s2;
	p2 =	seq.s32 @!p0 s5, $0x0  }
0x1f: {  	s9 =	smul.u32 $0xF7A, s1;
	s8 =	simm.s32 @!p0 $0x1BF5;
	p2 =	por !p2, p0  }
0x20: {  	[sflag:s8] =	ssyncset.s32 @!p0 $0xFFFFF086;
	s6 =	sadd.s32 @!p0 s3, s7;
	s7 =	simm.s32 @!p0 $0x108  }
0x21: {  	s3 =	sadd.s32 s3, s9;
	s6 =	sadd.s32 @!p0 $0x88, s6;
	s7 =	simm.s32 @p2 $0x1082  }
0x22: {  	[simem:s7], [sflag:s8] =	dma.local @!p0 [hbm:s6], $0xF7A  }
0x23: {  	s9 =	sor.u32 $0xD0000000, s2;
	s6 =	simm.s32 $0x108;
	_ =	swait.ge @!p0 [sflag:s8], $0x0  }
0x24: {  	s3 =	sadd.s32 $0x88, s3;
	s6 =	simm.s32 @!p1 $0x1082;
	[sflag:s4] =	ssyncset.s32 $0xFFFFF086  }
0x25: {  	[simem:s6], [sflag:s4] =	dma.local [hbm:s3], $0xF7A  }
0x26: {  	[smem:$0x3F78] =	sst s1;
	(tag) =	ssettag s2;
	_ =	strace s9  }
0x27: {  	s1 =	sld [smem:$0x3F88]  }
0x28: {  	s2 =	sld [smem:$0x3F89]  }
0x29: {  	s4 =	sld [smem:$0x3F8B]  }
0x2a: {  	p0 =	seq.s32 s5, $0x0;
	s5 =	sld [smem:$0x3F8C]  }
0x2b: {  	s6 =	sld [smem:$0x3F8D]  }
0x2c: {  	s7 =	sld [smem:$0x3F8E]  }
0x2d: {  	s3 =	simm.s32 $0x108;
	s8 =	sld [smem:$0x3F8F]  }
0x2e: {  	s3 =	simm.s32 @!p0 $0x1082;
	s9 =	sld [smem:$0x3F90]  }
0x2f: {  	lr =	sadd.s32 s0, s3;
	s0 =	sld [smem:$0x3F87]  }
0x30: {  	s3 =	sld [smem:$0x3F8A]  }
0x31: {  	[smem:$0x3F93] =	sst s10  }
0x32: {  	s10 =	sld [smem:$0x3F91];
	_ =	sdelay $0x3  }
0x33: {  	p0 =	seq.s32 s10, $0x1;
	s10 =	sld [smem:$0x3F93];
	_ =	sdelay $0x3  }
0x34: {  	[smem:$0x3F93] =	sst s10  }
0x35: {  	s10 =	sld [smem:$0x3F92];
	_ =	sdelay $0x3  }
0x36: {  	p1 =	seq.s32 s10, $0x1;
	s10 =	sld [smem:$0x3F93];
	_ =	sdelay $0x3  }
0x37: {  	[smem:$0x3F93] =	sst s10  }
0x38: {  	s10 =	sld [smem:$0x3F94]  }
0x39: {  	_ = 	snop;
	(pc) =	sbr.ind lr, $3  }
0x3a: {  	_ = 	snop  }
0x3b: {  	_ = 	snop  }
0x3c: {  	p2 =	seq.s32 s10, $0x1;
	s10 =	sld [smem:$0x3F93]  }
0x3d: {  	_ =	shalt  }
0x3e: {  	_ =	shalt  }
0x3f: {  	_ =	shalt  }
0x40: {  	_ =	shalt  }
0x41: {  	_ =	shalt  }
0x42: {  	_ =	shalt  }
0x43: {  	_ =	shalt  }
0x44: {  	_ =	shalt  }
0x45: {  	_ =	shalt  }
0x46: {  	_ =	shalt  }
0x47: {  	_ =	shalt  }
0x48: {  	_ =	shalt  }
0x49: {  	_ =	shalt  }
0x4a: {  	_ =	shalt  }
0x4b: {  	_ =	shalt  }
0x4c: {  	_ =	shalt  }
0x4d: {  	_ =	shalt  }
0x4e: {  	_ =	shalt  }
0x4f: {  	_ =	shalt  }
0x50: {  	_ =	shalt  }
0x51: {  	_ =	shalt  }
0x52: {  	_ =	shalt  }
0x53: {  	_ =	shalt  }
0x54: {  	_ =	shalt  }
0x55: {  	_ =	shalt  }
0x56: {  	_ =	shalt  }
0x57: {  	_ =	shalt  }
0x58: {  	_ =	shalt  }
0x59: {  	_ =	shalt  }
0x5a: {  	_ =	shalt  }
0x5b: {  	_ =	shalt  }
0x5c: {  	_ =	shalt  }
0x5d: {  	_ =	shalt  }
0x5e: {  	_ =	shalt  }
0x5f: {  	_ =	shalt  }
0x60: {  	_ =	shalt  }
0x61: {  	_ =	shalt  }
0x62: {  	_ =	shalt  }
0x63: {  	_ =	shalt  }
0x64: {  	_ =	shalt  }
0x65: {  	_ =	shalt  }
0x66: {  	_ =	shalt  }
0x67: {  	_ =	shalt  }
0x68: {  	_ =	shalt  }
0x69: {  	_ =	shalt  }
0x6a: {  	_ =	shalt  }
0x6b: {  	_ =	shalt  }
0x6c: {  	_ =	shalt  }
0x6d: {  	_ =	shalt  }
0x6e: {  	_ =	shalt  }
0x6f: {  	_ =	shalt  }
0x70: {  	_ =	shalt  }
0x71: {  	_ =	shalt  }
0x72: {  	_ =	shalt  }
0x73: {  	_ =	shalt  }
0x74: {  	_ =	shalt  }
0x75: {  	_ =	shalt  }
0x76: {  	_ =	shalt  }
0x77: {  	_ =	shalt  }
0x78: {  	_ =	shalt  }
0x79: {  	_ =	shalt  }
0x7a: {  	_ =	shalt  }
0x7b: {  	_ =	shalt  }
0x7c: {  	_ =	shalt  }
0x7d: {  	_ =	shalt  }
0x7e: {  	_ =	shalt  }
0x7f: {  	_ =	shalt  }
0x80: {  	_ =	shalt  }
0x81: {  	_ =	shalt  }
0x82: {  	_ =	shalt  }
0x83: {  	_ =	shalt  }
0x84: {  	_ =	shalt  }
0x85: {  	_ =	shalt  }
0x86: {  	_ =	shalt  }
0x87: {  	_ =	shalt  }
.Lfunc_end0:
.L_simem_size_0:
called_computation_lowered:
.L_overlay_start_0:
0x88: {  	s2 =	sld [smem:$0x3FD9]  }
0x89: {  	s3 =	sld [smem:$0x3FFE];
	_ =	sdelay $0x1  }
0x8a: {  	s1 =	srdreg.scid  }
0x8b: {  	s0 =	sand.u32 $0x1, s1  }
0x8c: {  	s16 =	sshll.u32 s0, $0xA;
	s2 =	sadd.s32 s3, s2  }
0x8d: {  	s2 =	sadd.s32 s2, s16  }
0x8e: {  	[smem:$0x3F9F] =	sst s2  }
0x8f: {  	_ = 	snop  }
0x90: {  	(tm) =	ssettm $0x1  }
0x91: {  	s17 =	sld [smem:$0x3FFB];
	_ =	sdelay $0x3  }
0x92: {  	_ =	strace s17  }
0x93: {  	s2 =	sld [smem:$0x3FFC];
	_ =	sdelay $0x3  }
0x94: {  	_ =	strace s2  }
0x95: {  	s2 =	sld [smem:$0x3FFD];
	_ =	sdelay $0x3  }
0x96: {  	_ =	strace s2  }
0x97: {  	_ =	strace $0x8FFFFFFF  }
0x98: {  	s18 =	sld [smem:$0x3FDB];
	_ =	sdelay $0x1  }
0x99: {  	s19 =	simm.s32 $_scs_section_size  }
0x9a: {  	s4 =	simm.s32 $_size__tile_overlayer_lowered;
	s5 =	simm.s32 $_tile_overlayer_lowered  }
0x9b: {  	s22 =	simm.s32 $0x1BFF;
	s21 =	sshll.u32 s5, $0x1;
	s2 =	sadd.s32 s19, s18  }
0x9c: {  	s6 =	simm.s32 $0x0;
	s20 =	sshll.u32 s4, $0x1;
	s4 =	sadd.s32 s21, s2  }
0x9d: {  	[timem:s6], [sflag:s22] =	dma.local [hbm:s4], s20  }
0x9e: {  	_ =	swait.ge [sflag:s22], s20  }
0x9f: {  	s3 =	ssub.s32 $0x0, s20;
	[sflag:s22] =	ssyncset.done $0x0  }
0xa0: {  	[sflag:s22] =	ssyncadd.s32 s3;
	_ =	sdelay $0x1  }
0xa1: {  	s23 =	simm.s32 $0x1B8B  }
0xa2: {  	_ =	swait.ge [sflag:s23], $0x1  }
0xa3: {  	[sflag:s23] =	ssyncset.done $0x0  }
0xa4: {  	s25 =	simm.s32 $0x1B8E;
	s24 =	sld [smem:$0x3FFE];
	[sflag:s23] =	ssyncadd.s32 $0xFFFFFFFF  }
0xa5: {  	s26 =	simm.s32 $execute0_lowered;
	[smem:$0x3FD2] =	sst s25  }
0xa6: {  	s4 =	sshll.u32 s26, $0x1;
	_ =	strace $0x80000046;
	[dreg:$0x1] =	wrdreg $0xFFFFFFFF  }
0xa7: {  	s28 =	simm.s32 $_size_execute0_lowered;
	s2 =	sadd.s32 s2, s4;
	[dreg:$0x0] =	wrdreg $0x0  }
0xa8: {  	s4 =	sshll.u32 s28, $0x1;
	[dreg:$0x2] =	wrdreg s2  }
0xa9: {  	[dreg:$0x3] =	wrdreg s4  }
0xaa: {  	[dreg:$0x4] =	wrdreg $0xC0  }
0xab: {  	_ =	task [dreg:s6], $0x5FFFF  }
0xac: {  	[dreg:$0x1] =	wrdreg $0xFFFFFFFF  }
0xad: {  	[dreg:$0x0] =	wrdreg $0x60  }
0xae: {  	[dreg:$0x2] =	wrdreg s24  }
0xaf: {  	[dreg:$0x3] =	wrdreg $0x9  }
0xb0: {  	_ =	task.clear_ibuf [dreg:s6], $0x4FFFF;
	_ =	strace $0x90000046  }
0xb1: {  	s29 =	simm.s32 $0x9;
	_ =	strace $0x80000048  }
0xb2: {  	_ =	swait.ge [sflag:s29], $0x1  }
0xb3: {  	[sflag:s29] =	ssyncadd.s32 $0xFFFFFFFF  }
0xb4: {  	_ =	strace $0x90000048  }
0xb5: {  	_ =	sfence  }
0xb6: {  	s30 =	sld [smem:$0x0];
	_ =	sdelay $0x2  }
0xb7: {  	s31 =	sshll.u32 s1, $0xD;
	s1 =	sshrl.u32 s1, $0x2  }
0xb8: {  	s3 =	sand.u32 $0x4000, s31;
	s1 =	sadd.s32 s1, s30  }
0xb9: {  	s0 =	sor.u32 s3, s0;
	s1 =	sshll.u32 s1, $0x11  }
0xba: {  	s0 =	sor.u32 s1, s0  }
0xbb: {  	s0 =	sadd.s32 $0x8F2B, s0  }
0xbc: {  	[sflag:s0] =	ssyncadd.remote.s32 $0x1  }
0xbd: {  	_ =	sfence.sel $0xFFFF  }
0xbe: {  	[dreg:$0x0] =	wrdreg $0xFFFFFFFF;
	(pc) =	sbr.abs _section_cstart, $3  }
0xbf: {  	[dreg:$0x1] =	wrdreg $0xFFFFFFFF  }
0xc0: {  	_ =	task.clear_ibuf [dreg:s6], $0x2FFFF;
	_ =	strace $0x9FFFFFFF  }
0xc1: {  	(tm) =	ssettm $0x7FFFFFFF  }
tec
execute0_lowered:
.L_overlay_start_1:
0x0: {  	(tag) =	ssettag $0x1  }
0x1: {  	s1 =	srdreg.scid;
	s0 =	stileid.u32  }
0x2: {  	s6 =	sand.u32 $0x1, s1;
	s30 =	sshll.u32 s0, $0x1  }
0x3: {  	s9 =	rddreg [dreg:$0x0];
	s7 =	sor.u32 s6, s30  }
0x4: {  	s2 =	simm.s32 $0x0;
	s1 =	rddreg [dreg:$0x1];
	s3 =	smul.u32 $0x28, s7  }
0x5: {  	s8 =	simm.s32 $0x1;
	[smem:$0x7FF] =	sst s2;
	s5 =	sadd.s32 $0xCA00, s9  }
0x6: {  	_ =	strace $0x80000047;
	s11 =	ssub.s32 $0x2, s6;
	s3 =	sadd.s32 s3, s9  }
0x7: {  	s6 =	simm.s32 $0x140;
	s4 =	sadd.s32 $0xC400, s3;
	s3 =	simm.s32 $0x2  }
0x8: {  	[tilespmem:s2], [sflag:$0x2] =	stream.linear.gather [hbm4b:s4+s2], $0x140, $0x38;
	[tilespmem:$0xA180] =	vst v63  }
0x9: {  	s10 =	smul.u32 $0x1400, s7;
	s12 =	sshrl.u32 s11, $0x1;
	_ =	swait.ge [sflag:s3], $0x140  }
0xa: {  	s7 =	simm.s32 $0x180;
	s31 =	ssub.s32 s11, s12;
	[sflag:s3] =	ssyncset.done $0x0  }
0xb: {  	s9 =	sadd.s32 s10, s9;
	s10 =	smax.u32 s31, $0x1;
	[sflag:s3] =	ssyncadd.s32 $0xFFFFFEC0  }
0xc: {  	[tilespmem:s7], [sflag:$0x1] =	stream.indirect.gather [hbm4b:s5+s6], $0x80, s2, s6, $0xb8;
	[tilespmem:$0xA180] =	vst v63  }
0xd: {  	p0 =	sne.s32 s10, $0x1;
	_ =	swait.ge [sflag:s8], $0xA000  }
.Ltmp0:
0xe: {  	[sflag:s8] =	ssyncset.done $0x0;
	(pc) =	sbr.rel @!p0 .LBB2_2-.Ltmp0, $4  }
0xf: {  	s9 =	sadd.s32 $0x34A00, s9;
	[sflag:s8] =	ssyncadd.s32 $0xFFFF6000  }
0x10: {  	[hbm4b:s9+s2] =	stream.linear.scatter [tilespmem:s7], [sflag:$0x2], $0xA000, $0x38;
	[tilespmem:$0xA180] =	vst v63  }
0x11: {  	_ =	swait.ge [sflag:s3], $0xA000  }
0x12: {  	s10 =	sadd.s32 $0xFFFFFFFF, s10;
	[sflag:s3] =	ssyncset.done $0x0  }
.LBB2_1:
0x13: {  	p0 =	sne.s32 s10, $0x1;
	s10 =	sadd.s32 $0xFFFFFFFF, s10;
	[sflag:s3] =	ssyncadd.s32 $0xFFFF6000  }
0x14: {  	[tilespmem:s2], [sflag:$0x2] =	stream.linear.gather [hbm4b:s4+s2], $0x140, $0x38;
	[tilespmem:$0xA180] =	vst v63  }
0x15: {  	_ =	swait.ge [sflag:s3], $0x140  }
0x16: {  	[sflag:s3] =	ssyncset.done $0x0  }
0x17: {  	[sflag:s3] =	ssyncadd.s32 $0xFFFFFEC0  }
0x18: {  	[tilespmem:s7], [sflag:$0x1] =	stream.indirect.gather [hbm4b:s5+s6], $0x80, s2, s6, $0xb8;
	[tilespmem:$0xA180] =	vst v63  }
0x19: {  	_ =	swait.ge [sflag:s8], $0xA000  }
.Ltmp1:
0x1a: {  	[sflag:s8] =	ssyncset.done $0x0;
	(pc) =	sbr.rel @p0 .LBB2_1-.Ltmp1, $4  }
0x1b: {  	[sflag:s8] =	ssyncadd.s32 $0xFFFF6000  }
0x1c: {  	[hbm4b:s9+s2] =	stream.linear.scatter [tilespmem:s7], [sflag:$0x2], $0xA000, $0x38;
	[tilespmem:$0xA180] =	vst v63  }
0x1d: {  	_ =	swait.ge [sflag:s3], $0xA000  }
0x1e: {  	[sflag:s3] =	ssyncset.done $0x0  }
.LBB2_2:
0x1f: {  	[sflag:s3] =	ssyncadd.s32 $0xFFFF6000  }
0x20: {  	_ =	sfence.sel $0x180000  }
0x21: {  	[bflag:$0x0] =	sbarrier.arrive $0xFFFF  }
0x22: {  	p0 =	sne.s32 s0, $0x0;
	_ =	strace $0x90000047  }
0x23: {  	s0 =	sadd.s32 @!p0 $0x100000, s1;
	[bflag:$0x2] =	sbarrier.arrive $0xFFFF  }
0x24: {  	[sflag:s0] =	ssyncadd.tile.s32 @!p0 $0x1;
	_ =	shalt  }
.Lfunc_end2:
_tile_overlayer_lowered:
.L_overlay_start_2:
0x25: {  	(tag) =	ssettag $0x2  }
0x26: {  	s0 =	rddreg [dreg:$0x0];
	s2 =	stileid.u32  }
0x27: {  	s1 =	rddreg [dreg:$0x1];
	p0 =	sne.s32 s2, $0x0  }
0x28: {  	s3 =	rddreg [dreg:$0x2];
	[bflag:$0x3] =	sbarrier.arrive $0xFFFF;
	s2 =	simm.s32 @!p0 $0x1C02  }
0x29: {  	[timem:s3], [sflag:s2] =	dma.local @!p0 [hbm:s0], s1  }
0x2a: {  	s0 =	simm.s32 @!p0 $0x2  }
0x2b: {  	_ =	swait.ge @!p0 [sflag:s0], s1  }
0x2c: {  	s1 =	ssub.s32 @!p0 $0x0, s1;
	[sflag:s0] =	ssyncset.done @!p0 $0x0  }
0x2d: {  	[sflag:s0] =	ssyncadd.s32 @!p0 s1  }
0x2e: {  	[bflag:$0x3] =	sbarrier.arrive $0xFFFF  }
0x2f: {  	_ =	shalt  }

// kernel: kernel.40.cloned.1.call-start
scs
__scs_entry_jumppad:
0x0: {  	(pc) =	sbr.rel $0x88, $3  }
0x1: {  	(tag) =	ssettag $0x0;
	lr =	simm.s32 $0x1  }
0x2: {  	[smem:$0x3F78] =	sst lr;
	_ =	strace $0xD0000000  }
0x3: {  	_ = 	snop  }
0x4: {  	_ = 	snop  }
0x5: {  	_ = 	snop  }
0x6: {  	_ = 	snop  }
0x7: {  	_ = 	snop  }
__scs_overlays_trampoline_lowered:
0x8: {  	[smem:$0x3F87] =	sst s0  }
0x9: {  	[smem:$0x3F88] =	sst s1  }
0xa: {  	[smem:$0x3F89] =	sst s2  }
0xb: {  	[smem:$0x3F8A] =	sst s3  }
0xc: {  	[smem:$0x3F8B] =	sst s4  }
0xd: {  	[smem:$0x3F8C] =	sst s5  }
0xe: {  	[smem:$0x3F8D] =	sst s6  }
0xf: {  	[smem:$0x3F8E] =	sst s7  }
0x10: {  	[smem:$0x3F8F] =	sst s8  }
0x11: {  	[smem:$0x3F90] =	sst s9;
	s0 =	simm.s32 @!p0 $0x0  }
0x12: {  	s1 =	sld [smem:$0x3F76];
	s0 =	simm.s32 @p0 $0x1  }
0x13: {  	[smem:$0x3F91] =	sst s0;
	s0 =	simm.s32 @!p1 $0x0  }
0x14: {  	s2 =	sld [smem:$0x3F75];
	s0 =	simm.s32 @p1 $0x1  }
0x15: {  	[smem:$0x3F92] =	sst s0;
	s0 =	simm.s32 @!p2 $0x0  }
0x16: {  	s3 =	sld [smem:$0x3FDB];
	s0 =	simm.s32 @p2 $0x1  }
0x17: {  	s4 =	simm.s32 $0x1BF5;
	[smem:$0x3F94] =	sst s0  }
0x18: {  	s0 =	sld [smem:$0x3F77];
	_ =	swait.ge [sflag:s4], $0x0  }
0x19: {  	s7 =	sld [smem:$0x3F78]  }
0x1a: {  	s8 =	sadd.s32 $0xFFFFE003, lr  }
0x1b: {  	s9 =	sadd.s32 $0xFFFFFEF7, lr;
	s5 =	simm.s32 $0xFFFFFFFF;
	p2 =	slt.u32 s8, $0xFFFFF086  }
0x1c: {  	p1 =	slt.u32 s9, $0xF7A;
	s5 =	simm.s32 @!p2 $0x0  }
0x1d: {  	s5 =	simm.s32 @p1 $0x1;
	p0 =	seq.s32 s7, s2  }
0x1e: {  	s7 =	smul.u32 @!p0 $0xF7A, s2;
	p2 =	seq.s32 @!p0 s5, $0x0  }
0x1f: {  	s9 =	smul.u32 $0xF7A, s1;
	s8 =	simm.s32 @!p0 $0x1BF5;
	p2 =	por !p2, p0  }
0x20: {  	[sflag:s8] =	ssyncset.s32 @!p0 $0xFFFFF086;
	s6 =	sadd.s32 @!p0 s3, s7;
	s7 =	simm.s32 @!p0 $0x108  }
0x21: {  	s3 =	sadd.s32 s3, s9;
	s6 =	sadd.s32 @!p0 $0x88, s6;
	s7 =	simm.s32 @p2 $0x1082  }
0x22: {  	[simem:s7], [sflag:s8] =	dma.local @!p0 [hbm:s6], $0xF7A  }
0x23: {  	s9 =	sor.u32 $0xD0000000, s2;
	s6 =	simm.s32 $0x108;
	_ =	swait.ge @!p0 [sflag:s8], $0x0  }
0x24: {  	s3 =	sadd.s32 $0x88, s3;
	s6 =	simm.s32 @!p1 $0x1082;
	[sflag:s4] =	ssyncset.s32 $0xFFFFF086  }
0x25: {  	[simem:s6], [sflag:s4] =	dma.local [hbm:s3], $0xF7A  }
0x26: {  	[smem:$0x3F78] =	sst s1;
	(tag) =	ssettag s2;
	_ =	strace s9  }
0x27: {  	s1 =	sld [smem:$0x3F88]  }
0x28: {  	s2 =	sld [smem:$0x3F89]  }
0x29: {  	s4 =	sld [smem:$0x3F8B]  }
0x2a: {  	p0 =	seq.s32 s5, $0x0;
	s5 =	sld [smem:$0x3F8C]  }
0x2b: {  	s6 =	sld [smem:$0x3F8D]  }
0x2c: {  	s7 =	sld [smem:$0x3F8E]  }
0x2d: {  	s3 =	simm.s32 $0x108;
	s8 =	sld [smem:$0x3F8F]  }
0x2e: {  	s3 =	simm.s32 @!p0 $0x1082;
	s9 =	sld [smem:$0x3F90]  }
0x2f: {  	lr =	sadd.s32 s0, s3;
	s0 =	sld [smem:$0x3F87]  }
0x30: {  	s3 =	sld [smem:$0x3F8A]  }
0x31: {  	[smem:$0x3F93] =	sst s10  }
0x32: {  	s10 =	sld [smem:$0x3F91];
	_ =	sdelay $0x3  }
0x33: {  	p0 =	seq.s32 s10, $0x1;
	s10 =	sld [smem:$0x3F93];
	_ =	sdelay $0x3  }
0x34: {  	[smem:$0x3F93] =	sst s10  }
0x35: {  	s10 =	sld [smem:$0x3F92];
	_ =	sdelay $0x3  }
0x36: {  	p1 =	seq.s32 s10, $0x1;
	s10 =	sld [smem:$0x3F93];
	_ =	sdelay $0x3  }
0x37: {  	[smem:$0x3F93] =	sst s10  }
0x38: {  	s10 =	sld [smem:$0x3F94]  }
0x39: {  	_ = 	snop;
	(pc) =	sbr.ind lr, $3  }
0x3a: {  	_ = 	snop  }
0x3b: {  	_ = 	snop  }
0x3c: {  	p2 =	seq.s32 s10, $0x1;
	s10 =	sld [smem:$0x3F93]  }
0x3d: {  	_ =	shalt  }
0x3e: {  	_ =	shalt  }
0x3f: {  	_ =	shalt  }
0x40: {  	_ =	shalt  }
0x41: {  	_ =	shalt  }
0x42: {  	_ =	shalt  }
0x43: {  	_ =	shalt  }
0x44: {  	_ =	shalt  }
0x45: {  	_ =	shalt  }
0x46: {  	_ =	shalt  }
0x47: {  	_ =	shalt  }
0x48: {  	_ =	shalt  }
0x49: {  	_ =	shalt  }
0x4a: {  	_ =	shalt  }
0x4b: {  	_ =	shalt  }
0x4c: {  	_ =	shalt  }
0x4d: {  	_ =	shalt  }
0x4e: {  	_ =	shalt  }
0x4f: {  	_ =	shalt  }
0x50: {  	_ =	shalt  }
0x51: {  	_ =	shalt  }
0x52: {  	_ =	shalt  }
0x53: {  	_ =	shalt  }
0x54: {  	_ =	shalt  }
0x55: {  	_ =	shalt  }
0x56: {  	_ =	shalt  }
0x57: {  	_ =	shalt  }
0x58: {  	_ =	shalt  }
0x59: {  	_ =	shalt  }
0x5a: {  	_ =	shalt  }
0x5b: {  	_ =	shalt  }
0x5c: {  	_ =	shalt  }
0x5d: {  	_ =	shalt  }
0x5e: {  	_ =	shalt  }
0x5f: {  	_ =	shalt  }
0x60: {  	_ =	shalt  }
0x61: {  	_ =	shalt  }
0x62: {  	_ =	shalt  }
0x63: {  	_ =	shalt  }
0x64: {  	_ =	shalt  }
0x65: {  	_ =	shalt  }
0x66: {  	_ =	shalt  }
0x67: {  	_ =	shalt  }
0x68: {  	_ =	shalt  }
0x69: {  	_ =	shalt  }
0x6a: {  	_ =	shalt  }
0x6b: {  	_ =	shalt  }
0x6c: {  	_ =	shalt  }
0x6d: {  	_ =	shalt  }
0x6e: {  	_ =	shalt  }
0x6f: {  	_ =	shalt  }
0x70: {  	_ =	shalt  }
0x71: {  	_ =	shalt  }
0x72: {  	_ =	shalt  }
0x73: {  	_ =	shalt  }
0x74: {  	_ =	shalt  }
0x75: {  	_ =	shalt  }
0x76: {  	_ =	shalt  }
0x77: {  	_ =	shalt  }
0x78: {  	_ =	shalt  }
0x79: {  	_ =	shalt  }
0x7a: {  	_ =	shalt  }
0x7b: {  	_ =	shalt  }
0x7c: {  	_ =	shalt  }
0x7d: {  	_ =	shalt  }
0x7e: {  	_ =	shalt  }
0x7f: {  	_ =	shalt  }
0x80: {  	_ =	shalt  }
0x81: {  	_ =	shalt  }
0x82: {  	_ =	shalt  }
0x83: {  	_ =	shalt  }
0x84: {  	_ =	shalt  }
0x85: {  	_ =	shalt  }
0x86: {  	_ =	shalt  }
0x87: {  	_ =	shalt  }
.Lfunc_end0:
.L_simem_size_0:
called_computation.1_lowered:
.L_overlay_start_0:
0x88: {  	s2 =	sld [smem:$0x3FD9]  }
0x89: {  	s3 =	sld [smem:$0x3FFE];
	_ =	sdelay $0x1  }
0x8a: {  	s1 =	srdreg.scid  }
0x8b: {  	s0 =	sand.u32 $0x1, s1  }
0x8c: {  	s16 =	sshll.u32 s0, $0xA;
	s2 =	sadd.s32 s3, s2  }
0x8d: {  	s2 =	sadd.s32 s2, s16  }
0x8e: {  	[smem:$0x3F9F] =	sst s2  }
0x8f: {  	_ = 	snop  }
0x90: {  	(tm) =	ssettm $0x1  }
0x91: {  	s17 =	sld [smem:$0x3FFB];
	_ =	sdelay $0x3  }
0x92: {  	_ =	strace s17  }
0x93: {  	s2 =	sld [smem:$0x3FFC];
	_ =	sdelay $0x3  }
0x94: {  	_ =	strace s2  }
0x95: {  	s2 =	sld [smem:$0x3FFD];
	_ =	sdelay $0x3  }
0x96: {  	_ =	strace s2  }
0x97: {  	_ =	strace $0x8FFFFFFF  }
0x98: {  	s18 =	sld [smem:$0x3FDB];
	_ =	sdelay $0x1  }
0x99: {  	s19 =	simm.s32 $_scs_section_size  }
0x9a: {  	s4 =	simm.s32 $_size__tile_overlayer_lowered;
	s5 =	simm.s32 $_tile_overlayer_lowered  }
0x9b: {  	s22 =	simm.s32 $0x1BFF;
	s21 =	sshll.u32 s5, $0x1;
	s2 =	sadd.s32 s19, s18  }
0x9c: {  	s6 =	simm.s32 $0x0;
	s20 =	sshll.u32 s4, $0x1;
	s4 =	sadd.s32 s21, s2  }
0x9d: {  	[timem:s6], [sflag:s22] =	dma.local [hbm:s4], s20  }
0x9e: {  	_ =	swait.ge [sflag:s22], s20  }
0x9f: {  	s3 =	ssub.s32 $0x0, s20;
	[sflag:s22] =	ssyncset.done $0x0  }
0xa0: {  	[sflag:s22] =	ssyncadd.s32 s3;
	_ =	sdelay $0x1  }
0xa1: {  	s23 =	simm.s32 $0x1B8B  }
0xa2: {  	_ =	swait.ge [sflag:s23], $0x1  }
0xa3: {  	[sflag:s23] =	ssyncset.done $0x0  }
0xa4: {  	s25 =	simm.s32 $0x1B8E;
	s24 =	sld [smem:$0x3FFE];
	[sflag:s23] =	ssyncadd.s32 $0xFFFFFFFF  }
0xa5: {  	s26 =	simm.s32 $execute0_lowered;
	[smem:$0x3FD2] =	sst s25  }
0xa6: {  	s4 =	sshll.u32 s26, $0x1;
	_ =	strace $0x80000049;
	[dreg:$0x1] =	wrdreg $0xFFFFFFFF  }
0xa7: {  	s28 =	simm.s32 $_size_execute0_lowered;
	s2 =	sadd.s32 s2, s4;
	[dreg:$0x0] =	wrdreg $0x0  }
0xa8: {  	s4 =	sshll.u32 s28, $0x1;
	[dreg:$0x2] =	wrdreg s2  }
0xa9: {  	[dreg:$0x3] =	wrdreg s4  }
0xaa: {  	[dreg:$0x4] =	wrdreg $0xC0  }
0xab: {  	_ =	task [dreg:s6], $0x5FFFF  }
0xac: {  	[dreg:$0x1] =	wrdreg $0xFFFFFFFF  }
0xad: {  	[dreg:$0x0] =	wrdreg $0x60  }
0xae: {  	[dreg:$0x2] =	wrdreg s24  }
0xaf: {  	[dreg:$0x3] =	wrdreg $0x9  }
0xb0: {  	_ =	task.clear_ibuf [dreg:s6], $0x4FFFF;
	_ =	strace $0x90000049  }
0xb1: {  	s29 =	simm.s32 $0x9;
	_ =	strace $0x8000004B  }
0xb2: {  	_ =	swait.ge [sflag:s29], $0x1  }
0xb3: {  	[sflag:s29] =	ssyncadd.s32 $0xFFFFFFFF  }
0xb4: {  	_ =	strace $0x9000004B  }
0xb5: {  	_ =	sfence  }
0xb6: {  	s30 =	sld [smem:$0x0];
	_ =	sdelay $0x2  }
0xb7: {  	s31 =	sshll.u32 s1, $0xD;
	s1 =	sshrl.u32 s1, $0x2  }
0xb8: {  	s3 =	sand.u32 $0x4000, s31;
	s1 =	sadd.s32 s1, s30  }
0xb9: {  	s0 =	sor.u32 s3, s0;
	s1 =	sshll.u32 s1, $0x11  }
0xba: {  	s0 =	sor.u32 s1, s0  }
0xbb: {  	s0 =	sadd.s32 $0x8F2B, s0  }
0xbc: {  	[sflag:s0] =	ssyncadd.remote.s32 $0x1  }
0xbd: {  	_ =	sfence.sel $0xFFFF  }
0xbe: {  	[dreg:$0x0] =	wrdreg $0xFFFFFFFF;
	(pc) =	sbr.abs _section_cstart, $3  }
0xbf: {  	[dreg:$0x1] =	wrdreg $0xFFFFFFFF  }
0xc0: {  	_ =	task.clear_ibuf [dreg:s6], $0x2FFFF;
	_ =	strace $0x9FFFFFFF  }
0xc1: {  	(tm) =	ssettm $0x7FFFFFFF  }
tec
execute0_lowered:
.L_overlay_start_1:
0x0: {  	(tag) =	ssettag $0x1  }
0x1: {  	s1 =	srdreg.scid;
	s0 =	stileid.u32  }
0x2: {  	s6 =	sand.u32 $0x1, s1;
	s30 =	sshll.u32 s0, $0x1  }
0x3: {  	s9 =	rddreg [dreg:$0x0];
	s7 =	sor.u32 s6, s30  }
0x4: {  	s2 =	simm.s32 $0x0;
	s1 =	rddreg [dreg:$0x1];
	s3 =	smul.u32 $0x28, s7  }
0x5: {  	s8 =	simm.s32 $0x1;
	[smem:$0x7FF] =	sst s2;
	s5 =	sadd.s32 $0xCA00, s9  }
0x6: {  	_ =	strace $0x8000004A;
	s11 =	ssub.s32 $0x2, s6;
	s3 =	sadd.s32 s3, s9  }
0x7: {  	s6 =	simm.s32 $0x140;
	s4 =	sadd.s32 $0xC400, s3;
	s3 =	simm.s32 $0x2  }
0x8: {  	[tilespmem:s2], [sflag:$0x2] =	stream.linear.gather [hbm4b:s4+s2], $0x140, $0x38;
	[tilespmem:$0xA180] =	vst v63  }
0x9: {  	s10 =	smul.u32 $0x1400, s7;
	s12 =	sshrl.u32 s11, $0x1;
	_ =	swait.ge [sflag:s3], $0x140  }
0xa: {  	s7 =	simm.s32 $0x180;
	s31 =	ssub.s32 s11, s12;
	[sflag:s3] =	ssyncset.done $0x0  }
0xb: {  	s9 =	sadd.s32 s10, s9;
	s10 =	smax.u32 s31, $0x1;
	[sflag:s3] =	ssyncadd.s32 $0xFFFFFEC0  }
0xc: {  	[tilespmem:s7], [sflag:$0x1] =	stream.indirect.gather [hbm4b:s5+s6], $0x80, s2, s6, $0xb8;
	[tilespmem:$0xA180] =	vst v63  }
0xd: {  	p0 =	sne.s32 s10, $0x1;
	_ =	swait.ge [sflag:s8], $0xA000  }
.Ltmp0:
0xe: {  	[sflag:s8] =	ssyncset.done $0x0;
	(pc) =	sbr.rel @!p0 .LBB2_2-.Ltmp0, $4  }
0xf: {  	s9 =	sadd.s32 $0x34A00, s9;
	[sflag:s8] =	ssyncadd.s32 $0xFFFF6000  }
0x10: {  	[hbm4b:s9+s2] =	stream.linear.scatter [tilespmem:s7], [sflag:$0x2], $0xA000, $0x38;
	[tilespmem:$0xA180] =	vst v63  }
0x11: {  	_ =	swait.ge [sflag:s3], $0xA000  }
0x12: {  	s10 =	sadd.s32 $0xFFFFFFFF, s10;
	[sflag:s3] =	ssyncset.done $0x0  }
.LBB2_1:
0x13: {  	p0 =	sne.s32 s10, $0x1;
	s10 =	sadd.s32 $0xFFFFFFFF, s10;
	[sflag:s3] =	ssyncadd.s32 $0xFFFF6000  }
0x14: {  	[tilespmem:s2], [sflag:$0x2] =	stream.linear.gather [hbm4b:s4+s2], $0x140, $0x38;
	[tilespmem:$0xA180] =	vst v63  }
0x15: {  	_ =	swait.ge [sflag:s3], $0x140  }
0x16: {  	[sflag:s3] =	ssyncset.done $0x0  }
0x17: {  	[sflag:s3] =	ssyncadd.s32 $0xFFFFFEC0  }
0x18: {  	[tilespmem:s7], [sflag:$0x1] =	stream.indirect.gather [hbm4b:s5+s6], $0x80, s2, s6, $0xb8;
	[tilespmem:$0xA180] =	vst v63  }
0x19: {  	_ =	swait.ge [sflag:s8], $0xA000  }
.Ltmp1:
0x1a: {  	[sflag:s8] =	ssyncset.done $0x0;
	(pc) =	sbr.rel @p0 .LBB2_1-.Ltmp1, $4  }
0x1b: {  	[sflag:s8] =	ssyncadd.s32 $0xFFFF6000  }
0x1c: {  	[hbm4b:s9+s2] =	stream.linear.scatter [tilespmem:s7], [sflag:$0x2], $0xA000, $0x38;
	[tilespmem:$0xA180] =	vst v63  }
0x1d: {  	_ =	swait.ge [sflag:s3], $0xA000  }
0x1e: {  	[sflag:s3] =	ssyncset.done $0x0  }
.LBB2_2:
0x1f: {  	[sflag:s3] =	ssyncadd.s32 $0xFFFF6000  }
0x20: {  	_ =	sfence.sel $0x180000  }
0x21: {  	[bflag:$0x0] =	sbarrier.arrive $0xFFFF  }
0x22: {  	p0 =	sne.s32 s0, $0x0;
	_ =	strace $0x9000004A  }
0x23: {  	s0 =	sadd.s32 @!p0 $0x100000, s1;
	[bflag:$0x2] =	sbarrier.arrive $0xFFFF  }
0x24: {  	[sflag:s0] =	ssyncadd.tile.s32 @!p0 $0x1;
	_ =	shalt  }
.Lfunc_end2:
_tile_overlayer_lowered:
.L_overlay_start_2:
0x25: {  	(tag) =	ssettag $0x2  }
0x26: {  	s0 =	rddreg [dreg:$0x0];
	s2 =	stileid.u32  }
0x27: {  	s1 =	rddreg [dreg:$0x1];
	p0 =	sne.s32 s2, $0x0  }
0x28: {  	s3 =	rddreg [dreg:$0x2];
	[bflag:$0x3] =	sbarrier.arrive $0xFFFF;
	s2 =	simm.s32 @!p0 $0x1C02  }
0x29: {  	[timem:s3], [sflag:s2] =	dma.local @!p0 [hbm:s0], s1  }
0x2a: {  	s0 =	simm.s32 @!p0 $0x2  }
0x2b: {  	_ =	swait.ge @!p0 [sflag:s0], s1  }
0x2c: {  	s1 =	ssub.s32 @!p0 $0x0, s1;
	[sflag:s0] =	ssyncset.done @!p0 $0x0  }
0x2d: {  	[sflag:s0] =	ssyncadd.s32 @!p0 s1  }
0x2e: {  	[bflag:$0x3] =	sbarrier.arrive $0xFFFF  }
0x2f: {  	_ =	shalt  }

// kernel: kernel.43.cloned.1.call-start
scs
__scs_entry_jumppad:
0x0: {  	(pc) =	sbr.rel $0x88, $3  }
0x1: {  	(tag) =	ssettag $0x0;
	lr =	simm.s32 $0x1  }
0x2: {  	[smem:$0x3F78] =	sst lr;
	_ =	strace $0xD0000000  }
0x3: {  	_ = 	snop  }
0x4: {  	_ = 	snop  }
0x5: {  	_ = 	snop  }
0x6: {  	_ = 	snop  }
0x7: {  	_ = 	snop  }
__scs_overlays_trampoline_lowered:
0x8: {  	[smem:$0x3F87] =	sst s0  }
0x9: {  	[smem:$0x3F88] =	sst s1  }
0xa: {  	[smem:$0x3F89] =	sst s2  }
0xb: {  	[smem:$0x3F8A] =	sst s3  }
0xc: {  	[smem:$0x3F8B] =	sst s4  }
0xd: {  	[smem:$0x3F8C] =	sst s5  }
0xe: {  	[smem:$0x3F8D] =	sst s6  }
0xf: {  	[smem:$0x3F8E] =	sst s7  }
0x10: {  	[smem:$0x3F8F] =	sst s8  }
0x11: {  	[smem:$0x3F90] =	sst s9;
	s0 =	simm.s32 @!p0 $0x0  }
0x12: {  	s1 =	sld [smem:$0x3F76];
	s0 =	simm.s32 @p0 $0x1  }
0x13: {  	[smem:$0x3F91] =	sst s0;
	s0 =	simm.s32 @!p1 $0x0  }
0x14: {  	s2 =	sld [smem:$0x3F75];
	s0 =	simm.s32 @p1 $0x1  }
0x15: {  	[smem:$0x3F92] =	sst s0;
	s0 =	simm.s32 @!p2 $0x0  }
0x16: {  	s3 =	sld [smem:$0x3FDB];
	s0 =	simm.s32 @p2 $0x1  }
0x17: {  	s4 =	simm.s32 $0x1BF5;
	[smem:$0x3F94] =	sst s0  }
0x18: {  	s0 =	sld [smem:$0x3F77];
	_ =	swait.ge [sflag:s4], $0x0  }
0x19: {  	s7 =	sld [smem:$0x3F78]  }
0x1a: {  	s8 =	sadd.s32 $0xFFFFE003, lr  }
0x1b: {  	s9 =	sadd.s32 $0xFFFFFEF7, lr;
	s5 =	simm.s32 $0xFFFFFFFF;
	p2 =	slt.u32 s8, $0xFFFFF086  }
0x1c: {  	p1 =	slt.u32 s9, $0xF7A;
	s5 =	simm.s32 @!p2 $0x0  }
0x1d: {  	s5 =	simm.s32 @p1 $0x1;
	p0 =	seq.s32 s7, s2  }
0x1e: {  	s7 =	smul.u32 @!p0 $0xF7A, s2;
	p2 =	seq.s32 @!p0 s5, $0x0  }
0x1f: {  	s9 =	smul.u32 $0xF7A, s1;
	s8 =	simm.s32 @!p0 $0x1BF5;
	p2 =	por !p2, p0  }
0x20: {  	[sflag:s8] =	ssyncset.s32 @!p0 $0xFFFFF086;
	s6 =	sadd.s32 @!p0 s3, s7;
	s7 =	simm.s32 @!p0 $0x108  }
0x21: {  	s3 =	sadd.s32 s3, s9;
	s6 =	sadd.s32 @!p0 $0x88, s6;
	s7 =	simm.s32 @p2 $0x1082  }
0x22: {  	[simem:s7], [sflag:s8] =	dma.local @!p0 [hbm:s6], $0xF7A  }
0x23: {  	s9 =	sor.u32 $0xD0000000, s2;
	s6 =	simm.s32 $0x108;
	_ =	swait.ge @!p0 [sflag:s8], $0x0  }
0x24: {  	s3 =	sadd.s32 $0x88, s3;
	s6 =	simm.s32 @!p1 $0x1082;
	[sflag:s4] =	ssyncset.s32 $0xFFFFF086  }
0x25: {  	[simem:s6], [sflag:s4] =	dma.local [hbm:s3], $0xF7A  }
0x26: {  	[smem:$0x3F78] =	sst s1;
	(tag) =	ssettag s2;
	_ =	strace s9  }
0x27: {  	s1 =	sld [smem:$0x3F88]  }
0x28: {  	s2 =	sld [smem:$0x3F89]  }
0x29: {  	s4 =	sld [smem:$0x3F8B]  }
0x2a: {  	p0 =	seq.s32 s5, $0x0;
	s5 =	sld [smem:$0x3F8C]  }
0x2b: {  	s6 =	sld [smem:$0x3F8D]  }
0x2c: {  	s7 =	sld [smem:$0x3F8E]  }
0x2d: {  	s3 =	simm.s32 $0x108;
	s8 =	sld [smem:$0x3F8F]  }
0x2e: {  	s3 =	simm.s32 @!p0 $0x1082;
	s9 =	sld [smem:$0x3F90]  }
0x2f: {  	lr =	sadd.s32 s0, s3;
	s0 =	sld [smem:$0x3F87]  }
0x30: {  	s3 =	sld [smem:$0x3F8A]  }
0x31: {  	[smem:$0x3F93] =	sst s10  }
0x32: {  	s10 =	sld [smem:$0x3F91];
	_ =	sdelay $0x3  }
0x33: {  	p0 =	seq.s32 s10, $0x1;
	s10 =	sld [smem:$0x3F93];
	_ =	sdelay $0x3  }
0x34: {  	[smem:$0x3F93] =	sst s10  }
0x35: {  	s10 =	sld [smem:$0x3F92];
	_ =	sdelay $0x3  }
0x36: {  	p1 =	seq.s32 s10, $0x1;
	s10 =	sld [smem:$0x3F93];
	_ =	sdelay $0x3  }
0x37: {  	[smem:$0x3F93] =	sst s10  }
0x38: {  	s10 =	sld [smem:$0x3F94]  }
0x39: {  	_ = 	snop;
	(pc) =	sbr.ind lr, $3  }
0x3a: {  	_ = 	snop  }
0x3b: {  	_ = 	snop  }
0x3c: {  	p2 =	seq.s32 s10, $0x1;
	s10 =	sld [smem:$0x3F93]  }
0x3d: {  	_ =	shalt  }
0x3e: {  	_ =	shalt  }
0x3f: {  	_ =	shalt  }
0x40: {  	_ =	shalt  }
0x41: {  	_ =	shalt  }
0x42: {  	_ =	shalt  }
0x43: {  	_ =	shalt  }
0x44: {  	_ =	shalt  }
0x45: {  	_ =	shalt  }
0x46: {  	_ =	shalt  }
0x47: {  	_ =	shalt  }
0x48: {  	_ =	shalt  }
0x49: {  	_ =	shalt  }
0x4a: {  	_ =	shalt  }
0x4b: {  	_ =	shalt  }
0x4c: {  	_ =	shalt  }
0x4d: {  	_ =	shalt  }
0x4e: {  	_ =	shalt  }
0x4f: {  	_ =	shalt  }
0x50: {  	_ =	shalt  }
0x51: {  	_ =	shalt  }
0x52: {  	_ =	shalt  }
0x53: {  	_ =	shalt  }
0x54: {  	_ =	shalt  }
0x55: {  	_ =	shalt  }
0x56: {  	_ =	shalt  }
0x57: {  	_ =	shalt  }
0x58: {  	_ =	shalt  }
0x59: {  	_ =	shalt  }
0x5a: {  	_ =	shalt  }
0x5b: {  	_ =	shalt  }
0x5c: {  	_ =	shalt  }
0x5d: {  	_ =	shalt  }
0x5e: {  	_ =	shalt  }
0x5f: {  	_ =	shalt  }
0x60: {  	_ =	shalt  }
0x61: {  	_ =	shalt  }
0x62: {  	_ =	shalt  }
0x63: {  	_ =	shalt  }
0x64: {  	_ =	shalt  }
0x65: {  	_ =	shalt  }
0x66: {  	_ =	shalt  }
0x67: {  	_ =	shalt  }
0x68: {  	_ =	shalt  }
0x69: {  	_ =	shalt  }
0x6a: {  	_ =	shalt  }
0x6b: {  	_ =	shalt  }
0x6c: {  	_ =	shalt  }
0x6d: {  	_ =	shalt  }
0x6e: {  	_ =	shalt  }
0x6f: {  	_ =	shalt  }
0x70: {  	_ =	shalt  }
0x71: {  	_ =	shalt  }
0x72: {  	_ =	shalt  }
0x73: {  	_ =	shalt  }
0x74: {  	_ =	shalt  }
0x75: {  	_ =	shalt  }
0x76: {  	_ =	shalt  }
0x77: {  	_ =	shalt  }
0x78: {  	_ =	shalt  }
0x79: {  	_ =	shalt  }
0x7a: {  	_ =	shalt  }
0x7b: {  	_ =	shalt  }
0x7c: {  	_ =	shalt  }
0x7d: {  	_ =	shalt  }
0x7e: {  	_ =	shalt  }
0x7f: {  	_ =	shalt  }
0x80: {  	_ =	shalt  }
0x81: {  	_ =	shalt  }
0x82: {  	_ =	shalt  }
0x83: {  	_ =	shalt  }
0x84: {  	_ =	shalt  }
0x85: {  	_ =	shalt  }
0x86: {  	_ =	shalt  }
0x87: {  	_ =	shalt  }
.Lfunc_end0:
.L_simem_size_0:
called_computation.2_lowered:
.L_overlay_start_0:
0x88: {  	s2 =	sld [smem:$0x3FD9]  }
0x89: {  	s3 =	sld [smem:$0x3FFE];
	_ =	sdelay $0x1  }
0x8a: {  	s1 =	srdreg.scid  }
0x8b: {  	s0 =	sand.u32 $0x1, s1  }
0x8c: {  	s16 =	sshll.u32 s0, $0xA;
	s2 =	sadd.s32 s3, s2  }
0x8d: {  	s2 =	sadd.s32 s2, s16  }
0x8e: {  	[smem:$0x3F9F] =	sst s2  }
0x8f: {  	_ = 	snop  }
0x90: {  	(tm) =	ssettm $0x1  }
0x91: {  	s17 =	sld [smem:$0x3FFB];
	_ =	sdelay $0x3  }
0x92: {  	_ =	strace s17  }
0x93: {  	s2 =	sld [smem:$0x3FFC];
	_ =	sdelay $0x3  }
0x94: {  	_ =	strace s2  }
0x95: {  	s2 =	sld [smem:$0x3FFD];
	_ =	sdelay $0x3  }
0x96: {  	_ =	strace s2  }
0x97: {  	_ =	strace $0x8FFFFFFF  }
0x98: {  	s18 =	sld [smem:$0x3FDB];
	_ =	sdelay $0x1  }
0x99: {  	s19 =	simm.s32 $_scs_section_size  }
0x9a: {  	s4 =	simm.s32 $_size__tile_overlayer_lowered;
	s5 =	simm.s32 $_tile_overlayer_lowered  }
0x9b: {  	s22 =	simm.s32 $0x1BFF;
	s21 =	sshll.u32 s5, $0x1;
	s2 =	sadd.s32 s19, s18  }
0x9c: {  	s6 =	simm.s32 $0x0;
	s20 =	sshll.u32 s4, $0x1;
	s4 =	sadd.s32 s21, s2  }
0x9d: {  	[timem:s6], [sflag:s22] =	dma.local [hbm:s4], s20  }
0x9e: {  	_ =	swait.ge [sflag:s22], s20  }
0x9f: {  	s3 =	ssub.s32 $0x0, s20;
	[sflag:s22] =	ssyncset.done $0x0  }
0xa0: {  	[sflag:s22] =	ssyncadd.s32 s3;
	_ =	sdelay $0x1  }
0xa1: {  	s23 =	simm.s32 $0x1B8B  }
0xa2: {  	_ =	swait.ge [sflag:s23], $0x1  }
0xa3: {  	[sflag:s23] =	ssyncset.done $0x0  }
0xa4: {  	s25 =	simm.s32 $0x1B8E;
	s24 =	sld [smem:$0x3FFE];
	[sflag:s23] =	ssyncadd.s32 $0xFFFFFFFF  }
0xa5: {  	s26 =	simm.s32 $execute0_lowered;
	[smem:$0x3FD2] =	sst s25  }
0xa6: {  	s4 =	sshll.u32 s26, $0x1;
	_ =	strace $0x8000004C;
	[dreg:$0x1] =	wrdreg $0xFFFFFFFF  }
0xa7: {  	s28 =	simm.s32 $_size_execute0_lowered;
	s2 =	sadd.s32 s2, s4;
	[dreg:$0x0] =	wrdreg $0x0  }
0xa8: {  	s4 =	sshll.u32 s28, $0x1;
	[dreg:$0x2] =	wrdreg s2  }
0xa9: {  	[dreg:$0x3] =	wrdreg s4  }
0xaa: {  	[dreg:$0x4] =	wrdreg $0xC0  }
0xab: {  	_ =	task [dreg:s6], $0x5FFFF  }
0xac: {  	[dreg:$0x1] =	wrdreg $0xFFFFFFFF  }
0xad: {  	[dreg:$0x0] =	wrdreg $0x60  }
0xae: {  	[dreg:$0x2] =	wrdreg s24  }
0xaf: {  	[dreg:$0x3] =	wrdreg $0x9  }
0xb0: {  	_ =	task.clear_ibuf [dreg:s6], $0x4FFFF;
	_ =	strace $0x9000004C  }
0xb1: {  	s29 =	simm.s32 $0x9;
	_ =	strace $0x8000004E  }
0xb2: {  	_ =	swait.ge [sflag:s29], $0x1  }
0xb3: {  	[sflag:s29] =	ssyncadd.s32 $0xFFFFFFFF  }
0xb4: {  	_ =	strace $0x9000004E  }
0xb5: {  	_ =	sfence  }
0xb6: {  	s30 =	sld [smem:$0x0];
	_ =	sdelay $0x2  }
0xb7: {  	s31 =	sshll.u32 s1, $0xD;
	s1 =	sshrl.u32 s1, $0x2  }
0xb8: {  	s3 =	sand.u32 $0x4000, s31;
	s1 =	sadd.s32 s1, s30  }
0xb9: {  	s0 =	sor.u32 s3, s0;
	s1 =	sshll.u32 s1, $0x11  }
0xba: {  	s0 =	sor.u32 s1, s0  }
0xbb: {  	s0 =	sadd.s32 $0x8F2B, s0  }
0xbc: {  	[sflag:s0] =	ssyncadd.remote.s32 $0x1  }
0xbd: {  	_ =	sfence.sel $0xFFFF  }
0xbe: {  	[dreg:$0x0] =	wrdreg $0xFFFFFFFF;
	(pc) =	sbr.abs _section_cstart, $3  }
0xbf: {  	[dreg:$0x1] =	wrdreg $0xFFFFFFFF  }
0xc0: {  	_ =	task.clear_ibuf [dreg:s6], $0x2FFFF;
	_ =	strace $0x9FFFFFFF  }
0xc1: {  	(tm) =	ssettm $0x7FFFFFFF  }
tec
execute0_lowered:
.L_overlay_start_1:
0x0: {  	(tag) =	ssettag $0x1  }
0x1: {  	s1 =	srdreg.scid;
	s0 =	stileid.u32  }
0x2: {  	s6 =	sand.u32 $0x1, s1;
	s30 =	sshll.u32 s0, $0x1  }
0x3: {  	s9 =	rddreg [dreg:$0x0];
	s7 =	sor.u32 s6, s30  }
0x4: {  	s2 =	simm.s32 $0x0;
	s1 =	rddreg [dreg:$0x1];
	s3 =	smul.u32 $0x28, s7  }
0x5: {  	s8 =	simm.s32 $0x1;
	[smem:$0x7FF] =	sst s2;
	s5 =	sadd.s32 $0xCA00, s9  }
0x6: {  	_ =	strace $0x8000004D;
	s11 =	ssub.s32 $0x2, s6;
	s3 =	sadd.s32 s3, s9  }
0x7: {  	s6 =	simm.s32 $0x140;
	s4 =	sadd.s32 $0xC400, s3;
	s3 =	simm.s32 $0x2  }
0x8: {  	[tilespmem:s2], [sflag:$0x2] =	stream.linear.gather [hbm4b:s4+s2], $0x140, $0x38;
	[tilespmem:$0xA180] =	vst v63  }
0x9: {  	s10 =	smul.u32 $0x1400, s7;
	s12 =	sshrl.u32 s11, $0x1;
	_ =	swait.ge [sflag:s3], $0x140  }
0xa: {  	s7 =	simm.s32 $0x180;
	s31 =	ssub.s32 s11, s12;
	[sflag:s3] =	ssyncset.done $0x0  }
0xb: {  	s9 =	sadd.s32 s10, s9;
	s10 =	smax.u32 s31, $0x1;
	[sflag:s3] =	ssyncadd.s32 $0xFFFFFEC0  }
0xc: {  	[tilespmem:s7], [sflag:$0x1] =	stream.indirect.gather [hbm4b:s5+s6], $0x80, s2, s6, $0xb8;
	[tilespmem:$0xA180] =	vst v63  }
0xd: {  	p0 =	sne.s32 s10, $0x1;
	_ =	swait.ge [sflag:s8], $0xA000  }
.Ltmp0:
0xe: {  	[sflag:s8] =	ssyncset.done $0x0;
	(pc) =	sbr.rel @!p0 .LBB2_2-.Ltmp0, $4  }
0xf: {  	s9 =	sadd.s32 $0x34A00, s9;
	[sflag:s8] =	ssyncadd.s32 $0xFFFF6000  }
0x10: {  	[hbm4b:s9+s2] =	stream.linear.scatter [tilespmem:s7], [sflag:$0x2], $0xA000, $0x38;
	[tilespmem:$0xA180] =	vst v63  }
0x11: {  	_ =	swait.ge [sflag:s3], $0xA000  }
0x12: {  	s10 =	sadd.s32 $0xFFFFFFFF, s10;
	[sflag:s3] =	ssyncset.done $0x0  }
.LBB2_1:
0x13: {  	p0 =	sne.s32 s10, $0x1;
	s10 =	sadd.s32 $0xFFFFFFFF, s10;
	[sflag:s3] =	ssyncadd.s32 $0xFFFF6000  }
0x14: {  	[tilespmem:s2], [sflag:$0x2] =	stream.linear.gather [hbm4b:s4+s2], $0x140, $0x38;
	[tilespmem:$0xA180] =	vst v63  }
0x15: {  	_ =	swait.ge [sflag:s3], $0x140  }
0x16: {  	[sflag:s3] =	ssyncset.done $0x0  }
0x17: {  	[sflag:s3] =	ssyncadd.s32 $0xFFFFFEC0  }
0x18: {  	[tilespmem:s7], [sflag:$0x1] =	stream.indirect.gather [hbm4b:s5+s6], $0x80, s2, s6, $0xb8;
	[tilespmem:$0xA180] =	vst v63  }
0x19: {  	_ =	swait.ge [sflag:s8], $0xA000  }
.Ltmp1:
0x1a: {  	[sflag:s8] =	ssyncset.done $0x0;
	(pc) =	sbr.rel @p0 .LBB2_1-.Ltmp1, $4  }
0x1b: {  	[sflag:s8] =	ssyncadd.s32 $0xFFFF6000  }
0x1c: {  	[hbm4b:s9+s2] =	stream.linear.scatter [tilespmem:s7], [sflag:$0x2], $0xA000, $0x38;
	[tilespmem:$0xA180] =	vst v63  }
0x1d: {  	_ =	swait.ge [sflag:s3], $0xA000  }
0x1e: {  	[sflag:s3] =	ssyncset.done $0x0  }
.LBB2_2:
0x1f: {  	[sflag:s3] =	ssyncadd.s32 $0xFFFF6000  }
0x20: {  	_ =	sfence.sel $0x180000  }
0x21: {  	[bflag:$0x0] =	sbarrier.arrive $0xFFFF  }
0x22: {  	p0 =	sne.s32 s0, $0x0;
	_ =	strace $0x9000004D  }
0x23: {  	s0 =	sadd.s32 @!p0 $0x100000, s1;
	[bflag:$0x2] =	sbarrier.arrive $0xFFFF  }
0x24: {  	[sflag:s0] =	ssyncadd.tile.s32 @!p0 $0x1;
	_ =	shalt  }
.Lfunc_end2:
_tile_overlayer_lowered:
.L_overlay_start_2:
0x25: {  	(tag) =	ssettag $0x2  }
0x26: {  	s0 =	rddreg [dreg:$0x0];
	s2 =	stileid.u32  }
0x27: {  	s1 =	rddreg [dreg:$0x1];
	p0 =	sne.s32 s2, $0x0  }
0x28: {  	s3 =	rddreg [dreg:$0x2];
	[bflag:$0x3] =	sbarrier.arrive $0xFFFF;
	s2 =	simm.s32 @!p0 $0x1C02  }
0x29: {  	[timem:s3], [sflag:s2] =	dma.local @!p0 [hbm:s0], s1  }
0x2a: {  	s0 =	simm.s32 @!p0 $0x2  }
0x2b: {  	_ =	swait.ge @!p0 [sflag:s0], s1  }
0x2c: {  	s1 =	ssub.s32 @!p0 $0x0, s1;
	[sflag:s0] =	ssyncset.done @!p0 $0x0  }
0x2d: {  	[sflag:s0] =	ssyncadd.s32 @!p0 s1  }
0x2e: {  	[bflag:$0x3] =	sbarrier.arrive $0xFFFF  }
0x2f: {  	_ =	shalt  }

// kernel: kernel.46.cloned.1.call-start
scs
__scs_entry_jumppad:
0x0: {  	(pc) =	sbr.rel $0x88, $3  }
0x1: {  	(tag) =	ssettag $0x0;
	lr =	simm.s32 $0x1  }
0x2: {  	[smem:$0x3F78] =	sst lr;
	_ =	strace $0xD0000000  }
0x3: {  	_ = 	snop  }
0x4: {  	_ = 	snop  }
0x5: {  	_ = 	snop  }
0x6: {  	_ = 	snop  }
0x7: {  	_ = 	snop  }
__scs_overlays_trampoline_lowered:
0x8: {  	[smem:$0x3F87] =	sst s0  }
0x9: {  	[smem:$0x3F88] =	sst s1  }
0xa: {  	[smem:$0x3F89] =	sst s2  }
0xb: {  	[smem:$0x3F8A] =	sst s3  }
0xc: {  	[smem:$0x3F8B] =	sst s4  }
0xd: {  	[smem:$0x3F8C] =	sst s5  }
0xe: {  	[smem:$0x3F8D] =	sst s6  }
0xf: {  	[smem:$0x3F8E] =	sst s7  }
0x10: {  	[smem:$0x3F8F] =	sst s8  }
0x11: {  	[smem:$0x3F90] =	sst s9;
	s0 =	simm.s32 @!p0 $0x0  }
0x12: {  	s1 =	sld [smem:$0x3F76];
	s0 =	simm.s32 @p0 $0x1  }
0x13: {  	[smem:$0x3F91] =	sst s0;
	s0 =	simm.s32 @!p1 $0x0  }
0x14: {  	s2 =	sld [smem:$0x3F75];
	s0 =	simm.s32 @p1 $0x1  }
0x15: {  	[smem:$0x3F92] =	sst s0;
	s0 =	simm.s32 @!p2 $0x0  }
0x16: {  	s3 =	sld [smem:$0x3FDB];
	s0 =	simm.s32 @p2 $0x1  }
0x17: {  	s4 =	simm.s32 $0x1BF5;
	[smem:$0x3F94] =	sst s0  }
0x18: {  	s0 =	sld [smem:$0x3F77];
	_ =	swait.ge [sflag:s4], $0x0  }
0x19: {  	s7 =	sld [smem:$0x3F78]  }
0x1a: {  	s8 =	sadd.s32 $0xFFFFE003, lr  }
0x1b: {  	s9 =	sadd.s32 $0xFFFFFEF7, lr;
	s5 =	simm.s32 $0xFFFFFFFF;
	p2 =	slt.u32 s8, $0xFFFFF086  }
0x1c: {  	p1 =	slt.u32 s9, $0xF7A;
	s5 =	simm.s32 @!p2 $0x0  }
0x1d: {  	s5 =	simm.s32 @p1 $0x1;
	p0 =	seq.s32 s7, s2  }
0x1e: {  	s7 =	smul.u32 @!p0 $0xF7A, s2;
	p2 =	seq.s32 @!p0 s5, $0x0  }
0x1f: {  	s9 =	smul.u32 $0xF7A, s1;
	s8 =	simm.s32 @!p0 $0x1BF5;
	p2 =	por !p2, p0  }
0x20: {  	[sflag:s8] =	ssyncset.s32 @!p0 $0xFFFFF086;
	s6 =	sadd.s32 @!p0 s3, s7;
	s7 =	simm.s32 @!p0 $0x108  }
0x21: {  	s3 =	sadd.s32 s3, s9;
	s6 =	sadd.s32 @!p0 $0x88, s6;
	s7 =	simm.s32 @p2 $0x1082  }
0x22: {  	[simem:s7], [sflag:s8] =	dma.local @!p0 [hbm:s6], $0xF7A  }
0x23: {  	s9 =	sor.u32 $0xD0000000, s2;
	s6 =	simm.s32 $0x108;
	_ =	swait.ge @!p0 [sflag:s8], $0x0  }
0x24: {  	s3 =	sadd.s32 $0x88, s3;
	s6 =	simm.s32 @!p1 $0x1082;
	[sflag:s4] =	ssyncset.s32 $0xFFFFF086  }
0x25: {  	[simem:s6], [sflag:s4] =	dma.local [hbm:s3], $0xF7A  }
0x26: {  	[smem:$0x3F78] =	sst s1;
	(tag) =	ssettag s2;
	_ =	strace s9  }
0x27: {  	s1 =	sld [smem:$0x3F88]  }
0x28: {  	s2 =	sld [smem:$0x3F89]  }
0x29: {  	s4 =	sld [smem:$0x3F8B]  }
0x2a: {  	p0 =	seq.s32 s5, $0x0;
	s5 =	sld [smem:$0x3F8C]  }
0x2b: {  	s6 =	sld [smem:$0x3F8D]  }
0x2c: {  	s7 =	sld [smem:$0x3F8E]  }
0x2d: {  	s3 =	simm.s32 $0x108;
	s8 =	sld [smem:$0x3F8F]  }
0x2e: {  	s3 =	simm.s32 @!p0 $0x1082;
	s9 =	sld [smem:$0x3F90]  }
0x2f: {  	lr =	sadd.s32 s0, s3;
	s0 =	sld [smem:$0x3F87]  }
0x30: {  	s3 =	sld [smem:$0x3F8A]  }
0x31: {  	[smem:$0x3F93] =	sst s10  }
0x32: {  	s10 =	sld [smem:$0x3F91];
	_ =	sdelay $0x3  }
0x33: {  	p0 =	seq.s32 s10, $0x1;
	s10 =	sld [smem:$0x3F93];
	_ =	sdelay $0x3  }
0x34: {  	[smem:$0x3F93] =	sst s10  }
0x35: {  	s10 =	sld [smem:$0x3F92];
	_ =	sdelay $0x3  }
0x36: {  	p1 =	seq.s32 s10, $0x1;
	s10 =	sld [smem:$0x3F93];
	_ =	sdelay $0x3  }
0x37: {  	[smem:$0x3F93] =	sst s10  }
0x38: {  	s10 =	sld [smem:$0x3F94]  }
0x39: {  	_ = 	snop;
	(pc) =	sbr.ind lr, $3  }
0x3a: {  	_ = 	snop  }
0x3b: {  	_ = 	snop  }
0x3c: {  	p2 =	seq.s32 s10, $0x1;
	s10 =	sld [smem:$0x3F93]  }
0x3d: {  	_ =	shalt  }
0x3e: {  	_ =	shalt  }
0x3f: {  	_ =	shalt  }
0x40: {  	_ =	shalt  }
0x41: {  	_ =	shalt  }
0x42: {  	_ =	shalt  }
0x43: {  	_ =	shalt  }
0x44: {  	_ =	shalt  }
0x45: {  	_ =	shalt  }
0x46: {  	_ =	shalt  }
0x47: {  	_ =	shalt  }
0x48: {  	_ =	shalt  }
0x49: {  	_ =	shalt  }
0x4a: {  	_ =	shalt  }
0x4b: {  	_ =	shalt  }
0x4c: {  	_ =	shalt  }
0x4d: {  	_ =	shalt  }
0x4e: {  	_ =	shalt  }
0x4f: {  	_ =	shalt  }
0x50: {  	_ =	shalt  }
0x51: {  	_ =	shalt  }
0x52: {  	_ =	shalt  }
0x53: {  	_ =	shalt  }
0x54: {  	_ =	shalt  }
0x55: {  	_ =	shalt  }
0x56: {  	_ =	shalt  }
0x57: {  	_ =	shalt  }
0x58: {  	_ =	shalt  }
0x59: {  	_ =	shalt  }
0x5a: {  	_ =	shalt  }
0x5b: {  	_ =	shalt  }
0x5c: {  	_ =	shalt  }
0x5d: {  	_ =	shalt  }
0x5e: {  	_ =	shalt  }
0x5f: {  	_ =	shalt  }
0x60: {  	_ =	shalt  }
0x61: {  	_ =	shalt  }
0x62: {  	_ =	shalt  }
0x63: {  	_ =	shalt  }
0x64: {  	_ =	shalt  }
0x65: {  	_ =	shalt  }
0x66: {  	_ =	shalt  }
0x67: {  	_ =	shalt  }
0x68: {  	_ =	shalt  }
0x69: {  	_ =	shalt  }
0x6a: {  	_ =	shalt  }
0x6b: {  	_ =	shalt  }
0x6c: {  	_ =	shalt  }
0x6d: {  	_ =	shalt  }
0x6e: {  	_ =	shalt  }
0x6f: {  	_ =	shalt  }
0x70: {  	_ =	shalt  }
0x71: {  	_ =	shalt  }
0x72: {  	_ =	shalt  }
0x73: {  	_ =	shalt  }
0x74: {  	_ =	shalt  }
0x75: {  	_ =	shalt  }
0x76: {  	_ =	shalt  }
0x77: {  	_ =	shalt  }
0x78: {  	_ =	shalt  }
0x79: {  	_ =	shalt  }
0x7a: {  	_ =	shalt  }
0x7b: {  	_ =	shalt  }
0x7c: {  	_ =	shalt  }
0x7d: {  	_ =	shalt  }
0x7e: {  	_ =	shalt  }
0x7f: {  	_ =	shalt  }
0x80: {  	_ =	shalt  }
0x81: {  	_ =	shalt  }
0x82: {  	_ =	shalt  }
0x83: {  	_ =	shalt  }
0x84: {  	_ =	shalt  }
0x85: {  	_ =	shalt  }
0x86: {  	_ =	shalt  }
0x87: {  	_ =	shalt  }
.Lfunc_end0:
.L_simem_size_0:
called_computation.3_lowered:
.L_overlay_start_0:
0x88: {  	s2 =	sld [smem:$0x3FD9]  }
0x89: {  	s3 =	sld [smem:$0x3FFE];
	_ =	sdelay $0x1  }
0x8a: {  	s1 =	srdreg.scid  }
0x8b: {  	s0 =	sand.u32 $0x1, s1  }
0x8c: {  	s16 =	sshll.u32 s0, $0xA;
	s2 =	sadd.s32 s3, s2  }
0x8d: {  	s2 =	sadd.s32 s2, s16  }
0x8e: {  	[smem:$0x3F9F] =	sst s2  }
0x8f: {  	_ = 	snop  }
0x90: {  	(tm) =	ssettm $0x1  }
0x91: {  	s17 =	sld [smem:$0x3FFB];
	_ =	sdelay $0x3  }
0x92: {  	_ =	strace s17  }
0x93: {  	s2 =	sld [smem:$0x3FFC];
	_ =	sdelay $0x3  }
0x94: {  	_ =	strace s2  }
0x95: {  	s2 =	sld [smem:$0x3FFD];
	_ =	sdelay $0x3  }
0x96: {  	_ =	strace s2  }
0x97: {  	_ =	strace $0x8FFFFFFF  }
0x98: {  	s18 =	sld [smem:$0x3FDB];
	_ =	sdelay $0x1  }
0x99: {  	s19 =	simm.s32 $_scs_section_size  }
0x9a: {  	s4 =	simm.s32 $_size__tile_overlayer_lowered;
	s5 =	simm.s32 $_tile_overlayer_lowered  }
0x9b: {  	s22 =	simm.s32 $0x1BFF;
	s21 =	sshll.u32 s5, $0x1;
	s2 =	sadd.s32 s19, s18  }
0x9c: {  	s6 =	simm.s32 $0x0;
	s20 =	sshll.u32 s4, $0x1;
	s4 =	sadd.s32 s21, s2  }
0x9d: {  	[timem:s6], [sflag:s22] =	dma.local [hbm:s4], s20  }
0x9e: {  	_ =	swait.ge [sflag:s22], s20  }
0x9f: {  	s3 =	ssub.s32 $0x0, s20;
	[sflag:s22] =	ssyncset.done $0x0  }
0xa0: {  	[sflag:s22] =	ssyncadd.s32 s3;
	_ =	sdelay $0x1  }
0xa1: {  	s23 =	simm.s32 $0x1B8B  }
0xa2: {  	_ =	swait.ge [sflag:s23], $0x1  }
0xa3: {  	[sflag:s23] =	ssyncset.done $0x0  }
0xa4: {  	s25 =	simm.s32 $0x1B8E;
	s24 =	sld [smem:$0x3FFE];
	[sflag:s23] =	ssyncadd.s32 $0xFFFFFFFF  }
0xa5: {  	s26 =	simm.s32 $execute0_lowered;
	[smem:$0x3FD2] =	sst s25  }
0xa6: {  	s4 =	sshll.u32 s26, $0x1;
	_ =	strace $0x8000004F;
	[dreg:$0x1] =	wrdreg $0xFFFFFFFF  }
0xa7: {  	s28 =	simm.s32 $_size_execute0_lowered;
	s2 =	sadd.s32 s2, s4;
	[dreg:$0x0] =	wrdreg $0x0  }
0xa8: {  	s4 =	sshll.u32 s28, $0x1;
	[dreg:$0x2] =	wrdreg s2  }
0xa9: {  	[dreg:$0x3] =	wrdreg s4  }
0xaa: {  	[dreg:$0x4] =	wrdreg $0xC0  }
0xab: {  	_ =	task [dreg:s6], $0x5FFFF  }
0xac: {  	[dreg:$0x1] =	wrdreg $0xFFFFFFFF  }
0xad: {  	[dreg:$0x0] =	wrdreg $0x60  }
0xae: {  	[dreg:$0x2] =	wrdreg s24  }
0xaf: {  	[dreg:$0x3] =	wrdreg $0x9  }
0xb0: {  	_ =	task.clear_ibuf [dreg:s6], $0x4FFFF;
	_ =	strace $0x9000004F  }
0xb1: {  	s29 =	simm.s32 $0x9;
	_ =	strace $0x80000051  }
0xb2: {  	_ =	swait.ge [sflag:s29], $0x1  }
0xb3: {  	[sflag:s29] =	ssyncadd.s32 $0xFFFFFFFF  }
0xb4: {  	_ =	strace $0x90000051  }
0xb5: {  	_ =	sfence  }
0xb6: {  	s30 =	sld [smem:$0x0];
	_ =	sdelay $0x2  }
0xb7: {  	s31 =	sshll.u32 s1, $0xD;
	s1 =	sshrl.u32 s1, $0x2  }
0xb8: {  	s3 =	sand.u32 $0x4000, s31;
	s1 =	sadd.s32 s1, s30  }
0xb9: {  	s0 =	sor.u32 s3, s0;
	s1 =	sshll.u32 s1, $0x11  }
0xba: {  	s0 =	sor.u32 s1, s0  }
0xbb: {  	s0 =	sadd.s32 $0x8F2B, s0  }
0xbc: {  	[sflag:s0] =	ssyncadd.remote.s32 $0x1  }
0xbd: {  	_ =	sfence.sel $0xFFFF  }
0xbe: {  	[dreg:$0x0] =	wrdreg $0xFFFFFFFF;
	(pc) =	sbr.abs _section_cstart, $3  }
0xbf: {  	[dreg:$0x1] =	wrdreg $0xFFFFFFFF  }
0xc0: {  	_ =	task.clear_ibuf [dreg:s6], $0x2FFFF;
	_ =	strace $0x9FFFFFFF  }
0xc1: {  	(tm) =	ssettm $0x7FFFFFFF  }
tec
execute0_lowered:
.L_overlay_start_1:
0x0: {  	(tag) =	ssettag $0x1  }
0x1: {  	s1 =	srdreg.scid;
	s0 =	stileid.u32  }
0x2: {  	s6 =	sand.u32 $0x1, s1;
	s30 =	sshll.u32 s0, $0x1  }
0x3: {  	s9 =	rddreg [dreg:$0x0];
	s7 =	sor.u32 s6, s30  }
0x4: {  	s2 =	simm.s32 $0x0;
	s1 =	rddreg [dreg:$0x1];
	s3 =	smul.u32 $0x28, s7  }
0x5: {  	s8 =	simm.s32 $0x1;
	[smem:$0x7FF] =	sst s2;
	s5 =	sadd.s32 $0xC400, s9  }
0x6: {  	_ =	strace $0x80000050;
	s11 =	ssub.s32 $0x2, s6;
	s3 =	sadd.s32 s3, s9  }
0x7: {  	s6 =	simm.s32 $0x140;
	s4 =	sadd.s32 $0x5CA00, s3;
	s3 =	simm.s32 $0x2  }
0x8: {  	[tilespmem:s2], [sflag:$0x2] =	stream.linear.gather [hbm4b:s4+s2], $0x140, $0x38;
	[tilespmem:$0xA180] =	vst v63  }
0x9: {  	s10 =	smul.u32 $0x1400, s7;
	s12 =	sshrl.u32 s11, $0x1;
	_ =	swait.ge [sflag:s3], $0x140  }
0xa: {  	s7 =	simm.s32 $0x180;
	s31 =	ssub.s32 s11, s12;
	[sflag:s3] =	ssyncset.done $0x0  }
0xb: {  	s9 =	sadd.s32 s10, s9;
	s10 =	smax.u32 s31, $0x1;
	[sflag:s3] =	ssyncadd.s32 $0xFFFFFEC0  }
0xc: {  	[tilespmem:s7], [sflag:$0x1] =	stream.indirect.gather [hbm4b:s5+s6], $0x80, s2, s6, $0xb8;
	[tilespmem:$0xA180] =	vst v63  }
0xd: {  	p0 =	sne.s32 s10, $0x1;
	_ =	swait.ge [sflag:s8], $0xA000  }
.Ltmp0:
0xe: {  	[sflag:s8] =	ssyncset.done $0x0;
	(pc) =	sbr.rel @!p0 .LBB2_2-.Ltmp0, $4  }
0xf: {  	s9 =	sadd.s32 $0x34400, s9;
	[sflag:s8] =	ssyncadd.s32 $0xFFFF6000  }
0x10: {  	[hbm4b:s9+s2] =	stream.linear.scatter [tilespmem:s7], [sflag:$0x2], $0xA000, $0x38;
	[tilespmem:$0xA180] =	vst v63  }
0x11: {  	_ =	swait.ge [sflag:s3], $0xA000  }
0x12: {  	s10 =	sadd.s32 $0xFFFFFFFF, s10;
	[sflag:s3] =	ssyncset.done $0x0  }
.LBB2_1:
0x13: {  	p0 =	sne.s32 s10, $0x1;
	s10 =	sadd.s32 $0xFFFFFFFF, s10;
	[sflag:s3] =	ssyncadd.s32 $0xFFFF6000  }
0x14: {  	[tilespmem:s2], [sflag:$0x2] =	stream.linear.gather [hbm4b:s4+s2], $0x140, $0x38;
	[tilespmem:$0xA180] =	vst v63  }
0x15: {  	_ =	swait.ge [sflag:s3], $0x140  }
0x16: {  	[sflag:s3] =	ssyncset.done $0x0  }
0x17: {  	[sflag:s3] =	ssyncadd.s32 $0xFFFFFEC0  }
0x18: {  	[tilespmem:s7], [sflag:$0x1] =	stream.indirect.gather [hbm4b:s5+s6], $0x80, s2, s6, $0xb8;
	[tilespmem:$0xA180] =	vst v63  }
0x19: {  	_ =	swait.ge [sflag:s8], $0xA000  }
.Ltmp1:
0x1a: {  	[sflag:s8] =	ssyncset.done $0x0;
	(pc) =	sbr.rel @p0 .LBB2_1-.Ltmp1, $4  }
0x1b: {  	[sflag:s8] =	ssyncadd.s32 $0xFFFF6000  }
0x1c: {  	[hbm4b:s9+s2] =	stream.linear.scatter [tilespmem:s7], [sflag:$0x2], $0xA000, $0x38;
	[tilespmem:$0xA180] =	vst v63  }
0x1d: {  	_ =	swait.ge [sflag:s3], $0xA000  }
0x1e: {  	[sflag:s3] =	ssyncset.done $0x0  }
.LBB2_2:
0x1f: {  	[sflag:s3] =	ssyncadd.s32 $0xFFFF6000  }
0x20: {  	_ =	sfence.sel $0x180000  }
0x21: {  	[bflag:$0x0] =	sbarrier.arrive $0xFFFF  }
0x22: {  	p0 =	sne.s32 s0, $0x0;
	_ =	strace $0x90000050  }
0x23: {  	s0 =	sadd.s32 @!p0 $0x100000, s1;
	[bflag:$0x2] =	sbarrier.arrive $0xFFFF  }
0x24: {  	[sflag:s0] =	ssyncadd.tile.s32 @!p0 $0x1;
	_ =	shalt  }
.Lfunc_end2:
_tile_overlayer_lowered:
.L_overlay_start_2:
0x25: {  	(tag) =	ssettag $0x2  }
0x26: {  	s0 =	rddreg [dreg:$0x0];
	s2 =	stileid.u32  }
0x27: {  	s1 =	rddreg [dreg:$0x1];
	p0 =	sne.s32 s2, $0x0  }
0x28: {  	s3 =	rddreg [dreg:$0x2];
	[bflag:$0x3] =	sbarrier.arrive $0xFFFF;
	s2 =	simm.s32 @!p0 $0x1C02  }
0x29: {  	[timem:s3], [sflag:s2] =	dma.local @!p0 [hbm:s0], s1  }
0x2a: {  	s0 =	simm.s32 @!p0 $0x2  }
0x2b: {  	_ =	swait.ge @!p0 [sflag:s0], s1  }
0x2c: {  	s1 =	ssub.s32 @!p0 $0x0, s1;
	[sflag:s0] =	ssyncset.done @!p0 $0x0  }
0x2d: {  	[sflag:s0] =	ssyncadd.s32 @!p0 s1  }
0x2e: {  	[bflag:$0x3] =	sbarrier.arrive $0xFFFF  }
0x2f: {  	_ =	shalt  }

// kernel: kernel.49.cloned.1.call-start
scs
__scs_entry_jumppad:
0x0: {  	(pc) =	sbr.rel $0x88, $3  }
0x1: {  	(tag) =	ssettag $0x0;
	lr =	simm.s32 $0x1  }
0x2: {  	[smem:$0x3F78] =	sst lr;
	_ =	strace $0xD0000000  }
0x3: {  	_ = 	snop  }
0x4: {  	_ = 	snop  }
0x5: {  	_ = 	snop  }
0x6: {  	_ = 	snop  }
0x7: {  	_ = 	snop  }
__scs_overlays_trampoline_lowered:
0x8: {  	[smem:$0x3F87] =	sst s0  }
0x9: {  	[smem:$0x3F88] =	sst s1  }
0xa: {  	[smem:$0x3F89] =	sst s2  }
0xb: {  	[smem:$0x3F8A] =	sst s3  }
0xc: {  	[smem:$0x3F8B] =	sst s4  }
0xd: {  	[smem:$0x3F8C] =	sst s5  }
0xe: {  	[smem:$0x3F8D] =	sst s6  }
0xf: {  	[smem:$0x3F8E] =	sst s7  }
0x10: {  	[smem:$0x3F8F] =	sst s8  }
0x11: {  	[smem:$0x3F90] =	sst s9;
	s0 =	simm.s32 @!p0 $0x0  }
0x12: {  	s1 =	sld [smem:$0x3F76];
	s0 =	simm.s32 @p0 $0x1  }
0x13: {  	[smem:$0x3F91] =	sst s0;
	s0 =	simm.s32 @!p1 $0x0  }
0x14: {  	s2 =	sld [smem:$0x3F75];
	s0 =	simm.s32 @p1 $0x1  }
0x15: {  	[smem:$0x3F92] =	sst s0;
	s0 =	simm.s32 @!p2 $0x0  }
0x16: {  	s3 =	sld [smem:$0x3FDB];
	s0 =	simm.s32 @p2 $0x1  }
0x17: {  	s4 =	simm.s32 $0x1BF5;
	[smem:$0x3F94] =	sst s0  }
0x18: {  	s0 =	sld [smem:$0x3F77];
	_ =	swait.ge [sflag:s4], $0x0  }
0x19: {  	s7 =	sld [smem:$0x3F78]  }
0x1a: {  	s8 =	sadd.s32 $0xFFFFE003, lr  }
0x1b: {  	s9 =	sadd.s32 $0xFFFFFEF7, lr;
	s5 =	simm.s32 $0xFFFFFFFF;
	p2 =	slt.u32 s8, $0xFFFFF086  }
0x1c: {  	p1 =	slt.u32 s9, $0xF7A;
	s5 =	simm.s32 @!p2 $0x0  }
0x1d: {  	s5 =	simm.s32 @p1 $0x1;
	p0 =	seq.s32 s7, s2  }
0x1e: {  	s7 =	smul.u32 @!p0 $0xF7A, s2;
	p2 =	seq.s32 @!p0 s5, $0x0  }
0x1f: {  	s9 =	smul.u32 $0xF7A, s1;
	s8 =	simm.s32 @!p0 $0x1BF5;
	p2 =	por !p2, p0  }
0x20: {  	[sflag:s8] =	ssyncset.s32 @!p0 $0xFFFFF086;
	s6 =	sadd.s32 @!p0 s3, s7;
	s7 =	simm.s32 @!p0 $0x108  }
0x21: {  	s3 =	sadd.s32 s3, s9;
	s6 =	sadd.s32 @!p0 $0x88, s6;
	s7 =	simm.s32 @p2 $0x1082  }
0x22: {  	[simem:s7], [sflag:s8] =	dma.local @!p0 [hbm:s6], $0xF7A  }
0x23: {  	s9 =	sor.u32 $0xD0000000, s2;
	s6 =	simm.s32 $0x108;
	_ =	swait.ge @!p0 [sflag:s8], $0x0  }
0x24: {  	s3 =	sadd.s32 $0x88, s3;
	s6 =	simm.s32 @!p1 $0x1082;
	[sflag:s4] =	ssyncset.s32 $0xFFFFF086  }
0x25: {  	[simem:s6], [sflag:s4] =	dma.local [hbm:s3], $0xF7A  }
0x26: {  	[smem:$0x3F78] =	sst s1;
	(tag) =	ssettag s2;
	_ =	strace s9  }
0x27: {  	s1 =	sld [smem:$0x3F88]  }
0x28: {  	s2 =	sld [smem:$0x3F89]  }
0x29: {  	s4 =	sld [smem:$0x3F8B]  }
0x2a: {  	p0 =	seq.s32 s5, $0x0;
	s5 =	sld [smem:$0x3F8C]  }
0x2b: {  	s6 =	sld [smem:$0x3F8D]  }
0x2c: {  	s7 =	sld [smem:$0x3F8E]  }
0x2d: {  	s3 =	simm.s32 $0x108;
	s8 =	sld [smem:$0x3F8F]  }
0x2e: {  	s3 =	simm.s32 @!p0 $0x1082;
	s9 =	sld [smem:$0x3F90]  }
0x2f: {  	lr =	sadd.s32 s0, s3;
	s0 =	sld [smem:$0x3F87]  }
0x30: {  	s3 =	sld [smem:$0x3F8A]  }
0x31: {  	[smem:$0x3F93] =	sst s10  }
0x32: {  	s10 =	sld [smem:$0x3F91];
	_ =	sdelay $0x3  }
0x33: {  	p0 =	seq.s32 s10, $0x1;
	s10 =	sld [smem:$0x3F93];
	_ =	sdelay $0x3  }
0x34: {  	[smem:$0x3F93] =	sst s10  }
0x35: {  	s10 =	sld [smem:$0x3F92];
	_ =	sdelay $0x3  }
0x36: {  	p1 =	seq.s32 s10, $0x1;
	s10 =	sld [smem:$0x3F93];
	_ =	sdelay $0x3  }
0x37: {  	[smem:$0x3F93] =	sst s10  }
0x38: {  	s10 =	sld [smem:$0x3F94]  }
0x39: {  	_ = 	snop;
	(pc) =	sbr.ind lr, $3  }
0x3a: {  	_ = 	snop  }
0x3b: {  	_ = 	snop  }
0x3c: {  	p2 =	seq.s32 s10, $0x1;
	s10 =	sld [smem:$0x3F93]  }
0x3d: {  	_ =	shalt  }
0x3e: {  	_ =	shalt  }
0x3f: {  	_ =	shalt  }
0x40: {  	_ =	shalt  }
0x41: {  	_ =	shalt  }
0x42: {  	_ =	shalt  }
0x43: {  	_ =	shalt  }
0x44: {  	_ =	shalt  }
0x45: {  	_ =	shalt  }
0x46: {  	_ =	shalt  }
0x47: {  	_ =	shalt  }
0x48: {  	_ =	shalt  }
0x49: {  	_ =	shalt  }
0x4a: {  	_ =	shalt  }
0x4b: {  	_ =	shalt  }
0x4c: {  	_ =	shalt  }
0x4d: {  	_ =	shalt  }
0x4e: {  	_ =	shalt  }
0x4f: {  	_ =	shalt  }
0x50: {  	_ =	shalt  }
0x51: {  	_ =	shalt  }
0x52: {  	_ =	shalt  }
0x53: {  	_ =	shalt  }
0x54: {  	_ =	shalt  }
0x55: {  	_ =	shalt  }
0x56: {  	_ =	shalt  }
0x57: {  	_ =	shalt  }
0x58: {  	_ =	shalt  }
0x59: {  	_ =	shalt  }
0x5a: {  	_ =	shalt  }
0x5b: {  	_ =	shalt  }
0x5c: {  	_ =	shalt  }
0x5d: {  	_ =	shalt  }
0x5e: {  	_ =	shalt  }
0x5f: {  	_ =	shalt  }
0x60: {  	_ =	shalt  }
0x61: {  	_ =	shalt  }
0x62: {  	_ =	shalt  }
0x63: {  	_ =	shalt  }
0x64: {  	_ =	shalt  }
0x65: {  	_ =	shalt  }
0x66: {  	_ =	shalt  }
0x67: {  	_ =	shalt  }
0x68: {  	_ =	shalt  }
0x69: {  	_ =	shalt  }
0x6a: {  	_ =	shalt  }
0x6b: {  	_ =	shalt  }
0x6c: {  	_ =	shalt  }
0x6d: {  	_ =	shalt  }
0x6e: {  	_ =	shalt  }
0x6f: {  	_ =	shalt  }
0x70: {  	_ =	shalt  }
0x71: {  	_ =	shalt  }
0x72: {  	_ =	shalt  }
0x73: {  	_ =	shalt  }
0x74: {  	_ =	shalt  }
0x75: {  	_ =	shalt  }
0x76: {  	_ =	shalt  }
0x77: {  	_ =	shalt  }
0x78: {  	_ =	shalt  }
0x79: {  	_ =	shalt  }
0x7a: {  	_ =	shalt  }
0x7b: {  	_ =	shalt  }
0x7c: {  	_ =	shalt  }
0x7d: {  	_ =	shalt  }
0x7e: {  	_ =	shalt  }
0x7f: {  	_ =	shalt  }
0x80: {  	_ =	shalt  }
0x81: {  	_ =	shalt  }
0x82: {  	_ =	shalt  }
0x83: {  	_ =	shalt  }
0x84: {  	_ =	shalt  }
0x85: {  	_ =	shalt  }
0x86: {  	_ =	shalt  }
0x87: {  	_ =	shalt  }
.Lfunc_end0:
.L_simem_size_0:
called_computation.4_lowered:
.L_overlay_start_0:
0x88: {  	s2 =	sld [smem:$0x3FD9]  }
0x89: {  	s3 =	sld [smem:$0x3FFE];
	_ =	sdelay $0x1  }
0x8a: {  	s1 =	srdreg.scid  }
0x8b: {  	s0 =	sand.u32 $0x1, s1  }
0x8c: {  	s17 =	sshll.u32 s0, $0xA;
	s2 =	sadd.s32 s3, s2  }
0x8d: {  	s2 =	sadd.s32 s2, s17  }
0x8e: {  	[smem:$0x3F9F] =	sst s2  }
0x8f: {  	_ = 	snop  }
0x90: {  	s18 =	sld [smem:$0x3FD0];
	(tm) =	ssettm $0x1  }
0x91: {  	s19 =	sld [smem:$0x3FFB];
	_ =	sdelay $0x3  }
0x92: {  	_ =	strace s19  }
0x93: {  	s2 =	sld [smem:$0x3FFC];
	_ =	sdelay $0x3  }
0x94: {  	_ =	strace s2  }
0x95: {  	s2 =	sld [smem:$0x3FFD];
	_ =	sdelay $0x3  }
0x96: {  	_ =	strace s2  }
0x97: {  	_ =	strace $0x8FFFFFFF  }
0x98: {  	s20 =	sld [smem:$0x3FDB];
	_ =	sdelay $0x1  }
0x99: {  	s4 =	simm.s32 $_scs_section_size  }
0x9a: {  	s5 =	simm.s32 $_size__tile_overlayer_lowered;
	s6 =	simm.s32 $_tile_overlayer_lowered  }
0x9b: {  	s7 =	simm.s32 $0x1BFF;
	s21 =	sshll.u32 s6, $0x1;
	s4 =	sadd.s32 s4, s20  }
0x9c: {  	s22 =	simm.s32 $0x0;
	s5 =	sshll.u32 s5, $0x1;
	s6 =	sadd.s32 s21, s4  }
0x9d: {  	[timem:s22], [sflag:s7] =	dma.local [hbm:s6], s5  }
0x9e: {  	_ =	swait.ge [sflag:s7], s5  }
0x9f: {  	s5 =	ssub.s32 $0x0, s5;
	[sflag:s7] =	ssyncset.done $0x0  }
0xa0: {  	[sflag:s7] =	ssyncadd.s32 s5;
	_ =	sdelay $0x1  }
0xa1: {  	s23 =	simm.s32 $0x1B8B  }
0xa2: {  	_ =	swait.ge [sflag:s23], $0x1  }
0xa3: {  	[sflag:s23] =	ssyncset.done $0x0  }
0xa4: {  	[sflag:s23] =	ssyncadd.s32 $0xFFFFFFFF  }
0xa5: {  	s5 =	sld [smem:$0x0]  }
0xa6: {  	s6 =	sand.u32 $0xFFFFFFFE, s1  }
0xa7: {  	p0 =	sne.s32 s1, s6  }
0xa8: {  	s6 =	sshll.u32 @p0 s6, $0xE  }
0xa9: {  	s6 =	sadd.s32 @p0 $0x11B8D, s6;
	s7 =	sshll.u32 @p0 s5, $0x11  }
0xaa: {  	s6 =	sor.u32 @p0 s7, s6  }
0xab: {  	[sflag:s6] =	ssyncadd.remote.s32 @p0 $0x1;
	_ =	sdelay $0x1  }
0xac: {  	s6 =	simm.s32 @p0 $0x1B8D  }
0xad: {  	_ =	swait.eq @p0 [sflag:s6], $0x1  }
0xae: {  	[sflag:s6] =	ssyncadd.s32 @p0 $0xFFFFFFFF  }
0xaf: {  	s7 =	sshll.u32 @!p0 s1, $0xE  }
0xb0: {  	s7 =	sor.u32 @!p0 $0x4000, s7;
	s6 =	simm.s32 @!p0 $0x1B8D  }
0xb1: {  	s5 =	sshll.u32 @!p0 s5, $0x11;
	s7 =	sadd.s32 @!p0 $0x11B8D, s7;
	_ =	swait.eq @!p0 [sflag:s6], $0x1  }
0xb2: {  	s5 =	sor.u32 @!p0 s5, s7;
	[sflag:s6] =	ssyncadd.s32 @!p0 $0xFFFFFFFF  }
0xb3: {  	s25 =	simm.s32 $0x1B8E;
	s24 =	sld [smem:$0x3FFE];
	[sflag:s5] =	ssyncadd.remote.s32 @!p0 $0x1  }
0xb4: {  	s26 =	simm.s32 $execute0_lowered;
	[smem:$0x3FD2] =	sst s25  }
0xb5: {  	s6 =	sshll.u32 s26, $0x1;
	_ =	strace $0x80000052;
	[dreg:$0x1] =	wrdreg $0xFFFFFFFF  }
0xb6: {  	s28 =	simm.s32 $_size_execute0_lowered;
	s4 =	sadd.s32 s4, s6;
	[dreg:$0x0] =	wrdreg $0x0  }
0xb7: {  	s6 =	sshll.u32 s28, $0x1;
	[dreg:$0x2] =	wrdreg s4  }
0xb8: {  	[dreg:$0x3] =	wrdreg s6  }
0xb9: {  	[dreg:$0x4] =	wrdreg $0xC0  }
0xba: {  	_ =	task [dreg:s22], $0x5FFFF  }
0xbb: {  	[dreg:$0x1] =	wrdreg $0xFFFFFFFF  }
0xbc: {  	[dreg:$0x0] =	wrdreg $0x60  }
0xbd: {  	[dreg:$0x2] =	wrdreg s24  }
0xbe: {  	[dreg:$0x3] =	wrdreg s18  }
0xbf: {  	[dreg:$0x4] =	wrdreg $0xA  }
0xc0: {  	_ =	task.clear_ibuf [dreg:s22], $0x5FFFF;
	_ =	strace $0x90000052  }
0xc1: {  	s29 =	simm.s32 $0xA;
	_ =	strace $0x80000054  }
0xc2: {  	_ =	swait.ge [sflag:s29], $0x1  }
0xc3: {  	[sflag:s29] =	ssyncadd.s32 $0xFFFFFFFF  }
0xc4: {  	_ =	strace $0x90000054  }
0xc5: {  	_ =	sfence  }
0xc6: {  	s30 =	sld [smem:$0x0];
	_ =	sdelay $0x2  }
0xc7: {  	s31 =	sshll.u32 s1, $0xD;
	s1 =	sshrl.u32 s1, $0x2  }
0xc8: {  	s4 =	sand.u32 $0x4000, s31;
	s1 =	sadd.s32 s1, s30  }
0xc9: {  	s0 =	sor.u32 s4, s0;
	s1 =	sshll.u32 s1, $0x11  }
0xca: {  	s0 =	sor.u32 s1, s0  }
0xcb: {  	s0 =	sadd.s32 $0x8F2B, s0  }
0xcc: {  	[sflag:s0] =	ssyncadd.remote.s32 $0x1  }
0xcd: {  	_ =	sfence.sel $0xFFFF  }
0xce: {  	[dreg:$0x0] =	wrdreg $0xFFFFFFFF;
	(pc) =	sbr.abs _section_cstart, $3  }
0xcf: {  	[dreg:$0x1] =	wrdreg $0xFFFFFFFF  }
0xd0: {  	_ =	task.clear_ibuf [dreg:s22], $0x2FFFF;
	_ =	strace $0x9FFFFFFF  }
0xd1: {  	(tm) =	ssettm $0x7FFFFFFF  }
tec
execute0_lowered:
.L_overlay_start_1:
0x0: {  	(tag) =	ssettag $0x1  }
0x1: {  	s1 =	srdreg.scid  }
0x2: {  	s0 =	stileid.u32;
	s9 =	rddreg [dreg:$0x0]  }
0x3: {  	s3 =	rddreg [dreg:$0x1];
	s6 =	sand.u32 $0x1, s1;
	s30 =	sshll.u32 s0, $0x1  }
0x4: {  	s2 =	simm.s32 $0x0;
	s1 =	rddreg [dreg:$0x2];
	s7 =	sor.u32 s6, s30  }
0x5: {  	s8 =	simm.s32 $0x1;
	[smem:$0x7FF] =	sst s2;
	s4 =	smul.u32 $0x28, s7  }
0x6: {  	s5 =	sadd.s32 $0xC400, s9;
	_ =	strace $0x80000053;
	s11 =	ssub.s32 $0x2, s6  }
0x7: {  	s6 =	simm.s32 $0x140;
	s4 =	sadd.s32 s3, s4;
	s3 =	simm.s32 $0x2  }
0x8: {  	[tilespmem:s2], [sflag:$0x2] =	stream.linear.gather [hbm4b:s4+s2], $0x140, $0x38;
	[tilespmem:$0xA180] =	vst v63  }
0x9: {  	s10 =	smul.u32 $0x1400, s7;
	s12 =	sshrl.u32 s11, $0x1;
	_ =	swait.ge [sflag:s3], $0x140  }
0xa: {  	s7 =	simm.s32 $0x180;
	s31 =	ssub.s32 s11, s12;
	[sflag:s3] =	ssyncset.done $0x0  }
0xb: {  	s9 =	sadd.s32 s10, s9;
	s10 =	smax.u32 s31, $0x1;
	[sflag:s3] =	ssyncadd.s32 $0xFFFFFEC0  }
0xc: {  	[tilespmem:s7], [sflag:$0x1] =	stream.indirect.gather [hbm4b:s5+s6], $0x80, s2, s6, $0xb8;
	[tilespmem:$0xA180] =	vst v63  }
0xd: {  	p0 =	sne.s32 s10, $0x1;
	_ =	swait.ge [sflag:s8], $0xA000  }
.Ltmp0:
0xe: {  	[sflag:s8] =	ssyncset.done $0x0;
	(pc) =	sbr.rel @!p0 .LBB2_2-.Ltmp0, $4  }
0xf: {  	s9 =	sadd.s32 $0x5D000, s9;
	[sflag:s8] =	ssyncadd.s32 $0xFFFF6000  }
0x10: {  	[hbm4b:s9+s2] =	stream.linear.scatter [tilespmem:s7], [sflag:$0x2], $0xA000, $0x38;
	[tilespmem:$0xA180] =	vst v63  }
0x11: {  	_ =	swait.ge [sflag:s3], $0xA000  }
0x12: {  	s10 =	sadd.s32 $0xFFFFFFFF, s10;
	[sflag:s3] =	ssyncset.done $0x0  }
.LBB2_1:
0x13: {  	p0 =	sne.s32 s10, $0x1;
	s10 =	sadd.s32 $0xFFFFFFFF, s10;
	[sflag:s3] =	ssyncadd.s32 $0xFFFF6000  }
0x14: {  	[tilespmem:s2], [sflag:$0x2] =	stream.linear.gather [hbm4b:s4+s2], $0x140, $0x38;
	[tilespmem:$0xA180] =	vst v63  }
0x15: {  	_ =	swait.ge [sflag:s3], $0x140  }
0x16: {  	[sflag:s3] =	ssyncset.done $0x0  }
0x17: {  	[sflag:s3] =	ssyncadd.s32 $0xFFFFFEC0  }
0x18: {  	[tilespmem:s7], [sflag:$0x1] =	stream.indirect.gather [hbm4b:s5+s6], $0x80, s2, s6, $0xb8;
	[tilespmem:$0xA180] =	vst v63  }
0x19: {  	_ =	swait.ge [sflag:s8], $0xA000  }
.Ltmp1:
0x1a: {  	[sflag:s8] =	ssyncset.done $0x0;
	(pc) =	sbr.rel @p0 .LBB2_1-.Ltmp1, $4  }
0x1b: {  	[sflag:s8] =	ssyncadd.s32 $0xFFFF6000  }
0x1c: {  	[hbm4b:s9+s2] =	stream.linear.scatter [tilespmem:s7], [sflag:$0x2], $0xA000, $0x38;
	[tilespmem:$0xA180] =	vst v63  }
0x1d: {  	_ =	swait.ge [sflag:s3], $0xA000  }
0x1e: {  	[sflag:s3] =	ssyncset.done $0x0  }
.LBB2_2:
0x1f: {  	[sflag:s3] =	ssyncadd.s32 $0xFFFF6000  }
0x20: {  	_ =	sfence.sel $0x180000  }
0x21: {  	[bflag:$0x0] =	sbarrier.arrive $0xFFFF  }
0x22: {  	p0 =	sne.s32 s0, $0x0;
	_ =	strace $0x90000053  }
0x23: {  	s0 =	sadd.s32 @!p0 $0x100000, s1;
	[bflag:$0x2] =	sbarrier.arrive $0xFFFF  }
0x24: {  	[sflag:s0] =	ssyncadd.tile.s32 @!p0 $0x1;
	_ =	shalt  }
.Lfunc_end2:
_tile_overlayer_lowered:
.L_overlay_start_2:
0x25: {  	(tag) =	ssettag $0x2  }
0x26: {  	s0 =	rddreg [dreg:$0x0];
	s2 =	stileid.u32  }
0x27: {  	s1 =	rddreg [dreg:$0x1];
	p0 =	sne.s32 s2, $0x0  }
0x28: {  	s3 =	rddreg [dreg:$0x2];
	[bflag:$0x3] =	sbarrier.arrive $0xFFFF;
	s2 =	simm.s32 @!p0 $0x1C02  }
0x29: {  	[timem:s3], [sflag:s2] =	dma.local @!p0 [hbm:s0], s1  }
0x2a: {  	s0 =	simm.s32 @!p0 $0x2  }
0x2b: {  	_ =	swait.ge @!p0 [sflag:s0], s1  }
0x2c: {  	s1 =	ssub.s32 @!p0 $0x0, s1;
	[sflag:s0] =	ssyncset.done @!p0 $0x0  }
0x2d: {  	[sflag:s0] =	ssyncadd.s32 @!p0 s1  }
0x2e: {  	[bflag:$0x3] =	sbarrier.arrive $0xFFFF  }
0x2f: {  	_ =	shalt  }

</sc_bundles>
